<compile_context>
chip_gen: v7x
topology: tpu7x:2x2x1
jax: 0.10.2.dev20260603
libtpu: 0.0.44.dev20260713+nightly
codegen_flags: <defaults>
</compile_context>

<pallas_src>
import functools

import jax
import jax.numpy as jnp
import numpy as np
from jax import lax
from jax.experimental import pallas as pl
from jax.experimental.pallas import tpu as pltpu
from jax.experimental.pallas import tpu_sc as plsc

_N_BINS = 18
_DIST_MIN = 3.375
_DIST_MAX = 21.375
_BIN_WID = (_DIST_MAX - _DIST_MIN) / _N_BINS

_THRESHOLDS = [
    float(np.float32((_DIST_MIN + b * _BIN_WID) ** 2)) for b in range(1, _N_BINS)
]

_NC = 2
_NS = 16
_NW = _NC * _NS
_LANES = 16

_CHUNK_J = 256


def _sc_encode(coords, cmsk, table, *, n, l, d):
    rows_per_w = (n * l) // _NW
    chunks_per_row = l // _CHUNK_J
    n_chunks = rows_per_w * chunks_per_row
    assert n_chunks % 2 == 0

    mesh = plsc.VectorSubcoreMesh(core_axis_name="c", subcore_axis_name="s")

    @functools.partial(
        pl.kernel,
        out_type=jax.ShapeDtypeStruct((n * l * l, d), jnp.float32),
        mesh=mesh,
        compiler_params=pltpu.CompilerParams(needs_layout_passes=False),
        scratch_types=[
            pltpu.VMEM((3 * n * l,), jnp.float32),
            pltpu.VMEM((n * l,), jnp.float32),
            pltpu.VMEM(((_N_BINS + 1) * d,), jnp.float32),
            pltpu.VMEM((_CHUNK_J, d), jnp.float32),
            pltpu.VMEM((_CHUNK_J, d), jnp.float32),
            pltpu.SemaphoreType.DMA,
            pltpu.SemaphoreType.DMA,
        ],
    )
    def kern(coords_hbm, cmsk_hbm, table_hbm, out_hbm,
             coords_v, cmsk_v, table_v, buf_a, buf_b, sem_a, sem_b):
        wid = lax.axis_index("s") * _NC + lax.axis_index("c")
        pltpu.sync_copy(coords_hbm, coords_v)
        pltpu.sync_copy(cmsk_hbm, cmsk_v)
        pltpu.sync_copy(table_hbm, table_v)

        row0 = wid * rows_per_w
        iota = lax.iota(jnp.int32, _LANES)
        one_i = jnp.full((_LANES,), 1, jnp.int32)
        zero_i = jnp.full((_LANES,), 0, jnp.int32)
        msk_i = jnp.full((_LANES,), _N_BINS, jnp.int32)
        col_offs = [iota + c * _LANES for c in range(d // _LANES)]

        def fill_chunk(ci, buf):
            r = row0 + ci // chunks_per_row
            ni = r // l
            ri = r % l
            jbase = (ci % chunks_per_row) * _CHUNK_J
            xb = ni * 3 * l
            yb = xb + l
            zb = yb + l
            mb = ni * l
            xi = plsc.load_gather(coords_v, [jnp.full((_LANES,), xb + ri, jnp.int32)])
            yi = plsc.load_gather(coords_v, [jnp.full((_LANES,), yb + ri, jnp.int32)])
            zi = plsc.load_gather(coords_v, [jnp.full((_LANES,), zb + ri, jnp.int32)])
            mi = plsc.load_gather(cmsk_v, [jnp.full((_LANES,), mb + ri, jnp.int32)])

            @plsc.parallel_loop(0, _CHUNK_J // _LANES, unroll=4)
            def _group(g):
                js = jbase + g * _LANES
                dx = coords_v[pl.ds(xb + js, _LANES)] - xi
                dy = coords_v[pl.ds(yb + js, _LANES)] - yi
                dz = coords_v[pl.ds(zb + js, _LANES)] - zi
                d2 = dx * dx + dy * dy + dz * dz
                cnt = zero_i
                for thr in _THRESHOLDS:
                    cnt = cnt + jnp.where(d2 >= thr, one_i, zero_i)
                mj = cmsk_v[pl.ds(mb + js, _LANES)] * mi
                cnt = jnp.where(mj > 0.0, cnt, msk_i)
                tbase = cnt * d
                for j in range(_LANES):
                    tj = jnp.take_along_axis(
                        tbase, jnp.full((_LANES,), j, jnp.int32), axis=0,
                        mode="promise_in_bounds",
                    )
                    jr = g * _LANES + j
                    vs = [
                        plsc.load_gather(table_v, [tj + col_offs[c]])
                        for c in range(d // _LANES)
                    ]
                    for c, v in enumerate(vs):
                        buf[jr, pl.ds(c * _LANES, _LANES)] = v
            return r * l + jbase

        def drain(buf, sem):
            pltpu.make_async_copy(buf, out_hbm.at[pl.ds(0, _CHUNK_J)], sem).wait()

        @pl.loop(0, n_chunks // 2)
        def _main(it):
            for p, buf, sem in ((0, buf_a, sem_a), (1, buf_b, sem_b)):
                @pl.when(it > 0)
                def _():
                    drain(buf, sem)
                out_row = fill_chunk(it * 2 + p, buf)
                pltpu.async_copy(buf, out_hbm.at[pl.ds(out_row, _CHUNK_J)], sem)

        drain(buf_a, sem_a)
        drain(buf_b, sem_b)

    return kern(coords, cmsk, table)


def kernel(cord_tns, cmsk_tns, embed_weight):
    n, l, _, _ = cord_tns.shape
    d = embed_weight.shape[1]
    cord = cord_tns[:, :, 1, :]
    cmsk = cmsk_tns[:, :, 1]
    coords = jnp.transpose(cord, (0, 2, 1)).reshape(3 * n * l)
    cmsk = cmsk.reshape(n * l)
    table = jnp.concatenate(
        [embed_weight, jnp.zeros((1, d), jnp.float32)], axis=0
    ).reshape(-1)
    out = _sc_encode(coords, cmsk, table, n=n, l=l, d=d)
    return out.reshape(n, l, l, d)

# --- scband reference (transcript-rebuilt; emitter-appended) ---
"""Pipeline reference for scband-struct-encoder-40793599378155 (READ-ONLY COPY).

The authoritative reference and input builder live on the scoring server;
editing this copy changes nothing except your own understanding.
"""

import jax, jax.numpy as jnp
import numpy as np

N_BINS = 18
DIST_MIN = 3.375
DIST_MAX = 21.375
BIN_WID = (DIST_MAX - DIST_MIN) / N_BINS


def setup_inputs(seed: int = 0) -> dict:
    key = jax.random.key(seed)
    k1, k2 = jax.random.split(key)
    cord_tns = jax.random.normal(k1, (2, 512, 14, 3), dtype=jnp.float32)
    cmsk_tns = jnp.ones((2, 512, 14), dtype=jnp.float32)
    embed_weight = jax.random.normal(k2, (N_BINS, 128), dtype=jnp.float32)
    return {"cord_tns": cord_tns, "cmsk_tns": cmsk_tns, "embed_weight": embed_weight}


def reference(cord_tns, cmsk_tns, embed_weight):
    # select CA atom (atom index 1) per residue
    cord = cord_tns[:, :, 1, :]          # N x L x 3
    cmsk = cmsk_tns[:, :, 1]             # N x L
    # pairwise Euclidean distances (vectorized over batch, equivalent to per-sample cdist loop)
    diff = cord[:, :, None, :] - cord[:, None, :, :]   # N x L x L x 3
    dist_tns = jnp.sqrt(jnp.sum(diff * diff, axis=-1) + 1e-12)  # N x L x L
    # pairwise mask = outer product of per-residue masks
    dmsk_tns = cmsk[:, :, None] * cmsk[:, None, :]     # N x L x L
    # histogram binning of distances into N_BINS bins
    idxs_tns = jnp.clip(
        jnp.floor((dist_tns - DIST_MIN) / BIN_WID).astype(jnp.int32),
        0, N_BINS - 1,
    )                                                  # N x L x L int
    # embedding lookup (gather) + mask
    encd_tns = dmsk_tns[..., None] * jnp.take(embed_weight, idxs_tns, axis=0)  # N x L x L x D
    return encd_tns

if __name__ == "__main__":
    import jax
    _d = setup_inputs()
    print(jax.jit(kernel)(*tuple(_d.values())))

</pallas_src>

<mosaic_0001>
#map = affine_map<(d0, d1) -> (0)>
#map1 = affine_map<(d0, d1) -> (0, 0)>
module attributes {stable_mosaic.version = 14 : i64} {
  func.func @kern(%arg0: i32, %arg1: i32, %arg2: memref<3072xf32, #tpu.memory_space<hbm>>, %arg3: memref<1024xf32, #tpu.memory_space<hbm>>, %arg4: memref<2432xf32, #tpu.memory_space<hbm>>, %arg5: memref<524288x128xf32, #tpu.memory_space<hbm>>, %arg6: memref<3072xf32, #tpu.memory_space<vmem>>, %arg7: memref<1024xf32, #tpu.memory_space<vmem>>, %arg8: memref<2432xf32, #tpu.memory_space<vmem>>, %arg9: memref<256x128xf32, #tpu.memory_space<vmem>>, %arg10: memref<256x128xf32, #tpu.memory_space<vmem>>, %arg11: memref<!tpu.dma_semaphore, #tpu.memory_space<semaphore_mem>>, %arg12: memref<!tpu.dma_semaphore, #tpu.memory_space<semaphore_mem>>) attributes {dimension_semantics = [#tpu.dimension_semantics<core_parallel>, #tpu.dimension_semantics<subcore_parallel>], iteration_bounds = array<i64: 2, 16>, scalar_prefetch = 0 : i64, scratch_operands = 7 : i64, tpu.core_type = #tpu.core_type<sc_vector_subcore>, window_params = [{transform_indices = #map}, {transform_indices = #map}, {transform_indices = #map}, {transform_indices = #map1}]} {
    %mul3A = arith.constant 2 : i32
    %mul3A_0 = arith.muli %arg1, %mul3A : i32
    %add3A = arith.addi %mul3A_0, %arg0 : i32
    "tpu.region"() ({
      %run_scoped3A = tpu.sem_alloc : memref<!tpu.dma_semaphore, #tpu.memory_space<semaphore_mem>>
      tpu.enqueue_dma source(%arg2 : memref<3072xf32, #tpu.memory_space<hbm>>) target(%arg6 : memref<3072xf32, #tpu.memory_space<vmem>>) target_semaphore(%run_scoped3A : memref<!tpu.dma_semaphore, #tpu.memory_space<semaphore_mem>>)
      tpu.wait_dma2 semaphore(%run_scoped3A : memref<!tpu.dma_semaphore, #tpu.memory_space<semaphore_mem>>) src(%arg2 : memref<3072xf32, #tpu.memory_space<hbm>>) dst(%arg6 : memref<3072xf32, #tpu.memory_space<vmem>>)
      tpu.yield
    }) : () -> ()
    "tpu.region"() ({
      %run_scoped3A = tpu.sem_alloc : memref<!tpu.dma_semaphore, #tpu.memory_space<semaphore_mem>>
      tpu.enqueue_dma source(%arg3 : memref<1024xf32, #tpu.memory_space<hbm>>) target(%arg7 : memref<1024xf32, #tpu.memory_space<vmem>>) target_semaphore(%run_scoped3A : memref<!tpu.dma_semaphore, #tpu.memory_space<semaphore_mem>>)
      tpu.wait_dma2 semaphore(%run_scoped3A : memref<!tpu.dma_semaphore, #tpu.memory_space<semaphore_mem>>) src(%arg3 : memref<1024xf32, #tpu.memory_space<hbm>>) dst(%arg7 : memref<1024xf32, #tpu.memory_space<vmem>>)
      tpu.yield
    }) : () -> ()
    "tpu.region"() ({
      %run_scoped3A = tpu.sem_alloc : memref<!tpu.dma_semaphore, #tpu.memory_space<semaphore_mem>>
      tpu.enqueue_dma source(%arg4 : memref<2432xf32, #tpu.memory_space<hbm>>) target(%arg8 : memref<2432xf32, #tpu.memory_space<vmem>>) target_semaphore(%run_scoped3A : memref<!tpu.dma_semaphore, #tpu.memory_space<semaphore_mem>>)
      tpu.wait_dma2 semaphore(%run_scoped3A : memref<!tpu.dma_semaphore, #tpu.memory_space<semaphore_mem>>) src(%arg4 : memref<2432xf32, #tpu.memory_space<hbm>>) dst(%arg8 : memref<2432xf32, #tpu.memory_space<vmem>>)
      tpu.yield
    }) : () -> ()
    %mul3A_1 = arith.constant 32 : i32
    %mul3A_2 = arith.muli %add3A, %mul3A_1 : i32
    %iota3A = tpu.iota {dimensions = array<i32: 0>} : vector<16xi32>
    %broadcast_in_dim3A = arith.constant 1 : i32
    %broadcast_in_dim3A_3 = vector.broadcast %broadcast_in_dim3A : i32 to vector<16xi32>
    %broadcast_in_dim3A_4 = arith.constant 0 : i32
    %broadcast_in_dim3A_5 = vector.broadcast %broadcast_in_dim3A_4 : i32 to vector<16xi32>
    %broadcast_in_dim3A_6 = arith.constant 18 : i32
    %broadcast_in_dim3A_7 = vector.broadcast %broadcast_in_dim3A_6 : i32 to vector<16xi32>
    %add3A_8 = arith.constant 0 : i32
    %add3A_9 = vector.broadcast %add3A_8 : i32 to vector<16xi32>
    %add3A_10 = arith.addi %iota3A, %add3A_9 : vector<16xi32>
    %add3A_11 = arith.constant 16 : i32
    %add3A_12 = vector.broadcast %add3A_11 : i32 to vector<16xi32>
    %add3A_13 = arith.addi %iota3A, %add3A_12 : vector<16xi32>
    %add3A_14 = arith.constant 32 : i32
    %add3A_15 = vector.broadcast %add3A_14 : i32 to vector<16xi32>
    %add3A_16 = arith.addi %iota3A, %add3A_15 : vector<16xi32>
    %add3A_17 = arith.constant 48 : i32
    %add3A_18 = vector.broadcast %add3A_17 : i32 to vector<16xi32>
    %add3A_19 = arith.addi %iota3A, %add3A_18 : vector<16xi32>
    %add3A_20 = arith.constant 64 : i32
    %add3A_21 = vector.broadcast %add3A_20 : i32 to vector<16xi32>
    %add3A_22 = arith.addi %iota3A, %add3A_21 : vector<16xi32>
    %add3A_23 = arith.constant 80 : i32
    %add3A_24 = vector.broadcast %add3A_23 : i32 to vector<16xi32>
    %add3A_25 = arith.addi %iota3A, %add3A_24 : vector<16xi32>
    %add3A_26 = arith.constant 96 : i32
    %add3A_27 = vector.broadcast %add3A_26 : i32 to vector<16xi32>
    %add3A_28 = arith.addi %iota3A, %add3A_27 : vector<16xi32>
    %add3A_29 = arith.constant 112 : i32
    %add3A_30 = vector.broadcast %add3A_29 : i32 to vector<16xi32>
    %add3A_31 = arith.addi %iota3A, %add3A_30 : vector<16xi32>
    %scan3A = arith.constant 0 : i32
    %scan3A_32 = arith.constant 32 : i32
    %scan3A_33 = arith.addi %scan3A, %scan3A_32 : i32
    %scan3A_34 = arith.constant 1 : i32
    scf.for %scan3A_47 = %scan3A to %scan3A_33 step %scan3A_34  : i32 {
      %mul3A_48 = arith.constant 1 : i32
      %mul3A_49 = arith.muli %scan3A_47, %mul3A_48 : i32
      %add3A_50 = arith.constant 0 : i32
      %add3A_51 = arith.addi %add3A_50, %mul3A_49 : i32
      %gt3A = arith.constant 0 : i32
      %gt3A_52 = arith.cmpi sgt, %add3A_51, %gt3A : i32
      %convert_element_type3A = arith.extui %gt3A_52 : i1 to i32
      %cond3A = arith.constant 0 : i32
      %cond3A_53 = arith.cmpi ne, %convert_element_type3A, %cond3A : i32
      scf.if %cond3A_53 {
        %dma_wait3A_284 = arith.constant 0 : i32
        %dma_wait3A_285 = arith.constant 0 : i32
        %dma_wait3A_286 = tpu.memref_slice %arg5[%dma_wait3A_284, %dma_wait3A_285] : memref<524288x128xf32, #tpu.memory_space<hbm>> -> memref<256x128xf32, #tpu.memory_space<hbm>>
        %dma_wait3A_287 = arith.constant 0 : i32
        %dma_wait3A_288 = arith.constant 0 : i32
        %dma_wait3A_289 = tpu.memref_slice %arg5[%dma_wait3A_287, %dma_wait3A_288] : memref<524288x128xf32, #tpu.memory_space<hbm>> -> memref<256x128xf32, #tpu.memory_space<hbm>>
        tpu.wait_dma2 semaphore(%arg11 : memref<!tpu.dma_semaphore, #tpu.memory_space<semaphore_mem>>) src(%arg9 : memref<256x128xf32, #tpu.memory_space<vmem>>) dst(%dma_wait3A_289 : memref<256x128xf32, #tpu.memory_space<hbm>>)
      } else {
      }
      %mul3A_54 = arith.constant 2 : i32
      %mul3A_55 = arith.muli %add3A_51, %mul3A_54 : i32
      %add3A_56 = arith.constant 0 : i32
      %add3A_57 = arith.addi %mul3A_55, %add3A_56 : i32
      %jit3A = arith.constant 2 : i32
      %div3A = arith.divsi %add3A_57, %jit3A : i32
      %sign3A = arith.constant 0 : i32
      %sign3A_58 = arith.cmpi sgt, %add3A_57, %sign3A : i32
      %sign3A_59 = arith.extui %sign3A_58 : i1 to i32
      %sign3A_60 = arith.constant 0 : i32
      %sign3A_61 = arith.cmpi slt, %add3A_57, %sign3A_60 : i32
      %sign3A_62 = arith.extui %sign3A_61 : i1 to i32
      %sign3A_63 = arith.subi %sign3A_59, %sign3A_62 : i32
      %sign3A_64 = arith.constant 0 : i32
      %sign3A_65 = arith.cmpi sgt, %jit3A, %sign3A_64 : i32
      %sign3A_66 = arith.extui %sign3A_65 : i1 to i32
      %sign3A_67 = arith.constant 0 : i32
      %sign3A_68 = arith.cmpi slt, %jit3A, %sign3A_67 : i32
      %sign3A_69 = arith.extui %sign3A_68 : i1 to i32
      %sign3A_70 = arith.subi %sign3A_66, %sign3A_69 : i32
      %ne3A = arith.cmpi ne, %sign3A_63, %sign3A_70 : i32
      %rem3A = arith.remsi %add3A_57, %jit3A : i32
      %ne3A_71 = arith.constant 0 : i32
      %ne3A_72 = arith.cmpi ne, %rem3A, %ne3A_71 : i32
      %and3A = arith.andi %ne3A, %ne3A_72 : i1
      %sub3A = arith.constant 1 : i32
      %sub3A_73 = arith.subi %div3A, %sub3A : i32
      %select_n3A = arith.select %and3A, %sub3A_73, %div3A : i32
      %add3A_74 = arith.addi %mul3A_2, %select_n3A : i32
      %jit3A_75 = arith.constant 512 : i32
      %div3A_76 = arith.divsi %add3A_74, %jit3A_75 : i32
      %sign3A_77 = arith.constant 0 : i32
      %sign3A_78 = arith.cmpi sgt, %add3A_74, %sign3A_77 : i32
      %sign3A_79 = arith.extui %sign3A_78 : i1 to i32
      %sign3A_80 = arith.constant 0 : i32
      %sign3A_81 = arith.cmpi slt, %add3A_74, %sign3A_80 : i32
      %sign3A_82 = arith.extui %sign3A_81 : i1 to i32
      %sign3A_83 = arith.subi %sign3A_79, %sign3A_82 : i32
      %sign3A_84 = arith.constant 0 : i32
      %sign3A_85 = arith.cmpi sgt, %jit3A_75, %sign3A_84 : i32
      %sign3A_86 = arith.extui %sign3A_85 : i1 to i32
      %sign3A_87 = arith.constant 0 : i32
      %sign3A_88 = arith.cmpi slt, %jit3A_75, %sign3A_87 : i32
      %sign3A_89 = arith.extui %sign3A_88 : i1 to i32
      %sign3A_90 = arith.subi %sign3A_86, %sign3A_89 : i32
      %ne3A_91 = arith.cmpi ne, %sign3A_83, %sign3A_90 : i32
      %rem3A_92 = arith.remsi %add3A_74, %jit3A_75 : i32
      %ne3A_93 = arith.constant 0 : i32
      %ne3A_94 = arith.cmpi ne, %rem3A_92, %ne3A_93 : i32
      %and3A_95 = arith.andi %ne3A_91, %ne3A_94 : i1
      %sub3A_96 = arith.constant 1 : i32
      %sub3A_97 = arith.subi %div3A_76, %sub3A_96 : i32
      %select_n3A_98 = arith.select %and3A_95, %sub3A_97, %div3A_76 : i32
      %jit3A_99 = arith.constant 512 : i32
      %eq3A = arith.constant 0 : i32
      %eq3A_100 = arith.cmpi eq, %jit3A_99, %eq3A : i32
      %jit3A_101 = arith.constant 1 : i32
      %select_n3A_102 = arith.select %eq3A_100, %jit3A_101, %jit3A_99 : i32
      %rem3A_103 = arith.remsi %add3A_74, %select_n3A_102 : i32
      %ne3A_104 = arith.constant 0 : i32
      %ne3A_105 = arith.cmpi ne, %rem3A_103, %ne3A_104 : i32
      %lt3A = arith.constant 0 : i32
      %lt3A_106 = arith.cmpi slt, %rem3A_103, %lt3A : i32
      %lt3A_107 = arith.constant 0 : i32
      %lt3A_108 = arith.cmpi slt, %select_n3A_102, %lt3A_107 : i32
      %ne3A_109 = arith.xori %lt3A_106, %lt3A_108 : i1
      %and3A_110 = arith.andi %ne3A_109, %ne3A_105 : i1
      %add3A_111 = arith.addi %rem3A_103, %select_n3A_102 : i32
      %select_n3A_112 = arith.select %and3A_110, %add3A_111, %rem3A_103 : i32
      %jit3A_113 = arith.constant 2 : i32
      %eq3A_114 = arith.constant 0 : i32
      %eq3A_115 = arith.cmpi eq, %jit3A_113, %eq3A_114 : i32
      %jit3A_116 = arith.constant 1 : i32
      %select_n3A_117 = arith.select %eq3A_115, %jit3A_116, %jit3A_113 : i32
      %rem3A_118 = arith.remsi %add3A_57, %select_n3A_117 : i32
      %ne3A_119 = arith.constant 0 : i32
      %ne3A_120 = arith.cmpi ne, %rem3A_118, %ne3A_119 : i32
      %lt3A_121 = arith.constant 0 : i32
      %lt3A_122 = arith.cmpi slt, %rem3A_118, %lt3A_121 : i32
      %lt3A_123 = arith.constant 0 : i32
      %lt3A_124 = arith.cmpi slt, %select_n3A_117, %lt3A_123 : i32
      %ne3A_125 = arith.xori %lt3A_122, %lt3A_124 : i1
      %and3A_126 = arith.andi %ne3A_125, %ne3A_120 : i1
      %add3A_127 = arith.addi %rem3A_118, %select_n3A_117 : i32
      %select_n3A_128 = arith.select %and3A_126, %add3A_127, %rem3A_118 : i32
      %mul3A_129 = arith.constant 256 : i32
      %mul3A_130 = arith.muli %select_n3A_128, %mul3A_129 : i32
      %mul3A_131 = arith.constant 3 : i32
      %mul3A_132 = arith.muli %select_n3A_98, %mul3A_131 : i32
      %mul3A_133 = arith.constant 512 : i32
      %mul3A_134 = arith.muli %mul3A_132, %mul3A_133 : i32
      %add3A_135 = arith.constant 512 : i32
      %add3A_136 = arith.addi %mul3A_134, %add3A_135 : i32
      %add3A_137 = arith.constant 512 : i32
      %add3A_138 = arith.addi %add3A_136, %add3A_137 : i32
      %mul3A_139 = arith.constant 512 : i32
      %mul3A_140 = arith.muli %select_n3A_98, %mul3A_139 : i32
      %add3A_141 = arith.addi %mul3A_134, %select_n3A_112 : i32
      %broadcast_in_dim3A_142 = vector.broadcast %add3A_141 : i32 to vector<16xi32>
      %gather3A = tpu.vector_load_idx %arg6[%broadcast_in_dim3A_142] : memref<3072xf32, #tpu.memory_space<vmem>>[vector<16xi32>], vector<16xf32>,
      %add3A_143 = arith.addi %add3A_136, %select_n3A_112 : i32
      %broadcast_in_dim3A_144 = vector.broadcast %add3A_143 : i32 to vector<16xi32>
      %gather3A_145 = tpu.vector_load_idx %arg6[%broadcast_in_dim3A_144] : memref<3072xf32, #tpu.memory_space<vmem>>[vector<16xi32>], vector<16xf32>,
      %add3A_146 = arith.addi %add3A_138, %select_n3A_112 : i32
      %broadcast_in_dim3A_147 = vector.broadcast %add3A_146 : i32 to vector<16xi32>
      %gather3A_148 = tpu.vector_load_idx %arg6[%broadcast_in_dim3A_147] : memref<3072xf32, #tpu.memory_space<vmem>>[vector<16xi32>], vector<16xf32>,
      %add3A_149 = arith.addi %mul3A_140, %select_n3A_112 : i32
      %broadcast_in_dim3A_150 = vector.broadcast %add3A_149 : i32 to vector<16xi32>
      %gather3A_151 = tpu.vector_load_idx %arg7[%broadcast_in_dim3A_150] : memref<1024xf32, #tpu.memory_space<vmem>>[vector<16xi32>], vector<16xf32>,
      %parallel_loop3A = arith.constant 0 : i32
      %parallel_loop3A_152 = arith.constant 16 : i32
      %parallel_loop3A_153 = arith.constant 1 : i32
      scf.for %parallel_loop3A_284 = %parallel_loop3A to %parallel_loop3A_152 step %parallel_loop3A_153  : i32 {
        %parallel_loop3A_285 = arith.constant 16 : i32
        %parallel_loop3A_286 = arith.muli %parallel_loop3A_284, %parallel_loop3A_285 : i32
        %parallel_loop3A_287 = arith.addi %mul3A_130, %parallel_loop3A_286 : i32
        %parallel_loop3A_288 = arith.addi %mul3A_134, %parallel_loop3A_287 : i32
        %parallel_loop3A_289 = arith.index_cast %parallel_loop3A_288 : i32 to index
        %parallel_loop3A_290 = tpu.vector_load %arg6[%parallel_loop3A_289] {strides = array<i32>} : memref<3072xf32, #tpu.memory_space<vmem>>, vector<16xf32>,
        %parallel_loop3A_291 = arith.subf %parallel_loop3A_290, %gather3A : vector<16xf32>
        %parallel_loop3A_292 = arith.addi %add3A_136, %parallel_loop3A_287 : i32
        %parallel_loop3A_293 = arith.index_cast %parallel_loop3A_292 : i32 to index
        %parallel_loop3A_294 = tpu.vector_load %arg6[%parallel_loop3A_293] {strides = array<i32>} : memref<3072xf32, #tpu.memory_space<vmem>>, vector<16xf32>,
        %parallel_loop3A_295 = arith.subf %parallel_loop3A_294, %gather3A_145 : vector<16xf32>
        %parallel_loop3A_296 = arith.addi %add3A_138, %parallel_loop3A_287 : i32
        %parallel_loop3A_297 = arith.index_cast %parallel_loop3A_296 : i32 to index
        %parallel_loop3A_298 = tpu.vector_load %arg6[%parallel_loop3A_297] {strides = array<i32>} : memref<3072xf32, #tpu.memory_space<vmem>>, vector<16xf32>,
        %parallel_loop3A_299 = arith.subf %parallel_loop3A_298, %gather3A_148 : vector<16xf32>
        %parallel_loop3A_300 = arith.mulf %parallel_loop3A_291, %parallel_loop3A_291 : vector<16xf32>
        %parallel_loop3A_301 = arith.mulf %parallel_loop3A_295, %parallel_loop3A_295 : vector<16xf32>
        %parallel_loop3A_302 = arith.addf %parallel_loop3A_300, %parallel_loop3A_301 : vector<16xf32>
        %parallel_loop3A_303 = arith.mulf %parallel_loop3A_299, %parallel_loop3A_299 : vector<16xf32>
        %parallel_loop3A_304 = arith.addf %parallel_loop3A_302, %parallel_loop3A_303 : vector<16xf32>
        %parallel_loop3A_305 = arith.constant 19.140625 : f32
        %parallel_loop3A_306 = vector.broadcast %parallel_loop3A_305 : f32 to vector<16xf32>
        %parallel_loop3A_307 = arith.cmpf oge, %parallel_loop3A_304, %parallel_loop3A_306 : vector<16xf32>
        %parallel_loop3A_308 = arith.select %parallel_loop3A_307, %broadcast_in_dim3A_3, %broadcast_in_dim3A_5 : vector<16xi1>, vector<16xi32>
        %parallel_loop3A_309 = arith.addi %broadcast_in_dim3A_5, %parallel_loop3A_308 : vector<16xi32>
        %parallel_loop3A_310 = arith.constant 28.890625 : f32
        %parallel_loop3A_311 = vector.broadcast %parallel_loop3A_310 : f32 to vector<16xf32>
        %parallel_loop3A_312 = arith.cmpf oge, %parallel_loop3A_304, %parallel_loop3A_311 : vector<16xf32>
        %parallel_loop3A_313 = arith.select %parallel_loop3A_312, %broadcast_in_dim3A_3, %broadcast_in_dim3A_5 : vector<16xi1>, vector<16xi32>
        %parallel_loop3A_314 = arith.addi %parallel_loop3A_309, %parallel_loop3A_313 : vector<16xi32>
        %parallel_loop3A_315 = arith.constant 40.640625 : f32
        %parallel_loop3A_316 = vector.broadcast %parallel_loop3A_315 : f32 to vector<16xf32>
        %parallel_loop3A_317 = arith.cmpf oge, %parallel_loop3A_304, %parallel_loop3A_316 : vector<16xf32>
        %parallel_loop3A_318 = arith.select %parallel_loop3A_317, %broadcast_in_dim3A_3, %broadcast_in_dim3A_5 : vector<16xi1>, vector<16xi32>
        %parallel_loop3A_319 = arith.addi %parallel_loop3A_314, %parallel_loop3A_318 : vector<16xi32>
        %parallel_loop3A_320 = arith.constant 54.390625 : f32
        %parallel_loop3A_321 = vector.broadcast %parallel_loop3A_320 : f32 to vector<16xf32>
        %parallel_loop3A_322 = arith.cmpf oge, %parallel_loop3A_304, %parallel_loop3A_321 : vector<16xf32>
        %parallel_loop3A_323 = arith.select %parallel_loop3A_322, %broadcast_in_dim3A_3, %broadcast_in_dim3A_5 : vector<16xi1>, vector<16xi32>
        %parallel_loop3A_324 = arith.addi %parallel_loop3A_319, %parallel_loop3A_323 : vector<16xi32>
        %parallel_loop3A_325 = arith.constant 70.140625 : f32
        %parallel_loop3A_326 = vector.broadcast %parallel_loop3A_325 : f32 to vector<16xf32>
        %parallel_loop3A_327 = arith.cmpf oge, %parallel_loop3A_304, %parallel_loop3A_326 : vector<16xf32>
        %parallel_loop3A_328 = arith.select %parallel_loop3A_327, %broadcast_in_dim3A_3, %broadcast_in_dim3A_5 : vector<16xi1>, vector<16xi32>
        %parallel_loop3A_329 = arith.addi %parallel_loop3A_324, %parallel_loop3A_328 : vector<16xi32>
        %parallel_loop3A_330 = arith.constant 87.890625 : f32
        %parallel_loop3A_331 = vector.broadcast %parallel_loop3A_330 : f32 to vector<16xf32>
        %parallel_loop3A_332 = arith.cmpf oge, %parallel_loop3A_304, %parallel_loop3A_331 : vector<16xf32>
        %parallel_loop3A_333 = arith.select %parallel_loop3A_332, %broadcast_in_dim3A_3, %broadcast_in_dim3A_5 : vector<16xi1>, vector<16xi32>
        %parallel_loop3A_334 = arith.addi %parallel_loop3A_329, %parallel_loop3A_333 : vector<16xi32>
        %parallel_loop3A_335 = arith.constant 107.640625 : f32
        %parallel_loop3A_336 = vector.broadcast %parallel_loop3A_335 : f32 to vector<16xf32>
        %parallel_loop3A_337 = arith.cmpf oge, %parallel_loop3A_304, %parallel_loop3A_336 : vector<16xf32>
        %parallel_loop3A_338 = arith.select %parallel_loop3A_337, %broadcast_in_dim3A_3, %broadcast_in_dim3A_5 : vector<16xi1>, vector<16xi32>
        %parallel_loop3A_339 = arith.addi %parallel_loop3A_334, %parallel_loop3A_338 : vector<16xi32>
        %parallel_loop3A_340 = arith.constant 129.390625 : f32
        %parallel_loop3A_341 = vector.broadcast %parallel_loop3A_340 : f32 to vector<16xf32>
        %parallel_loop3A_342 = arith.cmpf oge, %parallel_loop3A_304, %parallel_loop3A_341 : vector<16xf32>
        %parallel_loop3A_343 = arith.select %parallel_loop3A_342, %broadcast_in_dim3A_3, %broadcast_in_dim3A_5 : vector<16xi1>, vector<16xi32>
        %parallel_loop3A_344 = arith.addi %parallel_loop3A_339, %parallel_loop3A_343 : vector<16xi32>
        %parallel_loop3A_345 = arith.constant 153.140625 : f32
        %parallel_loop3A_346 = vector.broadcast %parallel_loop3A_345 : f32 to vector<16xf32>
        %parallel_loop3A_347 = arith.cmpf oge, %parallel_loop3A_304, %parallel_loop3A_346 : vector<16xf32>
        %parallel_loop3A_348 = arith.select %parallel_loop3A_347, %broadcast_in_dim3A_3, %broadcast_in_dim3A_5 : vector<16xi1>, vector<16xi32>
        %parallel_loop3A_349 = arith.addi %parallel_loop3A_344, %parallel_loop3A_348 : vector<16xi32>
        %parallel_loop3A_350 = arith.constant 178.890625 : f32
        %parallel_loop3A_351 = vector.broadcast %parallel_loop3A_350 : f32 to vector<16xf32>
        %parallel_loop3A_352 = arith.cmpf oge, %parallel_loop3A_304, %parallel_loop3A_351 : vector<16xf32>
        %parallel_loop3A_353 = arith.select %parallel_loop3A_352, %broadcast_in_dim3A_3, %broadcast_in_dim3A_5 : vector<16xi1>, vector<16xi32>
        %parallel_loop3A_354 = arith.addi %parallel_loop3A_349, %parallel_loop3A_353 : vector<16xi32>
        %parallel_loop3A_355 = arith.constant 206.640625 : f32
        %parallel_loop3A_356 = vector.broadcast %parallel_loop3A_355 : f32 to vector<16xf32>
        %parallel_loop3A_357 = arith.cmpf oge, %parallel_loop3A_304, %parallel_loop3A_356 : vector<16xf32>
        %parallel_loop3A_358 = arith.select %parallel_loop3A_357, %broadcast_in_dim3A_3, %broadcast_in_dim3A_5 : vector<16xi1>, vector<16xi32>
        %parallel_loop3A_359 = arith.addi %parallel_loop3A_354, %parallel_loop3A_358 : vector<16xi32>
        %parallel_loop3A_360 = arith.constant 236.390625 : f32
        %parallel_loop3A_361 = vector.broadcast %parallel_loop3A_360 : f32 to vector<16xf32>
        %parallel_loop3A_362 = arith.cmpf oge, %parallel_loop3A_304, %parallel_loop3A_361 : vector<16xf32>
        %parallel_loop3A_363 = arith.select %parallel_loop3A_362, %broadcast_in_dim3A_3, %broadcast_in_dim3A_5 : vector<16xi1>, vector<16xi32>
        %parallel_loop3A_364 = arith.addi %parallel_loop3A_359, %parallel_loop3A_363 : vector<16xi32>
        %parallel_loop3A_365 = arith.constant 268.140625 : f32
        %parallel_loop3A_366 = vector.broadcast %parallel_loop3A_365 : f32 to vector<16xf32>
        %parallel_loop3A_367 = arith.cmpf oge, %parallel_loop3A_304, %parallel_loop3A_366 : vector<16xf32>
        %parallel_loop3A_368 = arith.select %parallel_loop3A_367, %broadcast_in_dim3A_3, %broadcast_in_dim3A_5 : vector<16xi1>, vector<16xi32>
        %parallel_loop3A_369 = arith.addi %parallel_loop3A_364, %parallel_loop3A_368 : vector<16xi32>
        %parallel_loop3A_370 = arith.constant 301.890625 : f32
        %parallel_loop3A_371 = vector.broadcast %parallel_loop3A_370 : f32 to vector<16xf32>
        %parallel_loop3A_372 = arith.cmpf oge, %parallel_loop3A_304, %parallel_loop3A_371 : vector<16xf32>
        %parallel_loop3A_373 = arith.select %parallel_loop3A_372, %broadcast_in_dim3A_3, %broadcast_in_dim3A_5 : vector<16xi1>, vector<16xi32>
        %parallel_loop3A_374 = arith.addi %parallel_loop3A_369, %parallel_loop3A_373 : vector<16xi32>
        %parallel_loop3A_375 = arith.constant 337.640625 : f32
        %parallel_loop3A_376 = vector.broadcast %parallel_loop3A_375 : f32 to vector<16xf32>
        %parallel_loop3A_377 = arith.cmpf oge, %parallel_loop3A_304, %parallel_loop3A_376 : vector<16xf32>
        %parallel_loop3A_378 = arith.select %parallel_loop3A_377, %broadcast_in_dim3A_3, %broadcast_in_dim3A_5 : vector<16xi1>, vector<16xi32>
        %parallel_loop3A_379 = arith.addi %parallel_loop3A_374, %parallel_loop3A_378 : vector<16xi32>
        %parallel_loop3A_380 = arith.constant 375.390625 : f32
        %parallel_loop3A_381 = vector.broadcast %parallel_loop3A_380 : f32 to vector<16xf32>
        %parallel_loop3A_382 = arith.cmpf oge, %parallel_loop3A_304, %parallel_loop3A_381 : vector<16xf32>
        %parallel_loop3A_383 = arith.select %parallel_loop3A_382, %broadcast_in_dim3A_3, %broadcast_in_dim3A_5 : vector<16xi1>, vector<16xi32>
        %parallel_loop3A_384 = arith.addi %parallel_loop3A_379, %parallel_loop3A_383 : vector<16xi32>
        %parallel_loop3A_385 = arith.constant 415.140625 : f32
        %parallel_loop3A_386 = vector.broadcast %parallel_loop3A_385 : f32 to vector<16xf32>
        %parallel_loop3A_387 = arith.cmpf oge, %parallel_loop3A_304, %parallel_loop3A_386 : vector<16xf32>
        %parallel_loop3A_388 = arith.select %parallel_loop3A_387, %broadcast_in_dim3A_3, %broadcast_in_dim3A_5 : vector<16xi1>, vector<16xi32>
        %parallel_loop3A_389 = arith.addi %parallel_loop3A_384, %parallel_loop3A_388 : vector<16xi32>
        %parallel_loop3A_390 = arith.addi %mul3A_140, %parallel_loop3A_287 : i32
        %parallel_loop3A_391 = arith.index_cast %parallel_loop3A_390 : i32 to index
        %parallel_loop3A_392 = tpu.vector_load %arg7[%parallel_loop3A_391] {strides = array<i32>} : memref<1024xf32, #tpu.memory_space<vmem>>, vector<16xf32>,
        %parallel_loop3A_393 = arith.mulf %parallel_loop3A_392, %gather3A_151 : vector<16xf32>
        %parallel_loop3A_394 = arith.constant 0.000000e+00 : f32
        %parallel_loop3A_395 = vector.broadcast %parallel_loop3A_394 : f32 to vector<16xf32>
        %parallel_loop3A_396 = arith.cmpf ogt, %parallel_loop3A_393, %parallel_loop3A_395 : vector<16xf32>
        %parallel_loop3A_397 = arith.select %parallel_loop3A_396, %parallel_loop3A_389, %broadcast_in_dim3A_7 : vector<16xi1>, vector<16xi32>
        %parallel_loop3A_398 = arith.constant 128 : i32
        %parallel_loop3A_399 = vector.broadcast %parallel_loop3A_398 : i32 to vector<16xi32>
        %parallel_loop3A_400 = arith.muli %parallel_loop3A_397, %parallel_loop3A_399 : vector<16xi32>
        %parallel_loop3A_401 = arith.constant 0 : i32
        %parallel_loop3A_402 = vector.broadcast %parallel_loop3A_401 : i32 to vector<16xi32>
        %parallel_loop3A_403 = vector.shape_cast %parallel_loop3A_402 : vector<16xi32> to vector<16x1xi32>
        %parallel_loop3A_404 = vector.shape_cast %parallel_loop3A_403 : vector<16x1xi32> to vector<16xi32>
        %parallel_loop3A_405 = tpu.dynamic_gather %parallel_loop3A_400[%parallel_loop3A_404] in [0] : vector<16xi32>, vector<16xi32> -> vector<16xi32>
        %parallel_loop3A_406 = arith.constant 16 : i32
        %parallel_loop3A_407 = arith.muli %parallel_loop3A_284, %parallel_loop3A_406 : i32
        %parallel_loop3A_408 = arith.constant 0 : i32
        %parallel_loop3A_409 = arith.addi %parallel_loop3A_407, %parallel_loop3A_408 : i32
        %parallel_loop3A_410 = arith.addi %parallel_loop3A_405, %add3A_10 : vector<16xi32>
        %parallel_loop3A_411 = tpu.vector_load_idx %arg8[%parallel_loop3A_410] : memref<2432xf32, #tpu.memory_space<vmem>>[vector<16xi32>], vector<16xf32>,
        %parallel_loop3A_412 = arith.addi %parallel_loop3A_405, %add3A_13 : vector<16xi32>
        %parallel_loop3A_413 = tpu.vector_load_idx %arg8[%parallel_loop3A_412] : memref<2432xf32, #tpu.memory_space<vmem>>[vector<16xi32>], vector<16xf32>,
        %parallel_loop3A_414 = arith.addi %parallel_loop3A_405, %add3A_16 : vector<16xi32>
        %parallel_loop3A_415 = tpu.vector_load_idx %arg8[%parallel_loop3A_414] : memref<2432xf32, #tpu.memory_space<vmem>>[vector<16xi32>], vector<16xf32>,
        %parallel_loop3A_416 = arith.addi %parallel_loop3A_405, %add3A_19 : vector<16xi32>
        %parallel_loop3A_417 = tpu.vector_load_idx %arg8[%parallel_loop3A_416] : memref<2432xf32, #tpu.memory_space<vmem>>[vector<16xi32>], vector<16xf32>,
        %parallel_loop3A_418 = arith.addi %parallel_loop3A_405, %add3A_22 : vector<16xi32>
        %parallel_loop3A_419 = tpu.vector_load_idx %arg8[%parallel_loop3A_418] : memref<2432xf32, #tpu.memory_space<vmem>>[vector<16xi32>], vector<16xf32>,
        %parallel_loop3A_420 = arith.addi %parallel_loop3A_405, %add3A_25 : vector<16xi32>
        %parallel_loop3A_421 = tpu.vector_load_idx %arg8[%parallel_loop3A_420] : memref<2432xf32, #tpu.memory_space<vmem>>[vector<16xi32>], vector<16xf32>,
        %parallel_loop3A_422 = arith.addi %parallel_loop3A_405, %add3A_28 : vector<16xi32>
        %parallel_loop3A_423 = tpu.vector_load_idx %arg8[%parallel_loop3A_422] : memref<2432xf32, #tpu.memory_space<vmem>>[vector<16xi32>], vector<16xf32>,
        %parallel_loop3A_424 = arith.addi %parallel_loop3A_405, %add3A_31 : vector<16xi32>
        %parallel_loop3A_425 = tpu.vector_load_idx %arg8[%parallel_loop3A_424] : memref<2432xf32, #tpu.memory_space<vmem>>[vector<16xi32>], vector<16xf32>,
        %parallel_loop3A_426 = arith.index_cast %parallel_loop3A_409 : i32 to index
        %parallel_loop3A_427 = arith.constant 0 : index
        %parallel_loop3A_428 = tpu.vector_load %arg9[%parallel_loop3A_426, %parallel_loop3A_427] {strides = array<i32>} : memref<256x128xf32, #tpu.memory_space<vmem>>, vector<16xf32>,
        tpu.vector_store %arg9[%parallel_loop3A_426, %parallel_loop3A_427], %parallel_loop3A_411 {strides = array<i32>} : memref<256x128xf32, #tpu.memory_space<vmem>>, vector<16xf32>,
        %parallel_loop3A_429 = arith.index_cast %parallel_loop3A_409 : i32 to index
        %parallel_loop3A_430 = arith.constant 16 : index
        %parallel_loop3A_431 = tpu.vector_load %arg9[%parallel_loop3A_429, %parallel_loop3A_430] {strides = array<i32>} : memref<256x128xf32, #tpu.memory_space<vmem>>, vector<16xf32>,
        tpu.vector_store %arg9[%parallel_loop3A_429, %parallel_loop3A_430], %parallel_loop3A_413 {strides = array<i32>} : memref<256x128xf32, #tpu.memory_space<vmem>>, vector<16xf32>,
        %parallel_loop3A_432 = arith.index_cast %parallel_loop3A_409 : i32 to index
        %parallel_loop3A_433 = arith.constant 32 : index
        %parallel_loop3A_434 = tpu.vector_load %arg9[%parallel_loop3A_432, %parallel_loop3A_433] {strides = array<i32>} : memref<256x128xf32, #tpu.memory_space<vmem>>, vector<16xf32>,
        tpu.vector_store %arg9[%parallel_loop3A_432, %parallel_loop3A_433], %parallel_loop3A_415 {strides = array<i32>} : memref<256x128xf32, #tpu.memory_space<vmem>>, vector<16xf32>,
        %parallel_loop3A_435 = arith.index_cast %parallel_loop3A_409 : i32 to index
        %parallel_loop3A_436 = arith.constant 48 : index
        %parallel_loop3A_437 = tpu.vector_load %arg9[%parallel_loop3A_435, %parallel_loop3A_436] {strides = array<i32>} : memref<256x128xf32, #tpu.memory_space<vmem>>, vector<16xf32>,
        tpu.vector_store %arg9[%parallel_loop3A_435, %parallel_loop3A_436], %parallel_loop3A_417 {strides = array<i32>} : memref<256x128xf32, #tpu.memory_space<vmem>>, vector<16xf32>,
        %parallel_loop3A_438 = arith.index_cast %parallel_loop3A_409 : i32 to index
        %parallel_loop3A_439 = arith.constant 64 : index
        %parallel_loop3A_440 = tpu.vector_load %arg9[%parallel_loop3A_438, %parallel_loop3A_439] {strides = array<i32>} : memref<256x128xf32, #tpu.memory_space<vmem>>, vector<16xf32>,
        tpu.vector_store %arg9[%parallel_loop3A_438, %parallel_loop3A_439], %parallel_loop3A_419 {strides = array<i32>} : memref<256x128xf32, #tpu.memory_space<vmem>>, vector<16xf32>,
        %parallel_loop3A_441 = arith.index_cast %parallel_loop3A_409 : i32 to index
        %parallel_loop3A_442 = arith.constant 80 : index
        %parallel_loop3A_443 = tpu.vector_load %arg9[%parallel_loop3A_441, %parallel_loop3A_442] {strides = array<i32>} : memref<256x128xf32, #tpu.memory_space<vmem>>, vector<16xf32>,
        tpu.vector_store %arg9[%parallel_loop3A_441, %parallel_loop3A_442], %parallel_loop3A_421 {strides = array<i32>} : memref<256x128xf32, #tpu.memory_space<vmem>>, vector<16xf32>,
        %parallel_loop3A_444 = arith.index_cast %parallel_loop3A_409 : i32 to index
        %parallel_loop3A_445 = arith.constant 96 : index
        %parallel_loop3A_446 = tpu.vector_load %arg9[%parallel_loop3A_444, %parallel_loop3A_445] {strides = array<i32>} : memref<256x128xf32, #tpu.memory_space<vmem>>, vector<16xf32>,
        tpu.vector_store %arg9[%parallel_loop3A_444, %parallel_loop3A_445], %parallel_loop3A_423 {strides = array<i32>} : memref<256x128xf32, #tpu.memory_space<vmem>>, vector<16xf32>,
        %parallel_loop3A_447 = arith.index_cast %parallel_loop3A_409 : i32 to index
        %parallel_loop3A_448 = arith.constant 112 : index
        %parallel_loop3A_449 = tpu.vector_load %arg9[%parallel_loop3A_447, %parallel_loop3A_448] {strides = array<i32>} : memref<256x128xf32, #tpu.memory_space<vmem>>, vector<16xf32>,
        tpu.vector_store %arg9[%parallel_loop3A_447, %parallel_loop3A_448], %parallel_loop3A_425 {strides = array<i32>} : memref<256x128xf32, #tpu.memory_space<vmem>>, vector<16xf32>,
        %parallel_loop3A_450 = arith.constant 1 : i32
        %parallel_loop3A_451 = vector.broadcast %parallel_loop3A_450 : i32 to vector<16xi32>
        %parallel_loop3A_452 = vector.shape_cast %parallel_loop3A_451 : vector<16xi32> to vector<16x1xi32>
        %parallel_loop3A_453 = vector.shape_cast %parallel_loop3A_452 : vector<16x1xi32> to vector<16xi32>
        %parallel_loop3A_454 = tpu.dynamic_gather %parallel_loop3A_400[%parallel_loop3A_453] in [0] : vector<16xi32>, vector<16xi32> -> vector<16xi32>
        %parallel_loop3A_455 = arith.constant 16 : i32
        %parallel_loop3A_456 = arith.muli %parallel_loop3A_284, %parallel_loop3A_455 : i32
        %parallel_loop3A_457 = arith.constant 1 : i32
        %parallel_loop3A_458 = arith.addi %parallel_loop3A_456, %parallel_loop3A_457 : i32
        %parallel_loop3A_459 = arith.addi %parallel_loop3A_454, %add3A_10 : vector<16xi32>
        %parallel_loop3A_460 = tpu.vector_load_idx %arg8[%parallel_loop3A_459] : memref<2432xf32, #tpu.memory_space<vmem>>[vector<16xi32>], vector<16xf32>,
        %parallel_loop3A_461 = arith.addi %parallel_loop3A_454, %add3A_13 : vector<16xi32>
        %parallel_loop3A_462 = tpu.vector_load_idx %arg8[%parallel_loop3A_461] : memref<2432xf32, #tpu.memory_space<vmem>>[vector<16xi32>], vector<16xf32>,
        %parallel_loop3A_463 = arith.addi %parallel_loop3A_454, %add3A_16 : vector<16xi32>
        %parallel_loop3A_464 = tpu.vector_load_idx %arg8[%parallel_loop3A_463] : memref<2432xf32, #tpu.memory_space<vmem>>[vector<16xi32>], vector<16xf32>,
        %parallel_loop3A_465 = arith.addi %parallel_loop3A_454, %add3A_19 : vector<16xi32>
        %parallel_loop3A_466 = tpu.vector_load_idx %arg8[%parallel_loop3A_465] : memref<2432xf32, #tpu.memory_space<vmem>>[vector<16xi32>], vector<16xf32>,
        %parallel_loop3A_467 = arith.addi %parallel_loop3A_454, %add3A_22 : vector<16xi32>
        %parallel_loop3A_468 = tpu.vector_load_idx %arg8[%parallel_loop3A_467] : memref<2432xf32, #tpu.memory_space<vmem>>[vector<16xi32>], vector<16xf32>,
        %parallel_loop3A_469 = arith.addi %parallel_loop3A_454, %add3A_25 : vector<16xi32>
        %parallel_loop3A_470 = tpu.vector_load_idx %arg8[%parallel_loop3A_469] : memref<2432xf32, #tpu.memory_space<vmem>>[vector<16xi32>], vector<16xf32>,
        %parallel_loop3A_471 = arith.addi %parallel_loop3A_454, %add3A_28 : vector<16xi32>
        %parallel_loop3A_472 = tpu.vector_load_idx %arg8[%parallel_loop3A_471] : memref<2432xf32, #tpu.memory_space<vmem>>[vector<16xi32>], vector<16xf32>,
        %parallel_loop3A_473 = arith.addi %parallel_loop3A_454, %add3A_31 : vector<16xi32>
        %parallel_loop3A_474 = tpu.vector_load_idx %arg8[%parallel_loop3A_473] : memref<2432xf32, #tpu.memory_space<vmem>>[vector<16xi32>], vector<16xf32>,
        %parallel_loop3A_475 = arith.index_cast %parallel_loop3A_458 : i32 to index
        %parallel_loop3A_476 = arith.constant 0 : index
        %parallel_loop3A_477 = tpu.vector_load %arg9[%parallel_loop3A_475, %parallel_loop3A_476] {strides = array<i32>} : memref<256x128xf32, #tpu.memory_space<vmem>>, vector<16xf32>,
        tpu.vector_store %arg9[%parallel_loop3A_475, %parallel_loop3A_476], %parallel_loop3A_460 {strides = array<i32>} : memref<256x128xf32, #tpu.memory_space<vmem>>, vector<16xf32>,
        %parallel_loop3A_478 = arith.index_cast %parallel_loop3A_458 : i32 to index
        %parallel_loop3A_479 = arith.constant 16 : index
        %parallel_loop3A_480 = tpu.vector_load %arg9[%parallel_loop3A_478, %parallel_loop3A_479] {strides = array<i32>} : memref<256x128xf32, #tpu.memory_space<vmem>>, vector<16xf32>,
        tpu.vector_store %arg9[%parallel_loop3A_478, %parallel_loop3A_479], %parallel_loop3A_462 {strides = array<i32>} : memref<256x128xf32, #tpu.memory_space<vmem>>, vector<16xf32>,
        %parallel_loop3A_481 = arith.index_cast %parallel_loop3A_458 : i32 to index
        %parallel_loop3A_482 = arith.constant 32 : index
        %parallel_loop3A_483 = tpu.vector_load %arg9[%parallel_loop3A_481, %parallel_loop3A_482] {strides = array<i32>} : memref<256x128xf32, #tpu.memory_space<vmem>>, vector<16xf32>,
        tpu.vector_store %arg9[%parallel_loop3A_481, %parallel_loop3A_482], %parallel_loop3A_464 {strides = array<i32>} : memref<256x128xf32, #tpu.memory_space<vmem>>, vector<16xf32>,
        %parallel_loop3A_484 = arith.index_cast %parallel_loop3A_458 : i32 to index
        %parallel_loop3A_485 = arith.constant 48 : index
        %parallel_loop3A_486 = tpu.vector_load %arg9[%parallel_loop3A_484, %parallel_loop3A_485] {strides = array<i32>} : memref<256x128xf32, #tpu.memory_space<vmem>>, vector<16xf32>,
        tpu.vector_store %arg9[%parallel_loop3A_484, %parallel_loop3A_485], %parallel_loop3A_466 {strides = array<i32>} : memref<256x128xf32, #tpu.memory_space<vmem>>, vector<16xf32>,
        %parallel_loop3A_487 = arith.index_cast %parallel_loop3A_458 : i32 to index
        %parallel_loop3A_488 = arith.constant 64 : index
        %parallel_loop3A_489 = tpu.vector_load %arg9[%parallel_loop3A_487, %parallel_loop3A_488] {strides = array<i32>} : memref<256x128xf32, #tpu.memory_space<vmem>>, vector<16xf32>,
        tpu.vector_store %arg9[%parallel_loop3A_487, %parallel_loop3A_488], %parallel_loop3A_468 {strides = array<i32>} : memref<256x128xf32, #tpu.memory_space<vmem>>, vector<16xf32>,
        %parallel_loop3A_490 = arith.index_cast %parallel_loop3A_458 : i32 to index
        %parallel_loop3A_491 = arith.constant 80 : index
        %parallel_loop3A_492 = tpu.vector_load %arg9[%parallel_loop3A_490, %parallel_loop3A_491] {strides = array<i32>} : memref<256x128xf32, #tpu.memory_space<vmem>>, vector<16xf32>,
        tpu.vector_store %arg9[%parallel_loop3A_490, %parallel_loop3A_491], %parallel_loop3A_470 {strides = array<i32>} : memref<256x128xf32, #tpu.memory_space<vmem>>, vector<16xf32>,
        %parallel_loop3A_493 = arith.index_cast %parallel_loop3A_458 : i32 to index
        %parallel_loop3A_494 = arith.constant 96 : index
        %parallel_loop3A_495 = tpu.vector_load %arg9[%parallel_loop3A_493, %parallel_loop3A_494] {strides = array<i32>} : memref<256x128xf32, #tpu.memory_space<vmem>>, vector<16xf32>,
        tpu.vector_store %arg9[%parallel_loop3A_493, %parallel_loop3A_494], %parallel_loop3A_472 {strides = array<i32>} : memref<256x128xf32, #tpu.memory_space<vmem>>, vector<16xf32>,
        %parallel_loop3A_496 = arith.index_cast %parallel_loop3A_458 : i32 to index
        %parallel_loop3A_497 = arith.constant 112 : index
        %parallel_loop3A_498 = tpu.vector_load %arg9[%parallel_loop3A_496, %parallel_loop3A_497] {strides = array<i32>} : memref<256x128xf32, #tpu.memory_space<vmem>>, vector<16xf32>,
        tpu.vector_store %arg9[%parallel_loop3A_496, %parallel_loop3A_497], %parallel_loop3A_474 {strides = array<i32>} : memref<256x128xf32, #tpu.memory_space<vmem>>, vector<16xf32>,
        %parallel_loop3A_499 = arith.constant 2 : i32
        %parallel_loop3A_500 = vector.broadcast %parallel_loop3A_499 : i32 to vector<16xi32>
        %parallel_loop3A_501 = vector.shape_cast %parallel_loop3A_500 : vector<16xi32> to vector<16x1xi32>
        %parallel_loop3A_502 = vector.shape_cast %parallel_loop3A_501 : vector<16x1xi32> to vector<16xi32>
        %parallel_loop3A_503 = tpu.dynamic_gather %parallel_loop3A_400[%parallel_loop3A_502] in [0] : vector<16xi32>, vector<16xi32> -> vector<16xi32>
        %parallel_loop3A_504 = arith.constant 16 : i32
        %parallel_loop3A_505 = arith.muli %parallel_loop3A_284, %parallel_loop3A_504 : i32
        %parallel_loop3A_506 = arith.constant 2 : i32
        %parallel_loop3A_507 = arith.addi %parallel_loop3A_505, %parallel_loop3A_506 : i32
        %parallel_loop3A_508 = arith.addi %parallel_loop3A_503, %add3A_10 : vector<16xi32>
        %parallel_loop3A_509 = tpu.vector_load_idx %arg8[%parallel_loop3A_508] : memref<2432xf32, #tpu.memory_space<vmem>>[vector<16xi32>], vector<16xf32>,
        %parallel_loop3A_510 = arith.addi %parallel_loop3A_503, %add3A_13 : vector<16xi32>
        %parallel_loop3A_511 = tpu.vector_load_idx %arg8[%parallel_loop3A_510] : memref<2432xf32, #tpu.memory_space<vmem>>[vector<16xi32>], vector<16xf32>,
        %parallel_loop3A_512 = arith.addi %parallel_loop3A_503, %add3A_16 : vector<16xi32>
        %parallel_loop3A_513 = tpu.vector_load_idx %arg8[%parallel_loop3A_512] : memref<2432xf32, #tpu.memory_space<vmem>>[vector<16xi32>], vector<16xf32>,
        %parallel_loop3A_514 = arith.addi %parallel_loop3A_503, %add3A_19 : vector<16xi32>
        %parallel_loop3A_515 = tpu.vector_load_idx %arg8[%parallel_loop3A_514] : memref<2432xf32, #tpu.memory_space<vmem>>[vector<16xi32>], vector<16xf32>,
        %parallel_loop3A_516 = arith.addi %parallel_loop3A_503, %add3A_22 : vector<16xi32>
        %parallel_loop3A_517 = tpu.vector_load_idx %arg8[%parallel_loop3A_516] : memref<2432xf32, #tpu.memory_space<vmem>>[vector<16xi32>], vector<16xf32>,
        %parallel_loop3A_518 = arith.addi %parallel_loop3A_503, %add3A_25 : vector<16xi32>
        %parallel_loop3A_519 = tpu.vector_load_idx %arg8[%parallel_loop3A_518] : memref<2432xf32, #tpu.memory_space<vmem>>[vector<16xi32>], vector<16xf32>,
        %parallel_loop3A_520 = arith.addi %parallel_loop3A_503, %add3A_28 : vector<16xi32>
        %parallel_loop3A_521 = tpu.vector_load_idx %arg8[%parallel_loop3A_520] : memref<2432xf32, #tpu.memory_space<vmem>>[vector<16xi32>], vector<16xf32>,
        %parallel_loop3A_522 = arith.addi %parallel_loop3A_503, %add3A_31 : vector<16xi32>
        %parallel_loop3A_523 = tpu.vector_load_idx %arg8[%parallel_loop3A_522] : memref<2432xf32, #tpu.memory_space<vmem>>[vector<16xi32>], vector<16xf32>,
        %parallel_loop3A_524 = arith.index_cast %parallel_loop3A_507 : i32 to index
        %parallel_loop3A_525 = arith.constant 0 : index
        %parallel_loop3A_526 = tpu.vector_load %arg9[%parallel_loop3A_524, %parallel_loop3A_525] {strides = array<i32>} : memref<256x128xf32, #tpu.memory_space<vmem>>, vector<16xf32>,
        tpu.vector_store %arg9[%parallel_loop3A_524, %parallel_loop3A_525], %parallel_loop3A_509 {strides = array<i32>} : memref<256x128xf32, #tpu.memory_space<vmem>>, vector<16xf32>,
        %parallel_loop3A_527 = arith.index_cast %parallel_loop3A_507 : i32 to index
        %parallel_loop3A_528 = arith.constant 16 : index
        %parallel_loop3A_529 = tpu.vector_load %arg9[%parallel_loop3A_527, %parallel_loop3A_528] {strides = array<i32>} : memref<256x128xf32, #tpu.memory_space<vmem>>, vector<16xf32>,
        tpu.vector_store %arg9[%parallel_loop3A_527, %parallel_loop3A_528], %parallel_loop3A_511 {strides = array<i32>} : memref<256x128xf32, #tpu.memory_space<vmem>>, vector<16xf32>,
        %parallel_loop3A_530 = arith.index_cast %parallel_loop3A_507 : i32 to index
        %parallel_loop3A_531 = arith.constant 32 : index
        %parallel_loop3A_532 = tpu.vector_load %arg9[%parallel_loop3A_530, %parallel_loop3A_531] {strides = array<i32>} : memref<256x128xf32, #tpu.memory_space<vmem>>, vector<16xf32>,
        tpu.vector_store %arg9[%parallel_loop3A_530, %parallel_loop3A_531], %parallel_loop3A_513 {strides = array<i32>} : memref<256x128xf32, #tpu.memory_space<vmem>>, vector<16xf32>,
        %parallel_loop3A_533 = arith.index_cast %parallel_loop3A_507 : i32 to index
        %parallel_loop3A_534 = arith.constant 48 : index
        %parallel_loop3A_535 = tpu.vector_load %arg9[%parallel_loop3A_533, %parallel_loop3A_534] {strides = array<i32>} : memref<256x128xf32, #tpu.memory_space<vmem>>, vector<16xf32>,
        tpu.vector_store %arg9[%parallel_loop3A_533, %parallel_loop3A_534], %parallel_loop3A_515 {strides = array<i32>} : memref<256x128xf32, #tpu.memory_space<vmem>>, vector<16xf32>,
        %parallel_loop3A_536 = arith.index_cast %parallel_loop3A_507 : i32 to index
        %parallel_loop3A_537 = arith.constant 64 : index
        %parallel_loop3A_538 = tpu.vector_load %arg9[%parallel_loop3A_536, %parallel_loop3A_537] {strides = array<i32>} : memref<256x128xf32, #tpu.memory_space<vmem>>, vector<16xf32>,
        tpu.vector_store %arg9[%parallel_loop3A_536, %parallel_loop3A_537], %parallel_loop3A_517 {strides = array<i32>} : memref<256x128xf32, #tpu.memory_space<vmem>>, vector<16xf32>,
        %parallel_loop3A_539 = arith.index_cast %parallel_loop3A_507 : i32 to index
        %parallel_loop3A_540 = arith.constant 80 : index
        %parallel_loop3A_541 = tpu.vector_load %arg9[%parallel_loop3A_539, %parallel_loop3A_540] {strides = array<i32>} : memref<256x128xf32, #tpu.memory_space<vmem>>, vector<16xf32>,
        tpu.vector_store %arg9[%parallel_loop3A_539, %parallel_loop3A_540], %parallel_loop3A_519 {strides = array<i32>} : memref<256x128xf32, #tpu.memory_space<vmem>>, vector<16xf32>,
        %parallel_loop3A_542 = arith.index_cast %parallel_loop3A_507 : i32 to index
        %parallel_loop3A_543 = arith.constant 96 : index
        %parallel_loop3A_544 = tpu.vector_load %arg9[%parallel_loop3A_542, %parallel_loop3A_543] {strides = array<i32>} : memref<256x128xf32, #tpu.memory_space<vmem>>, vector<16xf32>,
        tpu.vector_store %arg9[%parallel_loop3A_542, %parallel_loop3A_543], %parallel_loop3A_521 {strides = array<i32>} : memref<256x128xf32, #tpu.memory_space<vmem>>, vector<16xf32>,
        %parallel_loop3A_545 = arith.index_cast %parallel_loop3A_507 : i32 to index
        %parallel_loop3A_546 = arith.constant 112 : index
        %parallel_loop3A_547 = tpu.vector_load %arg9[%parallel_loop3A_545, %parallel_loop3A_546] {strides = array<i32>} : memref<256x128xf32, #tpu.memory_space<vmem>>, vector<16xf32>,
        tpu.vector_store %arg9[%parallel_loop3A_545, %parallel_loop3A_546], %parallel_loop3A_523 {strides = array<i32>} : memref<256x128xf32, #tpu.memory_space<vmem>>, vector<16xf32>,
        %parallel_loop3A_548 = arith.constant 3 : i32
        %parallel_loop3A_549 = vector.broadcast %parallel_loop3A_548 : i32 to vector<16xi32>
        %parallel_loop3A_550 = vector.shape_cast %parallel_loop3A_549 : vector<16xi32> to vector<16x1xi32>
        %parallel_loop3A_551 = vector.shape_cast %parallel_loop3A_550 : vector<16x1xi32> to vector<16xi32>
        %parallel_loop3A_552 = tpu.dynamic_gather %parallel_loop3A_400[%parallel_loop3A_551] in [0] : vector<16xi32>, vector<16xi32> -> vector<16xi32>
        %parallel_loop3A_553 = arith.constant 16 : i32
        %parallel_loop3A_554 = arith.muli %parallel_loop3A_284, %parallel_loop3A_553 : i32
        %parallel_loop3A_555 = arith.constant 3 : i32
        %parallel_loop3A_556 = arith.addi %parallel_loop3A_554, %parallel_loop3A_555 : i32
        %parallel_loop3A_557 = arith.addi %parallel_loop3A_552, %add3A_10 : vector<16xi32>
        %parallel_loop3A_558 = tpu.vector_load_idx %arg8[%parallel_loop3A_557] : memref<2432xf32, #tpu.memory_space<vmem>>[vector<16xi32>], vector<16xf32>,
        %parallel_loop3A_559 = arith.addi %parallel_loop3A_552, %add3A_13 : vector<16xi32>
        %parallel_loop3A_560 = tpu.vector_load_idx %arg8[%parallel_loop3A_559] : memref<2432xf32, #tpu.memory_space<vmem>>[vector<16xi32>], vector<16xf32>,
        %parallel_loop3A_561 = arith.addi %parallel_loop3A_552, %add3A_16 : vector<16xi32>
        %parallel_loop3A_562 = tpu.vector_load_idx %arg8[%parallel_loop3A_561] : memref<2432xf32, #tpu.memory_space<vmem>>[vector<16xi32>], vector<16xf32>,
        %parallel_loop3A_563 = arith.addi %parallel_loop3A_552, %add3A_19 : vector<16xi32>
        %parallel_loop3A_564 = tpu.vector_load_idx %arg8[%parallel_loop3A_563] : memref<2432xf32, #tpu.memory_space<vmem>>[vector<16xi32>], vector<16xf32>,
        %parallel_loop3A_565 = arith.addi %parallel_loop3A_552, %add3A_22 : vector<16xi32>
        %parallel_loop3A_566 = tpu.vector_load_idx %arg8[%parallel_loop3A_565] : memref<2432xf32, #tpu.memory_space<vmem>>[vector<16xi32>], vector<16xf32>,
        %parallel_loop3A_567 = arith.addi %parallel_loop3A_552, %add3A_25 : vector<16xi32>
        %parallel_loop3A_568 = tpu.vector_load_idx %arg8[%parallel_loop3A_567] : memref<2432xf32, #tpu.memory_space<vmem>>[vector<16xi32>], vector<16xf32>,
        %parallel_loop3A_569 = arith.addi %parallel_loop3A_552, %add3A_28 : vector<16xi32>
        %parallel_loop3A_570 = tpu.vector_load_idx %arg8[%parallel_loop3A_569] : memref<2432xf32, #tpu.memory_space<vmem>>[vector<16xi32>], vector<16xf32>,
        %parallel_loop3A_571 = arith.addi %parallel_loop3A_552, %add3A_31 : vector<16xi32>
        %parallel_loop3A_572 = tpu.vector_load_idx %arg8[%parallel_loop3A_571] : memref<2432xf32, #tpu.memory_space<vmem>>[vector<16xi32>], vector<16xf32>,
        %parallel_loop3A_573 = arith.index_cast %parallel_loop3A_556 : i32 to index
        %parallel_loop3A_574 = arith.constant 0 : index
        %parallel_loop3A_575 = tpu.vector_load %arg9[%parallel_loop3A_573, %parallel_loop3A_574] {strides = array<i32>} : memref<256x128xf32, #tpu.memory_space<vmem>>, vector<16xf32>,
        tpu.vector_store %arg9[%parallel_loop3A_573, %parallel_loop3A_574], %parallel_loop3A_558 {strides = array<i32>} : memref<256x128xf32, #tpu.memory_space<vmem>>, vector<16xf32>,
        %parallel_loop3A_576 = arith.index_cast %parallel_loop3A_556 : i32 to index
        %parallel_loop3A_577 = arith.constant 16 : index
        %parallel_loop3A_578 = tpu.vector_load %arg9[%parallel_loop3A_576, %parallel_loop3A_577] {strides = array<i32>} : memref<256x128xf32, #tpu.memory_space<vmem>>, vector<16xf32>,
        tpu.vector_store %arg9[%parallel_loop3A_576, %parallel_loop3A_577], %parallel_loop3A_560 {strides = array<i32>} : memref<256x128xf32, #tpu.memory_space<vmem>>, vector<16xf32>,
        %parallel_loop3A_579 = arith.index_cast %parallel_loop3A_556 : i32 to index
        %parallel_loop3A_580 = arith.constant 32 : index
        %parallel_loop3A_581 = tpu.vector_load %arg9[%parallel_loop3A_579, %parallel_loop3A_580] {strides = array<i32>} : memref<256x128xf32, #tpu.memory_space<vmem>>, vector<16xf32>,
        tpu.vector_store %arg9[%parallel_loop3A_579, %parallel_loop3A_580], %parallel_loop3A_562 {strides = array<i32>} : memref<256x128xf32, #tpu.memory_space<vmem>>, vector<16xf32>,
        %parallel_loop3A_582 = arith.index_cast %parallel_loop3A_556 : i32 to index
        %parallel_loop3A_583 = arith.constant 48 : index
        %parallel_loop3A_584 = tpu.vector_load %arg9[%parallel_loop3A_582, %parallel_loop3A_583] {strides = array<i32>} : memref<256x128xf32, #tpu.memory_space<vmem>>, vector<16xf32>,
        tpu.vector_store %arg9[%parallel_loop3A_582, %parallel_loop3A_583], %parallel_loop3A_564 {strides = array<i32>} : memref<256x128xf32, #tpu.memory_space<vmem>>, vector<16xf32>,
        %parallel_loop3A_585 = arith.index_cast %parallel_loop3A_556 : i32 to index
        %parallel_loop3A_586 = arith.constant 64 : index
        %parallel_loop3A_587 = tpu.vector_load %arg9[%parallel_loop3A_585, %parallel_loop3A_586] {strides = array<i32>} : memref<256x128xf32, #tpu.memory_space<vmem>>, vector<16xf32>,
        tpu.vector_store %arg9[%parallel_loop3A_585, %parallel_loop3A_586], %parallel_loop3A_566 {strides = array<i32>} : memref<256x128xf32, #tpu.memory_space<vmem>>, vector<16xf32>,
        %parallel_loop3A_588 = arith.index_cast %parallel_loop3A_556 : i32 to index
        %parallel_loop3A_589 = arith.constant 80 : index
        %parallel_loop3A_590 = tpu.vector_load %arg9[%parallel_loop3A_588, %parallel_loop3A_589] {strides = array<i32>} : memref<256x128xf32, #tpu.memory_space<vmem>>, vector<16xf32>,
        tpu.vector_store %arg9[%parallel_loop3A_588, %parallel_loop3A_589], %parallel_loop3A_568 {strides = array<i32>} : memref<256x128xf32, #tpu.memory_space<vmem>>, vector<16xf32>,
        %parallel_loop3A_591 = arith.index_cast %parallel_loop3A_556 : i32 to index
        %parallel_loop3A_592 = arith.constant 96 : index
        %parallel_loop3A_593 = tpu.vector_load %arg9[%parallel_loop3A_591, %parallel_loop3A_592] {strides = array<i32>} : memref<256x128xf32, #tpu.memory_space<vmem>>, vector<16xf32>,
        tpu.vector_store %arg9[%parallel_loop3A_591, %parallel_loop3A_592], %parallel_loop3A_570 {strides = array<i32>} : memref<256x128xf32, #tpu.memory_space<vmem>>, vector<16xf32>,
        %parallel_loop3A_594 = arith.index_cast %parallel_loop3A_556 : i32 to index
        %parallel_loop3A_595 = arith.constant 112 : index
        %parallel_loop3A_596 = tpu.vector_load %arg9[%parallel_loop3A_594, %parallel_loop3A_595] {strides = array<i32>} : memref<256x128xf32, #tpu.memory_space<vmem>>, vector<16xf32>,
        tpu.vector_store %arg9[%parallel_loop3A_594, %parallel_loop3A_595], %parallel_loop3A_572 {strides = array<i32>} : memref<256x128xf32, #tpu.memory_space<vmem>>, vector<16xf32>,
        %parallel_loop3A_597 = arith.constant 4 : i32
        %parallel_loop3A_598 = vector.broadcast %parallel_loop3A_597 : i32 to vector<16xi32>
        %parallel_loop3A_599 = vector.shape_cast %parallel_loop3A_598 : vector<16xi32> to vector<16x1xi32>
        %parallel_loop3A_600 = vector.shape_cast %parallel_loop3A_599 : vector<16x1xi32> to vector<16xi32>
        %parallel_loop3A_601 = tpu.dynamic_gather %parallel_loop3A_400[%parallel_loop3A_600] in [0] : vector<16xi32>, vector<16xi32> -> vector<16xi32>
        %parallel_loop3A_602 = arith.constant 16 : i32
        %parallel_loop3A_603 = arith.muli %parallel_loop3A_284, %parallel_loop3A_602 : i32
        %parallel_loop3A_604 = arith.constant 4 : i32
        %parallel_loop3A_605 = arith.addi %parallel_loop3A_603, %parallel_loop3A_604 : i32
        %parallel_loop3A_606 = arith.addi %parallel_loop3A_601, %add3A_10 : vector<16xi32>
        %parallel_loop3A_607 = tpu.vector_load_idx %arg8[%parallel_loop3A_606] : memref<2432xf32, #tpu.memory_space<vmem>>[vector<16xi32>], vector<16xf32>,
        %parallel_loop3A_608 = arith.addi %parallel_loop3A_601, %add3A_13 : vector<16xi32>
        %parallel_loop3A_609 = tpu.vector_load_idx %arg8[%parallel_loop3A_608] : memref<2432xf32, #tpu.memory_space<vmem>>[vector<16xi32>], vector<16xf32>,
        %parallel_loop3A_610 = arith.addi %parallel_loop3A_601, %add3A_16 : vector<16xi32>
        %parallel_loop3A_611 = tpu.vector_load_idx %arg8[%parallel_loop3A_610] : memref<2432xf32, #tpu.memory_space<vmem>>[vector<16xi32>], vector<16xf32>,
        %parallel_loop3A_612 = arith.addi %parallel_loop3A_601, %add3A_19 : vector<16xi32>
        %parallel_loop3A_613 = tpu.vector_load_idx %arg8[%parallel_loop3A_612] : memref<2432xf32, #tpu.memory_space<vmem>>[vector<16xi32>], vector<16xf32>,
        %parallel_loop3A_614 = arith.addi %parallel_loop3A_601, %add3A_22 : vector<16xi32>
        %parallel_loop3A_615 = tpu.vector_load_idx %arg8[%parallel_loop3A_614] : memref<2432xf32, #tpu.memory_space<vmem>>[vector<16xi32>], vector<16xf32>,
        %parallel_loop3A_616 = arith.addi %parallel_loop3A_601, %add3A_25 : vector<16xi32>
        %parallel_loop3A_617 = tpu.vector_load_idx %arg8[%parallel_loop3A_616] : memref<2432xf32, #tpu.memory_space<vmem>>[vector<16xi32>], vector<16xf32>,
        %parallel_loop3A_618 = arith.addi %parallel_loop3A_601, %add3A_28 : vector<16xi32>
        %parallel_loop3A_619 = tpu.vector_load_idx %arg8[%parallel_loop3A_618] : memref<2432xf32, #tpu.memory_space<vmem>>[vector<16xi32>], vector<16xf32>,
        %parallel_loop3A_620 = arith.addi %parallel_loop3A_601, %add3A_31 : vector<16xi32>
        %parallel_loop3A_621 = tpu.vector_load_idx %arg8[%parallel_loop3A_620] : memref<2432xf32, #tpu.memory_space<vmem>>[vector<16xi32>], vector<16xf32>,
        %parallel_loop3A_622 = arith.index_cast %parallel_loop3A_605 : i32 to index
        %parallel_loop3A_623 = arith.constant 0 : index
        %parallel_loop3A_624 = tpu.vector_load %arg9[%parallel_loop3A_622, %parallel_loop3A_623] {strides = array<i32>} : memref<256x128xf32, #tpu.memory_space<vmem>>, vector<16xf32>,
        tpu.vector_store %arg9[%parallel_loop3A_622, %parallel_loop3A_623], %parallel_loop3A_607 {strides = array<i32>} : memref<256x128xf32, #tpu.memory_space<vmem>>, vector<16xf32>,
        %parallel_loop3A_625 = arith.index_cast %parallel_loop3A_605 : i32 to index
        %parallel_loop3A_626 = arith.constant 16 : index
        %parallel_loop3A_627 = tpu.vector_load %arg9[%parallel_loop3A_625, %parallel_loop3A_626] {strides = array<i32>} : memref<256x128xf32, #tpu.memory_space<vmem>>, vector<16xf32>,
        tpu.vector_store %arg9[%parallel_loop3A_625, %parallel_loop3A_626], %parallel_loop3A_609 {strides = array<i32>} : memref<256x128xf32, #tpu.memory_space<vmem>>, vector<16xf32>,
        %parallel_loop3A_628 = arith.index_cast %parallel_loop3A_605 : i32 to index
        %parallel_loop3A_629 = arith.constant 32 : index
        %parallel_loop3A_630 = tpu.vector_load %arg9[%parallel_loop3A_628, %parallel_loop3A_629] {strides = array<i32>} : memref<256x128xf32, #tpu.memory_space<vmem>>, vector<16xf32>,
        tpu.vector_store %arg9[%parallel_loop3A_628, %parallel_loop3A_629], %parallel_loop3A_611 {strides = array<i32>} : memref<256x128xf32, #tpu.memory_space<vmem>>, vector<16xf32>,
        %parallel_loop3A_631 = arith.index_cast %parallel_loop3A_605 : i32 to index
        %parallel_loop3A_632 = arith.constant 48 : index
        %parallel_loop3A_633 = tpu.vector_load %arg9[%parallel_loop3A_631, %parallel_loop3A_632] {strides = array<i32>} : memref<256x128xf32, #tpu.memory_space<vmem>>, vector<16xf32>,
        tpu.vector_store %arg9[%parallel_loop3A_631, %parallel_loop3A_632], %parallel_loop3A_613 {strides = array<i32>} : memref<256x128xf32, #tpu.memory_space<vmem>>, vector<16xf32>,
        %parallel_loop3A_634 = arith.index_cast %parallel_loop3A_605 : i32 to index
        %parallel_loop3A_635 = arith.constant 64 : index
        %parallel_loop3A_636 = tpu.vector_load %arg9[%parallel_loop3A_634, %parallel_loop3A_635] {strides = array<i32>} : memref<256x128xf32, #tpu.memory_space<vmem>>, vector<16xf32>,
        tpu.vector_store %arg9[%parallel_loop3A_634, %parallel_loop3A_635], %parallel_loop3A_615 {strides = array<i32>} : memref<256x128xf32, #tpu.memory_space<vmem>>, vector<16xf32>,
        %parallel_loop3A_637 = arith.index_cast %parallel_loop3A_605 : i32 to index
        %parallel_loop3A_638 = arith.constant 80 : index
        %parallel_loop3A_639 = tpu.vector_load %arg9[%parallel_loop3A_637, %parallel_loop3A_638] {strides = array<i32>} : memref<256x128xf32, #tpu.memory_space<vmem>>, vector<16xf32>,
        tpu.vector_store %arg9[%parallel_loop3A_637, %parallel_loop3A_638], %parallel_loop3A_617 {strides = array<i32>} : memref<256x128xf32, #tpu.memory_space<vmem>>, vector<16xf32>,
        %parallel_loop3A_640 = arith.index_cast %parallel_loop3A_605 : i32 to index
        %parallel_loop3A_641 = arith.constant 96 : index
        %parallel_loop3A_642 = tpu.vector_load %arg9[%parallel_loop3A_640, %parallel_loop3A_641] {strides = array<i32>} : memref<256x128xf32, #tpu.memory_space<vmem>>, vector<16xf32>,
        tpu.vector_store %arg9[%parallel_loop3A_640, %parallel_loop3A_641], %parallel_loop3A_619 {strides = array<i32>} : memref<256x128xf32, #tpu.memory_space<vmem>>, vector<16xf32>,
        %parallel_loop3A_643 = arith.index_cast %parallel_loop3A_605 : i32 to index
        %parallel_loop3A_644 = arith.constant 112 : index
        %parallel_loop3A_645 = tpu.vector_load %arg9[%parallel_loop3A_643, %parallel_loop3A_644] {strides = array<i32>} : memref<256x128xf32, #tpu.memory_space<vmem>>, vector<16xf32>,
        tpu.vector_store %arg9[%parallel_loop3A_643, %parallel_loop3A_644], %parallel_loop3A_621 {strides = array<i32>} : memref<256x128xf32, #tpu.memory_space<vmem>>, vector<16xf32>,
        %parallel_loop3A_646 = arith.constant 5 : i32
        %parallel_loop3A_647 = vector.broadcast %parallel_loop3A_646 : i32 to vector<16xi32>
        %parallel_loop3A_648 = vector.shape_cast %parallel_loop3A_647 : vector<16xi32> to vector<16x1xi32>
        %parallel_loop3A_649 = vector.shape_cast %parallel_loop3A_648 : vector<16x1xi32> to vector<16xi32>
        %parallel_loop3A_650 = tpu.dynamic_gather %parallel_loop3A_400[%parallel_loop3A_649] in [0] : vector<16xi32>, vector<16xi32> -> vector<16xi32>
        %parallel_loop3A_651 = arith.constant 16 : i32
        %parallel_loop3A_652 = arith.muli %parallel_loop3A_284, %parallel_loop3A_651 : i32
        %parallel_loop3A_653 = arith.constant 5 : i32
        %parallel_loop3A_654 = arith.addi %parallel_loop3A_652, %parallel_loop3A_653 : i32
        %parallel_loop3A_655 = arith.addi %parallel_loop3A_650, %add3A_10 : vector<16xi32>
        %parallel_loop3A_656 = tpu.vector_load_idx %arg8[%parallel_loop3A_655] : memref<2432xf32, #tpu.memory_space<vmem>>[vector<16xi32>], vector<16xf32>,
        %parallel_loop3A_657 = arith.addi %parallel_loop3A_650, %add3A_13 : vector<16xi32>
        %parallel_loop3A_658 = tpu.vector_load_idx %arg8[%parallel_loop3A_657] : memref<2432xf32, #tpu.memory_space<vmem>>[vector<16xi32>], vector<16xf32>,
        %parallel_loop3A_659 = arith.addi %parallel_loop3A_650, %add3A_16 : vector<16xi32>
        %parallel_loop3A_660 = tpu.vector_load_idx %arg8[%parallel_loop3A_659] : memref<2432xf32, #tpu.memory_space<vmem>>[vector<16xi32>], vector<16xf32>,
        %parallel_loop3A_661 = arith.addi %parallel_loop3A_650, %add3A_19 : vector<16xi32>
        %parallel_loop3A_662 = tpu.vector_load_idx %arg8[%parallel_loop3A_661] : memref<2432xf32, #tpu.memory_space<vmem>>[vector<16xi32>], vector<16xf32>,
        %parallel_loop3A_663 = arith.addi %parallel_loop3A_650, %add3A_22 : vector<16xi32>
        %parallel_loop3A_664 = tpu.vector_load_idx %arg8[%parallel_loop3A_663] : memref<2432xf32, #tpu.memory_space<vmem>>[vector<16xi32>], vector<16xf32>,
        %parallel_loop3A_665 = arith.addi %parallel_loop3A_650, %add3A_25 : vector<16xi32>
        %parallel_loop3A_666 = tpu.vector_load_idx %arg8[%parallel_loop3A_665] : memref<2432xf32, #tpu.memory_space<vmem>>[vector<16xi32>], vector<16xf32>,
        %parallel_loop3A_667 = arith.addi %parallel_loop3A_650, %add3A_28 : vector<16xi32>
        %parallel_loop3A_668 = tpu.vector_load_idx %arg8[%parallel_loop3A_667] : memref<2432xf32, #tpu.memory_space<vmem>>[vector<16xi32>], vector<16xf32>,
        %parallel_loop3A_669 = arith.addi %parallel_loop3A_650, %add3A_31 : vector<16xi32>
        %parallel_loop3A_670 = tpu.vector_load_idx %arg8[%parallel_loop3A_669] : memref<2432xf32, #tpu.memory_space<vmem>>[vector<16xi32>], vector<16xf32>,
        %parallel_loop3A_671 = arith.index_cast %parallel_loop3A_654 : i32 to index
        %parallel_loop3A_672 = arith.constant 0 : index
        %parallel_loop3A_673 = tpu.vector_load %arg9[%parallel_loop3A_671, %parallel_loop3A_672] {strides = array<i32>} : memref<256x128xf32, #tpu.memory_space<vmem>>, vector<16xf32>,
        tpu.vector_store %arg9[%parallel_loop3A_671, %parallel_loop3A_672], %parallel_loop3A_656 {strides = array<i32>} : memref<256x128xf32, #tpu.memory_space<vmem>>, vector<16xf32>,
        %parallel_loop3A_674 = arith.index_cast %parallel_loop3A_654 : i32 to index
        %parallel_loop3A_675 = arith.constant 16 : index
        %parallel_loop3A_676 = tpu.vector_load %arg9[%parallel_loop3A_674, %parallel_loop3A_675] {strides = array<i32>} : memref<256x128xf32, #tpu.memory_space<vmem>>, vector<16xf32>,
        tpu.vector_store %arg9[%parallel_loop3A_674, %parallel_loop3A_675], %parallel_loop3A_658 {strides = array<i32>} : memref<256x128xf32, #tpu.memory_space<vmem>>, vector<16xf32>,
        %parallel_loop3A_677 = arith.index_cast %parallel_loop3A_654 : i32 to index
        %parallel_loop3A_678 = arith.constant 32 : index
        %parallel_loop3A_679 = tpu.vector_load %arg9[%parallel_loop3A_677, %parallel_loop3A_678] {strides = array<i32>} : memref<256x128xf32, #tpu.memory_space<vmem>>, vector<16xf32>,
        tpu.vector_store %arg9[%parallel_loop3A_677, %parallel_loop3A_678], %parallel_loop3A_660 {strides = array<i32>} : memref<256x128xf32, #tpu.memory_space<vmem>>, vector<16xf32>,
        %parallel_loop3A_680 = arith.index_cast %parallel_loop3A_654 : i32 to index
        %parallel_loop3A_681 = arith.constant 48 : index
        %parallel_loop3A_682 = tpu.vector_load %arg9[%parallel_loop3A_680, %parallel_loop3A_681] {strides = array<i32>} : memref<256x128xf32, #tpu.memory_space<vmem>>, vector<16xf32>,
        tpu.vector_store %arg9[%parallel_loop3A_680, %parallel_loop3A_681], %parallel_loop3A_662 {strides = array<i32>} : memref<256x128xf32, #tpu.memory_space<vmem>>, vector<16xf32>,
        %parallel_loop3A_683 = arith.index_cast %parallel_loop3A_654 : i32 to index
        %parallel_loop3A_684 = arith.constant 64 : index
        %parallel_loop3A_685 = tpu.vector_load %arg9[%parallel_loop3A_683, %parallel_loop3A_684] {strides = array<i32>} : memref<256x128xf32, #tpu.memory_space<vmem>>, vector<16xf32>,
        tpu.vector_store %arg9[%parallel_loop3A_683, %parallel_loop3A_684], %parallel_loop3A_664 {strides = array<i32>} : memref<256x128xf32, #tpu.memory_space<vmem>>, vector<16xf32>,
        %parallel_loop3A_686 = arith.index_cast %parallel_loop3A_654 : i32 to index
        %parallel_loop3A_687 = arith.constant 80 : index
        %parallel_loop3A_688 = tpu.vector_load %arg9[%parallel_loop3A_686, %parallel_loop3A_687] {strides = array<i32>} : memref<256x128xf32, #tpu.memory_space<vmem>>, vector<16xf32>,
        tpu.vector_store %arg9[%parallel_loop3A_686, %parallel_loop3A_687], %parallel_loop3A_666 {strides = array<i32>} : memref<256x128xf32, #tpu.memory_space<vmem>>, vector<16xf32>,
        %parallel_loop3A_689 = arith.index_cast %parallel_loop3A_654 : i32 to index
        %parallel_loop3A_690 = arith.constant 96 : index
        %parallel_loop3A_691 = tpu.vector_load %arg9[%parallel_loop3A_689, %parallel_loop3A_690] {strides = array<i32>} : memref<256x128xf32, #tpu.memory_space<vmem>>, vector<16xf32>,
        tpu.vector_store %arg9[%parallel_loop3A_689, %parallel_loop3A_690], %parallel_loop3A_668 {strides = array<i32>} : memref<256x128xf32, #tpu.memory_space<vmem>>, vector<16xf32>,
        %parallel_loop3A_692 = arith.index_cast %parallel_loop3A_654 : i32 to index
        %parallel_loop3A_693 = arith.constant 112 : index
        %parallel_loop3A_694 = tpu.vector_load %arg9[%parallel_loop3A_692, %parallel_loop3A_693] {strides = array<i32>} : memref<256x128xf32, #tpu.memory_space<vmem>>, vector<16xf32>,
        tpu.vector_store %arg9[%parallel_loop3A_692, %parallel_loop3A_693], %parallel_loop3A_670 {strides = array<i32>} : memref<256x128xf32, #tpu.memory_space<vmem>>, vector<16xf32>,
        %parallel_loop3A_695 = arith.constant 6 : i32
        %parallel_loop3A_696 = vector.broadcast %parallel_loop3A_695 : i32 to vector<16xi32>
        %parallel_loop3A_697 = vector.shape_cast %parallel_loop3A_696 : vector<16xi32> to vector<16x1xi32>
        %parallel_loop3A_698 = vector.shape_cast %parallel_loop3A_697 : vector<16x1xi32> to vector<16xi32>
        %parallel_loop3A_699 = tpu.dynamic_gather %parallel_loop3A_400[%parallel_loop3A_698] in [0] : vector<16xi32>, vector<16xi32> -> vector<16xi32>
        %parallel_loop3A_700 = arith.constant 16 : i32
        %parallel_loop3A_701 = arith.muli %parallel_loop3A_284, %parallel_loop3A_700 : i32
        %parallel_loop3A_702 = arith.constant 6 : i32
        %parallel_loop3A_703 = arith.addi %parallel_loop3A_701, %parallel_loop3A_702 : i32
        %parallel_loop3A_704 = arith.addi %parallel_loop3A_699, %add3A_10 : vector<16xi32>
        %parallel_loop3A_705 = tpu.vector_load_idx %arg8[%parallel_loop3A_704] : memref<2432xf32, #tpu.memory_space<vmem>>[vector<16xi32>], vector<16xf32>,
        %parallel_loop3A_706 = arith.addi %parallel_loop3A_699, %add3A_13 : vector<16xi32>
        %parallel_loop3A_707 = tpu.vector_load_idx %arg8[%parallel_loop3A_706] : memref<2432xf32, #tpu.memory_space<vmem>>[vector<16xi32>], vector<16xf32>,
        %parallel_loop3A_708 = arith.addi %parallel_loop3A_699, %add3A_16 : vector<16xi32>
        %parallel_loop3A_709 = tpu.vector_load_idx %arg8[%parallel_loop3A_708] : memref<2432xf32, #tpu.memory_space<vmem>>[vector<16xi32>], vector<16xf32>,
        %parallel_loop3A_710 = arith.addi %parallel_loop3A_699, %add3A_19 : vector<16xi32>
        %parallel_loop3A_711 = tpu.vector_load_idx %arg8[%parallel_loop3A_710] : memref<2432xf32, #tpu.memory_space<vmem>>[vector<16xi32>], vector<16xf32>,
        %parallel_loop3A_712 = arith.addi %parallel_loop3A_699, %add3A_22 : vector<16xi32>
        %parallel_loop3A_713 = tpu.vector_load_idx %arg8[%parallel_loop3A_712] : memref<2432xf32, #tpu.memory_space<vmem>>[vector<16xi32>], vector<16xf32>,
        %parallel_loop3A_714 = arith.addi %parallel_loop3A_699, %add3A_25 : vector<16xi32>
        %parallel_loop3A_715 = tpu.vector_load_idx %arg8[%parallel_loop3A_714] : memref<2432xf32, #tpu.memory_space<vmem>>[vector<16xi32>], vector<16xf32>,
        %parallel_loop3A_716 = arith.addi %parallel_loop3A_699, %add3A_28 : vector<16xi32>
        %parallel_loop3A_717 = tpu.vector_load_idx %arg8[%parallel_loop3A_716] : memref<2432xf32, #tpu.memory_space<vmem>>[vector<16xi32>], vector<16xf32>,
        %parallel_loop3A_718 = arith.addi %parallel_loop3A_699, %add3A_31 : vector<16xi32>
        %parallel_loop3A_719 = tpu.vector_load_idx %arg8[%parallel_loop3A_718] : memref<2432xf32, #tpu.memory_space<vmem>>[vector<16xi32>], vector<16xf32>,
        %parallel_loop3A_720 = arith.index_cast %parallel_loop3A_703 : i32 to index
        %parallel_loop3A_721 = arith.constant 0 : index
        %parallel_loop3A_722 = tpu.vector_load %arg9[%parallel_loop3A_720, %parallel_loop3A_721] {strides = array<i32>} : memref<256x128xf32, #tpu.memory_space<vmem>>, vector<16xf32>,
        tpu.vector_store %arg9[%parallel_loop3A_720, %parallel_loop3A_721], %parallel_loop3A_705 {strides = array<i32>} : memref<256x128xf32, #tpu.memory_space<vmem>>, vector<16xf32>,
        %parallel_loop3A_723 = arith.index_cast %parallel_loop3A_703 : i32 to index
        %parallel_loop3A_724 = arith.constant 16 : index
        %parallel_loop3A_725 = tpu.vector_load %arg9[%parallel_loop3A_723, %parallel_loop3A_724] {strides = array<i32>} : memref<256x128xf32, #tpu.memory_space<vmem>>, vector<16xf32>,
        tpu.vector_store %arg9[%parallel_loop3A_723, %parallel_loop3A_724], %parallel_loop3A_707 {strides = array<i32>} : memref<256x128xf32, #tpu.memory_space<vmem>>, vector<16xf32>,
        %parallel_loop3A_726 = arith.index_cast %parallel_loop3A_703 : i32 to index
        %parallel_loop3A_727 = arith.constant 32 : index
        %parallel_loop3A_728 = tpu.vector_load %arg9[%parallel_loop3A_726, %parallel_loop3A_727] {strides = array<i32>} : memref<256x128xf32, #tpu.memory_space<vmem>>, vector<16xf32>,
        tpu.vector_store %arg9[%parallel_loop3A_726, %parallel_loop3A_727], %parallel_loop3A_709 {strides = array<i32>} : memref<256x128xf32, #tpu.memory_space<vmem>>, vector<16xf32>,
        %parallel_loop3A_729 = arith.index_cast %parallel_loop3A_703 : i32 to index
        %parallel_loop3A_730 = arith.constant 48 : index
        %parallel_loop3A_731 = tpu.vector_load %arg9[%parallel_loop3A_729, %parallel_loop3A_730] {strides = array<i32>} : memref<256x128xf32, #tpu.memory_space<vmem>>, vector<16xf32>,
        tpu.vector_store %arg9[%parallel_loop3A_729, %parallel_loop3A_730], %parallel_loop3A_711 {strides = array<i32>} : memref<256x128xf32, #tpu.memory_space<vmem>>, vector<16xf32>,
        %parallel_loop3A_732 = arith.index_cast %parallel_loop3A_703 : i32 to index
        %parallel_loop3A_733 = arith.constant 64 : index
        %parallel_loop3A_734 = tpu.vector_load %arg9[%parallel_loop3A_732, %parallel_loop3A_733] {strides = array<i32>} : memref<256x128xf32, #tpu.memory_space<vmem>>, vector<16xf32>,
        tpu.vector_store %arg9[%parallel_loop3A_732, %parallel_loop3A_733], %parallel_loop3A_713 {strides = array<i32>} : memref<256x128xf32, #tpu.memory_space<vmem>>, vector<16xf32>,
        %parallel_loop3A_735 = arith.index_cast %parallel_loop3A_703 : i32 to index
        %parallel_loop3A_736 = arith.constant 80 : index
        %parallel_loop3A_737 = tpu.vector_load %arg9[%parallel_loop3A_735, %parallel_loop3A_736] {strides = array<i32>} : memref<256x128xf32, #tpu.memory_space<vmem>>, vector<16xf32>,
        tpu.vector_store %arg9[%parallel_loop3A_735, %parallel_loop3A_736], %parallel_loop3A_715 {strides = array<i32>} : memref<256x128xf32, #tpu.memory_space<vmem>>, vector<16xf32>,
        %parallel_loop3A_738 = arith.index_cast %parallel_loop3A_703 : i32 to index
        %parallel_loop3A_739 = arith.constant 96 : index
        %parallel_loop3A_740 = tpu.vector_load %arg9[%parallel_loop3A_738, %parallel_loop3A_739] {strides = array<i32>} : memref<256x128xf32, #tpu.memory_space<vmem>>, vector<16xf32>,
        tpu.vector_store %arg9[%parallel_loop3A_738, %parallel_loop3A_739], %parallel_loop3A_717 {strides = array<i32>} : memref<256x128xf32, #tpu.memory_space<vmem>>, vector<16xf32>,
        %parallel_loop3A_741 = arith.index_cast %parallel_loop3A_703 : i32 to index
        %parallel_loop3A_742 = arith.constant 112 : index
        %parallel_loop3A_743 = tpu.vector_load %arg9[%parallel_loop3A_741, %parallel_loop3A_742] {strides = array<i32>} : memref<256x128xf32, #tpu.memory_space<vmem>>, vector<16xf32>,
        tpu.vector_store %arg9[%parallel_loop3A_741, %parallel_loop3A_742], %parallel_loop3A_719 {strides = array<i32>} : memref<256x128xf32, #tpu.memory_space<vmem>>, vector<16xf32>,
        %parallel_loop3A_744 = arith.constant 7 : i32
        %parallel_loop3A_745 = vector.broadcast %parallel_loop3A_744 : i32 to vector<16xi32>
        %parallel_loop3A_746 = vector.shape_cast %parallel_loop3A_745 : vector<16xi32> to vector<16x1xi32>
        %parallel_loop3A_747 = vector.shape_cast %parallel_loop3A_746 : vector<16x1xi32> to vector<16xi32>
        %parallel_loop3A_748 = tpu.dynamic_gather %parallel_loop3A_400[%parallel_loop3A_747] in [0] : vector<16xi32>, vector<16xi32> -> vector<16xi32>
        %parallel_loop3A_749 = arith.constant 16 : i32
        %parallel_loop3A_750 = arith.muli %parallel_loop3A_284, %parallel_loop3A_749 : i32
        %parallel_loop3A_751 = arith.constant 7 : i32
        %parallel_loop3A_752 = arith.addi %parallel_loop3A_750, %parallel_loop3A_751 : i32
        %parallel_loop3A_753 = arith.addi %parallel_loop3A_748, %add3A_10 : vector<16xi32>
        %parallel_loop3A_754 = tpu.vector_load_idx %arg8[%parallel_loop3A_753] : memref<2432xf32, #tpu.memory_space<vmem>>[vector<16xi32>], vector<16xf32>,
        %parallel_loop3A_755 = arith.addi %parallel_loop3A_748, %add3A_13 : vector<16xi32>
        %parallel_loop3A_756 = tpu.vector_load_idx %arg8[%parallel_loop3A_755] : memref<2432xf32, #tpu.memory_space<vmem>>[vector<16xi32>], vector<16xf32>,
        %parallel_loop3A_757 = arith.addi %parallel_loop3A_748, %add3A_16 : vector<16xi32>
        %parallel_loop3A_758 = tpu.vector_load_idx %arg8[%parallel_loop3A_757] : memref<2432xf32, #tpu.memory_space<vmem>>[vector<16xi32>], vector<16xf32>,
        %parallel_loop3A_759 = arith.addi %parallel_loop3A_748, %add3A_19 : vector<16xi32>
        %parallel_loop3A_760 = tpu.vector_load_idx %arg8[%parallel_loop3A_759] : memref<2432xf32, #tpu.memory_space<vmem>>[vector<16xi32>], vector<16xf32>,
        %parallel_loop3A_761 = arith.addi %parallel_loop3A_748, %add3A_22 : vector<16xi32>
        %parallel_loop3A_762 = tpu.vector_load_idx %arg8[%parallel_loop3A_761] : memref<2432xf32, #tpu.memory_space<vmem>>[vector<16xi32>], vector<16xf32>,
        %parallel_loop3A_763 = arith.addi %parallel_loop3A_748, %add3A_25 : vector<16xi32>
        %parallel_loop3A_764 = tpu.vector_load_idx %arg8[%parallel_loop3A_763] : memref<2432xf32, #tpu.memory_space<vmem>>[vector<16xi32>], vector<16xf32>,
        %parallel_loop3A_765 = arith.addi %parallel_loop3A_748, %add3A_28 : vector<16xi32>
        %parallel_loop3A_766 = tpu.vector_load_idx %arg8[%parallel_loop3A_765] : memref<2432xf32, #tpu.memory_space<vmem>>[vector<16xi32>], vector<16xf32>,
        %parallel_loop3A_767 = arith.addi %parallel_loop3A_748, %add3A_31 : vector<16xi32>
        %parallel_loop3A_768 = tpu.vector_load_idx %arg8[%parallel_loop3A_767] : memref<2432xf32, #tpu.memory_space<vmem>>[vector<16xi32>], vector<16xf32>,
        %parallel_loop3A_769 = arith.index_cast %parallel_loop3A_752 : i32 to index
        %parallel_loop3A_770 = arith.constant 0 : index
        %parallel_loop3A_771 = tpu.vector_load %arg9[%parallel_loop3A_769, %parallel_loop3A_770] {strides = array<i32>} : memref<256x128xf32, #tpu.memory_space<vmem>>, vector<16xf32>,
        tpu.vector_store %arg9[%parallel_loop3A_769, %parallel_loop3A_770], %parallel_loop3A_754 {strides = array<i32>} : memref<256x128xf32, #tpu.memory_space<vmem>>, vector<16xf32>,
        %parallel_loop3A_772 = arith.index_cast %parallel_loop3A_752 : i32 to index
        %parallel_loop3A_773 = arith.constant 16 : index
        %parallel_loop3A_774 = tpu.vector_load %arg9[%parallel_loop3A_772, %parallel_loop3A_773] {strides = array<i32>} : memref<256x128xf32, #tpu.memory_space<vmem>>, vector<16xf32>,
        tpu.vector_store %arg9[%parallel_loop3A_772, %parallel_loop3A_773], %parallel_loop3A_756 {strides = array<i32>} : memref<256x128xf32, #tpu.memory_space<vmem>>, vector<16xf32>,
        %parallel_loop3A_775 = arith.index_cast %parallel_loop3A_752 : i32 to index
        %parallel_loop3A_776 = arith.constant 32 : index
        %parallel_loop3A_777 = tpu.vector_load %arg9[%parallel_loop3A_775, %parallel_loop3A_776] {strides = array<i32>} : memref<256x128xf32, #tpu.memory_space<vmem>>, vector<16xf32>,
        tpu.vector_store %arg9[%parallel_loop3A_775, %parallel_loop3A_776], %parallel_loop3A_758 {strides = array<i32>} : memref<256x128xf32, #tpu.memory_space<vmem>>, vector<16xf32>,
        %parallel_loop3A_778 = arith.index_cast %parallel_loop3A_752 : i32 to index
        %parallel_loop3A_779 = arith.constant 48 : index
        %parallel_loop3A_780 = tpu.vector_load %arg9[%parallel_loop3A_778, %parallel_loop3A_779] {strides = array<i32>} : memref<256x128xf32, #tpu.memory_space<vmem>>, vector<16xf32>,
        tpu.vector_store %arg9[%parallel_loop3A_778, %parallel_loop3A_779], %parallel_loop3A_760 {strides = array<i32>} : memref<256x128xf32, #tpu.memory_space<vmem>>, vector<16xf32>,
        %parallel_loop3A_781 = arith.index_cast %parallel_loop3A_752 : i32 to index
        %parallel_loop3A_782 = arith.constant 64 : index
        %parallel_loop3A_783 = tpu.vector_load %arg9[%parallel_loop3A_781, %parallel_loop3A_782] {strides = array<i32>} : memref<256x128xf32, #tpu.memory_space<vmem>>, vector<16xf32>,
        tpu.vector_store %arg9[%parallel_loop3A_781, %parallel_loop3A_782], %parallel_loop3A_762 {strides = array<i32>} : memref<256x128xf32, #tpu.memory_space<vmem>>, vector<16xf32>,
        %parallel_loop3A_784 = arith.index_cast %parallel_loop3A_752 : i32 to index
        %parallel_loop3A_785 = arith.constant 80 : index
        %parallel_loop3A_786 = tpu.vector_load %arg9[%parallel_loop3A_784, %parallel_loop3A_785] {strides = array<i32>} : memref<256x128xf32, #tpu.memory_space<vmem>>, vector<16xf32>,
        tpu.vector_store %arg9[%parallel_loop3A_784, %parallel_loop3A_785], %parallel_loop3A_764 {strides = array<i32>} : memref<256x128xf32, #tpu.memory_space<vmem>>, vector<16xf32>,
        %parallel_loop3A_787 = arith.index_cast %parallel_loop3A_752 : i32 to index
        %parallel_loop3A_788 = arith.constant 96 : index
        %parallel_loop3A_789 = tpu.vector_load %arg9[%parallel_loop3A_787, %parallel_loop3A_788] {strides = array<i32>} : memref<256x128xf32, #tpu.memory_space<vmem>>, vector<16xf32>,
        tpu.vector_store %arg9[%parallel_loop3A_787, %parallel_loop3A_788], %parallel_loop3A_766 {strides = array<i32>} : memref<256x128xf32, #tpu.memory_space<vmem>>, vector<16xf32>,
        %parallel_loop3A_790 = arith.index_cast %parallel_loop3A_752 : i32 to index
        %parallel_loop3A_791 = arith.constant 112 : index
        %parallel_loop3A_792 = tpu.vector_load %arg9[%parallel_loop3A_790, %parallel_loop3A_791] {strides = array<i32>} : memref<256x128xf32, #tpu.memory_space<vmem>>, vector<16xf32>,
        tpu.vector_store %arg9[%parallel_loop3A_790, %parallel_loop3A_791], %parallel_loop3A_768 {strides = array<i32>} : memref<256x128xf32, #tpu.memory_space<vmem>>, vector<16xf32>,
        %parallel_loop3A_793 = arith.constant 8 : i32
        %parallel_loop3A_794 = vector.broadcast %parallel_loop3A_793 : i32 to vector<16xi32>
        %parallel_loop3A_795 = vector.shape_cast %parallel_loop3A_794 : vector<16xi32> to vector<16x1xi32>
        %parallel_loop3A_796 = vector.shape_cast %parallel_loop3A_795 : vector<16x1xi32> to vector<16xi32>
        %parallel_loop3A_797 = tpu.dynamic_gather %parallel_loop3A_400[%parallel_loop3A_796] in [0] : vector<16xi32>, vector<16xi32> -> vector<16xi32>
        %parallel_loop3A_798 = arith.constant 16 : i32
        %parallel_loop3A_799 = arith.muli %parallel_loop3A_284, %parallel_loop3A_798 : i32
        %parallel_loop3A_800 = arith.constant 8 : i32
        %parallel_loop3A_801 = arith.addi %parallel_loop3A_799, %parallel_loop3A_800 : i32
        %parallel_loop3A_802 = arith.addi %parallel_loop3A_797, %add3A_10 : vector<16xi32>
        %parallel_loop3A_803 = tpu.vector_load_idx %arg8[%parallel_loop3A_802] : memref<2432xf32, #tpu.memory_space<vmem>>[vector<16xi32>], vector<16xf32>,
        %parallel_loop3A_804 = arith.addi %parallel_loop3A_797, %add3A_13 : vector<16xi32>
        %parallel_loop3A_805 = tpu.vector_load_idx %arg8[%parallel_loop3A_804] : memref<2432xf32, #tpu.memory_space<vmem>>[vector<16xi32>], vector<16xf32>,
        %parallel_loop3A_806 = arith.addi %parallel_loop3A_797, %add3A_16 : vector<16xi32>
        %parallel_loop3A_807 = tpu.vector_load_idx %arg8[%parallel_loop3A_806] : memref<2432xf32, #tpu.memory_space<vmem>>[vector<16xi32>], vector<16xf32>,
        %parallel_loop3A_808 = arith.addi %parallel_loop3A_797, %add3A_19 : vector<16xi32>
        %parallel_loop3A_809 = tpu.vector_load_idx %arg8[%parallel_loop3A_808] : memref<2432xf32, #tpu.memory_space<vmem>>[vector<16xi32>], vector<16xf32>,
        %parallel_loop3A_810 = arith.addi %parallel_loop3A_797, %add3A_22 : vector<16xi32>
        %parallel_loop3A_811 = tpu.vector_load_idx %arg8[%parallel_loop3A_810] : memref<2432xf32, #tpu.memory_space<vmem>>[vector<16xi32>], vector<16xf32>,
        %parallel_loop3A_812 = arith.addi %parallel_loop3A_797, %add3A_25 : vector<16xi32>
        %parallel_loop3A_813 = tpu.vector_load_idx %arg8[%parallel_loop3A_812] : memref<2432xf32, #tpu.memory_space<vmem>>[vector<16xi32>], vector<16xf32>,
        %parallel_loop3A_814 = arith.addi %parallel_loop3A_797, %add3A_28 : vector<16xi32>
        %parallel_loop3A_815 = tpu.vector_load_idx %arg8[%parallel_loop3A_814] : memref<2432xf32, #tpu.memory_space<vmem>>[vector<16xi32>], vector<16xf32>,
        %parallel_loop3A_816 = arith.addi %parallel_loop3A_797, %add3A_31 : vector<16xi32>
        %parallel_loop3A_817 = tpu.vector_load_idx %arg8[%parallel_loop3A_816] : memref<2432xf32, #tpu.memory_space<vmem>>[vector<16xi32>], vector<16xf32>,
        %parallel_loop3A_818 = arith.index_cast %parallel_loop3A_801 : i32 to index
        %parallel_loop3A_819 = arith.constant 0 : index
        %parallel_loop3A_820 = tpu.vector_load %arg9[%parallel_loop3A_818, %parallel_loop3A_819] {strides = array<i32>} : memref<256x128xf32, #tpu.memory_space<vmem>>, vector<16xf32>,
        tpu.vector_store %arg9[%parallel_loop3A_818, %parallel_loop3A_819], %parallel_loop3A_803 {strides = array<i32>} : memref<256x128xf32, #tpu.memory_space<vmem>>, vector<16xf32>,
        %parallel_loop3A_821 = arith.index_cast %parallel_loop3A_801 : i32 to index
        %parallel_loop3A_822 = arith.constant 16 : index
        %parallel_loop3A_823 = tpu.vector_load %arg9[%parallel_loop3A_821, %parallel_loop3A_822] {strides = array<i32>} : memref<256x128xf32, #tpu.memory_space<vmem>>, vector<16xf32>,
        tpu.vector_store %arg9[%parallel_loop3A_821, %parallel_loop3A_822], %parallel_loop3A_805 {strides = array<i32>} : memref<256x128xf32, #tpu.memory_space<vmem>>, vector<16xf32>,
        %parallel_loop3A_824 = arith.index_cast %parallel_loop3A_801 : i32 to index
        %parallel_loop3A_825 = arith.constant 32 : index
        %parallel_loop3A_826 = tpu.vector_load %arg9[%parallel_loop3A_824, %parallel_loop3A_825] {strides = array<i32>} : memref<256x128xf32, #tpu.memory_space<vmem>>, vector<16xf32>,
        tpu.vector_store %arg9[%parallel_loop3A_824, %parallel_loop3A_825], %parallel_loop3A_807 {strides = array<i32>} : memref<256x128xf32, #tpu.memory_space<vmem>>, vector<16xf32>,
        %parallel_loop3A_827 = arith.index_cast %parallel_loop3A_801 : i32 to index
        %parallel_loop3A_828 = arith.constant 48 : index
        %parallel_loop3A_829 = tpu.vector_load %arg9[%parallel_loop3A_827, %parallel_loop3A_828] {strides = array<i32>} : memref<256x128xf32, #tpu.memory_space<vmem>>, vector<16xf32>,
        tpu.vector_store %arg9[%parallel_loop3A_827, %parallel_loop3A_828], %parallel_loop3A_809 {strides = array<i32>} : memref<256x128xf32, #tpu.memory_space<vmem>>, vector<16xf32>,
        %parallel_loop3A_830 = arith.index_cast %parallel_loop3A_801 : i32 to index
        %parallel_loop3A_831 = arith.constant 64 : index
        %parallel_loop3A_832 = tpu.vector_load %arg9[%parallel_loop3A_830, %parallel_loop3A_831] {strides = array<i32>} : memref<256x128xf32, #tpu.memory_space<vmem>>, vector<16xf32>,
        tpu.vector_store %arg9[%parallel_loop3A_830, %parallel_loop3A_831], %parallel_loop3A_811 {strides = array<i32>} : memref<256x128xf32, #tpu.memory_space<vmem>>, vector<16xf32>,
        %parallel_loop3A_833 = arith.index_cast %parallel_loop3A_801 : i32 to index
        %parallel_loop3A_834 = arith.constant 80 : index
        %parallel_loop3A_835 = tpu.vector_load %arg9[%parallel_loop3A_833, %parallel_loop3A_834] {strides = array<i32>} : memref<256x128xf32, #tpu.memory_space<vmem>>, vector<16xf32>,
        tpu.vector_store %arg9[%parallel_loop3A_833, %parallel_loop3A_834], %parallel_loop3A_813 {strides = array<i32>} : memref<256x128xf32, #tpu.memory_space<vmem>>, vector<16xf32>,
        %parallel_loop3A_836 = arith.index_cast %parallel_loop3A_801 : i32 to index
        %parallel_loop3A_837 = arith.constant 96 : index
        %parallel_loop3A_838 = tpu.vector_load %arg9[%parallel_loop3A_836, %parallel_loop3A_837] {strides = array<i32>} : memref<256x128xf32, #tpu.memory_space<vmem>>, vector<16xf32>,
        tpu.vector_store %arg9[%parallel_loop3A_836, %parallel_loop3A_837], %parallel_loop3A_815 {strides = array<i32>} : memref<256x128xf32, #tpu.memory_space<vmem>>, vector<16xf32>,
        %parallel_loop3A_839 = arith.index_cast %parallel_loop3A_801 : i32 to index
        %parallel_loop3A_840 = arith.constant 112 : index
        %parallel_loop3A_841 = tpu.vector_load %arg9[%parallel_loop3A_839, %parallel_loop3A_840] {strides = array<i32>} : memref<256x128xf32, #tpu.memory_space<vmem>>, vector<16xf32>,
        tpu.vector_store %arg9[%parallel_loop3A_839, %parallel_loop3A_840], %parallel_loop3A_817 {strides = array<i32>} : memref<256x128xf32, #tpu.memory_space<vmem>>, vector<16xf32>,
        %parallel_loop3A_842 = arith.constant 9 : i32
        %parallel_loop3A_843 = vector.broadcast %parallel_loop3A_842 : i32 to vector<16xi32>
        %parallel_loop3A_844 = vector.shape_cast %parallel_loop3A_843 : vector<16xi32> to vector<16x1xi32>
        %parallel_loop3A_845 = vector.shape_cast %parallel_loop3A_844 : vector<16x1xi32> to vector<16xi32>
        %parallel_loop3A_846 = tpu.dynamic_gather %parallel_loop3A_400[%parallel_loop3A_845] in [0] : vector<16xi32>, vector<16xi32> -> vector<16xi32>
        %parallel_loop3A_847 = arith.constant 16 : i32
        %parallel_loop3A_848 = arith.muli %parallel_loop3A_284, %parallel_loop3A_847 : i32
        %parallel_loop3A_849 = arith.constant 9 : i32
        %parallel_loop3A_850 = arith.addi %parallel_loop3A_848, %parallel_loop3A_849 : i32
        %parallel_loop3A_851 = arith.addi %parallel_loop3A_846, %add3A_10 : vector<16xi32>
        %parallel_loop3A_852 = tpu.vector_load_idx %arg8[%parallel_loop3A_851] : memref<2432xf32, #tpu.memory_space<vmem>>[vector<16xi32>], vector<16xf32>,
        %parallel_loop3A_853 = arith.addi %parallel_loop3A_846, %add3A_13 : vector<16xi32>
        %parallel_loop3A_854 = tpu.vector_load_idx %arg8[%parallel_loop3A_853] : memref<2432xf32, #tpu.memory_space<vmem>>[vector<16xi32>], vector<16xf32>,
        %parallel_loop3A_855 = arith.addi %parallel_loop3A_846, %add3A_16 : vector<16xi32>
        %parallel_loop3A_856 = tpu.vector_load_idx %arg8[%parallel_loop3A_855] : memref<2432xf32, #tpu.memory_space<vmem>>[vector<16xi32>], vector<16xf32>,
        %parallel_loop3A_857 = arith.addi %parallel_loop3A_846, %add3A_19 : vector<16xi32>
        %parallel_loop3A_858 = tpu.vector_load_idx %arg8[%parallel_loop3A_857] : memref<2432xf32, #tpu.memory_space<vmem>>[vector<16xi32>], vector<16xf32>,
        %parallel_loop3A_859 = arith.addi %parallel_loop3A_846, %add3A_22 : vector<16xi32>
        %parallel_loop3A_860 = tpu.vector_load_idx %arg8[%parallel_loop3A_859] : memref<2432xf32, #tpu.memory_space<vmem>>[vector<16xi32>], vector<16xf32>,
        %parallel_loop3A_861 = arith.addi %parallel_loop3A_846, %add3A_25 : vector<16xi32>
        %parallel_loop3A_862 = tpu.vector_load_idx %arg8[%parallel_loop3A_861] : memref<2432xf32, #tpu.memory_space<vmem>>[vector<16xi32>], vector<16xf32>,
        %parallel_loop3A_863 = arith.addi %parallel_loop3A_846, %add3A_28 : vector<16xi32>
        %parallel_loop3A_864 = tpu.vector_load_idx %arg8[%parallel_loop3A_863] : memref<2432xf32, #tpu.memory_space<vmem>>[vector<16xi32>], vector<16xf32>,
        %parallel_loop3A_865 = arith.addi %parallel_loop3A_846, %add3A_31 : vector<16xi32>
        %parallel_loop3A_866 = tpu.vector_load_idx %arg8[%parallel_loop3A_865] : memref<2432xf32, #tpu.memory_space<vmem>>[vector<16xi32>], vector<16xf32>,
        %parallel_loop3A_867 = arith.index_cast %parallel_loop3A_850 : i32 to index
        %parallel_loop3A_868 = arith.constant 0 : index
        %parallel_loop3A_869 = tpu.vector_load %arg9[%parallel_loop3A_867, %parallel_loop3A_868] {strides = array<i32>} : memref<256x128xf32, #tpu.memory_space<vmem>>, vector<16xf32>,
        tpu.vector_store %arg9[%parallel_loop3A_867, %parallel_loop3A_868], %parallel_loop3A_852 {strides = array<i32>} : memref<256x128xf32, #tpu.memory_space<vmem>>, vector<16xf32>,
        %parallel_loop3A_870 = arith.index_cast %parallel_loop3A_850 : i32 to index
        %parallel_loop3A_871 = arith.constant 16 : index
        %parallel_loop3A_872 = tpu.vector_load %arg9[%parallel_loop3A_870, %parallel_loop3A_871] {strides = array<i32>} : memref<256x128xf32, #tpu.memory_space<vmem>>, vector<16xf32>,
        tpu.vector_store %arg9[%parallel_loop3A_870, %parallel_loop3A_871], %parallel_loop3A_854 {strides = array<i32>} : memref<256x128xf32, #tpu.memory_space<vmem>>, vector<16xf32>,
        %parallel_loop3A_873 = arith.index_cast %parallel_loop3A_850 : i32 to index
        %parallel_loop3A_874 = arith.constant 32 : index
        %parallel_loop3A_875 = tpu.vector_load %arg9[%parallel_loop3A_873, %parallel_loop3A_874] {strides = array<i32>} : memref<256x128xf32, #tpu.memory_space<vmem>>, vector<16xf32>,
        tpu.vector_store %arg9[%parallel_loop3A_873, %parallel_loop3A_874], %parallel_loop3A_856 {strides = array<i32>} : memref<256x128xf32, #tpu.memory_space<vmem>>, vector<16xf32>,
        %parallel_loop3A_876 = arith.index_cast %parallel_loop3A_850 : i32 to index
        %parallel_loop3A_877 = arith.constant 48 : index
        %parallel_loop3A_878 = tpu.vector_load %arg9[%parallel_loop3A_876, %parallel_loop3A_877] {strides = array<i32>} : memref<256x128xf32, #tpu.memory_space<vmem>>, vector<16xf32>,
        tpu.vector_store %arg9[%parallel_loop3A_876, %parallel_loop3A_877], %parallel_loop3A_858 {strides = array<i32>} : memref<256x128xf32, #tpu.memory_space<vmem>>, vector<16xf32>,
        %parallel_loop3A_879 = arith.index_cast %parallel_loop3A_850 : i32 to index
        %parallel_loop3A_880 = arith.constant 64 : index
        %parallel_loop3A_881 = tpu.vector_load %arg9[%parallel_loop3A_879, %parallel_loop3A_880] {strides = array<i32>} : memref<256x128xf32, #tpu.memory_space<vmem>>, vector<16xf32>,
        tpu.vector_store %arg9[%parallel_loop3A_879, %parallel_loop3A_880], %parallel_loop3A_860 {strides = array<i32>} : memref<256x128xf32, #tpu.memory_space<vmem>>, vector<16xf32>,
        %parallel_loop3A_882 = arith.index_cast %parallel_loop3A_850 : i32 to index
        %parallel_loop3A_883 = arith.constant 80 : index
        %parallel_loop3A_884 = tpu.vector_load %arg9[%parallel_loop3A_882, %parallel_loop3A_883] {strides = array<i32>} : memref<256x128xf32, #tpu.memory_space<vmem>>, vector<16xf32>,
        tpu.vector_store %arg9[%parallel_loop3A_882, %parallel_loop3A_883], %parallel_loop3A_862 {strides = array<i32>} : memref<256x128xf32, #tpu.memory_space<vmem>>, vector<16xf32>,
        %parallel_loop3A_885 = arith.index_cast %parallel_loop3A_850 : i32 to index
        %parallel_loop3A_886 = arith.constant 96 : index
        %parallel_loop3A_887 = tpu.vector_load %arg9[%parallel_loop3A_885, %parallel_loop3A_886] {strides = array<i32>} : memref<256x128xf32, #tpu.memory_space<vmem>>, vector<16xf32>,
        tpu.vector_store %arg9[%parallel_loop3A_885, %parallel_loop3A_886], %parallel_loop3A_864 {strides = array<i32>} : memref<256x128xf32, #tpu.memory_space<vmem>>, vector<16xf32>,
        %parallel_loop3A_888 = arith.index_cast %parallel_loop3A_850 : i32 to index
        %parallel_loop3A_889 = arith.constant 112 : index
        %parallel_loop3A_890 = tpu.vector_load %arg9[%parallel_loop3A_888, %parallel_loop3A_889] {strides = array<i32>} : memref<256x128xf32, #tpu.memory_space<vmem>>, vector<16xf32>,
        tpu.vector_store %arg9[%parallel_loop3A_888, %parallel_loop3A_889], %parallel_loop3A_866 {strides = array<i32>} : memref<256x128xf32, #tpu.memory_space<vmem>>, vector<16xf32>,
        %parallel_loop3A_891 = arith.constant 10 : i32
        %parallel_loop3A_892 = vector.broadcast %parallel_loop3A_891 : i32 to vector<16xi32>
        %parallel_loop3A_893 = vector.shape_cast %parallel_loop3A_892 : vector<16xi32> to vector<16x1xi32>
        %parallel_loop3A_894 = vector.shape_cast %parallel_loop3A_893 : vector<16x1xi32> to vector<16xi32>
        %parallel_loop3A_895 = tpu.dynamic_gather %parallel_loop3A_400[%parallel_loop3A_894] in [0] : vector<16xi32>, vector<16xi32> -> vector<16xi32>
        %parallel_loop3A_896 = arith.constant 16 : i32
        %parallel_loop3A_897 = arith.muli %parallel_loop3A_284, %parallel_loop3A_896 : i32
        %parallel_loop3A_898 = arith.constant 10 : i32
        %parallel_loop3A_899 = arith.addi %parallel_loop3A_897, %parallel_loop3A_898 : i32
        %parallel_loop3A_900 = arith.addi %parallel_loop3A_895, %add3A_10 : vector<16xi32>
        %parallel_loop3A_901 = tpu.vector_load_idx %arg8[%parallel_loop3A_900] : memref<2432xf32, #tpu.memory_space<vmem>>[vector<16xi32>], vector<16xf32>,
        %parallel_loop3A_902 = arith.addi %parallel_loop3A_895, %add3A_13 : vector<16xi32>
        %parallel_loop3A_903 = tpu.vector_load_idx %arg8[%parallel_loop3A_902] : memref<2432xf32, #tpu.memory_space<vmem>>[vector<16xi32>], vector<16xf32>,
        %parallel_loop3A_904 = arith.addi %parallel_loop3A_895, %add3A_16 : vector<16xi32>
        %parallel_loop3A_905 = tpu.vector_load_idx %arg8[%parallel_loop3A_904] : memref<2432xf32, #tpu.memory_space<vmem>>[vector<16xi32>], vector<16xf32>,
        %parallel_loop3A_906 = arith.addi %parallel_loop3A_895, %add3A_19 : vector<16xi32>
        %parallel_loop3A_907 = tpu.vector_load_idx %arg8[%parallel_loop3A_906] : memref<2432xf32, #tpu.memory_space<vmem>>[vector<16xi32>], vector<16xf32>,
        %parallel_loop3A_908 = arith.addi %parallel_loop3A_895, %add3A_22 : vector<16xi32>
        %parallel_loop3A_909 = tpu.vector_load_idx %arg8[%parallel_loop3A_908] : memref<2432xf32, #tpu.memory_space<vmem>>[vector<16xi32>], vector<16xf32>,
        %parallel_loop3A_910 = arith.addi %parallel_loop3A_895, %add3A_25 : vector<16xi32>
        %parallel_loop3A_911 = tpu.vector_load_idx %arg8[%parallel_loop3A_910] : memref<2432xf32, #tpu.memory_space<vmem>>[vector<16xi32>], vector<16xf32>,
        %parallel_loop3A_912 = arith.addi %parallel_loop3A_895, %add3A_28 : vector<16xi32>
        %parallel_loop3A_913 = tpu.vector_load_idx %arg8[%parallel_loop3A_912] : memref<2432xf32, #tpu.memory_space<vmem>>[vector<16xi32>], vector<16xf32>,
        %parallel_loop3A_914 = arith.addi %parallel_loop3A_895, %add3A_31 : vector<16xi32>
        %parallel_loop3A_915 = tpu.vector_load_idx %arg8[%parallel_loop3A_914] : memref<2432xf32, #tpu.memory_space<vmem>>[vector<16xi32>], vector<16xf32>,
        %parallel_loop3A_916 = arith.index_cast %parallel_loop3A_899 : i32 to index
        %parallel_loop3A_917 = arith.constant 0 : index
        %parallel_loop3A_918 = tpu.vector_load %arg9[%parallel_loop3A_916, %parallel_loop3A_917] {strides = array<i32>} : memref<256x128xf32, #tpu.memory_space<vmem>>, vector<16xf32>,
        tpu.vector_store %arg9[%parallel_loop3A_916, %parallel_loop3A_917], %parallel_loop3A_901 {strides = array<i32>} : memref<256x128xf32, #tpu.memory_space<vmem>>, vector<16xf32>,
        %parallel_loop3A_919 = arith.index_cast %parallel_loop3A_899 : i32 to index
        %parallel_loop3A_920 = arith.constant 16 : index
        %parallel_loop3A_921 = tpu.vector_load %arg9[%parallel_loop3A_919, %parallel_loop3A_920] {strides = array<i32>} : memref<256x128xf32, #tpu.memory_space<vmem>>, vector<16xf32>,
        tpu.vector_store %arg9[%parallel_loop3A_919, %parallel_loop3A_920], %parallel_loop3A_903 {strides = array<i32>} : memref<256x128xf32, #tpu.memory_space<vmem>>, vector<16xf32>,
        %parallel_loop3A_922 = arith.index_cast %parallel_loop3A_899 : i32 to index
        %parallel_loop3A_923 = arith.constant 32 : index
        %parallel_loop3A_924 = tpu.vector_load %arg9[%parallel_loop3A_922, %parallel_loop3A_923] {strides = array<i32>} : memref<256x128xf32, #tpu.memory_space<vmem>>, vector<16xf32>,
        tpu.vector_store %arg9[%parallel_loop3A_922, %parallel_loop3A_923], %parallel_loop3A_905 {strides = array<i32>} : memref<256x128xf32, #tpu.memory_space<vmem>>, vector<16xf32>,
        %parallel_loop3A_925 = arith.index_cast %parallel_loop3A_899 : i32 to index
        %parallel_loop3A_926 = arith.constant 48 : index
        %parallel_loop3A_927 = tpu.vector_load %arg9[%parallel_loop3A_925, %parallel_loop3A_926] {strides = array<i32>} : memref<256x128xf32, #tpu.memory_space<vmem>>, vector<16xf32>,
        tpu.vector_store %arg9[%parallel_loop3A_925, %parallel_loop3A_926], %parallel_loop3A_907 {strides = array<i32>} : memref<256x128xf32, #tpu.memory_space<vmem>>, vector<16xf32>,
        %parallel_loop3A_928 = arith.index_cast %parallel_loop3A_899 : i32 to index
        %parallel_loop3A_929 = arith.constant 64 : index
        %parallel_loop3A_930 = tpu.vector_load %arg9[%parallel_loop3A_928, %parallel_loop3A_929] {strides = array<i32>} : memref<256x128xf32, #tpu.memory_space<vmem>>, vector<16xf32>,
        tpu.vector_store %arg9[%parallel_loop3A_928, %parallel_loop3A_929], %parallel_loop3A_909 {strides = array<i32>} : memref<256x128xf32, #tpu.memory_space<vmem>>, vector<16xf32>,
        %parallel_loop3A_931 = arith.index_cast %parallel_loop3A_899 : i32 to index
        %parallel_loop3A_932 = arith.constant 80 : index
        %parallel_loop3A_933 = tpu.vector_load %arg9[%parallel_loop3A_931, %parallel_loop3A_932] {strides = array<i32>} : memref<256x128xf32, #tpu.memory_space<vmem>>, vector<16xf32>,
        tpu.vector_store %arg9[%parallel_loop3A_931, %parallel_loop3A_932], %parallel_loop3A_911 {strides = array<i32>} : memref<256x128xf32, #tpu.memory_space<vmem>>, vector<16xf32>,
        %parallel_loop3A_934 = arith.index_cast %parallel_loop3A_899 : i32 to index
        %parallel_loop3A_935 = arith.constant 96 : index
        %parallel_loop3A_936 = tpu.vector_load %arg9[%parallel_loop3A_934, %parallel_loop3A_935] {strides = array<i32>} : memref<256x128xf32, #tpu.memory_space<vmem>>, vector<16xf32>,
        tpu.vector_store %arg9[%parallel_loop3A_934, %parallel_loop3A_935], %parallel_loop3A_913 {strides = array<i32>} : memref<256x128xf32, #tpu.memory_space<vmem>>, vector<16xf32>,
        %parallel_loop3A_937 = arith.index_cast %parallel_loop3A_899 : i32 to index
        %parallel_loop3A_938 = arith.constant 112 : index
        %parallel_loop3A_939 = tpu.vector_load %arg9[%parallel_loop3A_937, %parallel_loop3A_938] {strides = array<i32>} : memref<256x128xf32, #tpu.memory_space<vmem>>, vector<16xf32>,
        tpu.vector_store %arg9[%parallel_loop3A_937, %parallel_loop3A_938], %parallel_loop3A_915 {strides = array<i32>} : memref<256x128xf32, #tpu.memory_space<vmem>>, vector<16xf32>,
        %parallel_loop3A_940 = arith.constant 11 : i32
        %parallel_loop3A_941 = vector.broadcast %parallel_loop3A_940 : i32 to vector<16xi32>
        %parallel_loop3A_942 = vector.shape_cast %parallel_loop3A_941 : vector<16xi32> to vector<16x1xi32>
        %parallel_loop3A_943 = vector.shape_cast %parallel_loop3A_942 : vector<16x1xi32> to vector<16xi32>
        %parallel_loop3A_944 = tpu.dynamic_gather %parallel_loop3A_400[%parallel_loop3A_943] in [0] : vector<16xi32>, vector<16xi32> -> vector<16xi32>
        %parallel_loop3A_945 = arith.constant 16 : i32
        %parallel_loop3A_946 = arith.muli %parallel_loop3A_284, %parallel_loop3A_945 : i32
        %parallel_loop3A_947 = arith.constant 11 : i32
        %parallel_loop3A_948 = arith.addi %parallel_loop3A_946, %parallel_loop3A_947 : i32
        %parallel_loop3A_949 = arith.addi %parallel_loop3A_944, %add3A_10 : vector<16xi32>
        %parallel_loop3A_950 = tpu.vector_load_idx %arg8[%parallel_loop3A_949] : memref<2432xf32, #tpu.memory_space<vmem>>[vector<16xi32>], vector<16xf32>,
        %parallel_loop3A_951 = arith.addi %parallel_loop3A_944, %add3A_13 : vector<16xi32>
        %parallel_loop3A_952 = tpu.vector_load_idx %arg8[%parallel_loop3A_951] : memref<2432xf32, #tpu.memory_space<vmem>>[vector<16xi32>], vector<16xf32>,
        %parallel_loop3A_953 = arith.addi %parallel_loop3A_944, %add3A_16 : vector<16xi32>
        %parallel_loop3A_954 = tpu.vector_load_idx %arg8[%parallel_loop3A_953] : memref<2432xf32, #tpu.memory_space<vmem>>[vector<16xi32>], vector<16xf32>,
        %parallel_loop3A_955 = arith.addi %parallel_loop3A_944, %add3A_19 : vector<16xi32>
        %parallel_loop3A_956 = tpu.vector_load_idx %arg8[%parallel_loop3A_955] : memref<2432xf32, #tpu.memory_space<vmem>>[vector<16xi32>], vector<16xf32>,
        %parallel_loop3A_957 = arith.addi %parallel_loop3A_944, %add3A_22 : vector<16xi32>
        %parallel_loop3A_958 = tpu.vector_load_idx %arg8[%parallel_loop3A_957] : memref<2432xf32, #tpu.memory_space<vmem>>[vector<16xi32>], vector<16xf32>,
        %parallel_loop3A_959 = arith.addi %parallel_loop3A_944, %add3A_25 : vector<16xi32>
        %parallel_loop3A_960 = tpu.vector_load_idx %arg8[%parallel_loop3A_959] : memref<2432xf32, #tpu.memory_space<vmem>>[vector<16xi32>], vector<16xf32>,
        %parallel_loop3A_961 = arith.addi %parallel_loop3A_944, %add3A_28 : vector<16xi32>
        %parallel_loop3A_962 = tpu.vector_load_idx %arg8[%parallel_loop3A_961] : memref<2432xf32, #tpu.memory_space<vmem>>[vector<16xi32>], vector<16xf32>,
        %parallel_loop3A_963 = arith.addi %parallel_loop3A_944, %add3A_31 : vector<16xi32>
        %parallel_loop3A_964 = tpu.vector_load_idx %arg8[%parallel_loop3A_963] : memref<2432xf32, #tpu.memory_space<vmem>>[vector<16xi32>], vector<16xf32>,
        %parallel_loop3A_965 = arith.index_cast %parallel_loop3A_948 : i32 to index
        %parallel_loop3A_966 = arith.constant 0 : index
        %parallel_loop3A_967 = tpu.vector_load %arg9[%parallel_loop3A_965, %parallel_loop3A_966] {strides = array<i32>} : memref<256x128xf32, #tpu.memory_space<vmem>>, vector<16xf32>,
        tpu.vector_store %arg9[%parallel_loop3A_965, %parallel_loop3A_966], %parallel_loop3A_950 {strides = array<i32>} : memref<256x128xf32, #tpu.memory_space<vmem>>, vector<16xf32>,
        %parallel_loop3A_968 = arith.index_cast %parallel_loop3A_948 : i32 to index
        %parallel_loop3A_969 = arith.constant 16 : index
        %parallel_loop3A_970 = tpu.vector_load %arg9[%parallel_loop3A_968, %parallel_loop3A_969] {strides = array<i32>} : memref<256x128xf32, #tpu.memory_space<vmem>>, vector<16xf32>,
        tpu.vector_store %arg9[%parallel_loop3A_968, %parallel_loop3A_969], %parallel_loop3A_952 {strides = array<i32>} : memref<256x128xf32, #tpu.memory_space<vmem>>, vector<16xf32>,
        %parallel_loop3A_971 = arith.index_cast %parallel_loop3A_948 : i32 to index
        %parallel_loop3A_972 = arith.constant 32 : index
        %parallel_loop3A_973 = tpu.vector_load %arg9[%parallel_loop3A_971, %parallel_loop3A_972] {strides = array<i32>} : memref<256x128xf32, #tpu.memory_space<vmem>>, vector<16xf32>,
        tpu.vector_store %arg9[%parallel_loop3A_971, %parallel_loop3A_972], %parallel_loop3A_954 {strides = array<i32>} : memref<256x128xf32, #tpu.memory_space<vmem>>, vector<16xf32>,
        %parallel_loop3A_974 = arith.index_cast %parallel_loop3A_948 : i32 to index
        %parallel_loop3A_975 = arith.constant 48 : index
        %parallel_loop3A_976 = tpu.vector_load %arg9[%parallel_loop3A_974, %parallel_loop3A_975] {strides = array<i32>} : memref<256x128xf32, #tpu.memory_space<vmem>>, vector<16xf32>,
        tpu.vector_store %arg9[%parallel_loop3A_974, %parallel_loop3A_975], %parallel_loop3A_956 {strides = array<i32>} : memref<256x128xf32, #tpu.memory_space<vmem>>, vector<16xf32>,
        %parallel_loop3A_977 = arith.index_cast %parallel_loop3A_948 : i32 to index
        %parallel_loop3A_978 = arith.constant 64 : index
        %parallel_loop3A_979 = tpu.vector_load %arg9[%parallel_loop3A_977, %parallel_loop3A_978] {strides = array<i32>} : memref<256x128xf32, #tpu.memory_space<vmem>>, vector<16xf32>,
        tpu.vector_store %arg9[%parallel_loop3A_977, %parallel_loop3A_978], %parallel_loop3A_958 {strides = array<i32>} : memref<256x128xf32, #tpu.memory_space<vmem>>, vector<16xf32>,
        %parallel_loop3A_980 = arith.index_cast %parallel_loop3A_948 : i32 to index
        %parallel_loop3A_981 = arith.constant 80 : index
        %parallel_loop3A_982 = tpu.vector_load %arg9[%parallel_loop3A_980, %parallel_loop3A_981] {strides = array<i32>} : memref<256x128xf32, #tpu.memory_space<vmem>>, vector<16xf32>,
        tpu.vector_store %arg9[%parallel_loop3A_980, %parallel_loop3A_981], %parallel_loop3A_960 {strides = array<i32>} : memref<256x128xf32, #tpu.memory_space<vmem>>, vector<16xf32>,
        %parallel_loop3A_983 = arith.index_cast %parallel_loop3A_948 : i32 to index
        %parallel_loop3A_984 = arith.constant 96 : index
        %parallel_loop3A_985 = tpu.vector_load %arg9[%parallel_loop3A_983, %parallel_loop3A_984] {strides = array<i32>} : memref<256x128xf32, #tpu.memory_space<vmem>>, vector<16xf32>,
        tpu.vector_store %arg9[%parallel_loop3A_983, %parallel_loop3A_984], %parallel_loop3A_962 {strides = array<i32>} : memref<256x128xf32, #tpu.memory_space<vmem>>, vector<16xf32>,
        %parallel_loop3A_986 = arith.index_cast %parallel_loop3A_948 : i32 to index
        %parallel_loop3A_987 = arith.constant 112 : index
        %parallel_loop3A_988 = tpu.vector_load %arg9[%parallel_loop3A_986, %parallel_loop3A_987] {strides = array<i32>} : memref<256x128xf32, #tpu.memory_space<vmem>>, vector<16xf32>,
        tpu.vector_store %arg9[%parallel_loop3A_986, %parallel_loop3A_987], %parallel_loop3A_964 {strides = array<i32>} : memref<256x128xf32, #tpu.memory_space<vmem>>, vector<16xf32>,
        %parallel_loop3A_989 = arith.constant 12 : i32
        %parallel_loop3A_990 = vector.broadcast %parallel_loop3A_989 : i32 to vector<16xi32>
        %parallel_loop3A_991 = vector.shape_cast %parallel_loop3A_990 : vector<16xi32> to vector<16x1xi32>
        %parallel_loop3A_992 = vector.shape_cast %parallel_loop3A_991 : vector<16x1xi32> to vector<16xi32>
        %parallel_loop3A_993 = tpu.dynamic_gather %parallel_loop3A_400[%parallel_loop3A_992] in [0] : vector<16xi32>, vector<16xi32> -> vector<16xi32>
        %parallel_loop3A_994 = arith.constant 16 : i32
        %parallel_loop3A_995 = arith.muli %parallel_loop3A_284, %parallel_loop3A_994 : i32
        %parallel_loop3A_996 = arith.constant 12 : i32
        %parallel_loop3A_997 = arith.addi %parallel_loop3A_995, %parallel_loop3A_996 : i32
        %parallel_loop3A_998 = arith.addi %parallel_loop3A_993, %add3A_10 : vector<16xi32>
        %parallel_loop3A_999 = tpu.vector_load_idx %arg8[%parallel_loop3A_998] : memref<2432xf32, #tpu.memory_space<vmem>>[vector<16xi32>], vector<16xf32>,
        %parallel_loop3A_1000 = arith.addi %parallel_loop3A_993, %add3A_13 : vector<16xi32>
        %parallel_loop3A_1001 = tpu.vector_load_idx %arg8[%parallel_loop3A_1000] : memref<2432xf32, #tpu.memory_space<vmem>>[vector<16xi32>], vector<16xf32>,
        %parallel_loop3A_1002 = arith.addi %parallel_loop3A_993, %add3A_16 : vector<16xi32>
        %parallel_loop3A_1003 = tpu.vector_load_idx %arg8[%parallel_loop3A_1002] : memref<2432xf32, #tpu.memory_space<vmem>>[vector<16xi32>], vector<16xf32>,
        %parallel_loop3A_1004 = arith.addi %parallel_loop3A_993, %add3A_19 : vector<16xi32>
        %parallel_loop3A_1005 = tpu.vector_load_idx %arg8[%parallel_loop3A_1004] : memref<2432xf32, #tpu.memory_space<vmem>>[vector<16xi32>], vector<16xf32>,
        %parallel_loop3A_1006 = arith.addi %parallel_loop3A_993, %add3A_22 : vector<16xi32>
        %parallel_loop3A_1007 = tpu.vector_load_idx %arg8[%parallel_loop3A_1006] : memref<2432xf32, #tpu.memory_space<vmem>>[vector<16xi32>], vector<16xf32>,
        %parallel_loop3A_1008 = arith.addi %parallel_loop3A_993, %add3A_25 : vector<16xi32>
        %parallel_loop3A_1009 = tpu.vector_load_idx %arg8[%parallel_loop3A_1008] : memref<2432xf32, #tpu.memory_space<vmem>>[vector<16xi32>], vector<16xf32>,
        %parallel_loop3A_1010 = arith.addi %parallel_loop3A_993, %add3A_28 : vector<16xi32>
        %parallel_loop3A_1011 = tpu.vector_load_idx %arg8[%parallel_loop3A_1010] : memref<2432xf32, #tpu.memory_space<vmem>>[vector<16xi32>], vector<16xf32>,
        %parallel_loop3A_1012 = arith.addi %parallel_loop3A_993, %add3A_31 : vector<16xi32>
        %parallel_loop3A_1013 = tpu.vector_load_idx %arg8[%parallel_loop3A_1012] : memref<2432xf32, #tpu.memory_space<vmem>>[vector<16xi32>], vector<16xf32>,
        %parallel_loop3A_1014 = arith.index_cast %parallel_loop3A_997 : i32 to index
        %parallel_loop3A_1015 = arith.constant 0 : index
        %parallel_loop3A_1016 = tpu.vector_load %arg9[%parallel_loop3A_1014, %parallel_loop3A_1015] {strides = array<i32>} : memref<256x128xf32, #tpu.memory_space<vmem>>, vector<16xf32>,
        tpu.vector_store %arg9[%parallel_loop3A_1014, %parallel_loop3A_1015], %parallel_loop3A_999 {strides = array<i32>} : memref<256x128xf32, #tpu.memory_space<vmem>>, vector<16xf32>,
        %parallel_loop3A_1017 = arith.index_cast %parallel_loop3A_997 : i32 to index
        %parallel_loop3A_1018 = arith.constant 16 : index
        %parallel_loop3A_1019 = tpu.vector_load %arg9[%parallel_loop3A_1017, %parallel_loop3A_1018] {strides = array<i32>} : memref<256x128xf32, #tpu.memory_space<vmem>>, vector<16xf32>,
        tpu.vector_store %arg9[%parallel_loop3A_1017, %parallel_loop3A_1018], %parallel_loop3A_1001 {strides = array<i32>} : memref<256x128xf32, #tpu.memory_space<vmem>>, vector<16xf32>,
        %parallel_loop3A_1020 = arith.index_cast %parallel_loop3A_997 : i32 to index
        %parallel_loop3A_1021 = arith.constant 32 : index
        %parallel_loop3A_1022 = tpu.vector_load %arg9[%parallel_loop3A_1020, %parallel_loop3A_1021] {strides = array<i32>} : memref<256x128xf32, #tpu.memory_space<vmem>>, vector<16xf32>,
        tpu.vector_store %arg9[%parallel_loop3A_1020, %parallel_loop3A_1021], %parallel_loop3A_1003 {strides = array<i32>} : memref<256x128xf32, #tpu.memory_space<vmem>>, vector<16xf32>,
        %parallel_loop3A_1023 = arith.index_cast %parallel_loop3A_997 : i32 to index
        %parallel_loop3A_1024 = arith.constant 48 : index
        %parallel_loop3A_1025 = tpu.vector_load %arg9[%parallel_loop3A_1023, %parallel_loop3A_1024] {strides = array<i32>} : memref<256x128xf32, #tpu.memory_space<vmem>>, vector<16xf32>,
        tpu.vector_store %arg9[%parallel_loop3A_1023, %parallel_loop3A_1024], %parallel_loop3A_1005 {strides = array<i32>} : memref<256x128xf32, #tpu.memory_space<vmem>>, vector<16xf32>,
        %parallel_loop3A_1026 = arith.index_cast %parallel_loop3A_997 : i32 to index
        %parallel_loop3A_1027 = arith.constant 64 : index
        %parallel_loop3A_1028 = tpu.vector_load %arg9[%parallel_loop3A_1026, %parallel_loop3A_1027] {strides = array<i32>} : memref<256x128xf32, #tpu.memory_space<vmem>>, vector<16xf32>,
        tpu.vector_store %arg9[%parallel_loop3A_1026, %parallel_loop3A_1027], %parallel_loop3A_1007 {strides = array<i32>} : memref<256x128xf32, #tpu.memory_space<vmem>>, vector<16xf32>,
        %parallel_loop3A_1029 = arith.index_cast %parallel_loop3A_997 : i32 to index
        %parallel_loop3A_1030 = arith.constant 80 : index
        %parallel_loop3A_1031 = tpu.vector_load %arg9[%parallel_loop3A_1029, %parallel_loop3A_1030] {strides = array<i32>} : memref<256x128xf32, #tpu.memory_space<vmem>>, vector<16xf32>,
        tpu.vector_store %arg9[%parallel_loop3A_1029, %parallel_loop3A_1030], %parallel_loop3A_1009 {strides = array<i32>} : memref<256x128xf32, #tpu.memory_space<vmem>>, vector<16xf32>,
        %parallel_loop3A_1032 = arith.index_cast %parallel_loop3A_997 : i32 to index
        %parallel_loop3A_1033 = arith.constant 96 : index
        %parallel_loop3A_1034 = tpu.vector_load %arg9[%parallel_loop3A_1032, %parallel_loop3A_1033] {strides = array<i32>} : memref<256x128xf32, #tpu.memory_space<vmem>>, vector<16xf32>,
        tpu.vector_store %arg9[%parallel_loop3A_1032, %parallel_loop3A_1033], %parallel_loop3A_1011 {strides = array<i32>} : memref<256x128xf32, #tpu.memory_space<vmem>>, vector<16xf32>,
        %parallel_loop3A_1035 = arith.index_cast %parallel_loop3A_997 : i32 to index
        %parallel_loop3A_1036 = arith.constant 112 : index
        %parallel_loop3A_1037 = tpu.vector_load %arg9[%parallel_loop3A_1035, %parallel_loop3A_1036] {strides = array<i32>} : memref<256x128xf32, #tpu.memory_space<vmem>>, vector<16xf32>,
        tpu.vector_store %arg9[%parallel_loop3A_1035, %parallel_loop3A_1036], %parallel_loop3A_1013 {strides = array<i32>} : memref<256x128xf32, #tpu.memory_space<vmem>>, vector<16xf32>,
        %parallel_loop3A_1038 = arith.constant 13 : i32
        %parallel_loop3A_1039 = vector.broadcast %parallel_loop3A_1038 : i32 to vector<16xi32>
        %parallel_loop3A_1040 = vector.shape_cast %parallel_loop3A_1039 : vector<16xi32> to vector<16x1xi32>
        %parallel_loop3A_1041 = vector.shape_cast %parallel_loop3A_1040 : vector<16x1xi32> to vector<16xi32>
        %parallel_loop3A_1042 = tpu.dynamic_gather %parallel_loop3A_400[%parallel_loop3A_1041] in [0] : vector<16xi32>, vector<16xi32> -> vector<16xi32>
        %parallel_loop3A_1043 = arith.constant 16 : i32
        %parallel_loop3A_1044 = arith.muli %parallel_loop3A_284, %parallel_loop3A_1043 : i32
        %parallel_loop3A_1045 = arith.constant 13 : i32
        %parallel_loop3A_1046 = arith.addi %parallel_loop3A_1044, %parallel_loop3A_1045 : i32
        %parallel_loop3A_1047 = arith.addi %parallel_loop3A_1042, %add3A_10 : vector<16xi32>
        %parallel_loop3A_1048 = tpu.vector_load_idx %arg8[%parallel_loop3A_1047] : memref<2432xf32, #tpu.memory_space<vmem>>[vector<16xi32>], vector<16xf32>,
        %parallel_loop3A_1049 = arith.addi %parallel_loop3A_1042, %add3A_13 : vector<16xi32>
        %parallel_loop3A_1050 = tpu.vector_load_idx %arg8[%parallel_loop3A_1049] : memref<2432xf32, #tpu.memory_space<vmem>>[vector<16xi32>], vector<16xf32>,
        %parallel_loop3A_1051 = arith.addi %parallel_loop3A_1042, %add3A_16 : vector<16xi32>
        %parallel_loop3A_1052 = tpu.vector_load_idx %arg8[%parallel_loop3A_1051] : memref<2432xf32, #tpu.memory_space<vmem>>[vector<16xi32>], vector<16xf32>,
        %parallel_loop3A_1053 = arith.addi %parallel_loop3A_1042, %add3A_19 : vector<16xi32>
        %parallel_loop3A_1054 = tpu.vector_load_idx %arg8[%parallel_loop3A_1053] : memref<2432xf32, #tpu.memory_space<vmem>>[vector<16xi32>], vector<16xf32>,
        %parallel_loop3A_1055 = arith.addi %parallel_loop3A_1042, %add3A_22 : vector<16xi32>
        %parallel_loop3A_1056 = tpu.vector_load_idx %arg8[%parallel_loop3A_1055] : memref<2432xf32, #tpu.memory_space<vmem>>[vector<16xi32>], vector<16xf32>,
        %parallel_loop3A_1057 = arith.addi %parallel_loop3A_1042, %add3A_25 : vector<16xi32>
        %parallel_loop3A_1058 = tpu.vector_load_idx %arg8[%parallel_loop3A_1057] : memref<2432xf32, #tpu.memory_space<vmem>>[vector<16xi32>], vector<16xf32>,
        %parallel_loop3A_1059 = arith.addi %parallel_loop3A_1042, %add3A_28 : vector<16xi32>
        %parallel_loop3A_1060 = tpu.vector_load_idx %arg8[%parallel_loop3A_1059] : memref<2432xf32, #tpu.memory_space<vmem>>[vector<16xi32>], vector<16xf32>,
        %parallel_loop3A_1061 = arith.addi %parallel_loop3A_1042, %add3A_31 : vector<16xi32>
        %parallel_loop3A_1062 = tpu.vector_load_idx %arg8[%parallel_loop3A_1061] : memref<2432xf32, #tpu.memory_space<vmem>>[vector<16xi32>], vector<16xf32>,
        %parallel_loop3A_1063 = arith.index_cast %parallel_loop3A_1046 : i32 to index
        %parallel_loop3A_1064 = arith.constant 0 : index
        %parallel_loop3A_1065 = tpu.vector_load %arg9[%parallel_loop3A_1063, %parallel_loop3A_1064] {strides = array<i32>} : memref<256x128xf32, #tpu.memory_space<vmem>>, vector<16xf32>,
        tpu.vector_store %arg9[%parallel_loop3A_1063, %parallel_loop3A_1064], %parallel_loop3A_1048 {strides = array<i32>} : memref<256x128xf32, #tpu.memory_space<vmem>>, vector<16xf32>,
        %parallel_loop3A_1066 = arith.index_cast %parallel_loop3A_1046 : i32 to index
        %parallel_loop3A_1067 = arith.constant 16 : index
        %parallel_loop3A_1068 = tpu.vector_load %arg9[%parallel_loop3A_1066, %parallel_loop3A_1067] {strides = array<i32>} : memref<256x128xf32, #tpu.memory_space<vmem>>, vector<16xf32>,
        tpu.vector_store %arg9[%parallel_loop3A_1066, %parallel_loop3A_1067], %parallel_loop3A_1050 {strides = array<i32>} : memref<256x128xf32, #tpu.memory_space<vmem>>, vector<16xf32>,
        %parallel_loop3A_1069 = arith.index_cast %parallel_loop3A_1046 : i32 to index
        %parallel_loop3A_1070 = arith.constant 32 : index
        %parallel_loop3A_1071 = tpu.vector_load %arg9[%parallel_loop3A_1069, %parallel_loop3A_1070] {strides = array<i32>} : memref<256x128xf32, #tpu.memory_space<vmem>>, vector<16xf32>,
        tpu.vector_store %arg9[%parallel_loop3A_1069, %parallel_loop3A_1070], %parallel_loop3A_1052 {strides = array<i32>} : memref<256x128xf32, #tpu.memory_space<vmem>>, vector<16xf32>,
        %parallel_loop3A_1072 = arith.index_cast %parallel_loop3A_1046 : i32 to index
        %parallel_loop3A_1073 = arith.constant 48 : index
        %parallel_loop3A_1074 = tpu.vector_load %arg9[%parallel_loop3A_1072, %parallel_loop3A_1073] {strides = array<i32>} : memref<256x128xf32, #tpu.memory_space<vmem>>, vector<16xf32>,
        tpu.vector_store %arg9[%parallel_loop3A_1072, %parallel_loop3A_1073], %parallel_loop3A_1054 {strides = array<i32>} : memref<256x128xf32, #tpu.memory_space<vmem>>, vector<16xf32>,
        %parallel_loop3A_1075 = arith.index_cast %parallel_loop3A_1046 : i32 to index
        %parallel_loop3A_1076 = arith.constant 64 : index
        %parallel_loop3A_1077 = tpu.vector_load %arg9[%parallel_loop3A_1075, %parallel_loop3A_1076] {strides = array<i32>} : memref<256x128xf32, #tpu.memory_space<vmem>>, vector<16xf32>,
        tpu.vector_store %arg9[%parallel_loop3A_1075, %parallel_loop3A_1076], %parallel_loop3A_1056 {strides = array<i32>} : memref<256x128xf32, #tpu.memory_space<vmem>>, vector<16xf32>,
        %parallel_loop3A_1078 = arith.index_cast %parallel_loop3A_1046 : i32 to index
        %parallel_loop3A_1079 = arith.constant 80 : index
        %parallel_loop3A_1080 = tpu.vector_load %arg9[%parallel_loop3A_1078, %parallel_loop3A_1079] {strides = array<i32>} : memref<256x128xf32, #tpu.memory_space<vmem>>, vector<16xf32>,
        tpu.vector_store %arg9[%parallel_loop3A_1078, %parallel_loop3A_1079], %parallel_loop3A_1058 {strides = array<i32>} : memref<256x128xf32, #tpu.memory_space<vmem>>, vector<16xf32>,
        %parallel_loop3A_1081 = arith.index_cast %parallel_loop3A_1046 : i32 to index
        %parallel_loop3A_1082 = arith.constant 96 : index
        %parallel_loop3A_1083 = tpu.vector_load %arg9[%parallel_loop3A_1081, %parallel_loop3A_1082] {strides = array<i32>} : memref<256x128xf32, #tpu.memory_space<vmem>>, vector<16xf32>,
        tpu.vector_store %arg9[%parallel_loop3A_1081, %parallel_loop3A_1082], %parallel_loop3A_1060 {strides = array<i32>} : memref<256x128xf32, #tpu.memory_space<vmem>>, vector<16xf32>,
        %parallel_loop3A_1084 = arith.index_cast %parallel_loop3A_1046 : i32 to index
        %parallel_loop3A_1085 = arith.constant 112 : index
        %parallel_loop3A_1086 = tpu.vector_load %arg9[%parallel_loop3A_1084, %parallel_loop3A_1085] {strides = array<i32>} : memref<256x128xf32, #tpu.memory_space<vmem>>, vector<16xf32>,
        tpu.vector_store %arg9[%parallel_loop3A_1084, %parallel_loop3A_1085], %parallel_loop3A_1062 {strides = array<i32>} : memref<256x128xf32, #tpu.memory_space<vmem>>, vector<16xf32>,
        %parallel_loop3A_1087 = arith.constant 14 : i32
        %parallel_loop3A_1088 = vector.broadcast %parallel_loop3A_1087 : i32 to vector<16xi32>
        %parallel_loop3A_1089 = vector.shape_cast %parallel_loop3A_1088 : vector<16xi32> to vector<16x1xi32>
        %parallel_loop3A_1090 = vector.shape_cast %parallel_loop3A_1089 : vector<16x1xi32> to vector<16xi32>
        %parallel_loop3A_1091 = tpu.dynamic_gather %parallel_loop3A_400[%parallel_loop3A_1090] in [0] : vector<16xi32>, vector<16xi32> -> vector<16xi32>
        %parallel_loop3A_1092 = arith.constant 16 : i32
        %parallel_loop3A_1093 = arith.muli %parallel_loop3A_284, %parallel_loop3A_1092 : i32
        %parallel_loop3A_1094 = arith.constant 14 : i32
        %parallel_loop3A_1095 = arith.addi %parallel_loop3A_1093, %parallel_loop3A_1094 : i32
        %parallel_loop3A_1096 = arith.addi %parallel_loop3A_1091, %add3A_10 : vector<16xi32>
        %parallel_loop3A_1097 = tpu.vector_load_idx %arg8[%parallel_loop3A_1096] : memref<2432xf32, #tpu.memory_space<vmem>>[vector<16xi32>], vector<16xf32>,
        %parallel_loop3A_1098 = arith.addi %parallel_loop3A_1091, %add3A_13 : vector<16xi32>
        %parallel_loop3A_1099 = tpu.vector_load_idx %arg8[%parallel_loop3A_1098] : memref<2432xf32, #tpu.memory_space<vmem>>[vector<16xi32>], vector<16xf32>,
        %parallel_loop3A_1100 = arith.addi %parallel_loop3A_1091, %add3A_16 : vector<16xi32>
        %parallel_loop3A_1101 = tpu.vector_load_idx %arg8[%parallel_loop3A_1100] : memref<2432xf32, #tpu.memory_space<vmem>>[vector<16xi32>], vector<16xf32>,
        %parallel_loop3A_1102 = arith.addi %parallel_loop3A_1091, %add3A_19 : vector<16xi32>
        %parallel_loop3A_1103 = tpu.vector_load_idx %arg8[%parallel_loop3A_1102] : memref<2432xf32, #tpu.memory_space<vmem>>[vector<16xi32>], vector<16xf32>,
        %parallel_loop3A_1104 = arith.addi %parallel_loop3A_1091, %add3A_22 : vector<16xi32>
        %parallel_loop3A_1105 = tpu.vector_load_idx %arg8[%parallel_loop3A_1104] : memref<2432xf32, #tpu.memory_space<vmem>>[vector<16xi32>], vector<16xf32>,
        %parallel_loop3A_1106 = arith.addi %parallel_loop3A_1091, %add3A_25 : vector<16xi32>
        %parallel_loop3A_1107 = tpu.vector_load_idx %arg8[%parallel_loop3A_1106] : memref<2432xf32, #tpu.memory_space<vmem>>[vector<16xi32>], vector<16xf32>,
        %parallel_loop3A_1108 = arith.addi %parallel_loop3A_1091, %add3A_28 : vector<16xi32>
        %parallel_loop3A_1109 = tpu.vector_load_idx %arg8[%parallel_loop3A_1108] : memref<2432xf32, #tpu.memory_space<vmem>>[vector<16xi32>], vector<16xf32>,
        %parallel_loop3A_1110 = arith.addi %parallel_loop3A_1091, %add3A_31 : vector<16xi32>
        %parallel_loop3A_1111 = tpu.vector_load_idx %arg8[%parallel_loop3A_1110] : memref<2432xf32, #tpu.memory_space<vmem>>[vector<16xi32>], vector<16xf32>,
        %parallel_loop3A_1112 = arith.index_cast %parallel_loop3A_1095 : i32 to index
        %parallel_loop3A_1113 = arith.constant 0 : index
        %parallel_loop3A_1114 = tpu.vector_load %arg9[%parallel_loop3A_1112, %parallel_loop3A_1113] {strides = array<i32>} : memref<256x128xf32, #tpu.memory_space<vmem>>, vector<16xf32>,
        tpu.vector_store %arg9[%parallel_loop3A_1112, %parallel_loop3A_1113], %parallel_loop3A_1097 {strides = array<i32>} : memref<256x128xf32, #tpu.memory_space<vmem>>, vector<16xf32>,
        %parallel_loop3A_1115 = arith.index_cast %parallel_loop3A_1095 : i32 to index
        %parallel_loop3A_1116 = arith.constant 16 : index
        %parallel_loop3A_1117 = tpu.vector_load %arg9[%parallel_loop3A_1115, %parallel_loop3A_1116] {strides = array<i32>} : memref<256x128xf32, #tpu.memory_space<vmem>>, vector<16xf32>,
        tpu.vector_store %arg9[%parallel_loop3A_1115, %parallel_loop3A_1116], %parallel_loop3A_1099 {strides = array<i32>} : memref<256x128xf32, #tpu.memory_space<vmem>>, vector<16xf32>,
        %parallel_loop3A_1118 = arith.index_cast %parallel_loop3A_1095 : i32 to index
        %parallel_loop3A_1119 = arith.constant 32 : index
        %parallel_loop3A_1120 = tpu.vector_load %arg9[%parallel_loop3A_1118, %parallel_loop3A_1119] {strides = array<i32>} : memref<256x128xf32, #tpu.memory_space<vmem>>, vector<16xf32>,
        tpu.vector_store %arg9[%parallel_loop3A_1118, %parallel_loop3A_1119], %parallel_loop3A_1101 {strides = array<i32>} : memref<256x128xf32, #tpu.memory_space<vmem>>, vector<16xf32>,
        %parallel_loop3A_1121 = arith.index_cast %parallel_loop3A_1095 : i32 to index
        %parallel_loop3A_1122 = arith.constant 48 : index
        %parallel_loop3A_1123 = tpu.vector_load %arg9[%parallel_loop3A_1121, %parallel_loop3A_1122] {strides = array<i32>} : memref<256x128xf32, #tpu.memory_space<vmem>>, vector<16xf32>,
        tpu.vector_store %arg9[%parallel_loop3A_1121, %parallel_loop3A_1122], %parallel_loop3A_1103 {strides = array<i32>} : memref<256x128xf32, #tpu.memory_space<vmem>>, vector<16xf32>,
        %parallel_loop3A_1124 = arith.index_cast %parallel_loop3A_1095 : i32 to index
        %parallel_loop3A_1125 = arith.constant 64 : index
        %parallel_loop3A_1126 = tpu.vector_load %arg9[%parallel_loop3A_1124, %parallel_loop3A_1125] {strides = array<i32>} : memref<256x128xf32, #tpu.memory_space<vmem>>, vector<16xf32>,
        tpu.vector_store %arg9[%parallel_loop3A_1124, %parallel_loop3A_1125], %parallel_loop3A_1105 {strides = array<i32>} : memref<256x128xf32, #tpu.memory_space<vmem>>, vector<16xf32>,
        %parallel_loop3A_1127 = arith.index_cast %parallel_loop3A_1095 : i32 to index
        %parallel_loop3A_1128 = arith.constant 80 : index
        %parallel_loop3A_1129 = tpu.vector_load %arg9[%parallel_loop3A_1127, %parallel_loop3A_1128] {strides = array<i32>} : memref<256x128xf32, #tpu.memory_space<vmem>>, vector<16xf32>,
        tpu.vector_store %arg9[%parallel_loop3A_1127, %parallel_loop3A_1128], %parallel_loop3A_1107 {strides = array<i32>} : memref<256x128xf32, #tpu.memory_space<vmem>>, vector<16xf32>,
        %parallel_loop3A_1130 = arith.index_cast %parallel_loop3A_1095 : i32 to index
        %parallel_loop3A_1131 = arith.constant 96 : index
        %parallel_loop3A_1132 = tpu.vector_load %arg9[%parallel_loop3A_1130, %parallel_loop3A_1131] {strides = array<i32>} : memref<256x128xf32, #tpu.memory_space<vmem>>, vector<16xf32>,
        tpu.vector_store %arg9[%parallel_loop3A_1130, %parallel_loop3A_1131], %parallel_loop3A_1109 {strides = array<i32>} : memref<256x128xf32, #tpu.memory_space<vmem>>, vector<16xf32>,
        %parallel_loop3A_1133 = arith.index_cast %parallel_loop3A_1095 : i32 to index
        %parallel_loop3A_1134 = arith.constant 112 : index
        %parallel_loop3A_1135 = tpu.vector_load %arg9[%parallel_loop3A_1133, %parallel_loop3A_1134] {strides = array<i32>} : memref<256x128xf32, #tpu.memory_space<vmem>>, vector<16xf32>,
        tpu.vector_store %arg9[%parallel_loop3A_1133, %parallel_loop3A_1134], %parallel_loop3A_1111 {strides = array<i32>} : memref<256x128xf32, #tpu.memory_space<vmem>>, vector<16xf32>,
        %parallel_loop3A_1136 = arith.constant 15 : i32
        %parallel_loop3A_1137 = vector.broadcast %parallel_loop3A_1136 : i32 to vector<16xi32>
        %parallel_loop3A_1138 = vector.shape_cast %parallel_loop3A_1137 : vector<16xi32> to vector<16x1xi32>
        %parallel_loop3A_1139 = vector.shape_cast %parallel_loop3A_1138 : vector<16x1xi32> to vector<16xi32>
        %parallel_loop3A_1140 = tpu.dynamic_gather %parallel_loop3A_400[%parallel_loop3A_1139] in [0] : vector<16xi32>, vector<16xi32> -> vector<16xi32>
        %parallel_loop3A_1141 = arith.constant 16 : i32
        %parallel_loop3A_1142 = arith.muli %parallel_loop3A_284, %parallel_loop3A_1141 : i32
        %parallel_loop3A_1143 = arith.constant 15 : i32
        %parallel_loop3A_1144 = arith.addi %parallel_loop3A_1142, %parallel_loop3A_1143 : i32
        %parallel_loop3A_1145 = arith.addi %parallel_loop3A_1140, %add3A_10 : vector<16xi32>
        %parallel_loop3A_1146 = tpu.vector_load_idx %arg8[%parallel_loop3A_1145] : memref<2432xf32, #tpu.memory_space<vmem>>[vector<16xi32>], vector<16xf32>,
        %parallel_loop3A_1147 = arith.addi %parallel_loop3A_1140, %add3A_13 : vector<16xi32>
        %parallel_loop3A_1148 = tpu.vector_load_idx %arg8[%parallel_loop3A_1147] : memref<2432xf32, #tpu.memory_space<vmem>>[vector<16xi32>], vector<16xf32>,
        %parallel_loop3A_1149 = arith.addi %parallel_loop3A_1140, %add3A_16 : vector<16xi32>
        %parallel_loop3A_1150 = tpu.vector_load_idx %arg8[%parallel_loop3A_1149] : memref<2432xf32, #tpu.memory_space<vmem>>[vector<16xi32>], vector<16xf32>,
        %parallel_loop3A_1151 = arith.addi %parallel_loop3A_1140, %add3A_19 : vector<16xi32>
        %parallel_loop3A_1152 = tpu.vector_load_idx %arg8[%parallel_loop3A_1151] : memref<2432xf32, #tpu.memory_space<vmem>>[vector<16xi32>], vector<16xf32>,
        %parallel_loop3A_1153 = arith.addi %parallel_loop3A_1140, %add3A_22 : vector<16xi32>
        %parallel_loop3A_1154 = tpu.vector_load_idx %arg8[%parallel_loop3A_1153] : memref<2432xf32, #tpu.memory_space<vmem>>[vector<16xi32>], vector<16xf32>,
        %parallel_loop3A_1155 = arith.addi %parallel_loop3A_1140, %add3A_25 : vector<16xi32>
        %parallel_loop3A_1156 = tpu.vector_load_idx %arg8[%parallel_loop3A_1155] : memref<2432xf32, #tpu.memory_space<vmem>>[vector<16xi32>], vector<16xf32>,
        %parallel_loop3A_1157 = arith.addi %parallel_loop3A_1140, %add3A_28 : vector<16xi32>
        %parallel_loop3A_1158 = tpu.vector_load_idx %arg8[%parallel_loop3A_1157] : memref<2432xf32, #tpu.memory_space<vmem>>[vector<16xi32>], vector<16xf32>,
        %parallel_loop3A_1159 = arith.addi %parallel_loop3A_1140, %add3A_31 : vector<16xi32>
        %parallel_loop3A_1160 = tpu.vector_load_idx %arg8[%parallel_loop3A_1159] : memref<2432xf32, #tpu.memory_space<vmem>>[vector<16xi32>], vector<16xf32>,
        %parallel_loop3A_1161 = arith.index_cast %parallel_loop3A_1144 : i32 to index
        %parallel_loop3A_1162 = arith.constant 0 : index
        %parallel_loop3A_1163 = tpu.vector_load %arg9[%parallel_loop3A_1161, %parallel_loop3A_1162] {strides = array<i32>} : memref<256x128xf32, #tpu.memory_space<vmem>>, vector<16xf32>,
        tpu.vector_store %arg9[%parallel_loop3A_1161, %parallel_loop3A_1162], %parallel_loop3A_1146 {strides = array<i32>} : memref<256x128xf32, #tpu.memory_space<vmem>>, vector<16xf32>,
        %parallel_loop3A_1164 = arith.index_cast %parallel_loop3A_1144 : i32 to index
        %parallel_loop3A_1165 = arith.constant 16 : index
        %parallel_loop3A_1166 = tpu.vector_load %arg9[%parallel_loop3A_1164, %parallel_loop3A_1165] {strides = array<i32>} : memref<256x128xf32, #tpu.memory_space<vmem>>, vector<16xf32>,
        tpu.vector_store %arg9[%parallel_loop3A_1164, %parallel_loop3A_1165], %parallel_loop3A_1148 {strides = array<i32>} : memref<256x128xf32, #tpu.memory_space<vmem>>, vector<16xf32>,
        %parallel_loop3A_1167 = arith.index_cast %parallel_loop3A_1144 : i32 to index
        %parallel_loop3A_1168 = arith.constant 32 : index
        %parallel_loop3A_1169 = tpu.vector_load %arg9[%parallel_loop3A_1167, %parallel_loop3A_1168] {strides = array<i32>} : memref<256x128xf32, #tpu.memory_space<vmem>>, vector<16xf32>,
        tpu.vector_store %arg9[%parallel_loop3A_1167, %parallel_loop3A_1168], %parallel_loop3A_1150 {strides = array<i32>} : memref<256x128xf32, #tpu.memory_space<vmem>>, vector<16xf32>,
        %parallel_loop3A_1170 = arith.index_cast %parallel_loop3A_1144 : i32 to index
        %parallel_loop3A_1171 = arith.constant 48 : index
        %parallel_loop3A_1172 = tpu.vector_load %arg9[%parallel_loop3A_1170, %parallel_loop3A_1171] {strides = array<i32>} : memref<256x128xf32, #tpu.memory_space<vmem>>, vector<16xf32>,
        tpu.vector_store %arg9[%parallel_loop3A_1170, %parallel_loop3A_1171], %parallel_loop3A_1152 {strides = array<i32>} : memref<256x128xf32, #tpu.memory_space<vmem>>, vector<16xf32>,
        %parallel_loop3A_1173 = arith.index_cast %parallel_loop3A_1144 : i32 to index
        %parallel_loop3A_1174 = arith.constant 64 : index
        %parallel_loop3A_1175 = tpu.vector_load %arg9[%parallel_loop3A_1173, %parallel_loop3A_1174] {strides = array<i32>} : memref<256x128xf32, #tpu.memory_space<vmem>>, vector<16xf32>,
        tpu.vector_store %arg9[%parallel_loop3A_1173, %parallel_loop3A_1174], %parallel_loop3A_1154 {strides = array<i32>} : memref<256x128xf32, #tpu.memory_space<vmem>>, vector<16xf32>,
        %parallel_loop3A_1176 = arith.index_cast %parallel_loop3A_1144 : i32 to index
        %parallel_loop3A_1177 = arith.constant 80 : index
        %parallel_loop3A_1178 = tpu.vector_load %arg9[%parallel_loop3A_1176, %parallel_loop3A_1177] {strides = array<i32>} : memref<256x128xf32, #tpu.memory_space<vmem>>, vector<16xf32>,
        tpu.vector_store %arg9[%parallel_loop3A_1176, %parallel_loop3A_1177], %parallel_loop3A_1156 {strides = array<i32>} : memref<256x128xf32, #tpu.memory_space<vmem>>, vector<16xf32>,
        %parallel_loop3A_1179 = arith.index_cast %parallel_loop3A_1144 : i32 to index
        %parallel_loop3A_1180 = arith.constant 96 : index
        %parallel_loop3A_1181 = tpu.vector_load %arg9[%parallel_loop3A_1179, %parallel_loop3A_1180] {strides = array<i32>} : memref<256x128xf32, #tpu.memory_space<vmem>>, vector<16xf32>,
        tpu.vector_store %arg9[%parallel_loop3A_1179, %parallel_loop3A_1180], %parallel_loop3A_1158 {strides = array<i32>} : memref<256x128xf32, #tpu.memory_space<vmem>>, vector<16xf32>,
        %parallel_loop3A_1182 = arith.index_cast %parallel_loop3A_1144 : i32 to index
        %parallel_loop3A_1183 = arith.constant 112 : index
        %parallel_loop3A_1184 = tpu.vector_load %arg9[%parallel_loop3A_1182, %parallel_loop3A_1183] {strides = array<i32>} : memref<256x128xf32, #tpu.memory_space<vmem>>, vector<16xf32>,
        tpu.vector_store %arg9[%parallel_loop3A_1182, %parallel_loop3A_1183], %parallel_loop3A_1160 {strides = array<i32>} : memref<256x128xf32, #tpu.memory_space<vmem>>, vector<16xf32>,
      } {sc.loop_unroll_factor = 4 : i64, sc.parallel_access}
      %mul3A_154 = arith.constant 512 : i32
      %mul3A_155 = arith.muli %add3A_74, %mul3A_154 : i32
      %add3A_156 = arith.addi %mul3A_155, %mul3A_130 : i32
      %dma_start3A = arith.constant 0 : i32
      %dma_start3A_157 = tpu.memref_slice %arg5[%add3A_156, %dma_start3A] : memref<524288x128xf32, #tpu.memory_space<hbm>> -> memref<256x128xf32, #tpu.memory_space<hbm>>
      %dma_start3A_158 = arith.constant 0 : i32
      %dma_start3A_159 = tpu.memref_slice %arg5[%add3A_156, %dma_start3A_158] : memref<524288x128xf32, #tpu.memory_space<hbm>> -> memref<256x128xf32, #tpu.memory_space<hbm>>
      tpu.enqueue_dma source(%arg9 : memref<256x128xf32, #tpu.memory_space<vmem>>) target(%dma_start3A_159 : memref<256x128xf32, #tpu.memory_space<hbm>>) target_semaphore(%arg11 : memref<!tpu.dma_semaphore, #tpu.memory_space<semaphore_mem>>)
      %gt3A_160 = arith.constant 0 : i32
      %gt3A_161 = arith.cmpi sgt, %add3A_51, %gt3A_160 : i32
      %convert_element_type3A_162 = arith.extui %gt3A_161 : i1 to i32
      %cond3A_163 = arith.constant 0 : i32
      %cond3A_164 = arith.cmpi ne, %convert_element_type3A_162, %cond3A_163 : i32
      scf.if %cond3A_164 {
        %dma_wait3A_284 = arith.constant 0 : i32
        %dma_wait3A_285 = arith.constant 0 : i32
        %dma_wait3A_286 = tpu.memref_slice %arg5[%dma_wait3A_284, %dma_wait3A_285] : memref<524288x128xf32, #tpu.memory_space<hbm>> -> memref<256x128xf32, #tpu.memory_space<hbm>>
        %dma_wait3A_287 = arith.constant 0 : i32
        %dma_wait3A_288 = arith.constant 0 : i32
        %dma_wait3A_289 = tpu.memref_slice %arg5[%dma_wait3A_287, %dma_wait3A_288] : memref<524288x128xf32, #tpu.memory_space<hbm>> -> memref<256x128xf32, #tpu.memory_space<hbm>>
        tpu.wait_dma2 semaphore(%arg12 : memref<!tpu.dma_semaphore, #tpu.memory_space<semaphore_mem>>) src(%arg10 : memref<256x128xf32, #tpu.memory_space<vmem>>) dst(%dma_wait3A_289 : memref<256x128xf32, #tpu.memory_space<hbm>>)
      } else {
      }
      %mul3A_165 = arith.constant 2 : i32
      %mul3A_166 = arith.muli %add3A_51, %mul3A_165 : i32
      %add3A_167 = arith.constant 1 : i32
      %add3A_168 = arith.addi %mul3A_166, %add3A_167 : i32
      %jit3A_169 = arith.constant 2 : i32
      %div3A_170 = arith.divsi %add3A_168, %jit3A_169 : i32
      %sign3A_171 = arith.constant 0 : i32
      %sign3A_172 = arith.cmpi sgt, %add3A_168, %sign3A_171 : i32
      %sign3A_173 = arith.extui %sign3A_172 : i1 to i32
      %sign3A_174 = arith.constant 0 : i32
      %sign3A_175 = arith.cmpi slt, %add3A_168, %sign3A_174 : i32
      %sign3A_176 = arith.extui %sign3A_175 : i1 to i32
      %sign3A_177 = arith.subi %sign3A_173, %sign3A_176 : i32
      %sign3A_178 = arith.constant 0 : i32
      %sign3A_179 = arith.cmpi sgt, %jit3A_169, %sign3A_178 : i32
      %sign3A_180 = arith.extui %sign3A_179 : i1 to i32
      %sign3A_181 = arith.constant 0 : i32
      %sign3A_182 = arith.cmpi slt, %jit3A_169, %sign3A_181 : i32
      %sign3A_183 = arith.extui %sign3A_182 : i1 to i32
      %sign3A_184 = arith.subi %sign3A_180, %sign3A_183 : i32
      %ne3A_185 = arith.cmpi ne, %sign3A_177, %sign3A_184 : i32
      %rem3A_186 = arith.remsi %add3A_168, %jit3A_169 : i32
      %ne3A_187 = arith.constant 0 : i32
      %ne3A_188 = arith.cmpi ne, %rem3A_186, %ne3A_187 : i32
      %and3A_189 = arith.andi %ne3A_185, %ne3A_188 : i1
      %sub3A_190 = arith.constant 1 : i32
      %sub3A_191 = arith.subi %div3A_170, %sub3A_190 : i32
      %select_n3A_192 = arith.select %and3A_189, %sub3A_191, %div3A_170 : i32
      %add3A_193 = arith.addi %mul3A_2, %select_n3A_192 : i32
      %jit3A_194 = arith.constant 512 : i32
      %div3A_195 = arith.divsi %add3A_193, %jit3A_194 : i32
      %sign3A_196 = arith.constant 0 : i32
      %sign3A_197 = arith.cmpi sgt, %add3A_193, %sign3A_196 : i32
      %sign3A_198 = arith.extui %sign3A_197 : i1 to i32
      %sign3A_199 = arith.constant 0 : i32
      %sign3A_200 = arith.cmpi slt, %add3A_193, %sign3A_199 : i32
      %sign3A_201 = arith.extui %sign3A_200 : i1 to i32
      %sign3A_202 = arith.subi %sign3A_198, %sign3A_201 : i32
      %sign3A_203 = arith.constant 0 : i32
      %sign3A_204 = arith.cmpi sgt, %jit3A_194, %sign3A_203 : i32
      %sign3A_205 = arith.extui %sign3A_204 : i1 to i32
      %sign3A_206 = arith.constant 0 : i32
      %sign3A_207 = arith.cmpi slt, %jit3A_194, %sign3A_206 : i32
      %sign3A_208 = arith.extui %sign3A_207 : i1 to i32
      %sign3A_209 = arith.subi %sign3A_205, %sign3A_208 : i32
      %ne3A_210 = arith.cmpi ne, %sign3A_202, %sign3A_209 : i32
      %rem3A_211 = arith.remsi %add3A_193, %jit3A_194 : i32
      %ne3A_212 = arith.constant 0 : i32
      %ne3A_213 = arith.cmpi ne, %rem3A_211, %ne3A_212 : i32
      %and3A_214 = arith.andi %ne3A_210, %ne3A_213 : i1
      %sub3A_215 = arith.constant 1 : i32
      %sub3A_216 = arith.subi %div3A_195, %sub3A_215 : i32
      %select_n3A_217 = arith.select %and3A_214, %sub3A_216, %div3A_195 : i32
      %jit3A_218 = arith.constant 512 : i32
      %eq3A_219 = arith.constant 0 : i32
      %eq3A_220 = arith.cmpi eq, %jit3A_218, %eq3A_219 : i32
      %jit3A_221 = arith.constant 1 : i32
      %select_n3A_222 = arith.select %eq3A_220, %jit3A_221, %jit3A_218 : i32
      %rem3A_223 = arith.remsi %add3A_193, %select_n3A_222 : i32
      %ne3A_224 = arith.constant 0 : i32
      %ne3A_225 = arith.cmpi ne, %rem3A_223, %ne3A_224 : i32
      %lt3A_226 = arith.constant 0 : i32
      %lt3A_227 = arith.cmpi slt, %rem3A_223, %lt3A_226 : i32
      %lt3A_228 = arith.constant 0 : i32
      %lt3A_229 = arith.cmpi slt, %select_n3A_222, %lt3A_228 : i32
      %ne3A_230 = arith.xori %lt3A_227, %lt3A_229 : i1
      %and3A_231 = arith.andi %ne3A_230, %ne3A_225 : i1
      %add3A_232 = arith.addi %rem3A_223, %select_n3A_222 : i32
      %select_n3A_233 = arith.select %and3A_231, %add3A_232, %rem3A_223 : i32
      %jit3A_234 = arith.constant 2 : i32
      %eq3A_235 = arith.constant 0 : i32
      %eq3A_236 = arith.cmpi eq, %jit3A_234, %eq3A_235 : i32
      %jit3A_237 = arith.constant 1 : i32
      %select_n3A_238 = arith.select %eq3A_236, %jit3A_237, %jit3A_234 : i32
      %rem3A_239 = arith.remsi %add3A_168, %select_n3A_238 : i32
      %ne3A_240 = arith.constant 0 : i32
      %ne3A_241 = arith.cmpi ne, %rem3A_239, %ne3A_240 : i32
      %lt3A_242 = arith.constant 0 : i32
      %lt3A_243 = arith.cmpi slt, %rem3A_239, %lt3A_242 : i32
      %lt3A_244 = arith.constant 0 : i32
      %lt3A_245 = arith.cmpi slt, %select_n3A_238, %lt3A_244 : i32
      %ne3A_246 = arith.xori %lt3A_243, %lt3A_245 : i1
      %and3A_247 = arith.andi %ne3A_246, %ne3A_241 : i1
      %add3A_248 = arith.addi %rem3A_239, %select_n3A_238 : i32
      %select_n3A_249 = arith.select %and3A_247, %add3A_248, %rem3A_239 : i32
      %mul3A_250 = arith.constant 256 : i32
      %mul3A_251 = arith.muli %select_n3A_249, %mul3A_250 : i32
      %mul3A_252 = arith.constant 3 : i32
      %mul3A_253 = arith.muli %select_n3A_217, %mul3A_252 : i32
      %mul3A_254 = arith.constant 512 : i32
      %mul3A_255 = arith.muli %mul3A_253, %mul3A_254 : i32
      %add3A_256 = arith.constant 512 : i32
      %add3A_257 = arith.addi %mul3A_255, %add3A_256 : i32
      %add3A_258 = arith.constant 512 : i32
      %add3A_259 = arith.addi %add3A_257, %add3A_258 : i32
      %mul3A_260 = arith.constant 512 : i32
      %mul3A_261 = arith.muli %select_n3A_217, %mul3A_260 : i32
      %add3A_262 = arith.addi %mul3A_255, %select_n3A_233 : i32
      %broadcast_in_dim3A_263 = vector.broadcast %add3A_262 : i32 to vector<16xi32>
      %gather3A_264 = tpu.vector_load_idx %arg6[%broadcast_in_dim3A_263] : memref<3072xf32, #tpu.memory_space<vmem>>[vector<16xi32>], vector<16xf32>,
      %add3A_265 = arith.addi %add3A_257, %select_n3A_233 : i32
      %broadcast_in_dim3A_266 = vector.broadcast %add3A_265 : i32 to vector<16xi32>
      %gather3A_267 = tpu.vector_load_idx %arg6[%broadcast_in_dim3A_266] : memref<3072xf32, #tpu.memory_space<vmem>>[vector<16xi32>], vector<16xf32>,
      %add3A_268 = arith.addi %add3A_259, %select_n3A_233 : i32
      %broadcast_in_dim3A_269 = vector.broadcast %add3A_268 : i32 to vector<16xi32>
      %gather3A_270 = tpu.vector_load_idx %arg6[%broadcast_in_dim3A_269] : memref<3072xf32, #tpu.memory_space<vmem>>[vector<16xi32>], vector<16xf32>,
      %add3A_271 = arith.addi %mul3A_261, %select_n3A_233 : i32
      %broadcast_in_dim3A_272 = vector.broadcast %add3A_271 : i32 to vector<16xi32>
      %gather3A_273 = tpu.vector_load_idx %arg7[%broadcast_in_dim3A_272] : memref<1024xf32, #tpu.memory_space<vmem>>[vector<16xi32>], vector<16xf32>,
      %parallel_loop3A_274 = arith.constant 0 : i32
      %parallel_loop3A_275 = arith.constant 16 : i32
      %parallel_loop3A_276 = arith.constant 1 : i32
      scf.for %parallel_loop3A_284 = %parallel_loop3A_274 to %parallel_loop3A_275 step %parallel_loop3A_276  : i32 {
        %parallel_loop3A_285 = arith.constant 16 : i32
        %parallel_loop3A_286 = arith.muli %parallel_loop3A_284, %parallel_loop3A_285 : i32
        %parallel_loop3A_287 = arith.addi %mul3A_251, %parallel_loop3A_286 : i32
        %parallel_loop3A_288 = arith.addi %mul3A_255, %parallel_loop3A_287 : i32
        %parallel_loop3A_289 = arith.index_cast %parallel_loop3A_288 : i32 to index
        %parallel_loop3A_290 = tpu.vector_load %arg6[%parallel_loop3A_289] {strides = array<i32>} : memref<3072xf32, #tpu.memory_space<vmem>>, vector<16xf32>,
        %parallel_loop3A_291 = arith.subf %parallel_loop3A_290, %gather3A_264 : vector<16xf32>
        %parallel_loop3A_292 = arith.addi %add3A_257, %parallel_loop3A_287 : i32
        %parallel_loop3A_293 = arith.index_cast %parallel_loop3A_292 : i32 to index
        %parallel_loop3A_294 = tpu.vector_load %arg6[%parallel_loop3A_293] {strides = array<i32>} : memref<3072xf32, #tpu.memory_space<vmem>>, vector<16xf32>,
        %parallel_loop3A_295 = arith.subf %parallel_loop3A_294, %gather3A_267 : vector<16xf32>
        %parallel_loop3A_296 = arith.addi %add3A_259, %parallel_loop3A_287 : i32
        %parallel_loop3A_297 = arith.index_cast %parallel_loop3A_296 : i32 to index
        %parallel_loop3A_298 = tpu.vector_load %arg6[%parallel_loop3A_297] {strides = array<i32>} : memref<3072xf32, #tpu.memory_space<vmem>>, vector<16xf32>,
        %parallel_loop3A_299 = arith.subf %parallel_loop3A_298, %gather3A_270 : vector<16xf32>
        %parallel_loop3A_300 = arith.mulf %parallel_loop3A_291, %parallel_loop3A_291 : vector<16xf32>
        %parallel_loop3A_301 = arith.mulf %parallel_loop3A_295, %parallel_loop3A_295 : vector<16xf32>
        %parallel_loop3A_302 = arith.addf %parallel_loop3A_300, %parallel_loop3A_301 : vector<16xf32>
        %parallel_loop3A_303 = arith.mulf %parallel_loop3A_299, %parallel_loop3A_299 : vector<16xf32>
        %parallel_loop3A_304 = arith.addf %parallel_loop3A_302, %parallel_loop3A_303 : vector<16xf32>
        %parallel_loop3A_305 = arith.constant 19.140625 : f32
        %parallel_loop3A_306 = vector.broadcast %parallel_loop3A_305 : f32 to vector<16xf32>
        %parallel_loop3A_307 = arith.cmpf oge, %parallel_loop3A_304, %parallel_loop3A_306 : vector<16xf32>
        %parallel_loop3A_308 = arith.select %parallel_loop3A_307, %broadcast_in_dim3A_3, %broadcast_in_dim3A_5 : vector<16xi1>, vector<16xi32>
        %parallel_loop3A_309 = arith.addi %broadcast_in_dim3A_5, %parallel_loop3A_308 : vector<16xi32>
        %parallel_loop3A_310 = arith.constant 28.890625 : f32
        %parallel_loop3A_311 = vector.broadcast %parallel_loop3A_310 : f32 to vector<16xf32>
        %parallel_loop3A_312 = arith.cmpf oge, %parallel_loop3A_304, %parallel_loop3A_311 : vector<16xf32>
        %parallel_loop3A_313 = arith.select %parallel_loop3A_312, %broadcast_in_dim3A_3, %broadcast_in_dim3A_5 : vector<16xi1>, vector<16xi32>
        %parallel_loop3A_314 = arith.addi %parallel_loop3A_309, %parallel_loop3A_313 : vector<16xi32>
        %parallel_loop3A_315 = arith.constant 40.640625 : f32
        %parallel_loop3A_316 = vector.broadcast %parallel_loop3A_315 : f32 to vector<16xf32>
        %parallel_loop3A_317 = arith.cmpf oge, %parallel_loop3A_304, %parallel_loop3A_316 : vector<16xf32>
        %parallel_loop3A_318 = arith.select %parallel_loop3A_317, %broadcast_in_dim3A_3, %broadcast_in_dim3A_5 : vector<16xi1>, vector<16xi32>
        %parallel_loop3A_319 = arith.addi %parallel_loop3A_314, %parallel_loop3A_318 : vector<16xi32>
        %parallel_loop3A_320 = arith.constant 54.390625 : f32
        %parallel_loop3A_321 = vector.broadcast %parallel_loop3A_320 : f32 to vector<16xf32>
        %parallel_loop3A_322 = arith.cmpf oge, %parallel_loop3A_304, %parallel_loop3A_321 : vector<16xf32>
        %parallel_loop3A_323 = arith.select %parallel_loop3A_322, %broadcast_in_dim3A_3, %broadcast_in_dim3A_5 : vector<16xi1>, vector<16xi32>
        %parallel_loop3A_324 = arith.addi %parallel_loop3A_319, %parallel_loop3A_323 : vector<16xi32>
        %parallel_loop3A_325 = arith.constant 70.140625 : f32
        %parallel_loop3A_326 = vector.broadcast %parallel_loop3A_325 : f32 to vector<16xf32>
        %parallel_loop3A_327 = arith.cmpf oge, %parallel_loop3A_304, %parallel_loop3A_326 : vector<16xf32>
        %parallel_loop3A_328 = arith.select %parallel_loop3A_327, %broadcast_in_dim3A_3, %broadcast_in_dim3A_5 : vector<16xi1>, vector<16xi32>
        %parallel_loop3A_329 = arith.addi %parallel_loop3A_324, %parallel_loop3A_328 : vector<16xi32>
        %parallel_loop3A_330 = arith.constant 87.890625 : f32
        %parallel_loop3A_331 = vector.broadcast %parallel_loop3A_330 : f32 to vector<16xf32>
        %parallel_loop3A_332 = arith.cmpf oge, %parallel_loop3A_304, %parallel_loop3A_331 : vector<16xf32>
        %parallel_loop3A_333 = arith.select %parallel_loop3A_332, %broadcast_in_dim3A_3, %broadcast_in_dim3A_5 : vector<16xi1>, vector<16xi32>
        %parallel_loop3A_334 = arith.addi %parallel_loop3A_329, %parallel_loop3A_333 : vector<16xi32>
        %parallel_loop3A_335 = arith.constant 107.640625 : f32
        %parallel_loop3A_336 = vector.broadcast %parallel_loop3A_335 : f32 to vector<16xf32>
        %parallel_loop3A_337 = arith.cmpf oge, %parallel_loop3A_304, %parallel_loop3A_336 : vector<16xf32>
        %parallel_loop3A_338 = arith.select %parallel_loop3A_337, %broadcast_in_dim3A_3, %broadcast_in_dim3A_5 : vector<16xi1>, vector<16xi32>
        %parallel_loop3A_339 = arith.addi %parallel_loop3A_334, %parallel_loop3A_338 : vector<16xi32>
        %parallel_loop3A_340 = arith.constant 129.390625 : f32
        %parallel_loop3A_341 = vector.broadcast %parallel_loop3A_340 : f32 to vector<16xf32>
        %parallel_loop3A_342 = arith.cmpf oge, %parallel_loop3A_304, %parallel_loop3A_341 : vector<16xf32>
        %parallel_loop3A_343 = arith.select %parallel_loop3A_342, %broadcast_in_dim3A_3, %broadcast_in_dim3A_5 : vector<16xi1>, vector<16xi32>
        %parallel_loop3A_344 = arith.addi %parallel_loop3A_339, %parallel_loop3A_343 : vector<16xi32>
        %parallel_loop3A_345 = arith.constant 153.140625 : f32
        %parallel_loop3A_346 = vector.broadcast %parallel_loop3A_345 : f32 to vector<16xf32>
        %parallel_loop3A_347 = arith.cmpf oge, %parallel_loop3A_304, %parallel_loop3A_346 : vector<16xf32>
        %parallel_loop3A_348 = arith.select %parallel_loop3A_347, %broadcast_in_dim3A_3, %broadcast_in_dim3A_5 : vector<16xi1>, vector<16xi32>
        %parallel_loop3A_349 = arith.addi %parallel_loop3A_344, %parallel_loop3A_348 : vector<16xi32>
        %parallel_loop3A_350 = arith.constant 178.890625 : f32
        %parallel_loop3A_351 = vector.broadcast %parallel_loop3A_350 : f32 to vector<16xf32>
        %parallel_loop3A_352 = arith.cmpf oge, %parallel_loop3A_304, %parallel_loop3A_351 : vector<16xf32>
        %parallel_loop3A_353 = arith.select %parallel_loop3A_352, %broadcast_in_dim3A_3, %broadcast_in_dim3A_5 : vector<16xi1>, vector<16xi32>
        %parallel_loop3A_354 = arith.addi %parallel_loop3A_349, %parallel_loop3A_353 : vector<16xi32>
        %parallel_loop3A_355 = arith.constant 206.640625 : f32
        %parallel_loop3A_356 = vector.broadcast %parallel_loop3A_355 : f32 to vector<16xf32>
        %parallel_loop3A_357 = arith.cmpf oge, %parallel_loop3A_304, %parallel_loop3A_356 : vector<16xf32>
        %parallel_loop3A_358 = arith.select %parallel_loop3A_357, %broadcast_in_dim3A_3, %broadcast_in_dim3A_5 : vector<16xi1>, vector<16xi32>
        %parallel_loop3A_359 = arith.addi %parallel_loop3A_354, %parallel_loop3A_358 : vector<16xi32>
        %parallel_loop3A_360 = arith.constant 236.390625 : f32
        %parallel_loop3A_361 = vector.broadcast %parallel_loop3A_360 : f32 to vector<16xf32>
        %parallel_loop3A_362 = arith.cmpf oge, %parallel_loop3A_304, %parallel_loop3A_361 : vector<16xf32>
        %parallel_loop3A_363 = arith.select %parallel_loop3A_362, %broadcast_in_dim3A_3, %broadcast_in_dim3A_5 : vector<16xi1>, vector<16xi32>
        %parallel_loop3A_364 = arith.addi %parallel_loop3A_359, %parallel_loop3A_363 : vector<16xi32>
        %parallel_loop3A_365 = arith.constant 268.140625 : f32
        %parallel_loop3A_366 = vector.broadcast %parallel_loop3A_365 : f32 to vector<16xf32>
        %parallel_loop3A_367 = arith.cmpf oge, %parallel_loop3A_304, %parallel_loop3A_366 : vector<16xf32>
        %parallel_loop3A_368 = arith.select %parallel_loop3A_367, %broadcast_in_dim3A_3, %broadcast_in_dim3A_5 : vector<16xi1>, vector<16xi32>
        %parallel_loop3A_369 = arith.addi %parallel_loop3A_364, %parallel_loop3A_368 : vector<16xi32>
        %parallel_loop3A_370 = arith.constant 301.890625 : f32
        %parallel_loop3A_371 = vector.broadcast %parallel_loop3A_370 : f32 to vector<16xf32>
        %parallel_loop3A_372 = arith.cmpf oge, %parallel_loop3A_304, %parallel_loop3A_371 : vector<16xf32>
        %parallel_loop3A_373 = arith.select %parallel_loop3A_372, %broadcast_in_dim3A_3, %broadcast_in_dim3A_5 : vector<16xi1>, vector<16xi32>
        %parallel_loop3A_374 = arith.addi %parallel_loop3A_369, %parallel_loop3A_373 : vector<16xi32>
        %parallel_loop3A_375 = arith.constant 337.640625 : f32
        %parallel_loop3A_376 = vector.broadcast %parallel_loop3A_375 : f32 to vector<16xf32>
        %parallel_loop3A_377 = arith.cmpf oge, %parallel_loop3A_304, %parallel_loop3A_376 : vector<16xf32>
        %parallel_loop3A_378 = arith.select %parallel_loop3A_377, %broadcast_in_dim3A_3, %broadcast_in_dim3A_5 : vector<16xi1>, vector<16xi32>
        %parallel_loop3A_379 = arith.addi %parallel_loop3A_374, %parallel_loop3A_378 : vector<16xi32>
        %parallel_loop3A_380 = arith.constant 375.390625 : f32
        %parallel_loop3A_381 = vector.broadcast %parallel_loop3A_380 : f32 to vector<16xf32>
        %parallel_loop3A_382 = arith.cmpf oge, %parallel_loop3A_304, %parallel_loop3A_381 : vector<16xf32>
        %parallel_loop3A_383 = arith.select %parallel_loop3A_382, %broadcast_in_dim3A_3, %broadcast_in_dim3A_5 : vector<16xi1>, vector<16xi32>
        %parallel_loop3A_384 = arith.addi %parallel_loop3A_379, %parallel_loop3A_383 : vector<16xi32>
        %parallel_loop3A_385 = arith.constant 415.140625 : f32
        %parallel_loop3A_386 = vector.broadcast %parallel_loop3A_385 : f32 to vector<16xf32>
        %parallel_loop3A_387 = arith.cmpf oge, %parallel_loop3A_304, %parallel_loop3A_386 : vector<16xf32>
        %parallel_loop3A_388 = arith.select %parallel_loop3A_387, %broadcast_in_dim3A_3, %broadcast_in_dim3A_5 : vector<16xi1>, vector<16xi32>
        %parallel_loop3A_389 = arith.addi %parallel_loop3A_384, %parallel_loop3A_388 : vector<16xi32>
        %parallel_loop3A_390 = arith.addi %mul3A_261, %parallel_loop3A_287 : i32
        %parallel_loop3A_391 = arith.index_cast %parallel_loop3A_390 : i32 to index
        %parallel_loop3A_392 = tpu.vector_load %arg7[%parallel_loop3A_391] {strides = array<i32>} : memref<1024xf32, #tpu.memory_space<vmem>>, vector<16xf32>,
        %parallel_loop3A_393 = arith.mulf %parallel_loop3A_392, %gather3A_273 : vector<16xf32>
        %parallel_loop3A_394 = arith.constant 0.000000e+00 : f32
        %parallel_loop3A_395 = vector.broadcast %parallel_loop3A_394 : f32 to vector<16xf32>
        %parallel_loop3A_396 = arith.cmpf ogt, %parallel_loop3A_393, %parallel_loop3A_395 : vector<16xf32>
        %parallel_loop3A_397 = arith.select %parallel_loop3A_396, %parallel_loop3A_389, %broadcast_in_dim3A_7 : vector<16xi1>, vector<16xi32>
        %parallel_loop3A_398 = arith.constant 128 : i32
        %parallel_loop3A_399 = vector.broadcast %parallel_loop3A_398 : i32 to vector<16xi32>
        %parallel_loop3A_400 = arith.muli %parallel_loop3A_397, %parallel_loop3A_399 : vector<16xi32>
        %parallel_loop3A_401 = arith.constant 0 : i32
        %parallel_loop3A_402 = vector.broadcast %parallel_loop3A_401 : i32 to vector<16xi32>
        %parallel_loop3A_403 = vector.shape_cast %parallel_loop3A_402 : vector<16xi32> to vector<16x1xi32>
        %parallel_loop3A_404 = vector.shape_cast %parallel_loop3A_403 : vector<16x1xi32> to vector<16xi32>
        %parallel_loop3A_405 = tpu.dynamic_gather %parallel_loop3A_400[%parallel_loop3A_404] in [0] : vector<16xi32>, vector<16xi32> -> vector<16xi32>
        %parallel_loop3A_406 = arith.constant 16 : i32
        %parallel_loop3A_407 = arith.muli %parallel_loop3A_284, %parallel_loop3A_406 : i32
        %parallel_loop3A_408 = arith.constant 0 : i32
        %parallel_loop3A_409 = arith.addi %parallel_loop3A_407, %parallel_loop3A_408 : i32
        %parallel_loop3A_410 = arith.addi %parallel_loop3A_405, %add3A_10 : vector<16xi32>
        %parallel_loop3A_411 = tpu.vector_load_idx %arg8[%parallel_loop3A_410] : memref<2432xf32, #tpu.memory_space<vmem>>[vector<16xi32>], vector<16xf32>,
        %parallel_loop3A_412 = arith.addi %parallel_loop3A_405, %add3A_13 : vector<16xi32>
        %parallel_loop3A_413 = tpu.vector_load_idx %arg8[%parallel_loop3A_412] : memref<2432xf32, #tpu.memory_space<vmem>>[vector<16xi32>], vector<16xf32>,
        %parallel_loop3A_414 = arith.addi %parallel_loop3A_405, %add3A_16 : vector<16xi32>
        %parallel_loop3A_415 = tpu.vector_load_idx %arg8[%parallel_loop3A_414] : memref<2432xf32, #tpu.memory_space<vmem>>[vector<16xi32>], vector<16xf32>,
        %parallel_loop3A_416 = arith.addi %parallel_loop3A_405, %add3A_19 : vector<16xi32>
        %parallel_loop3A_417 = tpu.vector_load_idx %arg8[%parallel_loop3A_416] : memref<2432xf32, #tpu.memory_space<vmem>>[vector<16xi32>], vector<16xf32>,
        %parallel_loop3A_418 = arith.addi %parallel_loop3A_405, %add3A_22 : vector<16xi32>
        %parallel_loop3A_419 = tpu.vector_load_idx %arg8[%parallel_loop3A_418] : memref<2432xf32, #tpu.memory_space<vmem>>[vector<16xi32>], vector<16xf32>,
        %parallel_loop3A_420 = arith.addi %parallel_loop3A_405, %add3A_25 : vector<16xi32>
        %parallel_loop3A_421 = tpu.vector_load_idx %arg8[%parallel_loop3A_420] : memref<2432xf32, #tpu.memory_space<vmem>>[vector<16xi32>], vector<16xf32>,
        %parallel_loop3A_422 = arith.addi %parallel_loop3A_405, %add3A_28 : vector<16xi32>
        %parallel_loop3A_423 = tpu.vector_load_idx %arg8[%parallel_loop3A_422] : memref<2432xf32, #tpu.memory_space<vmem>>[vector<16xi32>], vector<16xf32>,
        %parallel_loop3A_424 = arith.addi %parallel_loop3A_405, %add3A_31 : vector<16xi32>
        %parallel_loop3A_425 = tpu.vector_load_idx %arg8[%parallel_loop3A_424] : memref<2432xf32, #tpu.memory_space<vmem>>[vector<16xi32>], vector<16xf32>,
        %parallel_loop3A_426 = arith.index_cast %parallel_loop3A_409 : i32 to index
        %parallel_loop3A_427 = arith.constant 0 : index
        %parallel_loop3A_428 = tpu.vector_load %arg10[%parallel_loop3A_426, %parallel_loop3A_427] {strides = array<i32>} : memref<256x128xf32, #tpu.memory_space<vmem>>, vector<16xf32>,
        tpu.vector_store %arg10[%parallel_loop3A_426, %parallel_loop3A_427], %parallel_loop3A_411 {strides = array<i32>} : memref<256x128xf32, #tpu.memory_space<vmem>>, vector<16xf32>,
        %parallel_loop3A_429 = arith.index_cast %parallel_loop3A_409 : i32 to index
        %parallel_loop3A_430 = arith.constant 16 : index
        %parallel_loop3A_431 = tpu.vector_load %arg10[%parallel_loop3A_429, %parallel_loop3A_430] {strides = array<i32>} : memref<256x128xf32, #tpu.memory_space<vmem>>, vector<16xf32>,
        tpu.vector_store %arg10[%parallel_loop3A_429, %parallel_loop3A_430], %parallel_loop3A_413 {strides = array<i32>} : memref<256x128xf32, #tpu.memory_space<vmem>>, vector<16xf32>,
        %parallel_loop3A_432 = arith.index_cast %parallel_loop3A_409 : i32 to index
        %parallel_loop3A_433 = arith.constant 32 : index
        %parallel_loop3A_434 = tpu.vector_load %arg10[%parallel_loop3A_432, %parallel_loop3A_433] {strides = array<i32>} : memref<256x128xf32, #tpu.memory_space<vmem>>, vector<16xf32>,
        tpu.vector_store %arg10[%parallel_loop3A_432, %parallel_loop3A_433], %parallel_loop3A_415 {strides = array<i32>} : memref<256x128xf32, #tpu.memory_space<vmem>>, vector<16xf32>,
        %parallel_loop3A_435 = arith.index_cast %parallel_loop3A_409 : i32 to index
        %parallel_loop3A_436 = arith.constant 48 : index
        %parallel_loop3A_437 = tpu.vector_load %arg10[%parallel_loop3A_435, %parallel_loop3A_436] {strides = array<i32>} : memref<256x128xf32, #tpu.memory_space<vmem>>, vector<16xf32>,
        tpu.vector_store %arg10[%parallel_loop3A_435, %parallel_loop3A_436], %parallel_loop3A_417 {strides = array<i32>} : memref<256x128xf32, #tpu.memory_space<vmem>>, vector<16xf32>,
        %parallel_loop3A_438 = arith.index_cast %parallel_loop3A_409 : i32 to index
        %parallel_loop3A_439 = arith.constant 64 : index
        %parallel_loop3A_440 = tpu.vector_load %arg10[%parallel_loop3A_438, %parallel_loop3A_439] {strides = array<i32>} : memref<256x128xf32, #tpu.memory_space<vmem>>, vector<16xf32>,
        tpu.vector_store %arg10[%parallel_loop3A_438, %parallel_loop3A_439], %parallel_loop3A_419 {strides = array<i32>} : memref<256x128xf32, #tpu.memory_space<vmem>>, vector<16xf32>,
        %parallel_loop3A_441 = arith.index_cast %parallel_loop3A_409 : i32 to index
        %parallel_loop3A_442 = arith.constant 80 : index
        %parallel_loop3A_443 = tpu.vector_load %arg10[%parallel_loop3A_441, %parallel_loop3A_442] {strides = array<i32>} : memref<256x128xf32, #tpu.memory_space<vmem>>, vector<16xf32>,
        tpu.vector_store %arg10[%parallel_loop3A_441, %parallel_loop3A_442], %parallel_loop3A_421 {strides = array<i32>} : memref<256x128xf32, #tpu.memory_space<vmem>>, vector<16xf32>,
        %parallel_loop3A_444 = arith.index_cast %parallel_loop3A_409 : i32 to index
        %parallel_loop3A_445 = arith.constant 96 : index
        %parallel_loop3A_446 = tpu.vector_load %arg10[%parallel_loop3A_444, %parallel_loop3A_445] {strides = array<i32>} : memref<256x128xf32, #tpu.memory_space<vmem>>, vector<16xf32>,
        tpu.vector_store %arg10[%parallel_loop3A_444, %parallel_loop3A_445], %parallel_loop3A_423 {strides = array<i32>} : memref<256x128xf32, #tpu.memory_space<vmem>>, vector<16xf32>,
        %parallel_loop3A_447 = arith.index_cast %parallel_loop3A_409 : i32 to index
        %parallel_loop3A_448 = arith.constant 112 : index
        %parallel_loop3A_449 = tpu.vector_load %arg10[%parallel_loop3A_447, %parallel_loop3A_448] {strides = array<i32>} : memref<256x128xf32, #tpu.memory_space<vmem>>, vector<16xf32>,
        tpu.vector_store %arg10[%parallel_loop3A_447, %parallel_loop3A_448], %parallel_loop3A_425 {strides = array<i32>} : memref<256x128xf32, #tpu.memory_space<vmem>>, vector<16xf32>,
        %parallel_loop3A_450 = arith.constant 1 : i32
        %parallel_loop3A_451 = vector.broadcast %parallel_loop3A_450 : i32 to vector<16xi32>
        %parallel_loop3A_452 = vector.shape_cast %parallel_loop3A_451 : vector<16xi32> to vector<16x1xi32>
        %parallel_loop3A_453 = vector.shape_cast %parallel_loop3A_452 : vector<16x1xi32> to vector<16xi32>
        %parallel_loop3A_454 = tpu.dynamic_gather %parallel_loop3A_400[%parallel_loop3A_453] in [0] : vector<16xi32>, vector<16xi32> -> vector<16xi32>
        %parallel_loop3A_455 = arith.constant 16 : i32
        %parallel_loop3A_456 = arith.muli %parallel_loop3A_284, %parallel_loop3A_455 : i32
        %parallel_loop3A_457 = arith.constant 1 : i32
        %parallel_loop3A_458 = arith.addi %parallel_loop3A_456, %parallel_loop3A_457 : i32
        %parallel_loop3A_459 = arith.addi %parallel_loop3A_454, %add3A_10 : vector<16xi32>
        %parallel_loop3A_460 = tpu.vector_load_idx %arg8[%parallel_loop3A_459] : memref<2432xf32, #tpu.memory_space<vmem>>[vector<16xi32>], vector<16xf32>,
        %parallel_loop3A_461 = arith.addi %parallel_loop3A_454, %add3A_13 : vector<16xi32>
        %parallel_loop3A_462 = tpu.vector_load_idx %arg8[%parallel_loop3A_461] : memref<2432xf32, #tpu.memory_space<vmem>>[vector<16xi32>], vector<16xf32>,
        %parallel_loop3A_463 = arith.addi %parallel_loop3A_454, %add3A_16 : vector<16xi32>
        %parallel_loop3A_464 = tpu.vector_load_idx %arg8[%parallel_loop3A_463] : memref<2432xf32, #tpu.memory_space<vmem>>[vector<16xi32>], vector<16xf32>,
        %parallel_loop3A_465 = arith.addi %parallel_loop3A_454, %add3A_19 : vector<16xi32>
        %parallel_loop3A_466 = tpu.vector_load_idx %arg8[%parallel_loop3A_465] : memref<2432xf32, #tpu.memory_space<vmem>>[vector<16xi32>], vector<16xf32>,
        %parallel_loop3A_467 = arith.addi %parallel_loop3A_454, %add3A_22 : vector<16xi32>
        %parallel_loop3A_468 = tpu.vector_load_idx %arg8[%parallel_loop3A_467] : memref<2432xf32, #tpu.memory_space<vmem>>[vector<16xi32>], vector<16xf32>,
        %parallel_loop3A_469 = arith.addi %parallel_loop3A_454, %add3A_25 : vector<16xi32>
        %parallel_loop3A_470 = tpu.vector_load_idx %arg8[%parallel_loop3A_469] : memref<2432xf32, #tpu.memory_space<vmem>>[vector<16xi32>], vector<16xf32>,
        %parallel_loop3A_471 = arith.addi %parallel_loop3A_454, %add3A_28 : vector<16xi32>
        %parallel_loop3A_472 = tpu.vector_load_idx %arg8[%parallel_loop3A_471] : memref<2432xf32, #tpu.memory_space<vmem>>[vector<16xi32>], vector<16xf32>,
        %parallel_loop3A_473 = arith.addi %parallel_loop3A_454, %add3A_31 : vector<16xi32>
        %parallel_loop3A_474 = tpu.vector_load_idx %arg8[%parallel_loop3A_473] : memref<2432xf32, #tpu.memory_space<vmem>>[vector<16xi32>], vector<16xf32>,
        %parallel_loop3A_475 = arith.index_cast %parallel_loop3A_458 : i32 to index
        %parallel_loop3A_476 = arith.constant 0 : index
        %parallel_loop3A_477 = tpu.vector_load %arg10[%parallel_loop3A_475, %parallel_loop3A_476] {strides = array<i32>} : memref<256x128xf32, #tpu.memory_space<vmem>>, vector<16xf32>,
        tpu.vector_store %arg10[%parallel_loop3A_475, %parallel_loop3A_476], %parallel_loop3A_460 {strides = array<i32>} : memref<256x128xf32, #tpu.memory_space<vmem>>, vector<16xf32>,
        %parallel_loop3A_478 = arith.index_cast %parallel_loop3A_458 : i32 to index
        %parallel_loop3A_479 = arith.constant 16 : index
        %parallel_loop3A_480 = tpu.vector_load %arg10[%parallel_loop3A_478, %parallel_loop3A_479] {strides = array<i32>} : memref<256x128xf32, #tpu.memory_space<vmem>>, vector<16xf32>,
        tpu.vector_store %arg10[%parallel_loop3A_478, %parallel_loop3A_479], %parallel_loop3A_462 {strides = array<i32>} : memref<256x128xf32, #tpu.memory_space<vmem>>, vector<16xf32>,
        %parallel_loop3A_481 = arith.index_cast %parallel_loop3A_458 : i32 to index
        %parallel_loop3A_482 = arith.constant 32 : index
        %parallel_loop3A_483 = tpu.vector_load %arg10[%parallel_loop3A_481, %parallel_loop3A_482] {strides = array<i32>} : memref<256x128xf32, #tpu.memory_space<vmem>>, vector<16xf32>,
        tpu.vector_store %arg10[%parallel_loop3A_481, %parallel_loop3A_482], %parallel_loop3A_464 {strides = array<i32>} : memref<256x128xf32, #tpu.memory_space<vmem>>, vector<16xf32>,
        %parallel_loop3A_484 = arith.index_cast %parallel_loop3A_458 : i32 to index
        %parallel_loop3A_485 = arith.constant 48 : index
        %parallel_loop3A_486 = tpu.vector_load %arg10[%parallel_loop3A_484, %parallel_loop3A_485] {strides = array<i32>} : memref<256x128xf32, #tpu.memory_space<vmem>>, vector<16xf32>,
        tpu.vector_store %arg10[%parallel_loop3A_484, %parallel_loop3A_485], %parallel_loop3A_466 {strides = array<i32>} : memref<256x128xf32, #tpu.memory_space<vmem>>, vector<16xf32>,
        %parallel_loop3A_487 = arith.index_cast %parallel_loop3A_458 : i32 to index
        %parallel_loop3A_488 = arith.constant 64 : index
        %parallel_loop3A_489 = tpu.vector_load %arg10[%parallel_loop3A_487, %parallel_loop3A_488] {strides = array<i32>} : memref<256x128xf32, #tpu.memory_space<vmem>>, vector<16xf32>,
        tpu.vector_store %arg10[%parallel_loop3A_487, %parallel_loop3A_488], %parallel_loop3A_468 {strides = array<i32>} : memref<256x128xf32, #tpu.memory_space<vmem>>, vector<16xf32>,
        %parallel_loop3A_490 = arith.index_cast %parallel_loop3A_458 : i32 to index
        %parallel_loop3A_491 = arith.constant 80 : index
        %parallel_loop3A_492 = tpu.vector_load %arg10[%parallel_loop3A_490, %parallel_loop3A_491] {strides = array<i32>} : memref<256x128xf32, #tpu.memory_space<vmem>>, vector<16xf32>,
        tpu.vector_store %arg10[%parallel_loop3A_490, %parallel_loop3A_491], %parallel_loop3A_470 {strides = array<i32>} : memref<256x128xf32, #tpu.memory_space<vmem>>, vector<16xf32>,
        %parallel_loop3A_493 = arith.index_cast %parallel_loop3A_458 : i32 to index
        %parallel_loop3A_494 = arith.constant 96 : index
        %parallel_loop3A_495 = tpu.vector_load %arg10[%parallel_loop3A_493, %parallel_loop3A_494] {strides = array<i32>} : memref<256x128xf32, #tpu.memory_space<vmem>>, vector<16xf32>,
        tpu.vector_store %arg10[%parallel_loop3A_493, %parallel_loop3A_494], %parallel_loop3A_472 {strides = array<i32>} : memref<256x128xf32, #tpu.memory_space<vmem>>, vector<16xf32>,
        %parallel_loop3A_496 = arith.index_cast %parallel_loop3A_458 : i32 to index
        %parallel_loop3A_497 = arith.constant 112 : index
        %parallel_loop3A_498 = tpu.vector_load %arg10[%parallel_loop3A_496, %parallel_loop3A_497] {strides = array<i32>} : memref<256x128xf32, #tpu.memory_space<vmem>>, vector<16xf32>,
        tpu.vector_store %arg10[%parallel_loop3A_496, %parallel_loop3A_497], %parallel_loop3A_474 {strides = array<i32>} : memref<256x128xf32, #tpu.memory_space<vmem>>, vector<16xf32>,
        %parallel_loop3A_499 = arith.constant 2 : i32
        %parallel_loop3A_500 = vector.broadcast %parallel_loop3A_499 : i32 to vector<16xi32>
        %parallel_loop3A_501 = vector.shape_cast %parallel_loop3A_500 : vector<16xi32> to vector<16x1xi32>
        %parallel_loop3A_502 = vector.shape_cast %parallel_loop3A_501 : vector<16x1xi32> to vector<16xi32>
        %parallel_loop3A_503 = tpu.dynamic_gather %parallel_loop3A_400[%parallel_loop3A_502] in [0] : vector<16xi32>, vector<16xi32> -> vector<16xi32>
        %parallel_loop3A_504 = arith.constant 16 : i32
        %parallel_loop3A_505 = arith.muli %parallel_loop3A_284, %parallel_loop3A_504 : i32
        %parallel_loop3A_506 = arith.constant 2 : i32
        %parallel_loop3A_507 = arith.addi %parallel_loop3A_505, %parallel_loop3A_506 : i32
        %parallel_loop3A_508 = arith.addi %parallel_loop3A_503, %add3A_10 : vector<16xi32>
        %parallel_loop3A_509 = tpu.vector_load_idx %arg8[%parallel_loop3A_508] : memref<2432xf32, #tpu.memory_space<vmem>>[vector<16xi32>], vector<16xf32>,
        %parallel_loop3A_510 = arith.addi %parallel_loop3A_503, %add3A_13 : vector<16xi32>
        %parallel_loop3A_511 = tpu.vector_load_idx %arg8[%parallel_loop3A_510] : memref<2432xf32, #tpu.memory_space<vmem>>[vector<16xi32>], vector<16xf32>,
        %parallel_loop3A_512 = arith.addi %parallel_loop3A_503, %add3A_16 : vector<16xi32>
        %parallel_loop3A_513 = tpu.vector_load_idx %arg8[%parallel_loop3A_512] : memref<2432xf32, #tpu.memory_space<vmem>>[vector<16xi32>], vector<16xf32>,
        %parallel_loop3A_514 = arith.addi %parallel_loop3A_503, %add3A_19 : vector<16xi32>
        %parallel_loop3A_515 = tpu.vector_load_idx %arg8[%parallel_loop3A_514] : memref<2432xf32, #tpu.memory_space<vmem>>[vector<16xi32>], vector<16xf32>,
        %parallel_loop3A_516 = arith.addi %parallel_loop3A_503, %add3A_22 : vector<16xi32>
        %parallel_loop3A_517 = tpu.vector_load_idx %arg8[%parallel_loop3A_516] : memref<2432xf32, #tpu.memory_space<vmem>>[vector<16xi32>], vector<16xf32>,
        %parallel_loop3A_518 = arith.addi %parallel_loop3A_503, %add3A_25 : vector<16xi32>
        %parallel_loop3A_519 = tpu.vector_load_idx %arg8[%parallel_loop3A_518] : memref<2432xf32, #tpu.memory_space<vmem>>[vector<16xi32>], vector<16xf32>,
        %parallel_loop3A_520 = arith.addi %parallel_loop3A_503, %add3A_28 : vector<16xi32>
        %parallel_loop3A_521 = tpu.vector_load_idx %arg8[%parallel_loop3A_520] : memref<2432xf32, #tpu.memory_space<vmem>>[vector<16xi32>], vector<16xf32>,
        %parallel_loop3A_522 = arith.addi %parallel_loop3A_503, %add3A_31 : vector<16xi32>
        %parallel_loop3A_523 = tpu.vector_load_idx %arg8[%parallel_loop3A_522] : memref<2432xf32, #tpu.memory_space<vmem>>[vector<16xi32>], vector<16xf32>,
        %parallel_loop3A_524 = arith.index_cast %parallel_loop3A_507 : i32 to index
        %parallel_loop3A_525 = arith.constant 0 : index
        %parallel_loop3A_526 = tpu.vector_load %arg10[%parallel_loop3A_524, %parallel_loop3A_525] {strides = array<i32>} : memref<256x128xf32, #tpu.memory_space<vmem>>, vector<16xf32>,
        tpu.vector_store %arg10[%parallel_loop3A_524, %parallel_loop3A_525], %parallel_loop3A_509 {strides = array<i32>} : memref<256x128xf32, #tpu.memory_space<vmem>>, vector<16xf32>,
        %parallel_loop3A_527 = arith.index_cast %parallel_loop3A_507 : i32 to index
        %parallel_loop3A_528 = arith.constant 16 : index
        %parallel_loop3A_529 = tpu.vector_load %arg10[%parallel_loop3A_527, %parallel_loop3A_528] {strides = array<i32>} : memref<256x128xf32, #tpu.memory_space<vmem>>, vector<16xf32>,
        tpu.vector_store %arg10[%parallel_loop3A_527, %parallel_loop3A_528], %parallel_loop3A_511 {strides = array<i32>} : memref<256x128xf32, #tpu.memory_space<vmem>>, vector<16xf32>,
        %parallel_loop3A_530 = arith.index_cast %parallel_loop3A_507 : i32 to index
        %parallel_loop3A_531 = arith.constant 32 : index
        %parallel_loop3A_532 = tpu.vector_load %arg10[%parallel_loop3A_530, %parallel_loop3A_531] {strides = array<i32>} : memref<256x128xf32, #tpu.memory_space<vmem>>, vector<16xf32>,
        tpu.vector_store %arg10[%parallel_loop3A_530, %parallel_loop3A_531], %parallel_loop3A_513 {strides = array<i32>} : memref<256x128xf32, #tpu.memory_space<vmem>>, vector<16xf32>,
        %parallel_loop3A_533 = arith.index_cast %parallel_loop3A_507 : i32 to index
        %parallel_loop3A_534 = arith.constant 48 : index
        %parallel_loop3A_535 = tpu.vector_load %arg10[%parallel_loop3A_533, %parallel_loop3A_534] {strides = array<i32>} : memref<256x128xf32, #tpu.memory_space<vmem>>, vector<16xf32>,
        tpu.vector_store %arg10[%parallel_loop3A_533, %parallel_loop3A_534], %parallel_loop3A_515 {strides = array<i32>} : memref<256x128xf32, #tpu.memory_space<vmem>>, vector<16xf32>,
        %parallel_loop3A_536 = arith.index_cast %parallel_loop3A_507 : i32 to index
        %parallel_loop3A_537 = arith.constant 64 : index
        %parallel_loop3A_538 = tpu.vector_load %arg10[%parallel_loop3A_536, %parallel_loop3A_537] {strides = array<i32>} : memref<256x128xf32, #tpu.memory_space<vmem>>, vector<16xf32>,
        tpu.vector_store %arg10[%parallel_loop3A_536, %parallel_loop3A_537], %parallel_loop3A_517 {strides = array<i32>} : memref<256x128xf32, #tpu.memory_space<vmem>>, vector<16xf32>,
        %parallel_loop3A_539 = arith.index_cast %parallel_loop3A_507 : i32 to index
        %parallel_loop3A_540 = arith.constant 80 : index
        %parallel_loop3A_541 = tpu.vector_load %arg10[%parallel_loop3A_539, %parallel_loop3A_540] {strides = array<i32>} : memref<256x128xf32, #tpu.memory_space<vmem>>, vector<16xf32>,
        tpu.vector_store %arg10[%parallel_loop3A_539, %parallel_loop3A_540], %parallel_loop3A_519 {strides = array<i32>} : memref<256x128xf32, #tpu.memory_space<vmem>>, vector<16xf32>,
        %parallel_loop3A_542 = arith.index_cast %parallel_loop3A_507 : i32 to index
        %parallel_loop3A_543 = arith.constant 96 : index
        %parallel_loop3A_544 = tpu.vector_load %arg10[%parallel_loop3A_542, %parallel_loop3A_543] {strides = array<i32>} : memref<256x128xf32, #tpu.memory_space<vmem>>, vector<16xf32>,
        tpu.vector_store %arg10[%parallel_loop3A_542, %parallel_loop3A_543], %parallel_loop3A_521 {strides = array<i32>} : memref<256x128xf32, #tpu.memory_space<vmem>>, vector<16xf32>,
        %parallel_loop3A_545 = arith.index_cast %parallel_loop3A_507 : i32 to index
        %parallel_loop3A_546 = arith.constant 112 : index
        %parallel_loop3A_547 = tpu.vector_load %arg10[%parallel_loop3A_545, %parallel_loop3A_546] {strides = array<i32>} : memref<256x128xf32, #tpu.memory_space<vmem>>, vector<16xf32>,
        tpu.vector_store %arg10[%parallel_loop3A_545, %parallel_loop3A_546], %parallel_loop3A_523 {strides = array<i32>} : memref<256x128xf32, #tpu.memory_space<vmem>>, vector<16xf32>,
        %parallel_loop3A_548 = arith.constant 3 : i32
        %parallel_loop3A_549 = vector.broadcast %parallel_loop3A_548 : i32 to vector<16xi32>
        %parallel_loop3A_550 = vector.shape_cast %parallel_loop3A_549 : vector<16xi32> to vector<16x1xi32>
        %parallel_loop3A_551 = vector.shape_cast %parallel_loop3A_550 : vector<16x1xi32> to vector<16xi32>
        %parallel_loop3A_552 = tpu.dynamic_gather %parallel_loop3A_400[%parallel_loop3A_551] in [0] : vector<16xi32>, vector<16xi32> -> vector<16xi32>
        %parallel_loop3A_553 = arith.constant 16 : i32
        %parallel_loop3A_554 = arith.muli %parallel_loop3A_284, %parallel_loop3A_553 : i32
        %parallel_loop3A_555 = arith.constant 3 : i32
        %parallel_loop3A_556 = arith.addi %parallel_loop3A_554, %parallel_loop3A_555 : i32
        %parallel_loop3A_557 = arith.addi %parallel_loop3A_552, %add3A_10 : vector<16xi32>
        %parallel_loop3A_558 = tpu.vector_load_idx %arg8[%parallel_loop3A_557] : memref<2432xf32, #tpu.memory_space<vmem>>[vector<16xi32>], vector<16xf32>,
        %parallel_loop3A_559 = arith.addi %parallel_loop3A_552, %add3A_13 : vector<16xi32>
        %parallel_loop3A_560 = tpu.vector_load_idx %arg8[%parallel_loop3A_559] : memref<2432xf32, #tpu.memory_space<vmem>>[vector<16xi32>], vector<16xf32>,
        %parallel_loop3A_561 = arith.addi %parallel_loop3A_552, %add3A_16 : vector<16xi32>
        %parallel_loop3A_562 = tpu.vector_load_idx %arg8[%parallel_loop3A_561] : memref<2432xf32, #tpu.memory_space<vmem>>[vector<16xi32>], vector<16xf32>,
        %parallel_loop3A_563 = arith.addi %parallel_loop3A_552, %add3A_19 : vector<16xi32>
        %parallel_loop3A_564 = tpu.vector_load_idx %arg8[%parallel_loop3A_563] : memref<2432xf32, #tpu.memory_space<vmem>>[vector<16xi32>], vector<16xf32>,
        %parallel_loop3A_565 = arith.addi %parallel_loop3A_552, %add3A_22 : vector<16xi32>
        %parallel_loop3A_566 = tpu.vector_load_idx %arg8[%parallel_loop3A_565] : memref<2432xf32, #tpu.memory_space<vmem>>[vector<16xi32>], vector<16xf32>,
        %parallel_loop3A_567 = arith.addi %parallel_loop3A_552, %add3A_25 : vector<16xi32>
        %parallel_loop3A_568 = tpu.vector_load_idx %arg8[%parallel_loop3A_567] : memref<2432xf32, #tpu.memory_space<vmem>>[vector<16xi32>], vector<16xf32>,
        %parallel_loop3A_569 = arith.addi %parallel_loop3A_552, %add3A_28 : vector<16xi32>
        %parallel_loop3A_570 = tpu.vector_load_idx %arg8[%parallel_loop3A_569] : memref<2432xf32, #tpu.memory_space<vmem>>[vector<16xi32>], vector<16xf32>,
        %parallel_loop3A_571 = arith.addi %parallel_loop3A_552, %add3A_31 : vector<16xi32>
        %parallel_loop3A_572 = tpu.vector_load_idx %arg8[%parallel_loop3A_571] : memref<2432xf32, #tpu.memory_space<vmem>>[vector<16xi32>], vector<16xf32>,
        %parallel_loop3A_573 = arith.index_cast %parallel_loop3A_556 : i32 to index
        %parallel_loop3A_574 = arith.constant 0 : index
        %parallel_loop3A_575 = tpu.vector_load %arg10[%parallel_loop3A_573, %parallel_loop3A_574] {strides = array<i32>} : memref<256x128xf32, #tpu.memory_space<vmem>>, vector<16xf32>,
        tpu.vector_store %arg10[%parallel_loop3A_573, %parallel_loop3A_574], %parallel_loop3A_558 {strides = array<i32>} : memref<256x128xf32, #tpu.memory_space<vmem>>, vector<16xf32>,
        %parallel_loop3A_576 = arith.index_cast %parallel_loop3A_556 : i32 to index
        %parallel_loop3A_577 = arith.constant 16 : index
        %parallel_loop3A_578 = tpu.vector_load %arg10[%parallel_loop3A_576, %parallel_loop3A_577] {strides = array<i32>} : memref<256x128xf32, #tpu.memory_space<vmem>>, vector<16xf32>,
        tpu.vector_store %arg10[%parallel_loop3A_576, %parallel_loop3A_577], %parallel_loop3A_560 {strides = array<i32>} : memref<256x128xf32, #tpu.memory_space<vmem>>, vector<16xf32>,
        %parallel_loop3A_579 = arith.index_cast %parallel_loop3A_556 : i32 to index
        %parallel_loop3A_580 = arith.constant 32 : index
        %parallel_loop3A_581 = tpu.vector_load %arg10[%parallel_loop3A_579, %parallel_loop3A_580] {strides = array<i32>} : memref<256x128xf32, #tpu.memory_space<vmem>>, vector<16xf32>,
        tpu.vector_store %arg10[%parallel_loop3A_579, %parallel_loop3A_580], %parallel_loop3A_562 {strides = array<i32>} : memref<256x128xf32, #tpu.memory_space<vmem>>, vector<16xf32>,
        %parallel_loop3A_582 = arith.index_cast %parallel_loop3A_556 : i32 to index
        %parallel_loop3A_583 = arith.constant 48 : index
        %parallel_loop3A_584 = tpu.vector_load %arg10[%parallel_loop3A_582, %parallel_loop3A_583] {strides = array<i32>} : memref<256x128xf32, #tpu.memory_space<vmem>>, vector<16xf32>,
        tpu.vector_store %arg10[%parallel_loop3A_582, %parallel_loop3A_583], %parallel_loop3A_564 {strides = array<i32>} : memref<256x128xf32, #tpu.memory_space<vmem>>, vector<16xf32>,
        %parallel_loop3A_585 = arith.index_cast %parallel_loop3A_556 : i32 to index
        %parallel_loop3A_586 = arith.constant 64 : index
        %parallel_loop3A_587 = tpu.vector_load %arg10[%parallel_loop3A_585, %parallel_loop3A_586] {strides = array<i32>} : memref<256x128xf32, #tpu.memory_space<vmem>>, vector<16xf32>,
        tpu.vector_store %arg10[%parallel_loop3A_585, %parallel_loop3A_586], %parallel_loop3A_566 {strides = array<i32>} : memref<256x128xf32, #tpu.memory_space<vmem>>, vector<16xf32>,
        %parallel_loop3A_588 = arith.index_cast %parallel_loop3A_556 : i32 to index
        %parallel_loop3A_589 = arith.constant 80 : index
        %parallel_loop3A_590 = tpu.vector_load %arg10[%parallel_loop3A_588, %parallel_loop3A_589] {strides = array<i32>} : memref<256x128xf32, #tpu.memory_space<vmem>>, vector<16xf32>,
        tpu.vector_store %arg10[%parallel_loop3A_588, %parallel_loop3A_589], %parallel_loop3A_568 {strides = array<i32>} : memref<256x128xf32, #tpu.memory_space<vmem>>, vector<16xf32>,
        %parallel_loop3A_591 = arith.index_cast %parallel_loop3A_556 : i32 to index
        %parallel_loop3A_592 = arith.constant 96 : index
        %parallel_loop3A_593 = tpu.vector_load %arg10[%parallel_loop3A_591, %parallel_loop3A_592] {strides = array<i32>} : memref<256x128xf32, #tpu.memory_space<vmem>>, vector<16xf32>,
        tpu.vector_store %arg10[%parallel_loop3A_591, %parallel_loop3A_592], %parallel_loop3A_570 {strides = array<i32>} : memref<256x128xf32, #tpu.memory_space<vmem>>, vector<16xf32>,
        %parallel_loop3A_594 = arith.index_cast %parallel_loop3A_556 : i32 to index
        %parallel_loop3A_595 = arith.constant 112 : index
        %parallel_loop3A_596 = tpu.vector_load %arg10[%parallel_loop3A_594, %parallel_loop3A_595] {strides = array<i32>} : memref<256x128xf32, #tpu.memory_space<vmem>>, vector<16xf32>,
        tpu.vector_store %arg10[%parallel_loop3A_594, %parallel_loop3A_595], %parallel_loop3A_572 {strides = array<i32>} : memref<256x128xf32, #tpu.memory_space<vmem>>, vector<16xf32>,
        %parallel_loop3A_597 = arith.constant 4 : i32
        %parallel_loop3A_598 = vector.broadcast %parallel_loop3A_597 : i32 to vector<16xi32>
        %parallel_loop3A_599 = vector.shape_cast %parallel_loop3A_598 : vector<16xi32> to vector<16x1xi32>
        %parallel_loop3A_600 = vector.shape_cast %parallel_loop3A_599 : vector<16x1xi32> to vector<16xi32>
        %parallel_loop3A_601 = tpu.dynamic_gather %parallel_loop3A_400[%parallel_loop3A_600] in [0] : vector<16xi32>, vector<16xi32> -> vector<16xi32>
        %parallel_loop3A_602 = arith.constant 16 : i32
        %parallel_loop3A_603 = arith.muli %parallel_loop3A_284, %parallel_loop3A_602 : i32
        %parallel_loop3A_604 = arith.constant 4 : i32
        %parallel_loop3A_605 = arith.addi %parallel_loop3A_603, %parallel_loop3A_604 : i32
        %parallel_loop3A_606 = arith.addi %parallel_loop3A_601, %add3A_10 : vector<16xi32>
        %parallel_loop3A_607 = tpu.vector_load_idx %arg8[%parallel_loop3A_606] : memref<2432xf32, #tpu.memory_space<vmem>>[vector<16xi32>], vector<16xf32>,
        %parallel_loop3A_608 = arith.addi %parallel_loop3A_601, %add3A_13 : vector<16xi32>
        %parallel_loop3A_609 = tpu.vector_load_idx %arg8[%parallel_loop3A_608] : memref<2432xf32, #tpu.memory_space<vmem>>[vector<16xi32>], vector<16xf32>,
        %parallel_loop3A_610 = arith.addi %parallel_loop3A_601, %add3A_16 : vector<16xi32>
        %parallel_loop3A_611 = tpu.vector_load_idx %arg8[%parallel_loop3A_610] : memref<2432xf32, #tpu.memory_space<vmem>>[vector<16xi32>], vector<16xf32>,
        %parallel_loop3A_612 = arith.addi %parallel_loop3A_601, %add3A_19 : vector<16xi32>
        %parallel_loop3A_613 = tpu.vector_load_idx %arg8[%parallel_loop3A_612] : memref<2432xf32, #tpu.memory_space<vmem>>[vector<16xi32>], vector<16xf32>,
        %parallel_loop3A_614 = arith.addi %parallel_loop3A_601, %add3A_22 : vector<16xi32>
        %parallel_loop3A_615 = tpu.vector_load_idx %arg8[%parallel_loop3A_614] : memref<2432xf32, #tpu.memory_space<vmem>>[vector<16xi32>], vector<16xf32>,
        %parallel_loop3A_616 = arith.addi %parallel_loop3A_601, %add3A_25 : vector<16xi32>
        %parallel_loop3A_617 = tpu.vector_load_idx %arg8[%parallel_loop3A_616] : memref<2432xf32, #tpu.memory_space<vmem>>[vector<16xi32>], vector<16xf32>,
        %parallel_loop3A_618 = arith.addi %parallel_loop3A_601, %add3A_28 : vector<16xi32>
        %parallel_loop3A_619 = tpu.vector_load_idx %arg8[%parallel_loop3A_618] : memref<2432xf32, #tpu.memory_space<vmem>>[vector<16xi32>], vector<16xf32>,
        %parallel_loop3A_620 = arith.addi %parallel_loop3A_601, %add3A_31 : vector<16xi32>
        %parallel_loop3A_621 = tpu.vector_load_idx %arg8[%parallel_loop3A_620] : memref<2432xf32, #tpu.memory_space<vmem>>[vector<16xi32>], vector<16xf32>,
        %parallel_loop3A_622 = arith.index_cast %parallel_loop3A_605 : i32 to index
        %parallel_loop3A_623 = arith.constant 0 : index
        %parallel_loop3A_624 = tpu.vector_load %arg10[%parallel_loop3A_622, %parallel_loop3A_623] {strides = array<i32>} : memref<256x128xf32, #tpu.memory_space<vmem>>, vector<16xf32>,
        tpu.vector_store %arg10[%parallel_loop3A_622, %parallel_loop3A_623], %parallel_loop3A_607 {strides = array<i32>} : memref<256x128xf32, #tpu.memory_space<vmem>>, vector<16xf32>,
        %parallel_loop3A_625 = arith.index_cast %parallel_loop3A_605 : i32 to index
        %parallel_loop3A_626 = arith.constant 16 : index
        %parallel_loop3A_627 = tpu.vector_load %arg10[%parallel_loop3A_625, %parallel_loop3A_626] {strides = array<i32>} : memref<256x128xf32, #tpu.memory_space<vmem>>, vector<16xf32>,
        tpu.vector_store %arg10[%parallel_loop3A_625, %parallel_loop3A_626], %parallel_loop3A_609 {strides = array<i32>} : memref<256x128xf32, #tpu.memory_space<vmem>>, vector<16xf32>,
        %parallel_loop3A_628 = arith.index_cast %parallel_loop3A_605 : i32 to index
        %parallel_loop3A_629 = arith.constant 32 : index
        %parallel_loop3A_630 = tpu.vector_load %arg10[%parallel_loop3A_628, %parallel_loop3A_629] {strides = array<i32>} : memref<256x128xf32, #tpu.memory_space<vmem>>, vector<16xf32>,
        tpu.vector_store %arg10[%parallel_loop3A_628, %parallel_loop3A_629], %parallel_loop3A_611 {strides = array<i32>} : memref<256x128xf32, #tpu.memory_space<vmem>>, vector<16xf32>,
        %parallel_loop3A_631 = arith.index_cast %parallel_loop3A_605 : i32 to index
        %parallel_loop3A_632 = arith.constant 48 : index
        %parallel_loop3A_633 = tpu.vector_load %arg10[%parallel_loop3A_631, %parallel_loop3A_632] {strides = array<i32>} : memref<256x128xf32, #tpu.memory_space<vmem>>, vector<16xf32>,
        tpu.vector_store %arg10[%parallel_loop3A_631, %parallel_loop3A_632], %parallel_loop3A_613 {strides = array<i32>} : memref<256x128xf32, #tpu.memory_space<vmem>>, vector<16xf32>,
        %parallel_loop3A_634 = arith.index_cast %parallel_loop3A_605 : i32 to index
        %parallel_loop3A_635 = arith.constant 64 : index
        %parallel_loop3A_636 = tpu.vector_load %arg10[%parallel_loop3A_634, %parallel_loop3A_635] {strides = array<i32>} : memref<256x128xf32, #tpu.memory_space<vmem>>, vector<16xf32>,
        tpu.vector_store %arg10[%parallel_loop3A_634, %parallel_loop3A_635], %parallel_loop3A_615 {strides = array<i32>} : memref<256x128xf32, #tpu.memory_space<vmem>>, vector<16xf32>,
        %parallel_loop3A_637 = arith.index_cast %parallel_loop3A_605 : i32 to index
        %parallel_loop3A_638 = arith.constant 80 : index
        %parallel_loop3A_639 = tpu.vector_load %arg10[%parallel_loop3A_637, %parallel_loop3A_638] {strides = array<i32>} : memref<256x128xf32, #tpu.memory_space<vmem>>, vector<16xf32>,
        tpu.vector_store %arg10[%parallel_loop3A_637, %parallel_loop3A_638], %parallel_loop3A_617 {strides = array<i32>} : memref<256x128xf32, #tpu.memory_space<vmem>>, vector<16xf32>,
        %parallel_loop3A_640 = arith.index_cast %parallel_loop3A_605 : i32 to index
        %parallel_loop3A_641 = arith.constant 96 : index
        %parallel_loop3A_642 = tpu.vector_load %arg10[%parallel_loop3A_640, %parallel_loop3A_641] {strides = array<i32>} : memref<256x128xf32, #tpu.memory_space<vmem>>, vector<16xf32>,
        tpu.vector_store %arg10[%parallel_loop3A_640, %parallel_loop3A_641], %parallel_loop3A_619 {strides = array<i32>} : memref<256x128xf32, #tpu.memory_space<vmem>>, vector<16xf32>,
        %parallel_loop3A_643 = arith.index_cast %parallel_loop3A_605 : i32 to index
        %parallel_loop3A_644 = arith.constant 112 : index
        %parallel_loop3A_645 = tpu.vector_load %arg10[%parallel_loop3A_643, %parallel_loop3A_644] {strides = array<i32>} : memref<256x128xf32, #tpu.memory_space<vmem>>, vector<16xf32>,
        tpu.vector_store %arg10[%parallel_loop3A_643, %parallel_loop3A_644], %parallel_loop3A_621 {strides = array<i32>} : memref<256x128xf32, #tpu.memory_space<vmem>>, vector<16xf32>,
        %parallel_loop3A_646 = arith.constant 5 : i32
        %parallel_loop3A_647 = vector.broadcast %parallel_loop3A_646 : i32 to vector<16xi32>
        %parallel_loop3A_648 = vector.shape_cast %parallel_loop3A_647 : vector<16xi32> to vector<16x1xi32>
        %parallel_loop3A_649 = vector.shape_cast %parallel_loop3A_648 : vector<16x1xi32> to vector<16xi32>
        %parallel_loop3A_650 = tpu.dynamic_gather %parallel_loop3A_400[%parallel_loop3A_649] in [0] : vector<16xi32>, vector<16xi32> -> vector<16xi32>
        %parallel_loop3A_651 = arith.constant 16 : i32
        %parallel_loop3A_652 = arith.muli %parallel_loop3A_284, %parallel_loop3A_651 : i32
        %parallel_loop3A_653 = arith.constant 5 : i32
        %parallel_loop3A_654 = arith.addi %parallel_loop3A_652, %parallel_loop3A_653 : i32
        %parallel_loop3A_655 = arith.addi %parallel_loop3A_650, %add3A_10 : vector<16xi32>
        %parallel_loop3A_656 = tpu.vector_load_idx %arg8[%parallel_loop3A_655] : memref<2432xf32, #tpu.memory_space<vmem>>[vector<16xi32>], vector<16xf32>,
        %parallel_loop3A_657 = arith.addi %parallel_loop3A_650, %add3A_13 : vector<16xi32>
        %parallel_loop3A_658 = tpu.vector_load_idx %arg8[%parallel_loop3A_657] : memref<2432xf32, #tpu.memory_space<vmem>>[vector<16xi32>], vector<16xf32>,
        %parallel_loop3A_659 = arith.addi %parallel_loop3A_650, %add3A_16 : vector<16xi32>
        %parallel_loop3A_660 = tpu.vector_load_idx %arg8[%parallel_loop3A_659] : memref<2432xf32, #tpu.memory_space<vmem>>[vector<16xi32>], vector<16xf32>,
        %parallel_loop3A_661 = arith.addi %parallel_loop3A_650, %add3A_19 : vector<16xi32>
        %parallel_loop3A_662 = tpu.vector_load_idx %arg8[%parallel_loop3A_661] : memref<2432xf32, #tpu.memory_space<vmem>>[vector<16xi32>], vector<16xf32>,
        %parallel_loop3A_663 = arith.addi %parallel_loop3A_650, %add3A_22 : vector<16xi32>
        %parallel_loop3A_664 = tpu.vector_load_idx %arg8[%parallel_loop3A_663] : memref<2432xf32, #tpu.memory_space<vmem>>[vector<16xi32>], vector<16xf32>,
        %parallel_loop3A_665 = arith.addi %parallel_loop3A_650, %add3A_25 : vector<16xi32>
        %parallel_loop3A_666 = tpu.vector_load_idx %arg8[%parallel_loop3A_665] : memref<2432xf32, #tpu.memory_space<vmem>>[vector<16xi32>], vector<16xf32>,
        %parallel_loop3A_667 = arith.addi %parallel_loop3A_650, %add3A_28 : vector<16xi32>
        %parallel_loop3A_668 = tpu.vector_load_idx %arg8[%parallel_loop3A_667] : memref<2432xf32, #tpu.memory_space<vmem>>[vector<16xi32>], vector<16xf32>,
        %parallel_loop3A_669 = arith.addi %parallel_loop3A_650, %add3A_31 : vector<16xi32>
        %parallel_loop3A_670 = tpu.vector_load_idx %arg8[%parallel_loop3A_669] : memref<2432xf32, #tpu.memory_space<vmem>>[vector<16xi32>], vector<16xf32>,
        %parallel_loop3A_671 = arith.index_cast %parallel_loop3A_654 : i32 to index
        %parallel_loop3A_672 = arith.constant 0 : index
        %parallel_loop3A_673 = tpu.vector_load %arg10[%parallel_loop3A_671, %parallel_loop3A_672] {strides = array<i32>} : memref<256x128xf32, #tpu.memory_space<vmem>>, vector<16xf32>,
        tpu.vector_store %arg10[%parallel_loop3A_671, %parallel_loop3A_672], %parallel_loop3A_656 {strides = array<i32>} : memref<256x128xf32, #tpu.memory_space<vmem>>, vector<16xf32>,
        %parallel_loop3A_674 = arith.index_cast %parallel_loop3A_654 : i32 to index
        %parallel_loop3A_675 = arith.constant 16 : index
        %parallel_loop3A_676 = tpu.vector_load %arg10[%parallel_loop3A_674, %parallel_loop3A_675] {strides = array<i32>} : memref<256x128xf32, #tpu.memory_space<vmem>>, vector<16xf32>,
        tpu.vector_store %arg10[%parallel_loop3A_674, %parallel_loop3A_675], %parallel_loop3A_658 {strides = array<i32>} : memref<256x128xf32, #tpu.memory_space<vmem>>, vector<16xf32>,
        %parallel_loop3A_677 = arith.index_cast %parallel_loop3A_654 : i32 to index
        %parallel_loop3A_678 = arith.constant 32 : index
        %parallel_loop3A_679 = tpu.vector_load %arg10[%parallel_loop3A_677, %parallel_loop3A_678] {strides = array<i32>} : memref<256x128xf32, #tpu.memory_space<vmem>>, vector<16xf32>,
        tpu.vector_store %arg10[%parallel_loop3A_677, %parallel_loop3A_678], %parallel_loop3A_660 {strides = array<i32>} : memref<256x128xf32, #tpu.memory_space<vmem>>, vector<16xf32>,
        %parallel_loop3A_680 = arith.index_cast %parallel_loop3A_654 : i32 to index
        %parallel_loop3A_681 = arith.constant 48 : index
        %parallel_loop3A_682 = tpu.vector_load %arg10[%parallel_loop3A_680, %parallel_loop3A_681] {strides = array<i32>} : memref<256x128xf32, #tpu.memory_space<vmem>>, vector<16xf32>,
        tpu.vector_store %arg10[%parallel_loop3A_680, %parallel_loop3A_681], %parallel_loop3A_662 {strides = array<i32>} : memref<256x128xf32, #tpu.memory_space<vmem>>, vector<16xf32>,
        %parallel_loop3A_683 = arith.index_cast %parallel_loop3A_654 : i32 to index
        %parallel_loop3A_684 = arith.constant 64 : index
        %parallel_loop3A_685 = tpu.vector_load %arg10[%parallel_loop3A_683, %parallel_loop3A_684] {strides = array<i32>} : memref<256x128xf32, #tpu.memory_space<vmem>>, vector<16xf32>,
        tpu.vector_store %arg10[%parallel_loop3A_683, %parallel_loop3A_684], %parallel_loop3A_664 {strides = array<i32>} : memref<256x128xf32, #tpu.memory_space<vmem>>, vector<16xf32>,
        %parallel_loop3A_686 = arith.index_cast %parallel_loop3A_654 : i32 to index
        %parallel_loop3A_687 = arith.constant 80 : index
        %parallel_loop3A_688 = tpu.vector_load %arg10[%parallel_loop3A_686, %parallel_loop3A_687] {strides = array<i32>} : memref<256x128xf32, #tpu.memory_space<vmem>>, vector<16xf32>,
        tpu.vector_store %arg10[%parallel_loop3A_686, %parallel_loop3A_687], %parallel_loop3A_666 {strides = array<i32>} : memref<256x128xf32, #tpu.memory_space<vmem>>, vector<16xf32>,
        %parallel_loop3A_689 = arith.index_cast %parallel_loop3A_654 : i32 to index
        %parallel_loop3A_690 = arith.constant 96 : index
        %parallel_loop3A_691 = tpu.vector_load %arg10[%parallel_loop3A_689, %parallel_loop3A_690] {strides = array<i32>} : memref<256x128xf32, #tpu.memory_space<vmem>>, vector<16xf32>,
        tpu.vector_store %arg10[%parallel_loop3A_689, %parallel_loop3A_690], %parallel_loop3A_668 {strides = array<i32>} : memref<256x128xf32, #tpu.memory_space<vmem>>, vector<16xf32>,
        %parallel_loop3A_692 = arith.index_cast %parallel_loop3A_654 : i32 to index
        %parallel_loop3A_693 = arith.constant 112 : index
        %parallel_loop3A_694 = tpu.vector_load %arg10[%parallel_loop3A_692, %parallel_loop3A_693] {strides = array<i32>} : memref<256x128xf32, #tpu.memory_space<vmem>>, vector<16xf32>,
        tpu.vector_store %arg10[%parallel_loop3A_692, %parallel_loop3A_693], %parallel_loop3A_670 {strides = array<i32>} : memref<256x128xf32, #tpu.memory_space<vmem>>, vector<16xf32>,
        %parallel_loop3A_695 = arith.constant 6 : i32
        %parallel_loop3A_696 = vector.broadcast %parallel_loop3A_695 : i32 to vector<16xi32>
        %parallel_loop3A_697 = vector.shape_cast %parallel_loop3A_696 : vector<16xi32> to vector<16x1xi32>
        %parallel_loop3A_698 = vector.shape_cast %parallel_loop3A_697 : vector<16x1xi32> to vector<16xi32>
        %parallel_loop3A_699 = tpu.dynamic_gather %parallel_loop3A_400[%parallel_loop3A_698] in [0] : vector<16xi32>, vector<16xi32> -> vector<16xi32>
        %parallel_loop3A_700 = arith.constant 16 : i32
        %parallel_loop3A_701 = arith.muli %parallel_loop3A_284, %parallel_loop3A_700 : i32
        %parallel_loop3A_702 = arith.constant 6 : i32
        %parallel_loop3A_703 = arith.addi %parallel_loop3A_701, %parallel_loop3A_702 : i32
        %parallel_loop3A_704 = arith.addi %parallel_loop3A_699, %add3A_10 : vector<16xi32>
        %parallel_loop3A_705 = tpu.vector_load_idx %arg8[%parallel_loop3A_704] : memref<2432xf32, #tpu.memory_space<vmem>>[vector<16xi32>], vector<16xf32>,
        %parallel_loop3A_706 = arith.addi %parallel_loop3A_699, %add3A_13 : vector<16xi32>
        %parallel_loop3A_707 = tpu.vector_load_idx %arg8[%parallel_loop3A_706] : memref<2432xf32, #tpu.memory_space<vmem>>[vector<16xi32>], vector<16xf32>,
        %parallel_loop3A_708 = arith.addi %parallel_loop3A_699, %add3A_16 : vector<16xi32>
        %parallel_loop3A_709 = tpu.vector_load_idx %arg8[%parallel_loop3A_708] : memref<2432xf32, #tpu.memory_space<vmem>>[vector<16xi32>], vector<16xf32>,
        %parallel_loop3A_710 = arith.addi %parallel_loop3A_699, %add3A_19 : vector<16xi32>
        %parallel_loop3A_711 = tpu.vector_load_idx %arg8[%parallel_loop3A_710] : memref<2432xf32, #tpu.memory_space<vmem>>[vector<16xi32>], vector<16xf32>,
        %parallel_loop3A_712 = arith.addi %parallel_loop3A_699, %add3A_22 : vector<16xi32>
        %parallel_loop3A_713 = tpu.vector_load_idx %arg8[%parallel_loop3A_712] : memref<2432xf32, #tpu.memory_space<vmem>>[vector<16xi32>], vector<16xf32>,
        %parallel_loop3A_714 = arith.addi %parallel_loop3A_699, %add3A_25 : vector<16xi32>
        %parallel_loop3A_715 = tpu.vector_load_idx %arg8[%parallel_loop3A_714] : memref<2432xf32, #tpu.memory_space<vmem>>[vector<16xi32>], vector<16xf32>,
        %parallel_loop3A_716 = arith.addi %parallel_loop3A_699, %add3A_28 : vector<16xi32>
        %parallel_loop3A_717 = tpu.vector_load_idx %arg8[%parallel_loop3A_716] : memref<2432xf32, #tpu.memory_space<vmem>>[vector<16xi32>], vector<16xf32>,
        %parallel_loop3A_718 = arith.addi %parallel_loop3A_699, %add3A_31 : vector<16xi32>
        %parallel_loop3A_719 = tpu.vector_load_idx %arg8[%parallel_loop3A_718] : memref<2432xf32, #tpu.memory_space<vmem>>[vector<16xi32>], vector<16xf32>,
        %parallel_loop3A_720 = arith.index_cast %parallel_loop3A_703 : i32 to index
        %parallel_loop3A_721 = arith.constant 0 : index
        %parallel_loop3A_722 = tpu.vector_load %arg10[%parallel_loop3A_720, %parallel_loop3A_721] {strides = array<i32>} : memref<256x128xf32, #tpu.memory_space<vmem>>, vector<16xf32>,
        tpu.vector_store %arg10[%parallel_loop3A_720, %parallel_loop3A_721], %parallel_loop3A_705 {strides = array<i32>} : memref<256x128xf32, #tpu.memory_space<vmem>>, vector<16xf32>,
        %parallel_loop3A_723 = arith.index_cast %parallel_loop3A_703 : i32 to index
        %parallel_loop3A_724 = arith.constant 16 : index
        %parallel_loop3A_725 = tpu.vector_load %arg10[%parallel_loop3A_723, %parallel_loop3A_724] {strides = array<i32>} : memref<256x128xf32, #tpu.memory_space<vmem>>, vector<16xf32>,
        tpu.vector_store %arg10[%parallel_loop3A_723, %parallel_loop3A_724], %parallel_loop3A_707 {strides = array<i32>} : memref<256x128xf32, #tpu.memory_space<vmem>>, vector<16xf32>,
        %parallel_loop3A_726 = arith.index_cast %parallel_loop3A_703 : i32 to index
        %parallel_loop3A_727 = arith.constant 32 : index
        %parallel_loop3A_728 = tpu.vector_load %arg10[%parallel_loop3A_726, %parallel_loop3A_727] {strides = array<i32>} : memref<256x128xf32, #tpu.memory_space<vmem>>, vector<16xf32>,
        tpu.vector_store %arg10[%parallel_loop3A_726, %parallel_loop3A_727], %parallel_loop3A_709 {strides = array<i32>} : memref<256x128xf32, #tpu.memory_space<vmem>>, vector<16xf32>,
        %parallel_loop3A_729 = arith.index_cast %parallel_loop3A_703 : i32 to index
        %parallel_loop3A_730 = arith.constant 48 : index
        %parallel_loop3A_731 = tpu.vector_load %arg10[%parallel_loop3A_729, %parallel_loop3A_730] {strides = array<i32>} : memref<256x128xf32, #tpu.memory_space<vmem>>, vector<16xf32>,
        tpu.vector_store %arg10[%parallel_loop3A_729, %parallel_loop3A_730], %parallel_loop3A_711 {strides = array<i32>} : memref<256x128xf32, #tpu.memory_space<vmem>>, vector<16xf32>,
        %parallel_loop3A_732 = arith.index_cast %parallel_loop3A_703 : i32 to index
        %parallel_loop3A_733 = arith.constant 64 : index
        %parallel_loop3A_734 = tpu.vector_load %arg10[%parallel_loop3A_732, %parallel_loop3A_733] {strides = array<i32>} : memref<256x128xf32, #tpu.memory_space<vmem>>, vector<16xf32>,
        tpu.vector_store %arg10[%parallel_loop3A_732, %parallel_loop3A_733], %parallel_loop3A_713 {strides = array<i32>} : memref<256x128xf32, #tpu.memory_space<vmem>>, vector<16xf32>,
        %parallel_loop3A_735 = arith.index_cast %parallel_loop3A_703 : i32 to index
        %parallel_loop3A_736 = arith.constant 80 : index
        %parallel_loop3A_737 = tpu.vector_load %arg10[%parallel_loop3A_735, %parallel_loop3A_736] {strides = array<i32>} : memref<256x128xf32, #tpu.memory_space<vmem>>, vector<16xf32>,
        tpu.vector_store %arg10[%parallel_loop3A_735, %parallel_loop3A_736], %parallel_loop3A_715 {strides = array<i32>} : memref<256x128xf32, #tpu.memory_space<vmem>>, vector<16xf32>,
        %parallel_loop3A_738 = arith.index_cast %parallel_loop3A_703 : i32 to index
        %parallel_loop3A_739 = arith.constant 96 : index
        %parallel_loop3A_740 = tpu.vector_load %arg10[%parallel_loop3A_738, %parallel_loop3A_739] {strides = array<i32>} : memref<256x128xf32, #tpu.memory_space<vmem>>, vector<16xf32>,
        tpu.vector_store %arg10[%parallel_loop3A_738, %parallel_loop3A_739], %parallel_loop3A_717 {strides = array<i32>} : memref<256x128xf32, #tpu.memory_space<vmem>>, vector<16xf32>,
        %parallel_loop3A_741 = arith.index_cast %parallel_loop3A_703 : i32 to index
        %parallel_loop3A_742 = arith.constant 112 : index
        %parallel_loop3A_743 = tpu.vector_load %arg10[%parallel_loop3A_741, %parallel_loop3A_742] {strides = array<i32>} : memref<256x128xf32, #tpu.memory_space<vmem>>, vector<16xf32>,
        tpu.vector_store %arg10[%parallel_loop3A_741, %parallel_loop3A_742], %parallel_loop3A_719 {strides = array<i32>} : memref<256x128xf32, #tpu.memory_space<vmem>>, vector<16xf32>,
        %parallel_loop3A_744 = arith.constant 7 : i32
        %parallel_loop3A_745 = vector.broadcast %parallel_loop3A_744 : i32 to vector<16xi32>
        %parallel_loop3A_746 = vector.shape_cast %parallel_loop3A_745 : vector<16xi32> to vector<16x1xi32>
        %parallel_loop3A_747 = vector.shape_cast %parallel_loop3A_746 : vector<16x1xi32> to vector<16xi32>
        %parallel_loop3A_748 = tpu.dynamic_gather %parallel_loop3A_400[%parallel_loop3A_747] in [0] : vector<16xi32>, vector<16xi32> -> vector<16xi32>
        %parallel_loop3A_749 = arith.constant 16 : i32
        %parallel_loop3A_750 = arith.muli %parallel_loop3A_284, %parallel_loop3A_749 : i32
        %parallel_loop3A_751 = arith.constant 7 : i32
        %parallel_loop3A_752 = arith.addi %parallel_loop3A_750, %parallel_loop3A_751 : i32
        %parallel_loop3A_753 = arith.addi %parallel_loop3A_748, %add3A_10 : vector<16xi32>
        %parallel_loop3A_754 = tpu.vector_load_idx %arg8[%parallel_loop3A_753] : memref<2432xf32, #tpu.memory_space<vmem>>[vector<16xi32>], vector<16xf32>,
        %parallel_loop3A_755 = arith.addi %parallel_loop3A_748, %add3A_13 : vector<16xi32>
        %parallel_loop3A_756 = tpu.vector_load_idx %arg8[%parallel_loop3A_755] : memref<2432xf32, #tpu.memory_space<vmem>>[vector<16xi32>], vector<16xf32>,
        %parallel_loop3A_757 = arith.addi %parallel_loop3A_748, %add3A_16 : vector<16xi32>
        %parallel_loop3A_758 = tpu.vector_load_idx %arg8[%parallel_loop3A_757] : memref<2432xf32, #tpu.memory_space<vmem>>[vector<16xi32>], vector<16xf32>,
        %parallel_loop3A_759 = arith.addi %parallel_loop3A_748, %add3A_19 : vector<16xi32>
        %parallel_loop3A_760 = tpu.vector_load_idx %arg8[%parallel_loop3A_759] : memref<2432xf32, #tpu.memory_space<vmem>>[vector<16xi32>], vector<16xf32>,
        %parallel_loop3A_761 = arith.addi %parallel_loop3A_748, %add3A_22 : vector<16xi32>
        %parallel_loop3A_762 = tpu.vector_load_idx %arg8[%parallel_loop3A_761] : memref<2432xf32, #tpu.memory_space<vmem>>[vector<16xi32>], vector<16xf32>,
        %parallel_loop3A_763 = arith.addi %parallel_loop3A_748, %add3A_25 : vector<16xi32>
        %parallel_loop3A_764 = tpu.vector_load_idx %arg8[%parallel_loop3A_763] : memref<2432xf32, #tpu.memory_space<vmem>>[vector<16xi32>], vector<16xf32>,
        %parallel_loop3A_765 = arith.addi %parallel_loop3A_748, %add3A_28 : vector<16xi32>
        %parallel_loop3A_766 = tpu.vector_load_idx %arg8[%parallel_loop3A_765] : memref<2432xf32, #tpu.memory_space<vmem>>[vector<16xi32>], vector<16xf32>,
        %parallel_loop3A_767 = arith.addi %parallel_loop3A_748, %add3A_31 : vector<16xi32>
        %parallel_loop3A_768 = tpu.vector_load_idx %arg8[%parallel_loop3A_767] : memref<2432xf32, #tpu.memory_space<vmem>>[vector<16xi32>], vector<16xf32>,
        %parallel_loop3A_769 = arith.index_cast %parallel_loop3A_752 : i32 to index
        %parallel_loop3A_770 = arith.constant 0 : index
        %parallel_loop3A_771 = tpu.vector_load %arg10[%parallel_loop3A_769, %parallel_loop3A_770] {strides = array<i32>} : memref<256x128xf32, #tpu.memory_space<vmem>>, vector<16xf32>,
        tpu.vector_store %arg10[%parallel_loop3A_769, %parallel_loop3A_770], %parallel_loop3A_754 {strides = array<i32>} : memref<256x128xf32, #tpu.memory_space<vmem>>, vector<16xf32>,
        %parallel_loop3A_772 = arith.index_cast %parallel_loop3A_752 : i32 to index
        %parallel_loop3A_773 = arith.constant 16 : index
        %parallel_loop3A_774 = tpu.vector_load %arg10[%parallel_loop3A_772, %parallel_loop3A_773] {strides = array<i32>} : memref<256x128xf32, #tpu.memory_space<vmem>>, vector<16xf32>,
        tpu.vector_store %arg10[%parallel_loop3A_772, %parallel_loop3A_773], %parallel_loop3A_756 {strides = array<i32>} : memref<256x128xf32, #tpu.memory_space<vmem>>, vector<16xf32>,
        %parallel_loop3A_775 = arith.index_cast %parallel_loop3A_752 : i32 to index
        %parallel_loop3A_776 = arith.constant 32 : index
        %parallel_loop3A_777 = tpu.vector_load %arg10[%parallel_loop3A_775, %parallel_loop3A_776] {strides = array<i32>} : memref<256x128xf32, #tpu.memory_space<vmem>>, vector<16xf32>,
        tpu.vector_store %arg10[%parallel_loop3A_775, %parallel_loop3A_776], %parallel_loop3A_758 {strides = array<i32>} : memref<256x128xf32, #tpu.memory_space<vmem>>, vector<16xf32>,
        %parallel_loop3A_778 = arith.index_cast %parallel_loop3A_752 : i32 to index
        %parallel_loop3A_779 = arith.constant 48 : index
        %parallel_loop3A_780 = tpu.vector_load %arg10[%parallel_loop3A_778, %parallel_loop3A_779] {strides = array<i32>} : memref<256x128xf32, #tpu.memory_space<vmem>>, vector<16xf32>,
        tpu.vector_store %arg10[%parallel_loop3A_778, %parallel_loop3A_779], %parallel_loop3A_760 {strides = array<i32>} : memref<256x128xf32, #tpu.memory_space<vmem>>, vector<16xf32>,
        %parallel_loop3A_781 = arith.index_cast %parallel_loop3A_752 : i32 to index
        %parallel_loop3A_782 = arith.constant 64 : index
        %parallel_loop3A_783 = tpu.vector_load %arg10[%parallel_loop3A_781, %parallel_loop3A_782] {strides = array<i32>} : memref<256x128xf32, #tpu.memory_space<vmem>>, vector<16xf32>,
        tpu.vector_store %arg10[%parallel_loop3A_781, %parallel_loop3A_782], %parallel_loop3A_762 {strides = array<i32>} : memref<256x128xf32, #tpu.memory_space<vmem>>, vector<16xf32>,
        %parallel_loop3A_784 = arith.index_cast %parallel_loop3A_752 : i32 to index
        %parallel_loop3A_785 = arith.constant 80 : index
        %parallel_loop3A_786 = tpu.vector_load %arg10[%parallel_loop3A_784, %parallel_loop3A_785] {strides = array<i32>} : memref<256x128xf32, #tpu.memory_space<vmem>>, vector<16xf32>,
        tpu.vector_store %arg10[%parallel_loop3A_784, %parallel_loop3A_785], %parallel_loop3A_764 {strides = array<i32>} : memref<256x128xf32, #tpu.memory_space<vmem>>, vector<16xf32>,
        %parallel_loop3A_787 = arith.index_cast %parallel_loop3A_752 : i32 to index
        %parallel_loop3A_788 = arith.constant 96 : index
        %parallel_loop3A_789 = tpu.vector_load %arg10[%parallel_loop3A_787, %parallel_loop3A_788] {strides = array<i32>} : memref<256x128xf32, #tpu.memory_space<vmem>>, vector<16xf32>,
        tpu.vector_store %arg10[%parallel_loop3A_787, %parallel_loop3A_788], %parallel_loop3A_766 {strides = array<i32>} : memref<256x128xf32, #tpu.memory_space<vmem>>, vector<16xf32>,
        %parallel_loop3A_790 = arith.index_cast %parallel_loop3A_752 : i32 to index
        %parallel_loop3A_791 = arith.constant 112 : index
        %parallel_loop3A_792 = tpu.vector_load %arg10[%parallel_loop3A_790, %parallel_loop3A_791] {strides = array<i32>} : memref<256x128xf32, #tpu.memory_space<vmem>>, vector<16xf32>,
        tpu.vector_store %arg10[%parallel_loop3A_790, %parallel_loop3A_791], %parallel_loop3A_768 {strides = array<i32>} : memref<256x128xf32, #tpu.memory_space<vmem>>, vector<16xf32>,
        %parallel_loop3A_793 = arith.constant 8 : i32
        %parallel_loop3A_794 = vector.broadcast %parallel_loop3A_793 : i32 to vector<16xi32>
        %parallel_loop3A_795 = vector.shape_cast %parallel_loop3A_794 : vector<16xi32> to vector<16x1xi32>
        %parallel_loop3A_796 = vector.shape_cast %parallel_loop3A_795 : vector<16x1xi32> to vector<16xi32>
        %parallel_loop3A_797 = tpu.dynamic_gather %parallel_loop3A_400[%parallel_loop3A_796] in [0] : vector<16xi32>, vector<16xi32> -> vector<16xi32>
        %parallel_loop3A_798 = arith.constant 16 : i32
        %parallel_loop3A_799 = arith.muli %parallel_loop3A_284, %parallel_loop3A_798 : i32
        %parallel_loop3A_800 = arith.constant 8 : i32
        %parallel_loop3A_801 = arith.addi %parallel_loop3A_799, %parallel_loop3A_800 : i32
        %parallel_loop3A_802 = arith.addi %parallel_loop3A_797, %add3A_10 : vector<16xi32>
        %parallel_loop3A_803 = tpu.vector_load_idx %arg8[%parallel_loop3A_802] : memref<2432xf32, #tpu.memory_space<vmem>>[vector<16xi32>], vector<16xf32>,
        %parallel_loop3A_804 = arith.addi %parallel_loop3A_797, %add3A_13 : vector<16xi32>
        %parallel_loop3A_805 = tpu.vector_load_idx %arg8[%parallel_loop3A_804] : memref<2432xf32, #tpu.memory_space<vmem>>[vector<16xi32>], vector<16xf32>,
        %parallel_loop3A_806 = arith.addi %parallel_loop3A_797, %add3A_16 : vector<16xi32>
        %parallel_loop3A_807 = tpu.vector_load_idx %arg8[%parallel_loop3A_806] : memref<2432xf32, #tpu.memory_space<vmem>>[vector<16xi32>], vector<16xf32>,
        %parallel_loop3A_808 = arith.addi %parallel_loop3A_797, %add3A_19 : vector<16xi32>
        %parallel_loop3A_809 = tpu.vector_load_idx %arg8[%parallel_loop3A_808] : memref<2432xf32, #tpu.memory_space<vmem>>[vector<16xi32>], vector<16xf32>,
        %parallel_loop3A_810 = arith.addi %parallel_loop3A_797, %add3A_22 : vector<16xi32>
        %parallel_loop3A_811 = tpu.vector_load_idx %arg8[%parallel_loop3A_810] : memref<2432xf32, #tpu.memory_space<vmem>>[vector<16xi32>], vector<16xf32>,
        %parallel_loop3A_812 = arith.addi %parallel_loop3A_797, %add3A_25 : vector<16xi32>
        %parallel_loop3A_813 = tpu.vector_load_idx %arg8[%parallel_loop3A_812] : memref<2432xf32, #tpu.memory_space<vmem>>[vector<16xi32>], vector<16xf32>,
        %parallel_loop3A_814 = arith.addi %parallel_loop3A_797, %add3A_28 : vector<16xi32>
        %parallel_loop3A_815 = tpu.vector_load_idx %arg8[%parallel_loop3A_814] : memref<2432xf32, #tpu.memory_space<vmem>>[vector<16xi32>], vector<16xf32>,
        %parallel_loop3A_816 = arith.addi %parallel_loop3A_797, %add3A_31 : vector<16xi32>
        %parallel_loop3A_817 = tpu.vector_load_idx %arg8[%parallel_loop3A_816] : memref<2432xf32, #tpu.memory_space<vmem>>[vector<16xi32>], vector<16xf32>,
        %parallel_loop3A_818 = arith.index_cast %parallel_loop3A_801 : i32 to index
        %parallel_loop3A_819 = arith.constant 0 : index
        %parallel_loop3A_820 = tpu.vector_load %arg10[%parallel_loop3A_818, %parallel_loop3A_819] {strides = array<i32>} : memref<256x128xf32, #tpu.memory_space<vmem>>, vector<16xf32>,
        tpu.vector_store %arg10[%parallel_loop3A_818, %parallel_loop3A_819], %parallel_loop3A_803 {strides = array<i32>} : memref<256x128xf32, #tpu.memory_space<vmem>>, vector<16xf32>,
        %parallel_loop3A_821 = arith.index_cast %parallel_loop3A_801 : i32 to index
        %parallel_loop3A_822 = arith.constant 16 : index
        %parallel_loop3A_823 = tpu.vector_load %arg10[%parallel_loop3A_821, %parallel_loop3A_822] {strides = array<i32>} : memref<256x128xf32, #tpu.memory_space<vmem>>, vector<16xf32>,
        tpu.vector_store %arg10[%parallel_loop3A_821, %parallel_loop3A_822], %parallel_loop3A_805 {strides = array<i32>} : memref<256x128xf32, #tpu.memory_space<vmem>>, vector<16xf32>,
        %parallel_loop3A_824 = arith.index_cast %parallel_loop3A_801 : i32 to index
        %parallel_loop3A_825 = arith.constant 32 : index
        %parallel_loop3A_826 = tpu.vector_load %arg10[%parallel_loop3A_824, %parallel_loop3A_825] {strides = array<i32>} : memref<256x128xf32, #tpu.memory_space<vmem>>, vector<16xf32>,
        tpu.vector_store %arg10[%parallel_loop3A_824, %parallel_loop3A_825], %parallel_loop3A_807 {strides = array<i32>} : memref<256x128xf32, #tpu.memory_space<vmem>>, vector<16xf32>,
        %parallel_loop3A_827 = arith.index_cast %parallel_loop3A_801 : i32 to index
        %parallel_loop3A_828 = arith.constant 48 : index
        %parallel_loop3A_829 = tpu.vector_load %arg10[%parallel_loop3A_827, %parallel_loop3A_828] {strides = array<i32>} : memref<256x128xf32, #tpu.memory_space<vmem>>, vector<16xf32>,
        tpu.vector_store %arg10[%parallel_loop3A_827, %parallel_loop3A_828], %parallel_loop3A_809 {strides = array<i32>} : memref<256x128xf32, #tpu.memory_space<vmem>>, vector<16xf32>,
        %parallel_loop3A_830 = arith.index_cast %parallel_loop3A_801 : i32 to index
        %parallel_loop3A_831 = arith.constant 64 : index
        %parallel_loop3A_832 = tpu.vector_load %arg10[%parallel_loop3A_830, %parallel_loop3A_831] {strides = array<i32>} : memref<256x128xf32, #tpu.memory_space<vmem>>, vector<16xf32>,
        tpu.vector_store %arg10[%parallel_loop3A_830, %parallel_loop3A_831], %parallel_loop3A_811 {strides = array<i32>} : memref<256x128xf32, #tpu.memory_space<vmem>>, vector<16xf32>,
        %parallel_loop3A_833 = arith.index_cast %parallel_loop3A_801 : i32 to index
        %parallel_loop3A_834 = arith.constant 80 : index
        %parallel_loop3A_835 = tpu.vector_load %arg10[%parallel_loop3A_833, %parallel_loop3A_834] {strides = array<i32>} : memref<256x128xf32, #tpu.memory_space<vmem>>, vector<16xf32>,
        tpu.vector_store %arg10[%parallel_loop3A_833, %parallel_loop3A_834], %parallel_loop3A_813 {strides = array<i32>} : memref<256x128xf32, #tpu.memory_space<vmem>>, vector<16xf32>,
        %parallel_loop3A_836 = arith.index_cast %parallel_loop3A_801 : i32 to index
        %parallel_loop3A_837 = arith.constant 96 : index
        %parallel_loop3A_838 = tpu.vector_load %arg10[%parallel_loop3A_836, %parallel_loop3A_837] {strides = array<i32>} : memref<256x128xf32, #tpu.memory_space<vmem>>, vector<16xf32>,
        tpu.vector_store %arg10[%parallel_loop3A_836, %parallel_loop3A_837], %parallel_loop3A_815 {strides = array<i32>} : memref<256x128xf32, #tpu.memory_space<vmem>>, vector<16xf32>,
        %parallel_loop3A_839 = arith.index_cast %parallel_loop3A_801 : i32 to index
        %parallel_loop3A_840 = arith.constant 112 : index
        %parallel_loop3A_841 = tpu.vector_load %arg10[%parallel_loop3A_839, %parallel_loop3A_840] {strides = array<i32>} : memref<256x128xf32, #tpu.memory_space<vmem>>, vector<16xf32>,
        tpu.vector_store %arg10[%parallel_loop3A_839, %parallel_loop3A_840], %parallel_loop3A_817 {strides = array<i32>} : memref<256x128xf32, #tpu.memory_space<vmem>>, vector<16xf32>,
        %parallel_loop3A_842 = arith.constant 9 : i32
        %parallel_loop3A_843 = vector.broadcast %parallel_loop3A_842 : i32 to vector<16xi32>
        %parallel_loop3A_844 = vector.shape_cast %parallel_loop3A_843 : vector<16xi32> to vector<16x1xi32>
        %parallel_loop3A_845 = vector.shape_cast %parallel_loop3A_844 : vector<16x1xi32> to vector<16xi32>
        %parallel_loop3A_846 = tpu.dynamic_gather %parallel_loop3A_400[%parallel_loop3A_845] in [0] : vector<16xi32>, vector<16xi32> -> vector<16xi32>
        %parallel_loop3A_847 = arith.constant 16 : i32
        %parallel_loop3A_848 = arith.muli %parallel_loop3A_284, %parallel_loop3A_847 : i32
        %parallel_loop3A_849 = arith.constant 9 : i32
        %parallel_loop3A_850 = arith.addi %parallel_loop3A_848, %parallel_loop3A_849 : i32
        %parallel_loop3A_851 = arith.addi %parallel_loop3A_846, %add3A_10 : vector<16xi32>
        %parallel_loop3A_852 = tpu.vector_load_idx %arg8[%parallel_loop3A_851] : memref<2432xf32, #tpu.memory_space<vmem>>[vector<16xi32>], vector<16xf32>,
        %parallel_loop3A_853 = arith.addi %parallel_loop3A_846, %add3A_13 : vector<16xi32>
        %parallel_loop3A_854 = tpu.vector_load_idx %arg8[%parallel_loop3A_853] : memref<2432xf32, #tpu.memory_space<vmem>>[vector<16xi32>], vector<16xf32>,
        %parallel_loop3A_855 = arith.addi %parallel_loop3A_846, %add3A_16 : vector<16xi32>
        %parallel_loop3A_856 = tpu.vector_load_idx %arg8[%parallel_loop3A_855] : memref<2432xf32, #tpu.memory_space<vmem>>[vector<16xi32>], vector<16xf32>,
        %parallel_loop3A_857 = arith.addi %parallel_loop3A_846, %add3A_19 : vector<16xi32>
        %parallel_loop3A_858 = tpu.vector_load_idx %arg8[%parallel_loop3A_857] : memref<2432xf32, #tpu.memory_space<vmem>>[vector<16xi32>], vector<16xf32>,
        %parallel_loop3A_859 = arith.addi %parallel_loop3A_846, %add3A_22 : vector<16xi32>
        %parallel_loop3A_860 = tpu.vector_load_idx %arg8[%parallel_loop3A_859] : memref<2432xf32, #tpu.memory_space<vmem>>[vector<16xi32>], vector<16xf32>,
        %parallel_loop3A_861 = arith.addi %parallel_loop3A_846, %add3A_25 : vector<16xi32>
        %parallel_loop3A_862 = tpu.vector_load_idx %arg8[%parallel_loop3A_861] : memref<2432xf32, #tpu.memory_space<vmem>>[vector<16xi32>], vector<16xf32>,
        %parallel_loop3A_863 = arith.addi %parallel_loop3A_846, %add3A_28 : vector<16xi32>
        %parallel_loop3A_864 = tpu.vector_load_idx %arg8[%parallel_loop3A_863] : memref<2432xf32, #tpu.memory_space<vmem>>[vector<16xi32>], vector<16xf32>,
        %parallel_loop3A_865 = arith.addi %parallel_loop3A_846, %add3A_31 : vector<16xi32>
        %parallel_loop3A_866 = tpu.vector_load_idx %arg8[%parallel_loop3A_865] : memref<2432xf32, #tpu.memory_space<vmem>>[vector<16xi32>], vector<16xf32>,
        %parallel_loop3A_867 = arith.index_cast %parallel_loop3A_850 : i32 to index
        %parallel_loop3A_868 = arith.constant 0 : index
        %parallel_loop3A_869 = tpu.vector_load %arg10[%parallel_loop3A_867, %parallel_loop3A_868] {strides = array<i32>} : memref<256x128xf32, #tpu.memory_space<vmem>>, vector<16xf32>,
        tpu.vector_store %arg10[%parallel_loop3A_867, %parallel_loop3A_868], %parallel_loop3A_852 {strides = array<i32>} : memref<256x128xf32, #tpu.memory_space<vmem>>, vector<16xf32>,
        %parallel_loop3A_870 = arith.index_cast %parallel_loop3A_850 : i32 to index
        %parallel_loop3A_871 = arith.constant 16 : index
        %parallel_loop3A_872 = tpu.vector_load %arg10[%parallel_loop3A_870, %parallel_loop3A_871] {strides = array<i32>} : memref<256x128xf32, #tpu.memory_space<vmem>>, vector<16xf32>,
        tpu.vector_store %arg10[%parallel_loop3A_870, %parallel_loop3A_871], %parallel_loop3A_854 {strides = array<i32>} : memref<256x128xf32, #tpu.memory_space<vmem>>, vector<16xf32>,
        %parallel_loop3A_873 = arith.index_cast %parallel_loop3A_850 : i32 to index
        %parallel_loop3A_874 = arith.constant 32 : index
        %parallel_loop3A_875 = tpu.vector_load %arg10[%parallel_loop3A_873, %parallel_loop3A_874] {strides = array<i32>} : memref<256x128xf32, #tpu.memory_space<vmem>>, vector<16xf32>,
        tpu.vector_store %arg10[%parallel_loop3A_873, %parallel_loop3A_874], %parallel_loop3A_856 {strides = array<i32>} : memref<256x128xf32, #tpu.memory_space<vmem>>, vector<16xf32>,
        %parallel_loop3A_876 = arith.index_cast %parallel_loop3A_850 : i32 to index
        %parallel_loop3A_877 = arith.constant 48 : index
        %parallel_loop3A_878 = tpu.vector_load %arg10[%parallel_loop3A_876, %parallel_loop3A_877] {strides = array<i32>} : memref<256x128xf32, #tpu.memory_space<vmem>>, vector<16xf32>,
        tpu.vector_store %arg10[%parallel_loop3A_876, %parallel_loop3A_877], %parallel_loop3A_858 {strides = array<i32>} : memref<256x128xf32, #tpu.memory_space<vmem>>, vector<16xf32>,
        %parallel_loop3A_879 = arith.index_cast %parallel_loop3A_850 : i32 to index
        %parallel_loop3A_880 = arith.constant 64 : index
        %parallel_loop3A_881 = tpu.vector_load %arg10[%parallel_loop3A_879, %parallel_loop3A_880] {strides = array<i32>} : memref<256x128xf32, #tpu.memory_space<vmem>>, vector<16xf32>,
        tpu.vector_store %arg10[%parallel_loop3A_879, %parallel_loop3A_880], %parallel_loop3A_860 {strides = array<i32>} : memref<256x128xf32, #tpu.memory_space<vmem>>, vector<16xf32>,
        %parallel_loop3A_882 = arith.index_cast %parallel_loop3A_850 : i32 to index
        %parallel_loop3A_883 = arith.constant 80 : index
        %parallel_loop3A_884 = tpu.vector_load %arg10[%parallel_loop3A_882, %parallel_loop3A_883] {strides = array<i32>} : memref<256x128xf32, #tpu.memory_space<vmem>>, vector<16xf32>,
        tpu.vector_store %arg10[%parallel_loop3A_882, %parallel_loop3A_883], %parallel_loop3A_862 {strides = array<i32>} : memref<256x128xf32, #tpu.memory_space<vmem>>, vector<16xf32>,
        %parallel_loop3A_885 = arith.index_cast %parallel_loop3A_850 : i32 to index
        %parallel_loop3A_886 = arith.constant 96 : index
        %parallel_loop3A_887 = tpu.vector_load %arg10[%parallel_loop3A_885, %parallel_loop3A_886] {strides = array<i32>} : memref<256x128xf32, #tpu.memory_space<vmem>>, vector<16xf32>,
        tpu.vector_store %arg10[%parallel_loop3A_885, %parallel_loop3A_886], %parallel_loop3A_864 {strides = array<i32>} : memref<256x128xf32, #tpu.memory_space<vmem>>, vector<16xf32>,
        %parallel_loop3A_888 = arith.index_cast %parallel_loop3A_850 : i32 to index
        %parallel_loop3A_889 = arith.constant 112 : index
        %parallel_loop3A_890 = tpu.vector_load %arg10[%parallel_loop3A_888, %parallel_loop3A_889] {strides = array<i32>} : memref<256x128xf32, #tpu.memory_space<vmem>>, vector<16xf32>,
        tpu.vector_store %arg10[%parallel_loop3A_888, %parallel_loop3A_889], %parallel_loop3A_866 {strides = array<i32>} : memref<256x128xf32, #tpu.memory_space<vmem>>, vector<16xf32>,
        %parallel_loop3A_891 = arith.constant 10 : i32
        %parallel_loop3A_892 = vector.broadcast %parallel_loop3A_891 : i32 to vector<16xi32>
        %parallel_loop3A_893 = vector.shape_cast %parallel_loop3A_892 : vector<16xi32> to vector<16x1xi32>
        %parallel_loop3A_894 = vector.shape_cast %parallel_loop3A_893 : vector<16x1xi32> to vector<16xi32>
        %parallel_loop3A_895 = tpu.dynamic_gather %parallel_loop3A_400[%parallel_loop3A_894] in [0] : vector<16xi32>, vector<16xi32> -> vector<16xi32>
        %parallel_loop3A_896 = arith.constant 16 : i32
        %parallel_loop3A_897 = arith.muli %parallel_loop3A_284, %parallel_loop3A_896 : i32
        %parallel_loop3A_898 = arith.constant 10 : i32
        %parallel_loop3A_899 = arith.addi %parallel_loop3A_897, %parallel_loop3A_898 : i32
        %parallel_loop3A_900 = arith.addi %parallel_loop3A_895, %add3A_10 : vector<16xi32>
        %parallel_loop3A_901 = tpu.vector_load_idx %arg8[%parallel_loop3A_900] : memref<2432xf32, #tpu.memory_space<vmem>>[vector<16xi32>], vector<16xf32>,
        %parallel_loop3A_902 = arith.addi %parallel_loop3A_895, %add3A_13 : vector<16xi32>
        %parallel_loop3A_903 = tpu.vector_load_idx %arg8[%parallel_loop3A_902] : memref<2432xf32, #tpu.memory_space<vmem>>[vector<16xi32>], vector<16xf32>,
        %parallel_loop3A_904 = arith.addi %parallel_loop3A_895, %add3A_16 : vector<16xi32>
        %parallel_loop3A_905 = tpu.vector_load_idx %arg8[%parallel_loop3A_904] : memref<2432xf32, #tpu.memory_space<vmem>>[vector<16xi32>], vector<16xf32>,
        %parallel_loop3A_906 = arith.addi %parallel_loop3A_895, %add3A_19 : vector<16xi32>
        %parallel_loop3A_907 = tpu.vector_load_idx %arg8[%parallel_loop3A_906] : memref<2432xf32, #tpu.memory_space<vmem>>[vector<16xi32>], vector<16xf32>,
        %parallel_loop3A_908 = arith.addi %parallel_loop3A_895, %add3A_22 : vector<16xi32>
        %parallel_loop3A_909 = tpu.vector_load_idx %arg8[%parallel_loop3A_908] : memref<2432xf32, #tpu.memory_space<vmem>>[vector<16xi32>], vector<16xf32>,
        %parallel_loop3A_910 = arith.addi %parallel_loop3A_895, %add3A_25 : vector<16xi32>
        %parallel_loop3A_911 = tpu.vector_load_idx %arg8[%parallel_loop3A_910] : memref<2432xf32, #tpu.memory_space<vmem>>[vector<16xi32>], vector<16xf32>,
        %parallel_loop3A_912 = arith.addi %parallel_loop3A_895, %add3A_28 : vector<16xi32>
        %parallel_loop3A_913 = tpu.vector_load_idx %arg8[%parallel_loop3A_912] : memref<2432xf32, #tpu.memory_space<vmem>>[vector<16xi32>], vector<16xf32>,
        %parallel_loop3A_914 = arith.addi %parallel_loop3A_895, %add3A_31 : vector<16xi32>
        %parallel_loop3A_915 = tpu.vector_load_idx %arg8[%parallel_loop3A_914] : memref<2432xf32, #tpu.memory_space<vmem>>[vector<16xi32>], vector<16xf32>,
        %parallel_loop3A_916 = arith.index_cast %parallel_loop3A_899 : i32 to index
        %parallel_loop3A_917 = arith.constant 0 : index
        %parallel_loop3A_918 = tpu.vector_load %arg10[%parallel_loop3A_916, %parallel_loop3A_917] {strides = array<i32>} : memref<256x128xf32, #tpu.memory_space<vmem>>, vector<16xf32>,
        tpu.vector_store %arg10[%parallel_loop3A_916, %parallel_loop3A_917], %parallel_loop3A_901 {strides = array<i32>} : memref<256x128xf32, #tpu.memory_space<vmem>>, vector<16xf32>,
        %parallel_loop3A_919 = arith.index_cast %parallel_loop3A_899 : i32 to index
        %parallel_loop3A_920 = arith.constant 16 : index
        %parallel_loop3A_921 = tpu.vector_load %arg10[%parallel_loop3A_919, %parallel_loop3A_920] {strides = array<i32>} : memref<256x128xf32, #tpu.memory_space<vmem>>, vector<16xf32>,
        tpu.vector_store %arg10[%parallel_loop3A_919, %parallel_loop3A_920], %parallel_loop3A_903 {strides = array<i32>} : memref<256x128xf32, #tpu.memory_space<vmem>>, vector<16xf32>,
        %parallel_loop3A_922 = arith.index_cast %parallel_loop3A_899 : i32 to index
        %parallel_loop3A_923 = arith.constant 32 : index
        %parallel_loop3A_924 = tpu.vector_load %arg10[%parallel_loop3A_922, %parallel_loop3A_923] {strides = array<i32>} : memref<256x128xf32, #tpu.memory_space<vmem>>, vector<16xf32>,
        tpu.vector_store %arg10[%parallel_loop3A_922, %parallel_loop3A_923], %parallel_loop3A_905 {strides = array<i32>} : memref<256x128xf32, #tpu.memory_space<vmem>>, vector<16xf32>,
        %parallel_loop3A_925 = arith.index_cast %parallel_loop3A_899 : i32 to index
        %parallel_loop3A_926 = arith.constant 48 : index
        %parallel_loop3A_927 = tpu.vector_load %arg10[%parallel_loop3A_925, %parallel_loop3A_926] {strides = array<i32>} : memref<256x128xf32, #tpu.memory_space<vmem>>, vector<16xf32>,
        tpu.vector_store %arg10[%parallel_loop3A_925, %parallel_loop3A_926], %parallel_loop3A_907 {strides = array<i32>} : memref<256x128xf32, #tpu.memory_space<vmem>>, vector<16xf32>,
        %parallel_loop3A_928 = arith.index_cast %parallel_loop3A_899 : i32 to index
        %parallel_loop3A_929 = arith.constant 64 : index
        %parallel_loop3A_930 = tpu.vector_load %arg10[%parallel_loop3A_928, %parallel_loop3A_929] {strides = array<i32>} : memref<256x128xf32, #tpu.memory_space<vmem>>, vector<16xf32>,
        tpu.vector_store %arg10[%parallel_loop3A_928, %parallel_loop3A_929], %parallel_loop3A_909 {strides = array<i32>} : memref<256x128xf32, #tpu.memory_space<vmem>>, vector<16xf32>,
        %parallel_loop3A_931 = arith.index_cast %parallel_loop3A_899 : i32 to index
        %parallel_loop3A_932 = arith.constant 80 : index
        %parallel_loop3A_933 = tpu.vector_load %arg10[%parallel_loop3A_931, %parallel_loop3A_932] {strides = array<i32>} : memref<256x128xf32, #tpu.memory_space<vmem>>, vector<16xf32>,
        tpu.vector_store %arg10[%parallel_loop3A_931, %parallel_loop3A_932], %parallel_loop3A_911 {strides = array<i32>} : memref<256x128xf32, #tpu.memory_space<vmem>>, vector<16xf32>,
        %parallel_loop3A_934 = arith.index_cast %parallel_loop3A_899 : i32 to index
        %parallel_loop3A_935 = arith.constant 96 : index
        %parallel_loop3A_936 = tpu.vector_load %arg10[%parallel_loop3A_934, %parallel_loop3A_935] {strides = array<i32>} : memref<256x128xf32, #tpu.memory_space<vmem>>, vector<16xf32>,
        tpu.vector_store %arg10[%parallel_loop3A_934, %parallel_loop3A_935], %parallel_loop3A_913 {strides = array<i32>} : memref<256x128xf32, #tpu.memory_space<vmem>>, vector<16xf32>,
        %parallel_loop3A_937 = arith.index_cast %parallel_loop3A_899 : i32 to index
        %parallel_loop3A_938 = arith.constant 112 : index
        %parallel_loop3A_939 = tpu.vector_load %arg10[%parallel_loop3A_937, %parallel_loop3A_938] {strides = array<i32>} : memref<256x128xf32, #tpu.memory_space<vmem>>, vector<16xf32>,
        tpu.vector_store %arg10[%parallel_loop3A_937, %parallel_loop3A_938], %parallel_loop3A_915 {strides = array<i32>} : memref<256x128xf32, #tpu.memory_space<vmem>>, vector<16xf32>,
        %parallel_loop3A_940 = arith.constant 11 : i32
        %parallel_loop3A_941 = vector.broadcast %parallel_loop3A_940 : i32 to vector<16xi32>
        %parallel_loop3A_942 = vector.shape_cast %parallel_loop3A_941 : vector<16xi32> to vector<16x1xi32>
        %parallel_loop3A_943 = vector.shape_cast %parallel_loop3A_942 : vector<16x1xi32> to vector<16xi32>
        %parallel_loop3A_944 = tpu.dynamic_gather %parallel_loop3A_400[%parallel_loop3A_943] in [0] : vector<16xi32>, vector<16xi32> -> vector<16xi32>
        %parallel_loop3A_945 = arith.constant 16 : i32
        %parallel_loop3A_946 = arith.muli %parallel_loop3A_284, %parallel_loop3A_945 : i32
        %parallel_loop3A_947 = arith.constant 11 : i32
        %parallel_loop3A_948 = arith.addi %parallel_loop3A_946, %parallel_loop3A_947 : i32
        %parallel_loop3A_949 = arith.addi %parallel_loop3A_944, %add3A_10 : vector<16xi32>
        %parallel_loop3A_950 = tpu.vector_load_idx %arg8[%parallel_loop3A_949] : memref<2432xf32, #tpu.memory_space<vmem>>[vector<16xi32>], vector<16xf32>,
        %parallel_loop3A_951 = arith.addi %parallel_loop3A_944, %add3A_13 : vector<16xi32>
        %parallel_loop3A_952 = tpu.vector_load_idx %arg8[%parallel_loop3A_951] : memref<2432xf32, #tpu.memory_space<vmem>>[vector<16xi32>], vector<16xf32>,
        %parallel_loop3A_953 = arith.addi %parallel_loop3A_944, %add3A_16 : vector<16xi32>
        %parallel_loop3A_954 = tpu.vector_load_idx %arg8[%parallel_loop3A_953] : memref<2432xf32, #tpu.memory_space<vmem>>[vector<16xi32>], vector<16xf32>,
        %parallel_loop3A_955 = arith.addi %parallel_loop3A_944, %add3A_19 : vector<16xi32>
        %parallel_loop3A_956 = tpu.vector_load_idx %arg8[%parallel_loop3A_955] : memref<2432xf32, #tpu.memory_space<vmem>>[vector<16xi32>], vector<16xf32>,
        %parallel_loop3A_957 = arith.addi %parallel_loop3A_944, %add3A_22 : vector<16xi32>
        %parallel_loop3A_958 = tpu.vector_load_idx %arg8[%parallel_loop3A_957] : memref<2432xf32, #tpu.memory_space<vmem>>[vector<16xi32>], vector<16xf32>,
        %parallel_loop3A_959 = arith.addi %parallel_loop3A_944, %add3A_25 : vector<16xi32>
        %parallel_loop3A_960 = tpu.vector_load_idx %arg8[%parallel_loop3A_959] : memref<2432xf32, #tpu.memory_space<vmem>>[vector<16xi32>], vector<16xf32>,
        %parallel_loop3A_961 = arith.addi %parallel_loop3A_944, %add3A_28 : vector<16xi32>
        %parallel_loop3A_962 = tpu.vector_load_idx %arg8[%parallel_loop3A_961] : memref<2432xf32, #tpu.memory_space<vmem>>[vector<16xi32>], vector<16xf32>,
        %parallel_loop3A_963 = arith.addi %parallel_loop3A_944, %add3A_31 : vector<16xi32>
        %parallel_loop3A_964 = tpu.vector_load_idx %arg8[%parallel_loop3A_963] : memref<2432xf32, #tpu.memory_space<vmem>>[vector<16xi32>], vector<16xf32>,
        %parallel_loop3A_965 = arith.index_cast %parallel_loop3A_948 : i32 to index
        %parallel_loop3A_966 = arith.constant 0 : index
        %parallel_loop3A_967 = tpu.vector_load %arg10[%parallel_loop3A_965, %parallel_loop3A_966] {strides = array<i32>} : memref<256x128xf32, #tpu.memory_space<vmem>>, vector<16xf32>,
        tpu.vector_store %arg10[%parallel_loop3A_965, %parallel_loop3A_966], %parallel_loop3A_950 {strides = array<i32>} : memref<256x128xf32, #tpu.memory_space<vmem>>, vector<16xf32>,
        %parallel_loop3A_968 = arith.index_cast %parallel_loop3A_948 : i32 to index
        %parallel_loop3A_969 = arith.constant 16 : index
        %parallel_loop3A_970 = tpu.vector_load %arg10[%parallel_loop3A_968, %parallel_loop3A_969] {strides = array<i32>} : memref<256x128xf32, #tpu.memory_space<vmem>>, vector<16xf32>,
        tpu.vector_store %arg10[%parallel_loop3A_968, %parallel_loop3A_969], %parallel_loop3A_952 {strides = array<i32>} : memref<256x128xf32, #tpu.memory_space<vmem>>, vector<16xf32>,
        %parallel_loop3A_971 = arith.index_cast %parallel_loop3A_948 : i32 to index
        %parallel_loop3A_972 = arith.constant 32 : index
        %parallel_loop3A_973 = tpu.vector_load %arg10[%parallel_loop3A_971, %parallel_loop3A_972] {strides = array<i32>} : memref<256x128xf32, #tpu.memory_space<vmem>>, vector<16xf32>,
        tpu.vector_store %arg10[%parallel_loop3A_971, %parallel_loop3A_972], %parallel_loop3A_954 {strides = array<i32>} : memref<256x128xf32, #tpu.memory_space<vmem>>, vector<16xf32>,
        %parallel_loop3A_974 = arith.index_cast %parallel_loop3A_948 : i32 to index
        %parallel_loop3A_975 = arith.constant 48 : index
        %parallel_loop3A_976 = tpu.vector_load %arg10[%parallel_loop3A_974, %parallel_loop3A_975] {strides = array<i32>} : memref<256x128xf32, #tpu.memory_space<vmem>>, vector<16xf32>,
        tpu.vector_store %arg10[%parallel_loop3A_974, %parallel_loop3A_975], %parallel_loop3A_956 {strides = array<i32>} : memref<256x128xf32, #tpu.memory_space<vmem>>, vector<16xf32>,
        %parallel_loop3A_977 = arith.index_cast %parallel_loop3A_948 : i32 to index
        %parallel_loop3A_978 = arith.constant 64 : index
        %parallel_loop3A_979 = tpu.vector_load %arg10[%parallel_loop3A_977, %parallel_loop3A_978] {strides = array<i32>} : memref<256x128xf32, #tpu.memory_space<vmem>>, vector<16xf32>,
        tpu.vector_store %arg10[%parallel_loop3A_977, %parallel_loop3A_978], %parallel_loop3A_958 {strides = array<i32>} : memref<256x128xf32, #tpu.memory_space<vmem>>, vector<16xf32>,
        %parallel_loop3A_980 = arith.index_cast %parallel_loop3A_948 : i32 to index
        %parallel_loop3A_981 = arith.constant 80 : index
        %parallel_loop3A_982 = tpu.vector_load %arg10[%parallel_loop3A_980, %parallel_loop3A_981] {strides = array<i32>} : memref<256x128xf32, #tpu.memory_space<vmem>>, vector<16xf32>,
        tpu.vector_store %arg10[%parallel_loop3A_980, %parallel_loop3A_981], %parallel_loop3A_960 {strides = array<i32>} : memref<256x128xf32, #tpu.memory_space<vmem>>, vector<16xf32>,
        %parallel_loop3A_983 = arith.index_cast %parallel_loop3A_948 : i32 to index
        %parallel_loop3A_984 = arith.constant 96 : index
        %parallel_loop3A_985 = tpu.vector_load %arg10[%parallel_loop3A_983, %parallel_loop3A_984] {strides = array<i32>} : memref<256x128xf32, #tpu.memory_space<vmem>>, vector<16xf32>,
        tpu.vector_store %arg10[%parallel_loop3A_983, %parallel_loop3A_984], %parallel_loop3A_962 {strides = array<i32>} : memref<256x128xf32, #tpu.memory_space<vmem>>, vector<16xf32>,
        %parallel_loop3A_986 = arith.index_cast %parallel_loop3A_948 : i32 to index
        %parallel_loop3A_987 = arith.constant 112 : index
        %parallel_loop3A_988 = tpu.vector_load %arg10[%parallel_loop3A_986, %parallel_loop3A_987] {strides = array<i32>} : memref<256x128xf32, #tpu.memory_space<vmem>>, vector<16xf32>,
        tpu.vector_store %arg10[%parallel_loop3A_986, %parallel_loop3A_987], %parallel_loop3A_964 {strides = array<i32>} : memref<256x128xf32, #tpu.memory_space<vmem>>, vector<16xf32>,
        %parallel_loop3A_989 = arith.constant 12 : i32
        %parallel_loop3A_990 = vector.broadcast %parallel_loop3A_989 : i32 to vector<16xi32>
        %parallel_loop3A_991 = vector.shape_cast %parallel_loop3A_990 : vector<16xi32> to vector<16x1xi32>
        %parallel_loop3A_992 = vector.shape_cast %parallel_loop3A_991 : vector<16x1xi32> to vector<16xi32>
        %parallel_loop3A_993 = tpu.dynamic_gather %parallel_loop3A_400[%parallel_loop3A_992] in [0] : vector<16xi32>, vector<16xi32> -> vector<16xi32>
        %parallel_loop3A_994 = arith.constant 16 : i32
        %parallel_loop3A_995 = arith.muli %parallel_loop3A_284, %parallel_loop3A_994 : i32
        %parallel_loop3A_996 = arith.constant 12 : i32
        %parallel_loop3A_997 = arith.addi %parallel_loop3A_995, %parallel_loop3A_996 : i32
        %parallel_loop3A_998 = arith.addi %parallel_loop3A_993, %add3A_10 : vector<16xi32>
        %parallel_loop3A_999 = tpu.vector_load_idx %arg8[%parallel_loop3A_998] : memref<2432xf32, #tpu.memory_space<vmem>>[vector<16xi32>], vector<16xf32>,
        %parallel_loop3A_1000 = arith.addi %parallel_loop3A_993, %add3A_13 : vector<16xi32>
        %parallel_loop3A_1001 = tpu.vector_load_idx %arg8[%parallel_loop3A_1000] : memref<2432xf32, #tpu.memory_space<vmem>>[vector<16xi32>], vector<16xf32>,
        %parallel_loop3A_1002 = arith.addi %parallel_loop3A_993, %add3A_16 : vector<16xi32>
        %parallel_loop3A_1003 = tpu.vector_load_idx %arg8[%parallel_loop3A_1002] : memref<2432xf32, #tpu.memory_space<vmem>>[vector<16xi32>], vector<16xf32>,
        %parallel_loop3A_1004 = arith.addi %parallel_loop3A_993, %add3A_19 : vector<16xi32>
        %parallel_loop3A_1005 = tpu.vector_load_idx %arg8[%parallel_loop3A_1004] : memref<2432xf32, #tpu.memory_space<vmem>>[vector<16xi32>], vector<16xf32>,
        %parallel_loop3A_1006 = arith.addi %parallel_loop3A_993, %add3A_22 : vector<16xi32>
        %parallel_loop3A_1007 = tpu.vector_load_idx %arg8[%parallel_loop3A_1006] : memref<2432xf32, #tpu.memory_space<vmem>>[vector<16xi32>], vector<16xf32>,
        %parallel_loop3A_1008 = arith.addi %parallel_loop3A_993, %add3A_25 : vector<16xi32>
        %parallel_loop3A_1009 = tpu.vector_load_idx %arg8[%parallel_loop3A_1008] : memref<2432xf32, #tpu.memory_space<vmem>>[vector<16xi32>], vector<16xf32>,
        %parallel_loop3A_1010 = arith.addi %parallel_loop3A_993, %add3A_28 : vector<16xi32>
        %parallel_loop3A_1011 = tpu.vector_load_idx %arg8[%parallel_loop3A_1010] : memref<2432xf32, #tpu.memory_space<vmem>>[vector<16xi32>], vector<16xf32>,
        %parallel_loop3A_1012 = arith.addi %parallel_loop3A_993, %add3A_31 : vector<16xi32>
        %parallel_loop3A_1013 = tpu.vector_load_idx %arg8[%parallel_loop3A_1012] : memref<2432xf32, #tpu.memory_space<vmem>>[vector<16xi32>], vector<16xf32>,
        %parallel_loop3A_1014 = arith.index_cast %parallel_loop3A_997 : i32 to index
        %parallel_loop3A_1015 = arith.constant 0 : index
        %parallel_loop3A_1016 = tpu.vector_load %arg10[%parallel_loop3A_1014, %parallel_loop3A_1015] {strides = array<i32>} : memref<256x128xf32, #tpu.memory_space<vmem>>, vector<16xf32>,
        tpu.vector_store %arg10[%parallel_loop3A_1014, %parallel_loop3A_1015], %parallel_loop3A_999 {strides = array<i32>} : memref<256x128xf32, #tpu.memory_space<vmem>>, vector<16xf32>,
        %parallel_loop3A_1017 = arith.index_cast %parallel_loop3A_997 : i32 to index
        %parallel_loop3A_1018 = arith.constant 16 : index
        %parallel_loop3A_1019 = tpu.vector_load %arg10[%parallel_loop3A_1017, %parallel_loop3A_1018] {strides = array<i32>} : memref<256x128xf32, #tpu.memory_space<vmem>>, vector<16xf32>,
        tpu.vector_store %arg10[%parallel_loop3A_1017, %parallel_loop3A_1018], %parallel_loop3A_1001 {strides = array<i32>} : memref<256x128xf32, #tpu.memory_space<vmem>>, vector<16xf32>,
        %parallel_loop3A_1020 = arith.index_cast %parallel_loop3A_997 : i32 to index
        %parallel_loop3A_1021 = arith.constant 32 : index
        %parallel_loop3A_1022 = tpu.vector_load %arg10[%parallel_loop3A_1020, %parallel_loop3A_1021] {strides = array<i32>} : memref<256x128xf32, #tpu.memory_space<vmem>>, vector<16xf32>,
        tpu.vector_store %arg10[%parallel_loop3A_1020, %parallel_loop3A_1021], %parallel_loop3A_1003 {strides = array<i32>} : memref<256x128xf32, #tpu.memory_space<vmem>>, vector<16xf32>,
        %parallel_loop3A_1023 = arith.index_cast %parallel_loop3A_997 : i32 to index
        %parallel_loop3A_1024 = arith.constant 48 : index
        %parallel_loop3A_1025 = tpu.vector_load %arg10[%parallel_loop3A_1023, %parallel_loop3A_1024] {strides = array<i32>} : memref<256x128xf32, #tpu.memory_space<vmem>>, vector<16xf32>,
        tpu.vector_store %arg10[%parallel_loop3A_1023, %parallel_loop3A_1024], %parallel_loop3A_1005 {strides = array<i32>} : memref<256x128xf32, #tpu.memory_space<vmem>>, vector<16xf32>,
        %parallel_loop3A_1026 = arith.index_cast %parallel_loop3A_997 : i32 to index
        %parallel_loop3A_1027 = arith.constant 64 : index
        %parallel_loop3A_1028 = tpu.vector_load %arg10[%parallel_loop3A_1026, %parallel_loop3A_1027] {strides = array<i32>} : memref<256x128xf32, #tpu.memory_space<vmem>>, vector<16xf32>,
        tpu.vector_store %arg10[%parallel_loop3A_1026, %parallel_loop3A_1027], %parallel_loop3A_1007 {strides = array<i32>} : memref<256x128xf32, #tpu.memory_space<vmem>>, vector<16xf32>,
        %parallel_loop3A_1029 = arith.index_cast %parallel_loop3A_997 : i32 to index
        %parallel_loop3A_1030 = arith.constant 80 : index
        %parallel_loop3A_1031 = tpu.vector_load %arg10[%parallel_loop3A_1029, %parallel_loop3A_1030] {strides = array<i32>} : memref<256x128xf32, #tpu.memory_space<vmem>>, vector<16xf32>,
        tpu.vector_store %arg10[%parallel_loop3A_1029, %parallel_loop3A_1030], %parallel_loop3A_1009 {strides = array<i32>} : memref<256x128xf32, #tpu.memory_space<vmem>>, vector<16xf32>,
        %parallel_loop3A_1032 = arith.index_cast %parallel_loop3A_997 : i32 to index
        %parallel_loop3A_1033 = arith.constant 96 : index
        %parallel_loop3A_1034 = tpu.vector_load %arg10[%parallel_loop3A_1032, %parallel_loop3A_1033] {strides = array<i32>} : memref<256x128xf32, #tpu.memory_space<vmem>>, vector<16xf32>,
        tpu.vector_store %arg10[%parallel_loop3A_1032, %parallel_loop3A_1033], %parallel_loop3A_1011 {strides = array<i32>} : memref<256x128xf32, #tpu.memory_space<vmem>>, vector<16xf32>,
        %parallel_loop3A_1035 = arith.index_cast %parallel_loop3A_997 : i32 to index
        %parallel_loop3A_1036 = arith.constant 112 : index
        %parallel_loop3A_1037 = tpu.vector_load %arg10[%parallel_loop3A_1035, %parallel_loop3A_1036] {strides = array<i32>} : memref<256x128xf32, #tpu.memory_space<vmem>>, vector<16xf32>,
        tpu.vector_store %arg10[%parallel_loop3A_1035, %parallel_loop3A_1036], %parallel_loop3A_1013 {strides = array<i32>} : memref<256x128xf32, #tpu.memory_space<vmem>>, vector<16xf32>,
        %parallel_loop3A_1038 = arith.constant 13 : i32
        %parallel_loop3A_1039 = vector.broadcast %parallel_loop3A_1038 : i32 to vector<16xi32>
        %parallel_loop3A_1040 = vector.shape_cast %parallel_loop3A_1039 : vector<16xi32> to vector<16x1xi32>
        %parallel_loop3A_1041 = vector.shape_cast %parallel_loop3A_1040 : vector<16x1xi32> to vector<16xi32>
        %parallel_loop3A_1042 = tpu.dynamic_gather %parallel_loop3A_400[%parallel_loop3A_1041] in [0] : vector<16xi32>, vector<16xi32> -> vector<16xi32>
        %parallel_loop3A_1043 = arith.constant 16 : i32
        %parallel_loop3A_1044 = arith.muli %parallel_loop3A_284, %parallel_loop3A_1043 : i32
        %parallel_loop3A_1045 = arith.constant 13 : i32
        %parallel_loop3A_1046 = arith.addi %parallel_loop3A_1044, %parallel_loop3A_1045 : i32
        %parallel_loop3A_1047 = arith.addi %parallel_loop3A_1042, %add3A_10 : vector<16xi32>
        %parallel_loop3A_1048 = tpu.vector_load_idx %arg8[%parallel_loop3A_1047] : memref<2432xf32, #tpu.memory_space<vmem>>[vector<16xi32>], vector<16xf32>,
        %parallel_loop3A_1049 = arith.addi %parallel_loop3A_1042, %add3A_13 : vector<16xi32>
        %parallel_loop3A_1050 = tpu.vector_load_idx %arg8[%parallel_loop3A_1049] : memref<2432xf32, #tpu.memory_space<vmem>>[vector<16xi32>], vector<16xf32>,
        %parallel_loop3A_1051 = arith.addi %parallel_loop3A_1042, %add3A_16 : vector<16xi32>
        %parallel_loop3A_1052 = tpu.vector_load_idx %arg8[%parallel_loop3A_1051] : memref<2432xf32, #tpu.memory_space<vmem>>[vector<16xi32>], vector<16xf32>,
        %parallel_loop3A_1053 = arith.addi %parallel_loop3A_1042, %add3A_19 : vector<16xi32>
        %parallel_loop3A_1054 = tpu.vector_load_idx %arg8[%parallel_loop3A_1053] : memref<2432xf32, #tpu.memory_space<vmem>>[vector<16xi32>], vector<16xf32>,
        %parallel_loop3A_1055 = arith.addi %parallel_loop3A_1042, %add3A_22 : vector<16xi32>
        %parallel_loop3A_1056 = tpu.vector_load_idx %arg8[%parallel_loop3A_1055] : memref<2432xf32, #tpu.memory_space<vmem>>[vector<16xi32>], vector<16xf32>,
        %parallel_loop3A_1057 = arith.addi %parallel_loop3A_1042, %add3A_25 : vector<16xi32>
        %parallel_loop3A_1058 = tpu.vector_load_idx %arg8[%parallel_loop3A_1057] : memref<2432xf32, #tpu.memory_space<vmem>>[vector<16xi32>], vector<16xf32>,
        %parallel_loop3A_1059 = arith.addi %parallel_loop3A_1042, %add3A_28 : vector<16xi32>
        %parallel_loop3A_1060 = tpu.vector_load_idx %arg8[%parallel_loop3A_1059] : memref<2432xf32, #tpu.memory_space<vmem>>[vector<16xi32>], vector<16xf32>,
        %parallel_loop3A_1061 = arith.addi %parallel_loop3A_1042, %add3A_31 : vector<16xi32>
        %parallel_loop3A_1062 = tpu.vector_load_idx %arg8[%parallel_loop3A_1061] : memref<2432xf32, #tpu.memory_space<vmem>>[vector<16xi32>], vector<16xf32>,
        %parallel_loop3A_1063 = arith.index_cast %parallel_loop3A_1046 : i32 to index
        %parallel_loop3A_1064 = arith.constant 0 : index
        %parallel_loop3A_1065 = tpu.vector_load %arg10[%parallel_loop3A_1063, %parallel_loop3A_1064] {strides = array<i32>} : memref<256x128xf32, #tpu.memory_space<vmem>>, vector<16xf32>,
        tpu.vector_store %arg10[%parallel_loop3A_1063, %parallel_loop3A_1064], %parallel_loop3A_1048 {strides = array<i32>} : memref<256x128xf32, #tpu.memory_space<vmem>>, vector<16xf32>,
        %parallel_loop3A_1066 = arith.index_cast %parallel_loop3A_1046 : i32 to index
        %parallel_loop3A_1067 = arith.constant 16 : index
        %parallel_loop3A_1068 = tpu.vector_load %arg10[%parallel_loop3A_1066, %parallel_loop3A_1067] {strides = array<i32>} : memref<256x128xf32, #tpu.memory_space<vmem>>, vector<16xf32>,
        tpu.vector_store %arg10[%parallel_loop3A_1066, %parallel_loop3A_1067], %parallel_loop3A_1050 {strides = array<i32>} : memref<256x128xf32, #tpu.memory_space<vmem>>, vector<16xf32>,
        %parallel_loop3A_1069 = arith.index_cast %parallel_loop3A_1046 : i32 to index
        %parallel_loop3A_1070 = arith.constant 32 : index
        %parallel_loop3A_1071 = tpu.vector_load %arg10[%parallel_loop3A_1069, %parallel_loop3A_1070] {strides = array<i32>} : memref<256x128xf32, #tpu.memory_space<vmem>>, vector<16xf32>,
        tpu.vector_store %arg10[%parallel_loop3A_1069, %parallel_loop3A_1070], %parallel_loop3A_1052 {strides = array<i32>} : memref<256x128xf32, #tpu.memory_space<vmem>>, vector<16xf32>,
        %parallel_loop3A_1072 = arith.index_cast %parallel_loop3A_1046 : i32 to index
        %parallel_loop3A_1073 = arith.constant 48 : index
        %parallel_loop3A_1074 = tpu.vector_load %arg10[%parallel_loop3A_1072, %parallel_loop3A_1073] {strides = array<i32>} : memref<256x128xf32, #tpu.memory_space<vmem>>, vector<16xf32>,
        tpu.vector_store %arg10[%parallel_loop3A_1072, %parallel_loop3A_1073], %parallel_loop3A_1054 {strides = array<i32>} : memref<256x128xf32, #tpu.memory_space<vmem>>, vector<16xf32>,
        %parallel_loop3A_1075 = arith.index_cast %parallel_loop3A_1046 : i32 to index
        %parallel_loop3A_1076 = arith.constant 64 : index
        %parallel_loop3A_1077 = tpu.vector_load %arg10[%parallel_loop3A_1075, %parallel_loop3A_1076] {strides = array<i32>} : memref<256x128xf32, #tpu.memory_space<vmem>>, vector<16xf32>,
        tpu.vector_store %arg10[%parallel_loop3A_1075, %parallel_loop3A_1076], %parallel_loop3A_1056 {strides = array<i32>} : memref<256x128xf32, #tpu.memory_space<vmem>>, vector<16xf32>,
        %parallel_loop3A_1078 = arith.index_cast %parallel_loop3A_1046 : i32 to index
        %parallel_loop3A_1079 = arith.constant 80 : index
        %parallel_loop3A_1080 = tpu.vector_load %arg10[%parallel_loop3A_1078, %parallel_loop3A_1079] {strides = array<i32>} : memref<256x128xf32, #tpu.memory_space<vmem>>, vector<16xf32>,
        tpu.vector_store %arg10[%parallel_loop3A_1078, %parallel_loop3A_1079], %parallel_loop3A_1058 {strides = array<i32>} : memref<256x128xf32, #tpu.memory_space<vmem>>, vector<16xf32>,
        %parallel_loop3A_1081 = arith.index_cast %parallel_loop3A_1046 : i32 to index
        %parallel_loop3A_1082 = arith.constant 96 : index
        %parallel_loop3A_1083 = tpu.vector_load %arg10[%parallel_loop3A_1081, %parallel_loop3A_1082] {strides = array<i32>} : memref<256x128xf32, #tpu.memory_space<vmem>>, vector<16xf32>,
        tpu.vector_store %arg10[%parallel_loop3A_1081, %parallel_loop3A_1082], %parallel_loop3A_1060 {strides = array<i32>} : memref<256x128xf32, #tpu.memory_space<vmem>>, vector<16xf32>,
        %parallel_loop3A_1084 = arith.index_cast %parallel_loop3A_1046 : i32 to index
        %parallel_loop3A_1085 = arith.constant 112 : index
        %parallel_loop3A_1086 = tpu.vector_load %arg10[%parallel_loop3A_1084, %parallel_loop3A_1085] {strides = array<i32>} : memref<256x128xf32, #tpu.memory_space<vmem>>, vector<16xf32>,
        tpu.vector_store %arg10[%parallel_loop3A_1084, %parallel_loop3A_1085], %parallel_loop3A_1062 {strides = array<i32>} : memref<256x128xf32, #tpu.memory_space<vmem>>, vector<16xf32>,
        %parallel_loop3A_1087 = arith.constant 14 : i32
        %parallel_loop3A_1088 = vector.broadcast %parallel_loop3A_1087 : i32 to vector<16xi32>
        %parallel_loop3A_1089 = vector.shape_cast %parallel_loop3A_1088 : vector<16xi32> to vector<16x1xi32>
        %parallel_loop3A_1090 = vector.shape_cast %parallel_loop3A_1089 : vector<16x1xi32> to vector<16xi32>
        %parallel_loop3A_1091 = tpu.dynamic_gather %parallel_loop3A_400[%parallel_loop3A_1090] in [0] : vector<16xi32>, vector<16xi32> -> vector<16xi32>
        %parallel_loop3A_1092 = arith.constant 16 : i32
        %parallel_loop3A_1093 = arith.muli %parallel_loop3A_284, %parallel_loop3A_1092 : i32
        %parallel_loop3A_1094 = arith.constant 14 : i32
        %parallel_loop3A_1095 = arith.addi %parallel_loop3A_1093, %parallel_loop3A_1094 : i32
        %parallel_loop3A_1096 = arith.addi %parallel_loop3A_1091, %add3A_10 : vector<16xi32>
        %parallel_loop3A_1097 = tpu.vector_load_idx %arg8[%parallel_loop3A_1096] : memref<2432xf32, #tpu.memory_space<vmem>>[vector<16xi32>], vector<16xf32>,
        %parallel_loop3A_1098 = arith.addi %parallel_loop3A_1091, %add3A_13 : vector<16xi32>
        %parallel_loop3A_1099 = tpu.vector_load_idx %arg8[%parallel_loop3A_1098] : memref<2432xf32, #tpu.memory_space<vmem>>[vector<16xi32>], vector<16xf32>,
        %parallel_loop3A_1100 = arith.addi %parallel_loop3A_1091, %add3A_16 : vector<16xi32>
        %parallel_loop3A_1101 = tpu.vector_load_idx %arg8[%parallel_loop3A_1100] : memref<2432xf32, #tpu.memory_space<vmem>>[vector<16xi32>], vector<16xf32>,
        %parallel_loop3A_1102 = arith.addi %parallel_loop3A_1091, %add3A_19 : vector<16xi32>
        %parallel_loop3A_1103 = tpu.vector_load_idx %arg8[%parallel_loop3A_1102] : memref<2432xf32, #tpu.memory_space<vmem>>[vector<16xi32>], vector<16xf32>,
        %parallel_loop3A_1104 = arith.addi %parallel_loop3A_1091, %add3A_22 : vector<16xi32>
        %parallel_loop3A_1105 = tpu.vector_load_idx %arg8[%parallel_loop3A_1104] : memref<2432xf32, #tpu.memory_space<vmem>>[vector<16xi32>], vector<16xf32>,
        %parallel_loop3A_1106 = arith.addi %parallel_loop3A_1091, %add3A_25 : vector<16xi32>
        %parallel_loop3A_1107 = tpu.vector_load_idx %arg8[%parallel_loop3A_1106] : memref<2432xf32, #tpu.memory_space<vmem>>[vector<16xi32>], vector<16xf32>,
        %parallel_loop3A_1108 = arith.addi %parallel_loop3A_1091, %add3A_28 : vector<16xi32>
        %parallel_loop3A_1109 = tpu.vector_load_idx %arg8[%parallel_loop3A_1108] : memref<2432xf32, #tpu.memory_space<vmem>>[vector<16xi32>], vector<16xf32>,
        %parallel_loop3A_1110 = arith.addi %parallel_loop3A_1091, %add3A_31 : vector<16xi32>
        %parallel_loop3A_1111 = tpu.vector_load_idx %arg8[%parallel_loop3A_1110] : memref<2432xf32, #tpu.memory_space<vmem>>[vector<16xi32>], vector<16xf32>,
        %parallel_loop3A_1112 = arith.index_cast %parallel_loop3A_1095 : i32 to index
        %parallel_loop3A_1113 = arith.constant 0 : index
        %parallel_loop3A_1114 = tpu.vector_load %arg10[%parallel_loop3A_1112, %parallel_loop3A_1113] {strides = array<i32>} : memref<256x128xf32, #tpu.memory_space<vmem>>, vector<16xf32>,
        tpu.vector_store %arg10[%parallel_loop3A_1112, %parallel_loop3A_1113], %parallel_loop3A_1097 {strides = array<i32>} : memref<256x128xf32, #tpu.memory_space<vmem>>, vector<16xf32>,
        %parallel_loop3A_1115 = arith.index_cast %parallel_loop3A_1095 : i32 to index
        %parallel_loop3A_1116 = arith.constant 16 : index
        %parallel_loop3A_1117 = tpu.vector_load %arg10[%parallel_loop3A_1115, %parallel_loop3A_1116] {strides = array<i32>} : memref<256x128xf32, #tpu.memory_space<vmem>>, vector<16xf32>,
        tpu.vector_store %arg10[%parallel_loop3A_1115, %parallel_loop3A_1116], %parallel_loop3A_1099 {strides = array<i32>} : memref<256x128xf32, #tpu.memory_space<vmem>>, vector<16xf32>,
        %parallel_loop3A_1118 = arith.index_cast %parallel_loop3A_1095 : i32 to index
        %parallel_loop3A_1119 = arith.constant 32 : index
        %parallel_loop3A_1120 = tpu.vector_load %arg10[%parallel_loop3A_1118, %parallel_loop3A_1119] {strides = array<i32>} : memref<256x128xf32, #tpu.memory_space<vmem>>, vector<16xf32>,
        tpu.vector_store %arg10[%parallel_loop3A_1118, %parallel_loop3A_1119], %parallel_loop3A_1101 {strides = array<i32>} : memref<256x128xf32, #tpu.memory_space<vmem>>, vector<16xf32>,
        %parallel_loop3A_1121 = arith.index_cast %parallel_loop3A_1095 : i32 to index
        %parallel_loop3A_1122 = arith.constant 48 : index
        %parallel_loop3A_1123 = tpu.vector_load %arg10[%parallel_loop3A_1121, %parallel_loop3A_1122] {strides = array<i32>} : memref<256x128xf32, #tpu.memory_space<vmem>>, vector<16xf32>,
        tpu.vector_store %arg10[%parallel_loop3A_1121, %parallel_loop3A_1122], %parallel_loop3A_1103 {strides = array<i32>} : memref<256x128xf32, #tpu.memory_space<vmem>>, vector<16xf32>,
        %parallel_loop3A_1124 = arith.index_cast %parallel_loop3A_1095 : i32 to index
        %parallel_loop3A_1125 = arith.constant 64 : index
        %parallel_loop3A_1126 = tpu.vector_load %arg10[%parallel_loop3A_1124, %parallel_loop3A_1125] {strides = array<i32>} : memref<256x128xf32, #tpu.memory_space<vmem>>, vector<16xf32>,
        tpu.vector_store %arg10[%parallel_loop3A_1124, %parallel_loop3A_1125], %parallel_loop3A_1105 {strides = array<i32>} : memref<256x128xf32, #tpu.memory_space<vmem>>, vector<16xf32>,
        %parallel_loop3A_1127 = arith.index_cast %parallel_loop3A_1095 : i32 to index
        %parallel_loop3A_1128 = arith.constant 80 : index
        %parallel_loop3A_1129 = tpu.vector_load %arg10[%parallel_loop3A_1127, %parallel_loop3A_1128] {strides = array<i32>} : memref<256x128xf32, #tpu.memory_space<vmem>>, vector<16xf32>,
        tpu.vector_store %arg10[%parallel_loop3A_1127, %parallel_loop3A_1128], %parallel_loop3A_1107 {strides = array<i32>} : memref<256x128xf32, #tpu.memory_space<vmem>>, vector<16xf32>,
        %parallel_loop3A_1130 = arith.index_cast %parallel_loop3A_1095 : i32 to index
        %parallel_loop3A_1131 = arith.constant 96 : index
        %parallel_loop3A_1132 = tpu.vector_load %arg10[%parallel_loop3A_1130, %parallel_loop3A_1131] {strides = array<i32>} : memref<256x128xf32, #tpu.memory_space<vmem>>, vector<16xf32>,
        tpu.vector_store %arg10[%parallel_loop3A_1130, %parallel_loop3A_1131], %parallel_loop3A_1109 {strides = array<i32>} : memref<256x128xf32, #tpu.memory_space<vmem>>, vector<16xf32>,
        %parallel_loop3A_1133 = arith.index_cast %parallel_loop3A_1095 : i32 to index
        %parallel_loop3A_1134 = arith.constant 112 : index
        %parallel_loop3A_1135 = tpu.vector_load %arg10[%parallel_loop3A_1133, %parallel_loop3A_1134] {strides = array<i32>} : memref<256x128xf32, #tpu.memory_space<vmem>>, vector<16xf32>,
        tpu.vector_store %arg10[%parallel_loop3A_1133, %parallel_loop3A_1134], %parallel_loop3A_1111 {strides = array<i32>} : memref<256x128xf32, #tpu.memory_space<vmem>>, vector<16xf32>,
        %parallel_loop3A_1136 = arith.constant 15 : i32
        %parallel_loop3A_1137 = vector.broadcast %parallel_loop3A_1136 : i32 to vector<16xi32>
        %parallel_loop3A_1138 = vector.shape_cast %parallel_loop3A_1137 : vector<16xi32> to vector<16x1xi32>
        %parallel_loop3A_1139 = vector.shape_cast %parallel_loop3A_1138 : vector<16x1xi32> to vector<16xi32>
        %parallel_loop3A_1140 = tpu.dynamic_gather %parallel_loop3A_400[%parallel_loop3A_1139] in [0] : vector<16xi32>, vector<16xi32> -> vector<16xi32>
        %parallel_loop3A_1141 = arith.constant 16 : i32
        %parallel_loop3A_1142 = arith.muli %parallel_loop3A_284, %parallel_loop3A_1141 : i32
        %parallel_loop3A_1143 = arith.constant 15 : i32
        %parallel_loop3A_1144 = arith.addi %parallel_loop3A_1142, %parallel_loop3A_1143 : i32
        %parallel_loop3A_1145 = arith.addi %parallel_loop3A_1140, %add3A_10 : vector<16xi32>
        %parallel_loop3A_1146 = tpu.vector_load_idx %arg8[%parallel_loop3A_1145] : memref<2432xf32, #tpu.memory_space<vmem>>[vector<16xi32>], vector<16xf32>,
        %parallel_loop3A_1147 = arith.addi %parallel_loop3A_1140, %add3A_13 : vector<16xi32>
        %parallel_loop3A_1148 = tpu.vector_load_idx %arg8[%parallel_loop3A_1147] : memref<2432xf32, #tpu.memory_space<vmem>>[vector<16xi32>], vector<16xf32>,
        %parallel_loop3A_1149 = arith.addi %parallel_loop3A_1140, %add3A_16 : vector<16xi32>
        %parallel_loop3A_1150 = tpu.vector_load_idx %arg8[%parallel_loop3A_1149] : memref<2432xf32, #tpu.memory_space<vmem>>[vector<16xi32>], vector<16xf32>,
        %parallel_loop3A_1151 = arith.addi %parallel_loop3A_1140, %add3A_19 : vector<16xi32>
        %parallel_loop3A_1152 = tpu.vector_load_idx %arg8[%parallel_loop3A_1151] : memref<2432xf32, #tpu.memory_space<vmem>>[vector<16xi32>], vector<16xf32>,
        %parallel_loop3A_1153 = arith.addi %parallel_loop3A_1140, %add3A_22 : vector<16xi32>
        %parallel_loop3A_1154 = tpu.vector_load_idx %arg8[%parallel_loop3A_1153] : memref<2432xf32, #tpu.memory_space<vmem>>[vector<16xi32>], vector<16xf32>,
        %parallel_loop3A_1155 = arith.addi %parallel_loop3A_1140, %add3A_25 : vector<16xi32>
        %parallel_loop3A_1156 = tpu.vector_load_idx %arg8[%parallel_loop3A_1155] : memref<2432xf32, #tpu.memory_space<vmem>>[vector<16xi32>], vector<16xf32>,
        %parallel_loop3A_1157 = arith.addi %parallel_loop3A_1140, %add3A_28 : vector<16xi32>
        %parallel_loop3A_1158 = tpu.vector_load_idx %arg8[%parallel_loop3A_1157] : memref<2432xf32, #tpu.memory_space<vmem>>[vector<16xi32>], vector<16xf32>,
        %parallel_loop3A_1159 = arith.addi %parallel_loop3A_1140, %add3A_31 : vector<16xi32>
        %parallel_loop3A_1160 = tpu.vector_load_idx %arg8[%parallel_loop3A_1159] : memref<2432xf32, #tpu.memory_space<vmem>>[vector<16xi32>], vector<16xf32>,
        %parallel_loop3A_1161 = arith.index_cast %parallel_loop3A_1144 : i32 to index
        %parallel_loop3A_1162 = arith.constant 0 : index
        %parallel_loop3A_1163 = tpu.vector_load %arg10[%parallel_loop3A_1161, %parallel_loop3A_1162] {strides = array<i32>} : memref<256x128xf32, #tpu.memory_space<vmem>>, vector<16xf32>,
        tpu.vector_store %arg10[%parallel_loop3A_1161, %parallel_loop3A_1162], %parallel_loop3A_1146 {strides = array<i32>} : memref<256x128xf32, #tpu.memory_space<vmem>>, vector<16xf32>,
        %parallel_loop3A_1164 = arith.index_cast %parallel_loop3A_1144 : i32 to index
        %parallel_loop3A_1165 = arith.constant 16 : index
        %parallel_loop3A_1166 = tpu.vector_load %arg10[%parallel_loop3A_1164, %parallel_loop3A_1165] {strides = array<i32>} : memref<256x128xf32, #tpu.memory_space<vmem>>, vector<16xf32>,
        tpu.vector_store %arg10[%parallel_loop3A_1164, %parallel_loop3A_1165], %parallel_loop3A_1148 {strides = array<i32>} : memref<256x128xf32, #tpu.memory_space<vmem>>, vector<16xf32>,
        %parallel_loop3A_1167 = arith.index_cast %parallel_loop3A_1144 : i32 to index
        %parallel_loop3A_1168 = arith.constant 32 : index
        %parallel_loop3A_1169 = tpu.vector_load %arg10[%parallel_loop3A_1167, %parallel_loop3A_1168] {strides = array<i32>} : memref<256x128xf32, #tpu.memory_space<vmem>>, vector<16xf32>,
        tpu.vector_store %arg10[%parallel_loop3A_1167, %parallel_loop3A_1168], %parallel_loop3A_1150 {strides = array<i32>} : memref<256x128xf32, #tpu.memory_space<vmem>>, vector<16xf32>,
        %parallel_loop3A_1170 = arith.index_cast %parallel_loop3A_1144 : i32 to index
        %parallel_loop3A_1171 = arith.constant 48 : index
        %parallel_loop3A_1172 = tpu.vector_load %arg10[%parallel_loop3A_1170, %parallel_loop3A_1171] {strides = array<i32>} : memref<256x128xf32, #tpu.memory_space<vmem>>, vector<16xf32>,
        tpu.vector_store %arg10[%parallel_loop3A_1170, %parallel_loop3A_1171], %parallel_loop3A_1152 {strides = array<i32>} : memref<256x128xf32, #tpu.memory_space<vmem>>, vector<16xf32>,
        %parallel_loop3A_1173 = arith.index_cast %parallel_loop3A_1144 : i32 to index
        %parallel_loop3A_1174 = arith.constant 64 : index
        %parallel_loop3A_1175 = tpu.vector_load %arg10[%parallel_loop3A_1173, %parallel_loop3A_1174] {strides = array<i32>} : memref<256x128xf32, #tpu.memory_space<vmem>>, vector<16xf32>,
        tpu.vector_store %arg10[%parallel_loop3A_1173, %parallel_loop3A_1174], %parallel_loop3A_1154 {strides = array<i32>} : memref<256x128xf32, #tpu.memory_space<vmem>>, vector<16xf32>,
        %parallel_loop3A_1176 = arith.index_cast %parallel_loop3A_1144 : i32 to index
        %parallel_loop3A_1177 = arith.constant 80 : index
        %parallel_loop3A_1178 = tpu.vector_load %arg10[%parallel_loop3A_1176, %parallel_loop3A_1177] {strides = array<i32>} : memref<256x128xf32, #tpu.memory_space<vmem>>, vector<16xf32>,
        tpu.vector_store %arg10[%parallel_loop3A_1176, %parallel_loop3A_1177], %parallel_loop3A_1156 {strides = array<i32>} : memref<256x128xf32, #tpu.memory_space<vmem>>, vector<16xf32>,
        %parallel_loop3A_1179 = arith.index_cast %parallel_loop3A_1144 : i32 to index
        %parallel_loop3A_1180 = arith.constant 96 : index
        %parallel_loop3A_1181 = tpu.vector_load %arg10[%parallel_loop3A_1179, %parallel_loop3A_1180] {strides = array<i32>} : memref<256x128xf32, #tpu.memory_space<vmem>>, vector<16xf32>,
        tpu.vector_store %arg10[%parallel_loop3A_1179, %parallel_loop3A_1180], %parallel_loop3A_1158 {strides = array<i32>} : memref<256x128xf32, #tpu.memory_space<vmem>>, vector<16xf32>,
        %parallel_loop3A_1182 = arith.index_cast %parallel_loop3A_1144 : i32 to index
        %parallel_loop3A_1183 = arith.constant 112 : index
        %parallel_loop3A_1184 = tpu.vector_load %arg10[%parallel_loop3A_1182, %parallel_loop3A_1183] {strides = array<i32>} : memref<256x128xf32, #tpu.memory_space<vmem>>, vector<16xf32>,
        tpu.vector_store %arg10[%parallel_loop3A_1182, %parallel_loop3A_1183], %parallel_loop3A_1160 {strides = array<i32>} : memref<256x128xf32, #tpu.memory_space<vmem>>, vector<16xf32>,
      } {sc.loop_unroll_factor = 4 : i64, sc.parallel_access}
      %mul3A_277 = arith.constant 512 : i32
      %mul3A_278 = arith.muli %add3A_193, %mul3A_277 : i32
      %add3A_279 = arith.addi %mul3A_278, %mul3A_251 : i32
      %dma_start3A_280 = arith.constant 0 : i32
      %dma_start3A_281 = tpu.memref_slice %arg5[%add3A_279, %dma_start3A_280] : memref<524288x128xf32, #tpu.memory_space<hbm>> -> memref<256x128xf32, #tpu.memory_space<hbm>>
      %dma_start3A_282 = arith.constant 0 : i32
      %dma_start3A_283 = tpu.memref_slice %arg5[%add3A_279, %dma_start3A_282] : memref<524288x128xf32, #tpu.memory_space<hbm>> -> memref<256x128xf32, #tpu.memory_space<hbm>>
      tpu.enqueue_dma source(%arg10 : memref<256x128xf32, #tpu.memory_space<vmem>>) target(%dma_start3A_283 : memref<256x128xf32, #tpu.memory_space<hbm>>) target_semaphore(%arg12 : memref<!tpu.dma_semaphore, #tpu.memory_space<semaphore_mem>>)
    }
    %scan3A_35 = arith.constant 32 : i32
    %dma_wait3A = arith.constant 0 : i32
    %dma_wait3A_36 = arith.constant 0 : i32
    %dma_wait3A_37 = tpu.memref_slice %arg5[%dma_wait3A, %dma_wait3A_36] : memref<524288x128xf32, #tpu.memory_space<hbm>> -> memref<256x128xf32, #tpu.memory_space<hbm>>
    %dma_wait3A_38 = arith.constant 0 : i32
    %dma_wait3A_39 = arith.constant 0 : i32
    %dma_wait3A_40 = tpu.memref_slice %arg5[%dma_wait3A_38, %dma_wait3A_39] : memref<524288x128xf32, #tpu.memory_space<hbm>> -> memref<256x128xf32, #tpu.memory_space<hbm>>
    tpu.wait_dma2 semaphore(%arg11 : memref<!tpu.dma_semaphore, #tpu.memory_space<semaphore_mem>>) src(%arg9 : memref<256x128xf32, #tpu.memory_space<vmem>>) dst(%dma_wait3A_40 : memref<256x128xf32, #tpu.memory_space<hbm>>)
    %dma_wait3A_41 = arith.constant 0 : i32
    %dma_wait3A_42 = arith.constant 0 : i32
    %dma_wait3A_43 = tpu.memref_slice %arg5[%dma_wait3A_41, %dma_wait3A_42] : memref<524288x128xf32, #tpu.memory_space<hbm>> -> memref<256x128xf32, #tpu.memory_space<hbm>>
    %dma_wait3A_44 = arith.constant 0 : i32
    %dma_wait3A_45 = arith.constant 0 : i32
    %dma_wait3A_46 = tpu.memref_slice %arg5[%dma_wait3A_44, %dma_wait3A_45] : memref<524288x128xf32, #tpu.memory_space<hbm>> -> memref<256x128xf32, #tpu.memory_space<hbm>>
    tpu.wait_dma2 semaphore(%arg12 : memref<!tpu.dma_semaphore, #tpu.memory_space<semaphore_mem>>) src(%arg10 : memref<256x128xf32, #tpu.memory_space<vmem>>) dst(%dma_wait3A_46 : memref<256x128xf32, #tpu.memory_space<hbm>>)
    return
  }
}

</mosaic_0001>

<sc_bundles>
// kernel: kernel.3.cloned.1.call-start
scs
__scs_entry_jumppad:
0x0: {  	(pc) =	sbr.rel $0x88, $3  }
0x1: {  	(tag) =	ssettag $0x0;
	lr =	simm.s32 $0x1  }
0x2: {  	[smem:$0x3F9E] =	sst lr;
	_ =	strace $0xD0000000  }
0x3: {  	_ = 	snop  }
0x4: {  	_ = 	snop  }
0x5: {  	_ = 	snop  }
0x6: {  	_ = 	snop  }
0x7: {  	_ = 	snop  }
__scs_overlays_trampoline_lowered:
0x8: {  	[smem:$0x3FAD] =	sst s0  }
0x9: {  	[smem:$0x3FAE] =	sst s1  }
0xa: {  	[smem:$0x3FAF] =	sst s2  }
0xb: {  	[smem:$0x3FB0] =	sst s3  }
0xc: {  	[smem:$0x3FB1] =	sst s4  }
0xd: {  	[smem:$0x3FB2] =	sst s5  }
0xe: {  	[smem:$0x3FB3] =	sst s6  }
0xf: {  	[smem:$0x3FB4] =	sst s7  }
0x10: {  	[smem:$0x3FB5] =	sst s8  }
0x11: {  	[smem:$0x3FB6] =	sst s9;
	s0 =	simm.s32 @!p0 $0x0  }
0x12: {  	s1 =	sld [smem:$0x3F9C];
	s0 =	simm.s32 @p0 $0x1  }
0x13: {  	[smem:$0x3FB7] =	sst s0;
	s0 =	simm.s32 @!p1 $0x0  }
0x14: {  	s2 =	sld [smem:$0x3F9B];
	s0 =	simm.s32 @p1 $0x1  }
0x15: {  	[smem:$0x3FB8] =	sst s0;
	s0 =	simm.s32 @!p2 $0x0  }
0x16: {  	s3 =	sld [smem:$0x3FDB];
	s0 =	simm.s32 @p2 $0x1  }
0x17: {  	s4 =	simm.s32 $0x1BF5;
	[smem:$0x3FBA] =	sst s0  }
0x18: {  	s0 =	sld [smem:$0x3F9D];
	_ =	swait.ge [sflag:s4], $0x0  }
0x19: {  	s7 =	sld [smem:$0x3F9E]  }
0x1a: {  	s8 =	sadd.s32 $0xFFFFE003, lr  }
0x1b: {  	s9 =	sadd.s32 $0xFFFFFEF7, lr;
	s5 =	simm.s32 $0xFFFFFFFF;
	p2 =	slt.u32 s8, $0xFFFFF086  }
0x1c: {  	p1 =	slt.u32 s9, $0xF7A;
	s5 =	simm.s32 @!p2 $0x0  }
0x1d: {  	s5 =	simm.s32 @p1 $0x1;
	p0 =	seq.s32 s7, s2  }
0x1e: {  	s7 =	smul.u32 @!p0 $0xF7A, s2;
	p2 =	seq.s32 @!p0 s5, $0x0  }
0x1f: {  	s9 =	smul.u32 $0xF7A, s1;
	s8 =	simm.s32 @!p0 $0x1BF5;
	p2 =	por !p2, p0  }
0x20: {  	[sflag:s8] =	ssyncset.s32 @!p0 $0xFFFFF086;
	s6 =	sadd.s32 @!p0 s3, s7;
	s7 =	simm.s32 @!p0 $0x108  }
0x21: {  	s3 =	sadd.s32 s3, s9;
	s6 =	sadd.s32 @!p0 $0x88, s6;
	s7 =	simm.s32 @p2 $0x1082  }
0x22: {  	[simem:s7], [sflag:s8] =	dma.local @!p0 [hbm:s6], $0xF7A  }
0x23: {  	s9 =	sor.u32 $0xD0000000, s2;
	s6 =	simm.s32 $0x108;
	_ =	swait.ge @!p0 [sflag:s8], $0x0  }
0x24: {  	s3 =	sadd.s32 $0x88, s3;
	s6 =	simm.s32 @!p1 $0x1082;
	[sflag:s4] =	ssyncset.s32 $0xFFFFF086  }
0x25: {  	[simem:s6], [sflag:s4] =	dma.local [hbm:s3], $0xF7A  }
0x26: {  	[smem:$0x3F9E] =	sst s1;
	(tag) =	ssettag s2;
	_ =	strace s9  }
0x27: {  	s1 =	sld [smem:$0x3FAE]  }
0x28: {  	s2 =	sld [smem:$0x3FAF]  }
0x29: {  	s4 =	sld [smem:$0x3FB1]  }
0x2a: {  	p0 =	seq.s32 s5, $0x0;
	s5 =	sld [smem:$0x3FB2]  }
0x2b: {  	s6 =	sld [smem:$0x3FB3]  }
0x2c: {  	s7 =	sld [smem:$0x3FB4]  }
0x2d: {  	s3 =	simm.s32 $0x108;
	s8 =	sld [smem:$0x3FB5]  }
0x2e: {  	s3 =	simm.s32 @!p0 $0x1082;
	s9 =	sld [smem:$0x3FB6]  }
0x2f: {  	lr =	sadd.s32 s0, s3;
	s0 =	sld [smem:$0x3FAD]  }
0x30: {  	s3 =	sld [smem:$0x3FB0]  }
0x31: {  	[smem:$0x3FB9] =	sst s10  }
0x32: {  	s10 =	sld [smem:$0x3FB7];
	_ =	sdelay $0x3  }
0x33: {  	p0 =	seq.s32 s10, $0x1;
	s10 =	sld [smem:$0x3FB9];
	_ =	sdelay $0x3  }
0x34: {  	[smem:$0x3FB9] =	sst s10  }
0x35: {  	s10 =	sld [smem:$0x3FB8];
	_ =	sdelay $0x3  }
0x36: {  	p1 =	seq.s32 s10, $0x1;
	s10 =	sld [smem:$0x3FB9];
	_ =	sdelay $0x3  }
0x37: {  	[smem:$0x3FB9] =	sst s10  }
0x38: {  	s10 =	sld [smem:$0x3FBA]  }
0x39: {  	_ = 	snop;
	(pc) =	sbr.ind lr, $3  }
0x3a: {  	_ = 	snop  }
0x3b: {  	_ = 	snop  }
0x3c: {  	p2 =	seq.s32 s10, $0x1;
	s10 =	sld [smem:$0x3FB9]  }
0x3d: {  	_ =	shalt  }
0x3e: {  	_ =	shalt  }
0x3f: {  	_ =	shalt  }
0x40: {  	_ =	shalt  }
0x41: {  	_ =	shalt  }
0x42: {  	_ =	shalt  }
0x43: {  	_ =	shalt  }
0x44: {  	_ =	shalt  }
0x45: {  	_ =	shalt  }
0x46: {  	_ =	shalt  }
0x47: {  	_ =	shalt  }
0x48: {  	_ =	shalt  }
0x49: {  	_ =	shalt  }
0x4a: {  	_ =	shalt  }
0x4b: {  	_ =	shalt  }
0x4c: {  	_ =	shalt  }
0x4d: {  	_ =	shalt  }
0x4e: {  	_ =	shalt  }
0x4f: {  	_ =	shalt  }
0x50: {  	_ =	shalt  }
0x51: {  	_ =	shalt  }
0x52: {  	_ =	shalt  }
0x53: {  	_ =	shalt  }
0x54: {  	_ =	shalt  }
0x55: {  	_ =	shalt  }
0x56: {  	_ =	shalt  }
0x57: {  	_ =	shalt  }
0x58: {  	_ =	shalt  }
0x59: {  	_ =	shalt  }
0x5a: {  	_ =	shalt  }
0x5b: {  	_ =	shalt  }
0x5c: {  	_ =	shalt  }
0x5d: {  	_ =	shalt  }
0x5e: {  	_ =	shalt  }
0x5f: {  	_ =	shalt  }
0x60: {  	_ =	shalt  }
0x61: {  	_ =	shalt  }
0x62: {  	_ =	shalt  }
0x63: {  	_ =	shalt  }
0x64: {  	_ =	shalt  }
0x65: {  	_ =	shalt  }
0x66: {  	_ =	shalt  }
0x67: {  	_ =	shalt  }
0x68: {  	_ =	shalt  }
0x69: {  	_ =	shalt  }
0x6a: {  	_ =	shalt  }
0x6b: {  	_ =	shalt  }
0x6c: {  	_ =	shalt  }
0x6d: {  	_ =	shalt  }
0x6e: {  	_ =	shalt  }
0x6f: {  	_ =	shalt  }
0x70: {  	_ =	shalt  }
0x71: {  	_ =	shalt  }
0x72: {  	_ =	shalt  }
0x73: {  	_ =	shalt  }
0x74: {  	_ =	shalt  }
0x75: {  	_ =	shalt  }
0x76: {  	_ =	shalt  }
0x77: {  	_ =	shalt  }
0x78: {  	_ =	shalt  }
0x79: {  	_ =	shalt  }
0x7a: {  	_ =	shalt  }
0x7b: {  	_ =	shalt  }
0x7c: {  	_ =	shalt  }
0x7d: {  	_ =	shalt  }
0x7e: {  	_ =	shalt  }
0x7f: {  	_ =	shalt  }
0x80: {  	_ =	shalt  }
0x81: {  	_ =	shalt  }
0x82: {  	_ =	shalt  }
0x83: {  	_ =	shalt  }
0x84: {  	_ =	shalt  }
0x85: {  	_ =	shalt  }
0x86: {  	_ =	shalt  }
0x87: {  	_ =	shalt  }
.Lfunc_end0:
.L_simem_size_0:
called_computation_lowered:
.L_overlay_start_0:
0x88: {  	s2 =	sld [smem:$0x3FD9]  }
0x89: {  	s3 =	sld [smem:$0x3FFE];
	_ =	sdelay $0x1  }
0x8a: {  	s1 =	srdreg.scid  }
0x8b: {  	s0 =	sand.u32 $0x1, s1  }
0x8c: {  	s17 =	sshll.u32 s0, $0xA;
	s2 =	sadd.s32 s3, s2  }
0x8d: {  	s2 =	sadd.s32 s2, s17  }
0x8e: {  	[smem:$0x3FC5] =	sst s2  }
0x8f: {  	_ = 	snop  }
0x90: {  	s2 =	sld [smem:$0x3FD0];
	(tm) =	ssettm $0x1  }
0x91: {  	s18 =	sld [smem:$0x3FFB];
	_ =	sdelay $0x3  }
0x92: {  	_ =	strace s18  }
0x93: {  	s3 =	sld [smem:$0x3FFC];
	_ =	sdelay $0x3  }
0x94: {  	_ =	strace s3  }
0x95: {  	s3 =	sld [smem:$0x3FFD];
	_ =	sdelay $0x3  }
0x96: {  	_ =	strace s3  }
0x97: {  	_ =	strace $0x8FFFFFFF  }
0x98: {  	s19 =	sld [smem:$0x3FDB];
	_ =	sdelay $0x1  }
0x99: {  	s4 =	simm.s32 $_scs_section_size  }
0x9a: {  	s5 =	simm.s32 $_size__tile_overlayer_lowered;
	s6 =	simm.s32 $_tile_overlayer_lowered  }
0x9b: {  	s22 =	simm.s32 $0x1BFF;
	s21 =	sshll.u32 s6, $0x1;
	s3 =	sadd.s32 s4, s19  }
0x9c: {  	s7 =	simm.s32 $0x0;
	s20 =	sshll.u32 s5, $0x1;
	s5 =	sadd.s32 s21, s3  }
0x9d: {  	[timem:s7], [sflag:s22] =	dma.local [hbm:s5], s20  }
0x9e: {  	_ =	swait.ge [sflag:s22], s20  }
0x9f: {  	s4 =	ssub.s32 $0x0, s20;
	[sflag:s22] =	ssyncset.done $0x0  }
0xa0: {  	[sflag:s22] =	ssyncadd.s32 s4;
	_ =	sdelay $0x1  }
0xa1: {  	s23 =	simm.s32 $0x1B8B  }
0xa2: {  	_ =	swait.ge [sflag:s23], $0x1  }
0xa3: {  	[sflag:s23] =	ssyncset.done $0x0  }
0xa4: {  	s25 =	simm.s32 $0x1B8E;
	s24 =	sld [smem:$0x3FFE];
	[sflag:s23] =	ssyncadd.s32 $0xFFFFFFFF  }
0xa5: {  	s26 =	simm.s32 $execute0_lowered;
	[smem:$0x3FD2] =	sst s25  }
0xa6: {  	s5 =	sshll.u32 s26, $0x1;
	_ =	strace $0x80000046;
	[dreg:$0x1] =	wrdreg $0xFFFFFFFF  }
0xa7: {  	s28 =	simm.s32 $_size_execute0_lowered;
	s3 =	sadd.s32 s3, s5;
	[dreg:$0x0] =	wrdreg $0x0  }
0xa8: {  	s5 =	sshll.u32 s28, $0x1;
	[dreg:$0x2] =	wrdreg s3  }
0xa9: {  	[dreg:$0x3] =	wrdreg s5  }
0xaa: {  	[dreg:$0x4] =	wrdreg $0xC0  }
0xab: {  	_ =	task [dreg:s7], $0x5FFFF  }
0xac: {  	[dreg:$0x1] =	wrdreg $0xFFFFFFFF  }
0xad: {  	[dreg:$0x0] =	wrdreg $0x60  }
0xae: {  	[dreg:$0x2] =	wrdreg s24  }
0xaf: {  	[dreg:$0x3] =	wrdreg s2  }
0xb0: {  	[dreg:$0x4] =	wrdreg $0x9  }
0xb1: {  	_ =	task.clear_ibuf [dreg:s7], $0x5FFFF;
	_ =	strace $0x90000046  }
0xb2: {  	s29 =	simm.s32 $0x9;
	_ =	strace $0x80000048  }
0xb3: {  	_ =	swait.ge [sflag:s29], $0x1  }
0xb4: {  	[sflag:s29] =	ssyncadd.s32 $0xFFFFFFFF  }
0xb5: {  	_ =	strace $0x90000048  }
0xb6: {  	_ =	sfence  }
0xb7: {  	s30 =	sld [smem:$0x0];
	_ =	sdelay $0x2  }
0xb8: {  	s31 =	sshll.u32 s1, $0xD;
	s1 =	sshrl.u32 s1, $0x2  }
0xb9: {  	s3 =	sand.u32 $0x4000, s31;
	s1 =	sadd.s32 s1, s30  }
0xba: {  	s0 =	sor.u32 s3, s0;
	s1 =	sshll.u32 s1, $0x11  }
0xbb: {  	s0 =	sor.u32 s1, s0  }
0xbc: {  	s0 =	sadd.s32 $0x8F2B, s0  }
0xbd: {  	[sflag:s0] =	ssyncadd.remote.s32 $0x1  }
0xbe: {  	_ =	sfence.sel $0xFFFF  }
0xbf: {  	[dreg:$0x0] =	wrdreg $0xFFFFFFFF;
	(pc) =	sbr.abs _section_cstart, $3  }
0xc0: {  	[dreg:$0x1] =	wrdreg $0xFFFFFFFF  }
0xc1: {  	_ =	task.clear_ibuf [dreg:s7], $0x2FFFF;
	_ =	strace $0x9FFFFFFF  }
0xc2: {  	(tm) =	ssettm $0x7FFFFFFF  }
0xc3: {  	_ =	shalt  }
tec
execute0_lowered:
.L_overlay_start_1:
0x0: {  	(tag) =	ssettag $0x1  }
0x1: {  	s0 =	rddreg [dreg:$0x0]  }
0x2: {  	s1 =	rddreg [dreg:$0x1]  }
0x3: {  	s2 =	simm.s32 $0x0;
	s3 =	srdreg.scid;
	s5 =	stileid.u32  }
0x4: {  	s15 =	simm.s32 $0x3;
	s16 =	simm.s32 $0xC00;
	s17 =	simm.s32 $0x1000  }
0x5: {  	s18 =	simm.s32 $0x1980;
	s19 =	simm.s32 $0x9980;
	s20 =	simm.s32 $0x1  }
0x6: {  	v0 =	vimm.s32 $0x0;
	v1 =	vimm.s32 $0x7;
	v2 =	vlaneseq.u32;
	s21 =	simm.s32 $0x2;
	s22 =	simm.s32 $0x0;
	[smem:$0x7FF] =	sst s2  }
0x7: {  	v10 =	vimm.s32 $0x1;
	v11 =	vimm.s32 $0x2;
	v12 =	vimm.s32 $0x3;
	s4 =	sadd.s32 $0x600, s0;
	s3 =	sand.u32 $0x1, s3;
	s28 =	sadd.s32 $0x400, s0  }
0x8: {  	v13 =	vimm.s32 $0x4;
	v14 =	vimm.s32 $0x5;
	v15 =	vimm.s32 $0x6;
	s10 =	sshrl.u32 s5, $0x3;
	s6 =	sadd.s32 $0x800, s0;
	s31 =	sshll.u32 s5, $0x6  }
0x9: {  	v16 =	vimm.s32 $0x8;
	v17 =	vimm.s32 $0x9;
	v18 =	vimm.s32 $0xA;
	s13 =	sadd.s32 $0x1000, s1;
	_ =	strace $0x80000047;
	[dreg:$0x3] =	wrdreg s4  }
0xa: {  	v19 =	vimm.s32 $0xB;
	v20 =	vimm.s32 $0xC;
	v21 =	vimm.s32 $0xD;
	[dreg:$0x4] =	wrdreg s28;
	s29 =	ssub.s32 $0x2, s3;
	s7 =	smul.u32 $0x600, s10  }
0xb: {  	v22 =	vimm.s32 $0xE;
	v23 =	vimm.s32 $0xF;
	v3 =	vor.u32 $0x10, v2;
	s3 =	sshll.u32 s3, $0x5;
	s10 =	sshll.u32 s10, $0x9;
	s30 =	sshrl.u32 s29, $0x1  }
0xc: {  	v4 =	vor.u32 $0x20, v2;
	v5 =	vor.u32 $0x30, v2;
	v6 =	vor.u32 $0x40, v2;
	s8 =	sor.u32 s3, s31;
	s12 =	sor.u32 $0xC00, s10;
	s0 =	ssub.s32 s29, s30  }
0xd: {  	v7 =	vor.u32 $0x50, v2;
	v8 =	vor.u32 $0x60, v2;
	v9 =	vor.u32 $0x70, v2;
	s9 =	sadd.s32 $0x200, s7;
	s11 =	sadd.s32 $0x400, s7;
	s14 =	smax.u32 s0, $0x1  }
.LBB2_1:
0xe: {  	s0 =	rddreg [dreg:$0x3]  }
0xf: {  	[tilespmem:s2], [sflag:$0x3] =	stream.linear.gather [hbm4b:s0+s2], $0xC00, $0x38;
	[tilespmem:$0x11980] =	vst v63  }
0x10: {  	_ =	swait.ge [sflag:s15], $0xC00  }
0x11: {  	[sflag:s15] =	ssyncset.done $0x0  }
0x12: {  	s31 =	rddreg [dreg:$0x4];
	[sflag:s15] =	ssyncadd.s32 $0xFFFFF400  }
0x13: {  	[tilespmem:s16], [sflag:$0x3] =	stream.linear.gather [hbm4b:s31+s2], $0x400, $0x38;
	[tilespmem:$0x11980] =	vst v63  }
0x14: {  	_ =	swait.ge [sflag:s15], $0x400  }
0x15: {  	[sflag:s15] =	ssyncset.done $0x0  }
0x16: {  	[sflag:s15] =	ssyncadd.s32 $0xFFFFFC00  }
0x17: {  	[tilespmem:s17], [sflag:$0x3] =	stream.linear.gather [hbm4b:s6+s2], $0x980, $0x38;
	[tilespmem:$0x11980] =	vst v63  }
0x18: {  	_ =	swait.ge [sflag:s15], $0x980  }
0x19: {  	[sflag:s15] =	ssyncset.done $0x0  }
0x1a: {  	s23 =	simm.s32 $0x0;
	[sflag:s15] =	ssyncadd.s32 $0xFFFFF680  }
.LBB2_2:
0x1b: {  	s24 =	sadd.s32 s8, s23  }
0x1c: {  	s0 =	sand.u32 $0x1FF, s24  }
0x1d: {  	s3 =	sor.u32 s7, s0  }
0x1e: {  	p0 =	seq.s32 s23, $0x0;
	s30 =	sor.u32 s9, s0;
	v24 =	vmov s3  }
0x1f: {  	s4 =	simm.s32 @!p0 $0x1;
	s31 =	sor.u32 s11, s0;
	v25 =	vmov s30  }
0x20: {  	_ =	swait.ge @!p0 [sflag:s4], $0x8000;
	s0 =	sor.u32 s10, s0;
	v26 =	vmov s31  }
0x21: {  	[sflag:s4] =	ssyncset.done @!p0 $0x0;
	v27 =	vmov s0  }
0x22: {  	s25 =	simm.s32 $0x0;
	[sflag:s4] =	ssyncadd.s32 @!p0 $0xFFFF8000  }
0x23: {  	v28 =	vld.idx.msk [tilespmem:v24+s25+$0x0], $0xffff  }
0x24: {  	v29 =	vld.idx.msk [tilespmem:v25+s25+$0x0], $0xffff  }
0x25: {  	v30 =	vld.idx.msk [tilespmem:v26+s25+$0x0], $0xffff  }
0x26: {  	v31 =	vld.idx.msk [tilespmem:v27+s16+$0x0], $0xffff  }
.LBB2_3:
0x27: {  	s31 =	sshll.u32 s25, $0x4  }
0x28: {  	s3 =	sand.u32 $0x80, s31  }
0x29: {  	s4 =	sand.u32 $0x40, s31;
	s28 =	sadd.s32 s3, s7  }
0x2a: {  	s29 =	sadd.s32 s3, s9;
	s0 =	sadd.s32 s4, s28  }
0x2b: {  	s30 =	sadd.s32 s4, s29;
	v32 =	vld [tilespmem:s0+$0x0]  }
0x2c: {  	v33 =	vld [tilespmem:s30+$0x0];
	s0 =	sadd.s32 s3, s11  }
0x2d: {  	s26 =	sadd.s32 s4, s0  }
0x2e: {  	v34 =	vld [tilespmem:s26+$0x0];
	_ =	sdelay $0x2  }
0x2f: {  	v32 =	vsub.f32 v32, v28;
	v33 =	vsub.f32 v33, v29;
	_ =	sdelay $0x1  }
0x30: {  	v34 =	vsub.f32 v34, v30;
	v32 =	vmul.f32 v32, v32;
	v33 =	vmul.f32 v33, v33;
	_ =	sdelay $0x1  }
0x31: {  	v32 =	vadd.f32 v33, v32;
	v61 =	vmul.f32 v34, v34;
	_ =	sdelay $0x1  }
0x32: {  	v32 =	vadd.f32 v61, v32;
	_ =	sdelay $0x1  }
0x33: {  	vm0 =	vge.f32 v32, $1.914062500e+01;
	vm1 =	vge.f32 v32, $2.889062500e+01  }
0x34: {  	vm6 =	vge.f32 v32, $4.064062500e+01;
	v62 =	vsel vm0, $0x1, v0;
	v63 =	vsel vm1, $0x1, v0  }
0x35: {  	vm7 =	vge.f32 v32, $5.439062500e+01;
	v36 =	vsel vm6, $0x1, v0;
	v33 =	vadd.s32 v63, v62  }
0x36: {  	vm8 =	vge.f32 v32, $7.014062500e+01;
	v37 =	vsel vm7, $0x1, v0;
	v33 =	vadd.s32 v36, v33  }
0x37: {  	vm9 =	vge.f32 v32, $8.789062500e+01;
	v38 =	vsel vm8, $0x1, v0;
	v33 =	vadd.s32 v37, v33  }
0x38: {  	vm10 =	vge.f32 v32, $1.076406250e+02;
	v39 =	vsel vm9, $0x1, v0;
	v33 =	vadd.s32 v38, v33  }
0x39: {  	vm11 =	vge.f32 v32, $1.293906250e+02;
	v40 =	vsel vm10, $0x1, v0;
	v33 =	vadd.s32 v39, v33  }
0x3a: {  	vm12 =	vge.f32 v32, $1.531406250e+02;
	v41 =	vsel vm11, $0x1, v0;
	v33 =	vadd.s32 v40, v33  }
0x3b: {  	vm13 =	vge.f32 v32, $1.788906250e+02;
	v42 =	vsel vm12, $0x1, v0;
	v33 =	vadd.s32 v41, v33  }
0x3c: {  	s30 =	sadd.s32 s3, s12;
	vm14 =	vge.f32 v32, $2.066406250e+02;
	v43 =	vsel vm13, $0x1, v0;
	v33 =	vadd.s32 v42, v33  }
0x3d: {  	s3 =	sadd.s32 s4, s30;
	vm15 =	vge.f32 v32, $2.363906250e+02;
	v44 =	vsel vm14, $0x1, v0;
	v33 =	vadd.s32 v43, v33  }
0x3e: {  	v35 =	vld [tilespmem:s3+$0x0];
	vm4 =	vge.f32 v32, $2.681406250e+02;
	v45 =	vsel vm15, $0x1, v0;
	v33 =	vadd.s32 v44, v33  }
0x3f: {  	vm5 =	vge.f32 v32, $3.018906250e+02;
	v46 =	vsel vm4, $0x1, v0;
	v33 =	vadd.s32 v45, v33  }
0x40: {  	v47 =	vsel vm5, $0x1, v0;
	vm6 =	vge.f32 v32, $3.376406250e+02;
	v33 =	vadd.s32 v46, v33  }
0x41: {  	vm7 =	vge.f32 v32, $3.753906250e+02;
	v48 =	vsel vm6, $0x1, v0;
	v33 =	vadd.s32 v47, v33  }
0x42: {  	vm8 =	vge.f32 v32, $4.151406250e+02;
	v49 =	vsel vm7, $0x1, v0;
	v33 =	vadd.s32 v48, v33  }
0x43: {  	v52 =	vmul.f32 v35, v31;
	v51 =	vsel vm8, $0x1, v0;
	v50 =	vadd.s32 v49, v33  }
0x44: {  	v32 =	vadd.s32 v51, v50  }
0x45: {  	vm9 =	vgt.f32 v52, $0.0e+00;
	v32 =	vshll.u32 v32, $0x7  }
0x46: {  	v32 =	vnsel vm9, $0x900, v32  }
0x47: {  	v53 =	vperm.xlane v32, v0;
	_ =	sdelay $0x1  }
0x48: {  	v54 =	vadd.s32 v2, v53  }
0x49: {  	v55 =	vadd.s32 v3, v53  }
0x4a: {  	v36 =	vadd.s32 v4, v53  }
0x4b: {  	v37 =	vadd.s32 v5, v53  }
0x4c: {  	v38 =	vadd.s32 v6, v53  }
0x4d: {  	v39 =	vadd.s32 v7, v53;
	v34 =	vld.idx.msk [tilespmem:v54+s17+$0x0], $0xffff  }
0x4e: {  	v40 =	vadd.s32 v8, v53;
	v35 =	vld.idx.msk [tilespmem:v55+s17+$0x0], $0xffff  }
0x4f: {  	v33 =	vadd.s32 v9, v53;
	v36 =	vld.idx.msk [tilespmem:v36+s17+$0x0], $0xffff  }
0x50: {  	v37 =	vld.idx.msk [tilespmem:v37+s17+$0x0], $0xffff  }
0x51: {  	v38 =	vld.idx.msk [tilespmem:v38+s17+$0x0], $0xffff  }
0x52: {  	s4 =	sshll.u32 s25, $0xB;
	v39 =	vld.idx.msk [tilespmem:v39+s17+$0x0], $0xffff  }
0x53: {  	s26 =	sand.u32 $0x3FFFF800, s4;
	v40 =	vld.idx.msk [tilespmem:v40+s17+$0x0], $0xffff  }
0x54: {  	v33 =	vld.idx.msk [tilespmem:v33+s17+$0x0], $0xffff;
	[tilespmem:s26+$0x1980] =	vst v34  }
0x55: {  	v56 =	vperm.xlane v32, v10;
	[tilespmem:s26+$0x1990] =	vst v35  }
0x56: {  	[tilespmem:s26+$0x19A0] =	vst v36  }
0x57: {  	v57 =	vadd.s32 v2, v56;
	[tilespmem:s26+$0x19B0] =	vst v37  }
0x58: {  	v58 =	vadd.s32 v3, v56;
	[tilespmem:s26+$0x19C0] =	vst v38  }
0x59: {  	v59 =	vadd.s32 v4, v56;
	[tilespmem:s26+$0x19D0] =	vst v39  }
0x5a: {  	v60 =	vadd.s32 v5, v56;
	[tilespmem:s26+$0x19E0] =	vst v40  }
0x5b: {  	v61 =	vadd.s32 v6, v56;
	[tilespmem:s26+$0x19F0] =	vst v33  }
0x5c: {  	v62 =	vadd.s32 v7, v56;
	v35 =	vld.idx.msk [tilespmem:v57+s17+$0x0], $0xffff  }
0x5d: {  	v63 =	vadd.s32 v8, v56;
	v36 =	vld.idx.msk [tilespmem:v58+s17+$0x0], $0xffff  }
0x5e: {  	v34 =	vadd.s32 v9, v56;
	v37 =	vld.idx.msk [tilespmem:v59+s17+$0x0], $0xffff  }
0x5f: {  	v38 =	vld.idx.msk [tilespmem:v60+s17+$0x0], $0xffff  }
0x60: {  	v33 =	vld.idx.msk [tilespmem:v61+s17+$0x0], $0xffff  }
0x61: {  	v39 =	vld.idx.msk [tilespmem:v62+s17+$0x0], $0xffff  }
0x62: {  	v40 =	vld.idx.msk [tilespmem:v63+s17+$0x0], $0xffff  }
0x63: {  	v34 =	vld.idx.msk [tilespmem:v34+s17+$0x0], $0xffff;
	[tilespmem:s26+$0x1A00] =	vst v35  }
0x64: {  	[tilespmem:s26+$0x1A10] =	vst v36;
	v35 =	vperm.xlane v32, v11  }
0x65: {  	[tilespmem:s26+$0x1A20] =	vst v37  }
0x66: {  	[tilespmem:s26+$0x1A30] =	vst v38;
	v43 =	vadd.s32 v2, v35  }
0x67: {  	[tilespmem:s26+$0x1A40] =	vst v33;
	v44 =	vadd.s32 v3, v35  }
0x68: {  	[tilespmem:s26+$0x1A50] =	vst v39;
	v45 =	vadd.s32 v4, v35  }
0x69: {  	[tilespmem:s26+$0x1A60] =	vst v40;
	v46 =	vadd.s32 v5, v35  }
0x6a: {  	v47 =	vadd.s32 v6, v35;
	[tilespmem:s26+$0x1A70] =	vst v34  }
0x6b: {  	v36 =	vld.idx.msk [tilespmem:v43+s17+$0x0], $0xffff  }
0x6c: {  	v39 =	vld.idx.msk [tilespmem:v44+s17+$0x0], $0xffff  }
0x6d: {  	s3 =	sor.u32 $0x10, s31;
	v37 =	vld.idx.msk [tilespmem:v45+s17+$0x0], $0xffff  }
0x6e: {  	s4 =	sand.u32 $0x50, s3;
	v38 =	vld.idx.msk [tilespmem:v46+s17+$0x0], $0xffff  }
0x6f: {  	s5 =	sadd.s32 s4, s28;
	v34 =	vld.idx.msk [tilespmem:v47+s17+$0x0], $0xffff  }
0x70: {  	v48 =	vld [tilespmem:s5+$0x0];
	s5 =	sadd.s32 s4, s29  }
0x71: {  	v49 =	vld [tilespmem:s5+$0x0]  }
0x72: {  	s5 =	sadd.s32 s4, s0  }
0x73: {  	v41 =	vld [tilespmem:s5+$0x0];
	_ =	sdelay $0x2  }
0x74: {  	v33 =	vsub.f32 v48, v28;
	v40 =	vsub.f32 v49, v29;
	_ =	sdelay $0x1  }
0x75: {  	v41 =	vsub.f32 v41, v30;
	v33 =	vmul.f32 v33, v33;
	v40 =	vmul.f32 v40, v40;
	_ =	sdelay $0x1  }
0x76: {  	v50 =	vmul.f32 v41, v41;
	v33 =	vadd.f32 v40, v33;
	_ =	sdelay $0x1  }
0x77: {  	v33 =	vadd.f32 v50, v33;
	_ =	sdelay $0x1  }
0x78: {  	vm10 =	vge.f32 v33, $1.914062500e+01;
	vm11 =	vge.f32 v33, $2.889062500e+01  }
0x79: {  	vm12 =	vge.f32 v33, $4.064062500e+01;
	v51 =	vsel vm10, $0x1, v0;
	v52 =	vsel vm11, $0x1, v0  }
0x7a: {  	vm13 =	vge.f32 v33, $5.439062500e+01;
	v53 =	vsel vm12, $0x1, v0;
	v40 =	vadd.s32 v52, v51  }
0x7b: {  	vm14 =	vge.f32 v33, $7.014062500e+01;
	v54 =	vsel vm13, $0x1, v0;
	v40 =	vadd.s32 v53, v40  }
0x7c: {  	vm15 =	vge.f32 v33, $8.789062500e+01;
	v55 =	vsel vm14, $0x1, v0;
	v40 =	vadd.s32 v54, v40  }
0x7d: {  	vm4 =	vge.f32 v33, $1.076406250e+02;
	v56 =	vsel vm15, $0x1, v0;
	v40 =	vadd.s32 v55, v40  }
0x7e: {  	vm5 =	vge.f32 v33, $1.293906250e+02;
	v57 =	vsel vm4, $0x1, v0;
	v40 =	vadd.s32 v56, v40  }
0x7f: {  	vm6 =	vge.f32 v33, $1.531406250e+02;
	v58 =	vsel vm5, $0x1, v0;
	v40 =	vadd.s32 v57, v40  }
0x80: {  	vm7 =	vge.f32 v33, $1.788906250e+02;
	v59 =	vsel vm6, $0x1, v0;
	v40 =	vadd.s32 v58, v40  }
0x81: {  	vm8 =	vge.f32 v33, $2.066406250e+02;
	v60 =	vsel vm7, $0x1, v0;
	v40 =	vadd.s32 v59, v40  }
0x82: {  	s4 =	sadd.s32 s4, s30;
	vm9 =	vge.f32 v33, $2.363906250e+02;
	v61 =	vsel vm8, $0x1, v0;
	v40 =	vadd.s32 v60, v40  }
0x83: {  	v42 =	vld [tilespmem:s4+$0x0];
	v62 =	vsel vm9, $0x1, v0;
	vm10 =	vge.f32 v33, $2.681406250e+02;
	v40 =	vadd.s32 v61, v40  }
0x84: {  	vm11 =	vge.f32 v33, $3.018906250e+02;
	v63 =	vsel vm10, $0x1, v0;
	v40 =	vadd.s32 v62, v40  }
0x85: {  	vm12 =	vge.f32 v33, $3.376406250e+02;
	v44 =	vsel vm11, $0x1, v0;
	v40 =	vadd.s32 v63, v40  }
0x86: {  	vm13 =	vge.f32 v33, $3.753906250e+02;
	v45 =	vsel vm12, $0x1, v0;
	v40 =	vadd.s32 v44, v40  }
0x87: {  	vm14 =	vge.f32 v33, $4.151406250e+02;
	v46 =	vsel vm13, $0x1, v0;
	v40 =	vadd.s32 v45, v40  }
0x88: {  	v49 =	vmul.f32 v42, v31;
	v48 =	vsel vm14, $0x1, v0;
	v47 =	vadd.s32 v46, v40  }
0x89: {  	v33 =	vadd.s32 v48, v47  }
0x8a: {  	vm15 =	vgt.f32 v49, $0.0e+00;
	v33 =	vshll.u32 v33, $0x7  }
0x8b: {  	v51 =	vadd.s32 v8, v35;
	v33 =	vnsel vm15, $0x900, v33  }
0x8c: {  	v50 =	vadd.s32 v7, v35;
	v35 =	vadd.s32 v9, v35;
	v52 =	vperm.xlane v33, v0;
	_ =	sdelay $0x1  }
0x8d: {  	v43 =	vadd.s32 v2, v52  }
0x8e: {  	v44 =	vadd.s32 v3, v52  }
0x8f: {  	v41 =	vld.idx.msk [tilespmem:v51+s17+$0x0], $0xffff;
	v45 =	vadd.s32 v4, v52  }
0x90: {  	v35 =	vld.idx.msk [tilespmem:v35+s17+$0x0], $0xffff;
	v46 =	vadd.s32 v5, v52  }
0x91: {  	v40 =	vld.idx.msk [tilespmem:v50+s17+$0x0], $0xffff;
	[tilespmem:s26+$0x1A80] =	vst v36;
	v47 =	vadd.s32 v6, v52  }
0x92: {  	[tilespmem:s26+$0x1A90] =	vst v39;
	v54 =	vadd.s32 v7, v52;
	v53 =	vld.idx.msk [tilespmem:v43+s17+$0x0], $0xffff  }
0x93: {  	v39 =	vperm.xlane v32, v12;
	[tilespmem:s26+$0x1AA0] =	vst v37;
	v48 =	vadd.s32 v8, v52;
	v44 =	vld.idx.msk [tilespmem:v44+s17+$0x0], $0xffff  }
0x94: {  	[tilespmem:s26+$0x1AB0] =	vst v38;
	v42 =	vadd.s32 v9, v52;
	v55 =	vld.idx.msk [tilespmem:v45+s17+$0x0], $0xffff  }
0x95: {  	[tilespmem:s26+$0x1AC0] =	vst v34;
	v56 =	vadd.s32 v2, v39;
	v57 =	vld.idx.msk [tilespmem:v46+s17+$0x0], $0xffff  }
0x96: {  	[tilespmem:s26+$0x1AE0] =	vst v41;
	v58 =	vadd.s32 v3, v39;
	v59 =	vld.idx.msk [tilespmem:v47+s17+$0x0], $0xffff  }
0x97: {  	s3 =	sshll.u32 s3, $0x7;
	[tilespmem:s26+$0x1AF0] =	vst v35;
	v60 =	vadd.s32 v4, v39;
	v43 =	vld.idx.msk [tilespmem:v54+s17+$0x0], $0xffff  }
0x98: {  	s3 =	sand.u32 $0x3FFFF800, s3;
	v63 =	vadd.s32 v6, v39;
	[tilespmem:s26+$0x1AD0] =	vst v40;
	v62 =	vld.idx.msk [tilespmem:v48+s17+$0x0], $0xffff  }
0x99: {  	v52 =	vadd.s32 v7, v39;
	v42 =	vld.idx.msk [tilespmem:v42+s17+$0x0], $0xffff;
	[tilespmem:s3+$0x1980] =	vst v53  }
0x9a: {  	v61 =	vadd.s32 v5, v39;
	v38 =	vld.idx.msk [tilespmem:v56+s17+$0x0], $0xffff;
	[tilespmem:s3+$0x1990] =	vst v44  }
0x9b: {  	v34 =	vld.idx.msk [tilespmem:v58+s17+$0x0], $0xffff;
	v54 =	vperm.xlane v33, v10;
	v53 =	vadd.s32 v8, v39;
	[tilespmem:s3+$0x19A0] =	vst v55  }
0x9c: {  	v40 =	vld.idx.msk [tilespmem:v60+s17+$0x0], $0xffff;
	v39 =	vadd.s32 v9, v39;
	[tilespmem:s3+$0x19B0] =	vst v57  }
0x9d: {  	v35 =	vld.idx.msk [tilespmem:v63+s17+$0x0], $0xffff;
	v56 =	vadd.s32 v2, v54;
	[tilespmem:s3+$0x19C0] =	vst v59  }
0x9e: {  	v58 =	vld.idx.msk [tilespmem:v52+s17+$0x0], $0xffff;
	v57 =	vadd.s32 v3, v54;
	[tilespmem:s3+$0x19D0] =	vst v43  }
0x9f: {  	v55 =	vld.idx.msk [tilespmem:v61+s17+$0x0], $0xffff;
	v59 =	vadd.s32 v4, v54;
	[tilespmem:s3+$0x19E0] =	vst v62  }
0xa0: {  	v60 =	vadd.s32 v5, v54;
	[tilespmem:s3+$0x19F0] =	vst v42;
	v36 =	vld.idx.msk [tilespmem:v53+s17+$0x0], $0xffff  }
0xa1: {  	v61 =	vadd.s32 v6, v54;
	v39 =	vld.idx.msk [tilespmem:v39+s17+$0x0], $0xffff;
	[tilespmem:s26+$0x1B00] =	vst v38  }
0xa2: {  	v62 =	vadd.s32 v7, v54;
	v38 =	vld.idx.msk [tilespmem:v56+s17+$0x0], $0xffff;
	[tilespmem:s26+$0x1B10] =	vst v34  }
0xa3: {  	v63 =	vadd.s32 v8, v54;
	v34 =	vperm.xlane v32, v13;
	v45 =	vld.idx.msk [tilespmem:v57+s17+$0x0], $0xffff;
	[tilespmem:s26+$0x1B20] =	vst v40  }
0xa4: {  	v52 =	vld.idx.msk [tilespmem:v59+s17+$0x0], $0xffff;
	v53 =	vadd.s32 v9, v54;
	[tilespmem:s26+$0x1B30] =	vst v55  }
0xa5: {  	v55 =	vld.idx.msk [tilespmem:v60+s17+$0x0], $0xffff;
	[tilespmem:s26+$0x1B40] =	vst v35;
	v54 =	vadd.s32 v2, v34  }
0xa6: {  	v42 =	vld.idx.msk [tilespmem:v61+s17+$0x0], $0xffff;
	[tilespmem:s26+$0x1B50] =	vst v58;
	v56 =	vadd.s32 v3, v34  }
0xa7: {  	v41 =	vld.idx.msk [tilespmem:v62+s17+$0x0], $0xffff;
	v57 =	vadd.s32 v4, v34;
	[tilespmem:s26+$0x1B60] =	vst v36  }
0xa8: {  	v59 =	vld.idx.msk [tilespmem:v63+s17+$0x0], $0xffff;
	v58 =	vadd.s32 v5, v34;
	[tilespmem:s26+$0x1B70] =	vst v39  }
0xa9: {  	v60 =	vadd.s32 v6, v34;
	v43 =	vld.idx.msk [tilespmem:v53+s17+$0x0], $0xffff;
	[tilespmem:s26+$0x2200] =	vst v38  }
0xaa: {  	v61 =	vadd.s32 v7, v34;
	[tilespmem:s26+$0x2210] =	vst v45;
	v37 =	vld.idx.msk [tilespmem:v54+s17+$0x0], $0xffff  }
0xab: {  	v63 =	vperm.xlane v33, v11;
	v62 =	vadd.s32 v8, v34;
	[tilespmem:s26+$0x2220] =	vst v52;
	v35 =	vld.idx.msk [tilespmem:v56+s17+$0x0], $0xffff  }
0xac: {  	v34 =	vadd.s32 v9, v34;
	[tilespmem:s26+$0x2230] =	vst v55;
	v46 =	vld.idx.msk [tilespmem:v57+s17+$0x0], $0xffff  }
0xad: {  	v52 =	vadd.s32 v2, v63;
	[tilespmem:s26+$0x2240] =	vst v42;
	v36 =	vld.idx.msk [tilespmem:v58+s17+$0x0], $0xffff  }
0xae: {  	v53 =	vadd.s32 v3, v63;
	[tilespmem:s26+$0x2250] =	vst v41;
	v39 =	vld.idx.msk [tilespmem:v60+s17+$0x0], $0xffff  }
0xaf: {  	v55 =	vadd.s32 v4, v63;
	[tilespmem:s26+$0x2260] =	vst v59;
	v54 =	vld.idx.msk [tilespmem:v61+s17+$0x0], $0xffff  }
0xb0: {  	v59 =	vadd.s32 v7, v63;
	v38 =	vld.idx.msk [tilespmem:v62+s17+$0x0], $0xffff;
	[tilespmem:s26+$0x2270] =	vst v43  }
0xb1: {  	v45 =	vadd.s32 v9, v63;
	v34 =	vld.idx.msk [tilespmem:v34+s17+$0x0], $0xffff;
	[tilespmem:s26+$0x1B80] =	vst v37  }
0xb2: {  	v56 =	vadd.s32 v5, v63;
	v58 =	vld.idx.msk [tilespmem:v52+s17+$0x0], $0xffff;
	[tilespmem:s26+$0x1B90] =	vst v35  }
0xb3: {  	v57 =	vadd.s32 v6, v63;
	v42 =	vld.idx.msk [tilespmem:v53+s17+$0x0], $0xffff;
	v35 =	vperm.xlane v32, v14;
	[tilespmem:s26+$0x1BA0] =	vst v46  }
0xb4: {  	v60 =	vadd.s32 v8, v63;
	v41 =	vld.idx.msk [tilespmem:v55+s17+$0x0], $0xffff;
	[tilespmem:s26+$0x1BB0] =	vst v36  }
0xb5: {  	v40 =	vld.idx.msk [tilespmem:v59+s17+$0x0], $0xffff;
	[tilespmem:s26+$0x1BC0] =	vst v39;
	v61 =	vadd.s32 v2, v35  }
0xb6: {  	v45 =	vld.idx.msk [tilespmem:v45+s17+$0x0], $0xffff;
	[tilespmem:s26+$0x1BD0] =	vst v54;
	v63 =	vadd.s32 v3, v35  }
0xb7: {  	v62 =	vld.idx.msk [tilespmem:v56+s17+$0x0], $0xffff;
	[tilespmem:s26+$0x1BE0] =	vst v38;
	v52 =	vadd.s32 v4, v35  }
0xb8: {  	v43 =	vld.idx.msk [tilespmem:v57+s17+$0x0], $0xffff;
	[tilespmem:s26+$0x1BF0] =	vst v34;
	v53 =	vadd.s32 v5, v35  }
0xb9: {  	v54 =	vld.idx.msk [tilespmem:v60+s17+$0x0], $0xffff;
	v55 =	vadd.s32 v6, v35;
	[tilespmem:s26+$0x2280] =	vst v58  }
0xba: {  	v56 =	vadd.s32 v7, v35;
	[tilespmem:s26+$0x2290] =	vst v42;
	v36 =	vld.idx.msk [tilespmem:v61+s17+$0x0], $0xffff  }
0xbb: {  	v59 =	vperm.xlane v33, v12;
	v58 =	vadd.s32 v8, v35;
	[tilespmem:s26+$0x22A0] =	vst v41;
	v57 =	vld.idx.msk [tilespmem:v63+s17+$0x0], $0xffff  }
0xbc: {  	v35 =	vadd.s32 v9, v35;
	[tilespmem:s26+$0x22D0] =	vst v40;
	v44 =	vld.idx.msk [tilespmem:v52+s17+$0x0], $0xffff  }
0xbd: {  	v60 =	vadd.s32 v2, v59;
	[tilespmem:s26+$0x22F0] =	vst v45;
	v38 =	vld.idx.msk [tilespmem:v53+s17+$0x0], $0xffff  }
0xbe: {  	v42 =	vadd.s32 v9, v59;
	[tilespmem:s26+$0x22B0] =	vst v62;
	v34 =	vld.idx.msk [tilespmem:v55+s17+$0x0], $0xffff  }
0xbf: {  	[tilespmem:s26+$0x22C0] =	vst v43;
	v61 =	vadd.s32 v3, v59;
	v62 =	vld.idx.msk [tilespmem:v56+s17+$0x0], $0xffff  }
0xc0: {  	[tilespmem:s26+$0x22E0] =	vst v54;
	v63 =	vadd.s32 v4, v59;
	v39 =	vld.idx.msk [tilespmem:v58+s17+$0x0], $0xffff  }
0xc1: {  	v52 =	vadd.s32 v5, v59;
	v35 =	vld.idx.msk [tilespmem:v35+s17+$0x0], $0xffff;
	[tilespmem:s26+$0x1C00] =	vst v36  }
0xc2: {  	v54 =	vld.idx.msk [tilespmem:v60+s17+$0x0], $0xffff;
	v53 =	vadd.s32 v6, v59;
	[tilespmem:s26+$0x1C10] =	vst v57  }
0xc3: {  	v55 =	vadd.s32 v7, v59;
	v56 =	vperm.xlane v32, v15;
	v42 =	vld.idx.msk [tilespmem:v42+s17+$0x0], $0xffff;
	[tilespmem:s26+$0x1C20] =	vst v44  }
0xc4: {  	v43 =	vld.idx.msk [tilespmem:v61+s17+$0x0], $0xffff;
	v57 =	vadd.s32 v8, v59;
	[tilespmem:s26+$0x1C30] =	vst v38  }
0xc5: {  	v58 =	vadd.s32 v2, v56;
	v40 =	vld.idx.msk [tilespmem:v63+s17+$0x0], $0xffff;
	[tilespmem:s26+$0x1C40] =	vst v34  }
0xc6: {  	v60 =	vadd.s32 v3, v56;
	v59 =	vld.idx.msk [tilespmem:v52+s17+$0x0], $0xffff;
	[tilespmem:s26+$0x1C50] =	vst v62  }
0xc7: {  	v37 =	vadd.s32 v9, v56;
	v45 =	vld.idx.msk [tilespmem:v53+s17+$0x0], $0xffff;
	[tilespmem:s26+$0x1C60] =	vst v39  }
0xc8: {  	v61 =	vadd.s32 v4, v56;
	v41 =	vld.idx.msk [tilespmem:v55+s17+$0x0], $0xffff;
	[tilespmem:s26+$0x1C70] =	vst v35  }
0xc9: {  	v62 =	vadd.s32 v5, v56;
	v63 =	vld.idx.msk [tilespmem:v57+s17+$0x0], $0xffff;
	[tilespmem:s26+$0x2300] =	vst v54  }
0xca: {  	v52 =	vadd.s32 v6, v56;
	v38 =	vld.idx.msk [tilespmem:v58+s17+$0x0], $0xffff;
	[tilespmem:s26+$0x2310] =	vst v43  }
0xcb: {  	v53 =	vadd.s32 v7, v56;
	v55 =	vperm.xlane v33, v13;
	v34 =	vld.idx.msk [tilespmem:v60+s17+$0x0], $0xffff;
	[tilespmem:s26+$0x2320] =	vst v40  }
0xcc: {  	v37 =	vld.idx.msk [tilespmem:v37+s17+$0x0], $0xffff;
	v54 =	vadd.s32 v8, v56;
	[tilespmem:s26+$0x2330] =	vst v59  }
0xcd: {  	v46 =	vld.idx.msk [tilespmem:v61+s17+$0x0], $0xffff;
	v56 =	vadd.s32 v2, v55;
	[tilespmem:s26+$0x2340] =	vst v45  }
0xce: {  	v39 =	vld.idx.msk [tilespmem:v62+s17+$0x0], $0xffff;
	v57 =	vadd.s32 v3, v55;
	[tilespmem:s26+$0x2350] =	vst v41  }
0xcf: {  	v35 =	vld.idx.msk [tilespmem:v52+s17+$0x0], $0xffff;
	v59 =	vadd.s32 v4, v55;
	[tilespmem:s26+$0x2370] =	vst v42  }
0xd0: {  	v60 =	vadd.s32 v5, v55;
	v58 =	vld.idx.msk [tilespmem:v53+s17+$0x0], $0xffff;
	[tilespmem:s26+$0x2360] =	vst v63  }
0xd1: {  	v61 =	vadd.s32 v6, v55;
	v36 =	vld.idx.msk [tilespmem:v54+s17+$0x0], $0xffff;
	[tilespmem:s26+$0x1C80] =	vst v38  }
0xd2: {  	v53 =	vadd.s32 v8, v55;
	[tilespmem:s26+$0x1C90] =	vst v34;
	v62 =	vld.idx.msk [tilespmem:v56+s17+$0x0], $0xffff  }
0xd3: {  	v52 =	vperm.xlane v32, v1;
	v43 =	vadd.s32 v9, v55;
	[tilespmem:s26+$0x1CA0] =	vst v46;
	v44 =	vld.idx.msk [tilespmem:v57+s17+$0x0], $0xffff  }
0xd4: {  	v63 =	vadd.s32 v7, v55;
	[tilespmem:s26+$0x1CB0] =	vst v39;
	v41 =	vld.idx.msk [tilespmem:v59+s17+$0x0], $0xffff  }
0xd5: {  	v54 =	vadd.s32 v2, v52;
	[tilespmem:s26+$0x1CC0] =	vst v35;
	v55 =	vld.idx.msk [tilespmem:v60+s17+$0x0], $0xffff  }
0xd6: {  	[tilespmem:s26+$0x1CD0] =	vst v58;
	v56 =	vadd.s32 v3, v52;
	v42 =	vld.idx.msk [tilespmem:v61+s17+$0x0], $0xffff  }
0xd7: {  	[tilespmem:s26+$0x1CF0] =	vst v37;
	v57 =	vadd.s32 v4, v52;
	v59 =	vld.idx.msk [tilespmem:v53+s17+$0x0], $0xffff  }
0xd8: {  	v58 =	vadd.s32 v5, v52;
	v43 =	vld.idx.msk [tilespmem:v43+s17+$0x0], $0xffff;
	[tilespmem:s26+$0x1CE0] =	vst v36  }
0xd9: {  	v60 =	vadd.s32 v6, v52;
	v40 =	vld.idx.msk [tilespmem:v63+s17+$0x0], $0xffff;
	[tilespmem:s26+$0x2380] =	vst v62  }
0xda: {  	v61 =	vadd.s32 v7, v52;
	v39 =	vld.idx.msk [tilespmem:v54+s17+$0x0], $0xffff;
	[tilespmem:s26+$0x2390] =	vst v44  }
0xdb: {  	v34 =	vadd.s32 v9, v52;
	v63 =	vperm.xlane v33, v14;
	v35 =	vld.idx.msk [tilespmem:v56+s17+$0x0], $0xffff;
	[tilespmem:s26+$0x23A0] =	vst v41  }
0xdc: {  	v62 =	vadd.s32 v8, v52;
	v45 =	vld.idx.msk [tilespmem:v57+s17+$0x0], $0xffff;
	[tilespmem:s26+$0x23B0] =	vst v55  }
0xdd: {  	v36 =	vld.idx.msk [tilespmem:v58+s17+$0x0], $0xffff;
	[tilespmem:s26+$0x23C0] =	vst v42;
	v52 =	vadd.s32 v2, v63  }
0xde: {  	v37 =	vld.idx.msk [tilespmem:v60+s17+$0x0], $0xffff;
	[tilespmem:s26+$0x23E0] =	vst v59;
	v53 =	vadd.s32 v3, v63  }
0xdf: {  	v54 =	vld.idx.msk [tilespmem:v61+s17+$0x0], $0xffff;
	[tilespmem:s26+$0x23F0] =	vst v43;
	v55 =	vadd.s32 v4, v63  }
0xe0: {  	v34 =	vld.idx.msk [tilespmem:v34+s17+$0x0], $0xffff;
	v56 =	vadd.s32 v5, v63;
	[tilespmem:s26+$0x23D0] =	vst v40  }
0xe1: {  	v57 =	vadd.s32 v6, v63;
	v38 =	vld.idx.msk [tilespmem:v62+s17+$0x0], $0xffff;
	[tilespmem:s26+$0x1D00] =	vst v39  }
0xe2: {  	v59 =	vadd.s32 v7, v63;
	[tilespmem:s26+$0x1D10] =	vst v35;
	v58 =	vld.idx.msk [tilespmem:v52+s17+$0x0], $0xffff  }
0xe3: {  	v60 =	vperm.xlane v32, v16;
	v61 =	vadd.s32 v8, v63;
	[tilespmem:s26+$0x1D20] =	vst v45;
	v42 =	vld.idx.msk [tilespmem:v53+s17+$0x0], $0xffff  }
0xe4: {  	v44 =	vadd.s32 v9, v63;
	[tilespmem:s26+$0x1D30] =	vst v36;
	v40 =	vld.idx.msk [tilespmem:v55+s17+$0x0], $0xffff  }
0xe5: {  	v62 =	vadd.s32 v2, v60;
	[tilespmem:s26+$0x1D40] =	vst v37;
	v63 =	vld.idx.msk [tilespmem:v56+s17+$0x0], $0xffff  }
0xe6: {  	[tilespmem:s26+$0x1D50] =	vst v54;
	v52 =	vadd.s32 v3, v60;
	v43 =	vld.idx.msk [tilespmem:v57+s17+$0x0], $0xffff  }
0xe7: {  	[tilespmem:s26+$0x1D70] =	vst v34;
	v53 =	vadd.s32 v4, v60;
	v41 =	vld.idx.msk [tilespmem:v59+s17+$0x0], $0xffff  }
0xe8: {  	v54 =	vadd.s32 v5, v60;
	v55 =	vld.idx.msk [tilespmem:v61+s17+$0x0], $0xffff;
	[tilespmem:s26+$0x1D60] =	vst v38  }
0xe9: {  	v56 =	vadd.s32 v6, v60;
	v44 =	vld.idx.msk [tilespmem:v44+s17+$0x0], $0xffff;
	[tilespmem:s26+$0x2400] =	vst v58  }
0xea: {  	v57 =	vadd.s32 v7, v60;
	v59 =	vperm.xlane v33, v15;
	v36 =	vld.idx.msk [tilespmem:v62+s17+$0x0], $0xffff;
	[tilespmem:s26+$0x2410] =	vst v42  }
0xeb: {  	v35 =	vadd.s32 v9, v60;
	v37 =	vld.idx.msk [tilespmem:v52+s17+$0x0], $0xffff;
	[tilespmem:s26+$0x2420] =	vst v40  }
0xec: {  	v61 =	vadd.s32 v3, v59;
	v46 =	vld.idx.msk [tilespmem:v53+s17+$0x0], $0xffff;
	[tilespmem:s26+$0x2430] =	vst v63  }
0xed: {  	v58 =	vadd.s32 v8, v60;
	v38 =	vld.idx.msk [tilespmem:v54+s17+$0x0], $0xffff;
	[tilespmem:s26+$0x2440] =	vst v43  }
0xee: {  	v60 =	vadd.s32 v2, v59;
	v34 =	vld.idx.msk [tilespmem:v56+s17+$0x0], $0xffff;
	[tilespmem:s26+$0x2450] =	vst v41  }
0xef: {  	v62 =	vld.idx.msk [tilespmem:v57+s17+$0x0], $0xffff;
	v63 =	vadd.s32 v4, v59;
	[tilespmem:s26+$0x2460] =	vst v55  }
0xf0: {  	v52 =	vadd.s32 v5, v59;
	v35 =	vld.idx.msk [tilespmem:v35+s17+$0x0], $0xffff;
	[tilespmem:s26+$0x2470] =	vst v44  }
0xf1: {  	v53 =	vadd.s32 v6, v59;
	v43 =	vld.idx.msk [tilespmem:v61+s17+$0x0], $0xffff  }
0xf2: {  	v55 =	vadd.s32 v7, v59;
	v39 =	vld.idx.msk [tilespmem:v58+s17+$0x0], $0xffff;
	[tilespmem:s26+$0x1D80] =	vst v36  }
0xf3: {  	v57 =	vadd.s32 v8, v59;
	v54 =	vld.idx.msk [tilespmem:v60+s17+$0x0], $0xffff;
	[tilespmem:s26+$0x1D90] =	vst v37  }
0xf4: {  	v56 =	vperm.xlane v32, v17;
	v42 =	vadd.s32 v9, v59;
	[tilespmem:s26+$0x1DA0] =	vst v46;
	v41 =	vld.idx.msk [tilespmem:v63+s17+$0x0], $0xffff  }
0xf5: {  	[tilespmem:s26+$0x1DB0] =	vst v38;
	v59 =	vld.idx.msk [tilespmem:v52+s17+$0x0], $0xffff  }
0xf6: {  	v58 =	vadd.s32 v2, v56;
	[tilespmem:s26+$0x1DC0] =	vst v34;
	v44 =	vld.idx.msk [tilespmem:v53+s17+$0x0], $0xffff  }
0xf7: {  	v60 =	vadd.s32 v3, v56;
	[tilespmem:s26+$0x1DD0] =	vst v62;
	v40 =	vld.idx.msk [tilespmem:v55+s17+$0x0], $0xffff  }
0xf8: {  	v61 =	vadd.s32 v4, v56;
	v63 =	vld.idx.msk [tilespmem:v57+s17+$0x0], $0xffff;
	[tilespmem:s26+$0x1DF0] =	vst v35  }
0xf9: {  	v62 =	vadd.s32 v5, v56;
	v42 =	vld.idx.msk [tilespmem:v42+s17+$0x0], $0xffff;
	[tilespmem:s26+$0x2490] =	vst v43  }
0xfa: {  	v52 =	vadd.s32 v6, v56;
	[tilespmem:s26+$0x1DE0] =	vst v39  }
0xfb: {  	v53 =	vadd.s32 v7, v56;
	v55 =	vperm.xlane v33, v1;
	[tilespmem:s26+$0x2480] =	vst v54;
	v38 =	vld.idx.msk [tilespmem:v58+s17+$0x0], $0xffff  }
0xfc: {  	v37 =	vadd.s32 v9, v56;
	[tilespmem:s26+$0x24A0] =	vst v41;
	v34 =	vld.idx.msk [tilespmem:v60+s17+$0x0], $0xffff  }
0xfd: {  	v57 =	vadd.s32 v3, v55;
	[tilespmem:s26+$0x24B0] =	vst v59;
	v45 =	vld.idx.msk [tilespmem:v61+s17+$0x0], $0xffff  }
0xfe: {  	v54 =	vadd.s32 v8, v56;
	[tilespmem:s26+$0x24C0] =	vst v44;
	v39 =	vld.idx.msk [tilespmem:v62+s17+$0x0], $0xffff  }
0xff: {  	v43 =	vadd.s32 v9, v55;
	[tilespmem:s26+$0x24D0] =	vst v40;
	v35 =	vld.idx.msk [tilespmem:v52+s17+$0x0], $0xffff  }
0x100: {  	v56 =	vadd.s32 v2, v55;
	[tilespmem:s26+$0x24E0] =	vst v63;
	v58 =	vld.idx.msk [tilespmem:v53+s17+$0x0], $0xffff  }
0x101: {  	v59 =	vadd.s32 v4, v55;
	[tilespmem:s26+$0x24F0] =	vst v42;
	v37 =	vld.idx.msk [tilespmem:v37+s17+$0x0], $0xffff  }
0x102: {  	v63 =	vadd.s32 v7, v55;
	v44 =	vld.idx.msk [tilespmem:v57+s17+$0x0], $0xffff  }
0x103: {  	v60 =	vadd.s32 v5, v55;
	v36 =	vld.idx.msk [tilespmem:v54+s17+$0x0], $0xffff;
	[tilespmem:s26+$0x1E00] =	vst v38  }
0x104: {  	v61 =	vadd.s32 v6, v55;
	v43 =	vld.idx.msk [tilespmem:v43+s17+$0x0], $0xffff;
	[tilespmem:s26+$0x1E10] =	vst v34  }
0x105: {  	v52 =	vperm.xlane v32, v18;
	v53 =	vadd.s32 v8, v55;
	v62 =	vld.idx.msk [tilespmem:v56+s17+$0x0], $0xffff;
	[tilespmem:s26+$0x1E20] =	vst v45  }
0x106: {  	v40 =	vld.idx.msk [tilespmem:v59+s17+$0x0], $0xffff;
	[tilespmem:s26+$0x1E30] =	vst v39  }
0x107: {  	v54 =	vadd.s32 v2, v52;
	v41 =	vld.idx.msk [tilespmem:v63+s17+$0x0], $0xffff;
	[tilespmem:s26+$0x1E40] =	vst v35  }
0x108: {  	v56 =	vadd.s32 v3, v52;
	v55 =	vld.idx.msk [tilespmem:v60+s17+$0x0], $0xffff;
	[tilespmem:s26+$0x1E50] =	vst v58  }
0x109: {  	v57 =	vadd.s32 v4, v52;
	v42 =	vld.idx.msk [tilespmem:v61+s17+$0x0], $0xffff;
	[tilespmem:s26+$0x1E70] =	vst v37  }
0x10a: {  	v58 =	vadd.s32 v5, v52;
	v59 =	vld.idx.msk [tilespmem:v53+s17+$0x0], $0xffff;
	[tilespmem:s26+$0x2510] =	vst v44  }
0x10b: {  	v60 =	vadd.s32 v6, v52;
	[tilespmem:s26+$0x1E60] =	vst v36  }
0x10c: {  	v63 =	vperm.xlane v33, v16;
	v61 =	vadd.s32 v7, v52;
	[tilespmem:s26+$0x2570] =	vst v43;
	v39 =	vld.idx.msk [tilespmem:v54+s17+$0x0], $0xffff  }
0x10d: {  	v34 =	vadd.s32 v9, v52;
	[tilespmem:s26+$0x2500] =	vst v62;
	v35 =	vld.idx.msk [tilespmem:v56+s17+$0x0], $0xffff  }
0x10e: {  	v53 =	vadd.s32 v3, v63;
	[tilespmem:s26+$0x2520] =	vst v40;
	v46 =	vld.idx.msk [tilespmem:v57+s17+$0x0], $0xffff  }
0x10f: {  	v62 =	vadd.s32 v8, v52;
	[tilespmem:s26+$0x2550] =	vst v41;
	v36 =	vld.idx.msk [tilespmem:v58+s17+$0x0], $0xffff  }
0x110: {  	v44 =	vadd.s32 v9, v63;
	[tilespmem:s26+$0x2530] =	vst v55;
	v37 =	vld.idx.msk [tilespmem:v60+s17+$0x0], $0xffff  }
0x111: {  	v52 =	vadd.s32 v2, v63;
	[tilespmem:s26+$0x2540] =	vst v42;
	v54 =	vld.idx.msk [tilespmem:v61+s17+$0x0], $0xffff  }
0x112: {  	v55 =	vadd.s32 v4, v63;
	[tilespmem:s26+$0x2560] =	vst v59;
	v34 =	vld.idx.msk [tilespmem:v34+s17+$0x0], $0xffff  }
0x113: {  	v56 =	vadd.s32 v5, v63;
	v42 =	vld.idx.msk [tilespmem:v53+s17+$0x0], $0xffff  }
0x114: {  	v57 =	vadd.s32 v6, v63;
	v38 =	vld.idx.msk [tilespmem:v62+s17+$0x0], $0xffff;
	[tilespmem:s26+$0x1E80] =	vst v39  }
0x115: {  	v59 =	vadd.s32 v7, v63;
	v44 =	vld.idx.msk [tilespmem:v44+s17+$0x0], $0xffff;
	[tilespmem:s26+$0x1E90] =	vst v35  }
0x116: {  	v60 =	vperm.xlane v32, v19;
	v61 =	vadd.s32 v8, v63;
	v58 =	vld.idx.msk [tilespmem:v52+s17+$0x0], $0xffff;
	[tilespmem:s26+$0x1EA0] =	vst v46  }
0x117: {  	v41 =	vld.idx.msk [tilespmem:v55+s17+$0x0], $0xffff;
	[tilespmem:s26+$0x1EB0] =	vst v36  }
0x118: {  	v62 =	vadd.s32 v2, v60;
	v63 =	vld.idx.msk [tilespmem:v56+s17+$0x0], $0xffff;
	[tilespmem:s26+$0x1EC0] =	vst v37  }
0x119: {  	v52 =	vadd.s32 v3, v60;
	v43 =	vld.idx.msk [tilespmem:v57+s17+$0x0], $0xffff;
	[tilespmem:s26+$0x1ED0] =	vst v54  }
0x11a: {  	v53 =	vadd.s32 v4, v60;
	v40 =	vld.idx.msk [tilespmem:v59+s17+$0x0], $0xffff;
	[tilespmem:s26+$0x1EF0] =	vst v34  }
0x11b: {  	v54 =	vadd.s32 v5, v60;
	v55 =	vld.idx.msk [tilespmem:v61+s17+$0x0], $0xffff;
	[tilespmem:s26+$0x2590] =	vst v42  }
0x11c: {  	v56 =	vadd.s32 v6, v60;
	[tilespmem:s26+$0x1EE0] =	vst v38  }
0x11d: {  	v57 =	vadd.s32 v7, v60;
	v59 =	vperm.xlane v33, v17;
	[tilespmem:s26+$0x25F0] =	vst v44;
	v36 =	vld.idx.msk [tilespmem:v62+s17+$0x0], $0xffff  }
0x11e: {  	v35 =	vadd.s32 v9, v60;
	[tilespmem:s26+$0x2580] =	vst v58;
	v37 =	vld.idx.msk [tilespmem:v52+s17+$0x0], $0xffff  }
0x11f: {  	v61 =	vadd.s32 v3, v59;
	v45 =	vld.idx.msk [tilespmem:v53+s17+$0x0], $0xffff;
	[tilespmem:s26+$0x25A0] =	vst v41  }
0x120: {  	v58 =	vadd.s32 v8, v60;
	v38 =	vld.idx.msk [tilespmem:v54+s17+$0x0], $0xffff;
	[tilespmem:s26+$0x25B0] =	vst v63  }
0x121: {  	v42 =	vadd.s32 v9, v59;
	v34 =	vld.idx.msk [tilespmem:v56+s17+$0x0], $0xffff;
	[tilespmem:s26+$0x25C0] =	vst v43  }
0x122: {  	v60 =	vadd.s32 v2, v59;
	v62 =	vld.idx.msk [tilespmem:v57+s17+$0x0], $0xffff;
	[tilespmem:s26+$0x25D0] =	vst v40  }
0x123: {  	v63 =	vadd.s32 v4, v59;
	[tilespmem:s26+$0x25E0] =	vst v55;
	v35 =	vld.idx.msk [tilespmem:v35+s17+$0x0], $0xffff  }
0x124: {  	v52 =	vadd.s32 v5, v59;
	v43 =	vld.idx.msk [tilespmem:v61+s17+$0x0], $0xffff  }
0x125: {  	v53 =	vadd.s32 v6, v59;
	v39 =	vld.idx.msk [tilespmem:v58+s17+$0x0], $0xffff;
	[tilespmem:s26+$0x1F00] =	vst v36  }
0x126: {  	v55 =	vadd.s32 v7, v59;
	v42 =	vld.idx.msk [tilespmem:v42+s17+$0x0], $0xffff;
	[tilespmem:s26+$0x1F10] =	vst v37  }
0x127: {  	v56 =	vperm.xlane v32, v20;
	v57 =	vadd.s32 v8, v59;
	v54 =	vld.idx.msk [tilespmem:v60+s17+$0x0], $0xffff;
	[tilespmem:s26+$0x1F20] =	vst v45  }
0x128: {  	v40 =	vld.idx.msk [tilespmem:v63+s17+$0x0], $0xffff;
	[tilespmem:s26+$0x1F30] =	vst v38  }
0x129: {  	v58 =	vadd.s32 v2, v56;
	v59 =	vld.idx.msk [tilespmem:v52+s17+$0x0], $0xffff;
	[tilespmem:s26+$0x1F40] =	vst v34  }
0x12a: {  	v60 =	vadd.s32 v3, v56;
	v44 =	vld.idx.msk [tilespmem:v53+s17+$0x0], $0xffff;
	[tilespmem:s26+$0x1F50] =	vst v62  }
0x12b: {  	v61 =	vadd.s32 v4, v56;
	v41 =	vld.idx.msk [tilespmem:v55+s17+$0x0], $0xffff;
	[tilespmem:s26+$0x1F70] =	vst v35  }
0x12c: {  	v62 =	vadd.s32 v5, v56;
	v63 =	vld.idx.msk [tilespmem:v57+s17+$0x0], $0xffff;
	[tilespmem:s26+$0x2610] =	vst v43  }
0x12d: {  	v52 =	vadd.s32 v6, v56;
	[tilespmem:s26+$0x1F60] =	vst v39  }
0x12e: {  	v53 =	vadd.s32 v7, v56;
	v55 =	vperm.xlane v33, v18;
	[tilespmem:s26+$0x2670] =	vst v42;
	v38 =	vld.idx.msk [tilespmem:v58+s17+$0x0], $0xffff  }
0x12f: {  	v37 =	vadd.s32 v9, v56;
	[tilespmem:s26+$0x2600] =	vst v54;
	v34 =	vld.idx.msk [tilespmem:v60+s17+$0x0], $0xffff  }
0x130: {  	v57 =	vadd.s32 v3, v55;
	v46 =	vld.idx.msk [tilespmem:v61+s17+$0x0], $0xffff;
	[tilespmem:s26+$0x2620] =	vst v40  }
0x131: {  	v54 =	vadd.s32 v8, v56;
	v39 =	vld.idx.msk [tilespmem:v62+s17+$0x0], $0xffff;
	[tilespmem:s26+$0x2630] =	vst v59  }
0x132: {  	v43 =	vadd.s32 v9, v55;
	v35 =	vld.idx.msk [tilespmem:v52+s17+$0x0], $0xffff;
	[tilespmem:s26+$0x2640] =	vst v44  }
0x133: {  	v56 =	vadd.s32 v2, v55;
	v58 =	vld.idx.msk [tilespmem:v53+s17+$0x0], $0xffff;
	[tilespmem:s26+$0x2650] =	vst v41  }
0x134: {  	v59 =	vadd.s32 v4, v55;
	[tilespmem:s26+$0x2660] =	vst v63;
	v37 =	vld.idx.msk [tilespmem:v37+s17+$0x0], $0xffff  }
0x135: {  	v60 =	vadd.s32 v5, v55;
	v44 =	vld.idx.msk [tilespmem:v57+s17+$0x0], $0xffff  }
0x136: {  	v61 =	vadd.s32 v6, v55;
	v36 =	vld.idx.msk [tilespmem:v54+s17+$0x0], $0xffff;
	[tilespmem:s26+$0x1F80] =	vst v38  }
0x137: {  	v63 =	vadd.s32 v7, v55;
	v43 =	vld.idx.msk [tilespmem:v43+s17+$0x0], $0xffff;
	[tilespmem:s26+$0x1F90] =	vst v34  }
0x138: {  	v52 =	vperm.xlane v32, v21;
	v53 =	vadd.s32 v8, v55;
	v62 =	vld.idx.msk [tilespmem:v56+s17+$0x0], $0xffff;
	[tilespmem:s26+$0x1FA0] =	vst v46  }
0x139: {  	v41 =	vld.idx.msk [tilespmem:v59+s17+$0x0], $0xffff;
	[tilespmem:s26+$0x1FB0] =	vst v39  }
0x13a: {  	v54 =	vadd.s32 v2, v52;
	v55 =	vld.idx.msk [tilespmem:v60+s17+$0x0], $0xffff;
	[tilespmem:s26+$0x1FC0] =	vst v35  }
0x13b: {  	v56 =	vadd.s32 v3, v52;
	v42 =	vld.idx.msk [tilespmem:v61+s17+$0x0], $0xffff;
	[tilespmem:s26+$0x1FD0] =	vst v58  }
0x13c: {  	v57 =	vadd.s32 v4, v52;
	v40 =	vld.idx.msk [tilespmem:v63+s17+$0x0], $0xffff;
	[tilespmem:s26+$0x1FF0] =	vst v37  }
0x13d: {  	v58 =	vadd.s32 v5, v52;
	v59 =	vld.idx.msk [tilespmem:v53+s17+$0x0], $0xffff;
	[tilespmem:s26+$0x2690] =	vst v44  }
0x13e: {  	v60 =	vadd.s32 v6, v52;
	[tilespmem:s26+$0x1FE0] =	vst v36  }
0x13f: {  	v61 =	vadd.s32 v7, v52;
	v63 =	vperm.xlane v33, v19;
	[tilespmem:s26+$0x26F0] =	vst v43;
	v39 =	vld.idx.msk [tilespmem:v54+s17+$0x0], $0xffff  }
0x140: {  	v34 =	vadd.s32 v9, v52;
	[tilespmem:s26+$0x2680] =	vst v62;
	v35 =	vld.idx.msk [tilespmem:v56+s17+$0x0], $0xffff  }
0x141: {  	v51 =	vadd.s32 v2, v63;
	v45 =	vld.idx.msk [tilespmem:v57+s17+$0x0], $0xffff;
	[tilespmem:s26+$0x26A0] =	vst v41  }
0x142: {  	v62 =	vadd.s32 v8, v52;
	v36 =	vld.idx.msk [tilespmem:v58+s17+$0x0], $0xffff;
	[tilespmem:s26+$0x26B0] =	vst v55  }
0x143: {  	v44 =	vadd.s32 v9, v63;
	v37 =	vld.idx.msk [tilespmem:v60+s17+$0x0], $0xffff;
	[tilespmem:s26+$0x26C0] =	vst v42  }
0x144: {  	v52 =	vadd.s32 v3, v63;
	v53 =	vld.idx.msk [tilespmem:v61+s17+$0x0], $0xffff;
	[tilespmem:s26+$0x26D0] =	vst v40  }
0x145: {  	v54 =	vadd.s32 v4, v63;
	[tilespmem:s26+$0x26E0] =	vst v59;
	v34 =	vld.idx.msk [tilespmem:v34+s17+$0x0], $0xffff  }
0x146: {  	v55 =	vadd.s32 v5, v63;
	v57 =	vld.idx.msk [tilespmem:v51+s17+$0x0], $0xffff  }
0x147: {  	v56 =	vadd.s32 v6, v63;
	v38 =	vld.idx.msk [tilespmem:v62+s17+$0x0], $0xffff;
	[tilespmem:s26+$0x2000] =	vst v39  }
0x148: {  	v58 =	vadd.s32 v7, v63;
	v59 =	vperm.xlane v32, v22;
	v44 =	vld.idx.msk [tilespmem:v44+s17+$0x0], $0xffff;
	[tilespmem:s26+$0x2010] =	vst v35  }
0x149: {  	v60 =	vadd.s32 v8, v63;
	v42 =	vld.idx.msk [tilespmem:v52+s17+$0x0], $0xffff;
	[tilespmem:s26+$0x2020] =	vst v45  }
0x14a: {  	v61 =	vadd.s32 v2, v59;
	v40 =	vld.idx.msk [tilespmem:v54+s17+$0x0], $0xffff;
	[tilespmem:s26+$0x2030] =	vst v36  }
0x14b: {  	v63 =	vadd.s32 v3, v59;
	v62 =	vld.idx.msk [tilespmem:v55+s17+$0x0], $0xffff;
	[tilespmem:s26+$0x2040] =	vst v37  }
0x14c: {  	v52 =	vadd.s32 v4, v59;
	v43 =	vld.idx.msk [tilespmem:v56+s17+$0x0], $0xffff;
	[tilespmem:s26+$0x2050] =	vst v53  }
0x14d: {  	v41 =	vld.idx.msk [tilespmem:v58+s17+$0x0], $0xffff;
	v53 =	vadd.s32 v5, v59;
	[tilespmem:s26+$0x2070] =	vst v34  }
0x14e: {  	v54 =	vld.idx.msk [tilespmem:v60+s17+$0x0], $0xffff;
	v55 =	vadd.s32 v6, v59;
	[tilespmem:s26+$0x2060] =	vst v38  }
0x14f: {  	v56 =	vadd.s32 v7, v59;
	[tilespmem:s26+$0x2700] =	vst v57;
	v36 =	vld.idx.msk [tilespmem:v61+s17+$0x0], $0xffff  }
0x150: {  	v58 =	vperm.xlane v33, v20;
	v35 =	vadd.s32 v9, v59;
	[tilespmem:s26+$0x2770] =	vst v44;
	v37 =	vld.idx.msk [tilespmem:v63+s17+$0x0], $0xffff  }
0x151: {  	v57 =	vadd.s32 v8, v59;
	[tilespmem:s26+$0x2710] =	vst v42;
	v46 =	vld.idx.msk [tilespmem:v52+s17+$0x0], $0xffff  }
0x152: {  	v59 =	vadd.s32 v2, v58;
	[tilespmem:s26+$0x2720] =	vst v40;
	v38 =	vld.idx.msk [tilespmem:v53+s17+$0x0], $0xffff  }
0x153: {  	v60 =	vadd.s32 v3, v58;
	[tilespmem:s26+$0x2730] =	vst v62;
	v34 =	vld.idx.msk [tilespmem:v55+s17+$0x0], $0xffff  }
0x154: {  	v49 =	vadd.s32 v8, v58;
	[tilespmem:s26+$0x2740] =	vst v43;
	v45 =	vld.idx.msk [tilespmem:v56+s17+$0x0], $0xffff  }
0x155: {  	v42 =	vadd.s32 v9, v58;
	[tilespmem:s26+$0x2750] =	vst v41;
	v35 =	vld.idx.msk [tilespmem:v35+s17+$0x0], $0xffff  }
0x156: {  	v61 =	vadd.s32 v4, v58;
	[tilespmem:s26+$0x2760] =	vst v54;
	v39 =	vld.idx.msk [tilespmem:v57+s17+$0x0], $0xffff  }
0x157: {  	v62 =	vadd.s32 v5, v58;
	v40 =	vld.idx.msk [tilespmem:v59+s17+$0x0], $0xffff  }
0x158: {  	v63 =	vadd.s32 v6, v58;
	v43 =	vld.idx.msk [tilespmem:v60+s17+$0x0], $0xffff  }
0x159: {  	v52 =	vadd.s32 v7, v58;
	v49 =	vld.idx.msk [tilespmem:v49+s17+$0x0], $0xffff  }
0x15a: {  	v53 =	vld.idx.msk [tilespmem:v42+s17+$0x0], $0xffff  }
0x15b: {  	v41 =	vld.idx.msk [tilespmem:v61+s17+$0x0], $0xffff;
	[tilespmem:s26+$0x2080] =	vst v36  }
0x15c: {  	v47 =	vld.idx.msk [tilespmem:v62+s17+$0x0], $0xffff;
	[tilespmem:s26+$0x2090] =	vst v37  }
0x15d: {  	v44 =	vld.idx.msk [tilespmem:v63+s17+$0x0], $0xffff;
	[tilespmem:s26+$0x20A0] =	vst v46  }
0x15e: {  	v48 =	vld.idx.msk [tilespmem:v52+s17+$0x0], $0xffff;
	[tilespmem:s26+$0x2780] =	vst v40  }
0x15f: {  	v54 =	vperm.xlane v33, v21;
	[tilespmem:s26+$0x2790] =	vst v43  }
0x160: {  	[tilespmem:s26+$0x27E0] =	vst v49  }
0x161: {  	s3 =	sor.u32 $0x20, s31;
	v57 =	vadd.s32 v3, v54;
	[tilespmem:s26+$0x27F0] =	vst v53  }
0x162: {  	s4 =	sand.u32 $0x60, s3;
	[tilespmem:s26+$0x27A0] =	vst v41  }
0x163: {  	s5 =	sadd.s32 s4, s28;
	v56 =	vadd.s32 v2, v54;
	[tilespmem:s26+$0x27B0] =	vst v47  }
0x164: {  	v58 =	vadd.s32 v4, v54;
	v60 =	vld [tilespmem:s5+$0x0];
	s5 =	sadd.s32 s4, s29;
	[tilespmem:s26+$0x27C0] =	vst v44  }
0x165: {  	v32 =	vperm.xlane v32, v23;
	v59 =	vadd.s32 v5, v54;
	v62 =	vld [tilespmem:s5+$0x0];
	[tilespmem:s26+$0x27D0] =	vst v48  }
0x166: {  	[tilespmem:s26+$0x20B0] =	vst v38;
	v61 =	vadd.s32 v6, v54;
	s5 =	sadd.s32 s4, s0;
	v63 =	vld.idx.msk [tilespmem:v57+s17+$0x0], $0xffff  }
0x167: {  	v50 =	vadd.s32 v7, v32;
	v55 =	vadd.s32 v7, v54;
	[tilespmem:s26+$0x20C0] =	vst v34;
	v57 =	vld [tilespmem:s5+$0x0]  }
0x168: {  	v51 =	vadd.s32 v8, v32;
	[tilespmem:s26+$0x20D0] =	vst v45;
	v36 =	vld.idx.msk [tilespmem:v56+s17+$0x0], $0xffff;
	v56 =	vadd.s32 v8, v54  }
0x169: {  	[tilespmem:s26+$0x20F0] =	vst v35;
	v35 =	vadd.s32 v2, v32;
	v37 =	vld.idx.msk [tilespmem:v58+s17+$0x0], $0xffff;
	v58 =	vadd.s32 v9, v54  }
0x16a: {  	v52 =	vperm.xlane v33, v22;
	v43 =	vsub.f32 v60, v28;
	v44 =	vsub.f32 v62, v29;
	v59 =	vld.idx.msk [tilespmem:v59+s17+$0x0], $0xffff  }
0x16b: {  	v33 =	vperm.xlane v33, v23;
	[tilespmem:s26+$0x20E0] =	vst v39;
	v49 =	vadd.s32 v6, v32;
	v38 =	vld.idx.msk [tilespmem:v61+s17+$0x0], $0xffff  }
0x16c: {  	v43 =	vmul.f32 v43, v43;
	v42 =	vld.idx.msk [tilespmem:v55+s17+$0x0], $0xffff;
	v44 =	vmul.f32 v44, v44;
	v46 =	vsub.f32 v57, v30  }
0x16d: {  	v53 =	vadd.s32 v6, v52;
	v41 =	vadd.s32 v3, v32;
	v47 =	vadd.s32 v4, v32;
	v45 =	vld.idx.msk [tilespmem:v56+s17+$0x0], $0xffff  }
0x16e: {  	v60 =	vadd.f32 v44, v43;
	v39 =	vld.idx.msk [tilespmem:v58+s17+$0x0], $0xffff;
	[tilespmem:s26+$0x2800] =	vst v36;
	v61 =	vmul.f32 v46, v46  }
0x16f: {  	v48 =	vadd.s32 v5, v32;
	v32 =	vadd.s32 v9, v32;
	v62 =	vadd.s32 v2, v52;
	[tilespmem:s26+$0x2810] =	vst v63  }
0x170: {  	v43 =	vadd.s32 v8, v52;
	v63 =	vadd.s32 v3, v52;
	[tilespmem:s26+$0x2820] =	vst v37;
	v36 =	vadd.f32 v61, v60  }
0x171: {  	v56 =	vadd.s32 v5, v52;
	[tilespmem:s26+$0x2830] =	vst v59;
	v57 =	vadd.s32 v7, v52;
	v46 =	vadd.s32 v4, v52  }
0x172: {  	[tilespmem:s26+$0x2840] =	vst v38;
	v52 =	vadd.s32 v9, v52;
	vm4 =	vge.f32 v36, $1.914062500e+01;
	vm5 =	vge.f32 v36, $2.889062500e+01  }
0x173: {  	[tilespmem:s26+$0x2850] =	vst v42;
	vm6 =	vge.f32 v36, $4.064062500e+01;
	vm7 =	vge.f32 v36, $5.439062500e+01;
	vm8 =	vge.f32 v36, $7.014062500e+01  }
0x174: {  	[tilespmem:s26+$0x2860] =	vst v45;
	vm9 =	vge.f32 v36, $8.789062500e+01;
	v58 =	vsel vm4, $0x1, v0;
	v59 =	vsel vm5, $0x1, v0  }
0x175: {  	v35 =	vld.idx.msk [tilespmem:v35+s17+$0x0], $0xffff;
	[tilespmem:s26+$0x2870] =	vst v39;
	vm10 =	vge.f32 v36, $1.076406250e+02;
	v60 =	vsel vm6, $0x1, v0;
	v38 =	vadd.s32 v59, v58  }
0x176: {  	v34 =	vld.idx.msk [tilespmem:v62+s17+$0x0], $0xffff;
	vm11 =	vge.f32 v36, $1.293906250e+02;
	v61 =	vsel vm7, $0x1, v0;
	v38 =	vadd.s32 v60, v38  }
0x177: {  	v42 =	vld.idx.msk [tilespmem:v63+s17+$0x0], $0xffff;
	vm12 =	vge.f32 v36, $1.531406250e+02;
	v62 =	vsel vm8, $0x1, v0;
	v38 =	vadd.s32 v61, v38  }
0x178: {  	v37 =	vld.idx.msk [tilespmem:v56+s17+$0x0], $0xffff;
	vm13 =	vge.f32 v36, $1.788906250e+02;
	v63 =	vsel vm9, $0x1, v0;
	v38 =	vadd.s32 v62, v38  }
0x179: {  	v45 =	vld.idx.msk [tilespmem:v53+s17+$0x0], $0xffff;
	vm14 =	vge.f32 v36, $2.066406250e+02;
	v54 =	vsel vm10, $0x1, v0;
	v38 =	vadd.s32 v63, v38  }
0x17a: {  	v40 =	vld.idx.msk [tilespmem:v57+s17+$0x0], $0xffff;
	vm15 =	vge.f32 v36, $2.363906250e+02;
	v55 =	vsel vm11, $0x1, v0;
	v38 =	vadd.s32 v54, v38  }
0x17b: {  	v43 =	vld.idx.msk [tilespmem:v43+s17+$0x0], $0xffff;
	v56 =	vsel vm12, $0x1, v0;
	v57 =	vsel vm13, $0x1, v0;
	v38 =	vadd.s32 v55, v38  }
0x17c: {  	v44 =	vld.idx.msk [tilespmem:v46+s17+$0x0], $0xffff;
	vm4 =	vge.f32 v36, $2.681406250e+02;
	vm5 =	vge.f32 v36, $3.018906250e+02;
	v38 =	vadd.s32 v56, v38  }
0x17d: {  	s4 =	sadd.s32 s4, s30;
	v46 =	vld.idx.msk [tilespmem:v52+s17+$0x0], $0xffff;
	vm6 =	vge.f32 v36, $3.376406250e+02;
	v58 =	vsel vm14, $0x1, v0;
	[tilespmem:s26+$0x2880] =	vst v34;
	v38 =	vadd.s32 v57, v38  }
0x17e: {  	vm7 =	vge.f32 v36, $3.753906250e+02;
	v59 =	vsel vm15, $0x1, v0;
	v62 =	vld [tilespmem:s4+$0x0];
	[tilespmem:s26+$0x2890] =	vst v42;
	v38 =	vadd.s32 v58, v38  }
0x17f: {  	v41 =	vld.idx.msk [tilespmem:v41+s17+$0x0], $0xffff;
	v52 =	vadd.s32 v2, v33;
	v61 =	vsel vm4, $0x1, v0;
	[tilespmem:s26+$0x28B0] =	vst v37;
	v60 =	vadd.s32 v59, v38  }
0x180: {  	vm8 =	vge.f32 v36, $4.151406250e+02;
	v36 =	vld.idx.msk [tilespmem:v50+s17+$0x0], $0xffff;
	[tilespmem:s26+$0x28C0] =	vst v45;
	v63 =	vsel vm5, $0x1, v0;
	v34 =	vadd.s32 v61, v60  }
0x181: {  	v50 =	vadd.s32 v8, v33;
	v42 =	vld.idx.msk [tilespmem:v47+s17+$0x0], $0xffff;
	v47 =	vsel vm6, $0x1, v0;
	[tilespmem:s26+$0x28D0] =	vst v40;
	v34 =	vadd.s32 v63, v34  }
0x182: {  	v53 =	vsel vm7, $0x1, v0;
	v37 =	vld.idx.msk [tilespmem:v48+s17+$0x0], $0xffff;
	[tilespmem:s26+$0x28E0] =	vst v43;
	v54 =	vadd.s32 v3, v33;
	v34 =	vadd.s32 v47, v34  }
0x183: {  	v45 =	vld.idx.msk [tilespmem:v49+s17+$0x0], $0xffff;
	[tilespmem:s26+$0x28A0] =	vst v44;
	v56 =	vsel vm8, $0x1, v0;
	v39 =	vmul.f32 v62, v31;
	v34 =	vadd.s32 v53, v34  }
0x184: {  	[tilespmem:s26+$0x28F0] =	vst v46;
	v55 =	vadd.s32 v4, v33;
	v57 =	vld.idx.msk [tilespmem:v51+s17+$0x0], $0xffff;
	v34 =	vadd.s32 v56, v34  }
0x185: {  	v58 =	vadd.s32 v5, v33;
	v59 =	vld.idx.msk [tilespmem:v32+s17+$0x0], $0xffff;
	vm9 =	vgt.f32 v39, $0.0e+00;
	[tilespmem:s26+$0x2100] =	vst v35;
	v61 =	vshll.u32 v34, $0x7  }
0x186: {  	v62 =	vld.idx.msk [tilespmem:v52+s17+$0x0], $0xffff;
	[tilespmem:s26+$0x2110] =	vst v41;
	v60 =	vadd.s32 v6, v33;
	v32 =	vnsel vm9, $0x900, v61  }
0x187: {  	v49 =	vld.idx.msk [tilespmem:v54+s17+$0x0], $0xffff;
	[tilespmem:s26+$0x2120] =	vst v42;
	v63 =	vadd.s32 v7, v33;
	v51 =	vperm.xlane v32, v0  }
0x188: {  	[tilespmem:s26+$0x2130] =	vst v37;
	v39 =	vld.idx.msk [tilespmem:v50+s17+$0x0], $0xffff;
	v33 =	vadd.s32 v9, v33  }
0x189: {  	[tilespmem:s26+$0x2140] =	vst v45;
	v40 =	vld.idx.msk [tilespmem:v55+s17+$0x0], $0xffff;
	v53 =	vadd.s32 v2, v51  }
0x18a: {  	[tilespmem:s26+$0x2150] =	vst v36;
	v52 =	vld.idx.msk [tilespmem:v58+s17+$0x0], $0xffff;
	v55 =	vadd.s32 v3, v51  }
0x18b: {  	[tilespmem:s26+$0x2160] =	vst v57;
	v54 =	vld.idx.msk [tilespmem:v60+s17+$0x0], $0xffff;
	v56 =	vadd.s32 v4, v51  }
0x18c: {  	[tilespmem:s26+$0x2170] =	vst v59;
	v35 =	vld.idx.msk [tilespmem:v63+s17+$0x0], $0xffff;
	v57 =	vadd.s32 v5, v51  }
0x18d: {  	v33 =	vld.idx.msk [tilespmem:v33+s17+$0x0], $0xffff;
	[tilespmem:s26+$0x2900] =	vst v62;
	v58 =	vadd.s32 v6, v51  }
0x18e: {  	[tilespmem:s26+$0x2910] =	vst v49;
	v60 =	vadd.s32 v7, v51;
	v59 =	vld.idx.msk [tilespmem:v53+s17+$0x0], $0xffff  }
0x18f: {  	[tilespmem:s26+$0x2920] =	vst v40;
	v62 =	vadd.s32 v8, v51;
	v61 =	vld.idx.msk [tilespmem:v55+s17+$0x0], $0xffff  }
0x190: {  	[tilespmem:s26+$0x2960] =	vst v39;
	v63 =	vadd.s32 v9, v51;
	v36 =	vld.idx.msk [tilespmem:v56+s17+$0x0], $0xffff  }
0x191: {  	[tilespmem:s26+$0x2930] =	vst v52;
	v45 =	vld.idx.msk [tilespmem:v57+s17+$0x0], $0xffff  }
0x192: {  	[tilespmem:s26+$0x2940] =	vst v54;
	v47 =	vld.idx.msk [tilespmem:v58+s17+$0x0], $0xffff  }
0x193: {  	s3 =	sshll.u32 s3, $0x7;
	[tilespmem:s26+$0x2950] =	vst v35;
	v48 =	vld.idx.msk [tilespmem:v60+s17+$0x0], $0xffff  }
0x194: {  	s5 =	sand.u32 $0x3FFFF800, s3;
	[tilespmem:s26+$0x2970] =	vst v33;
	v49 =	vld.idx.msk [tilespmem:v62+s17+$0x0], $0xffff  }
0x195: {  	v50 =	vld.idx.msk [tilespmem:v63+s17+$0x0], $0xffff;
	[tilespmem:s5+$0x1980] =	vst v59  }
0x196: {  	v34 =	vperm.xlane v32, v10;
	[tilespmem:s5+$0x1990] =	vst v61  }
0x197: {  	[tilespmem:s5+$0x19A0] =	vst v36  }
0x198: {  	v51 =	vadd.s32 v2, v34;
	[tilespmem:s5+$0x19B0] =	vst v45  }
0x199: {  	[tilespmem:s5+$0x19C0] =	vst v47  }
0x19a: {  	[tilespmem:s5+$0x19D0] =	vst v48  }
0x19b: {  	s3 =	sor.u32 $0x30, s31;
	[tilespmem:s5+$0x19E0] =	vst v49  }
0x19c: {  	s4 =	sand.u32 $0x70, s3;
	[tilespmem:s5+$0x19F0] =	vst v50  }
0x19d: {  	s31 =	sadd.s32 s4, s28;
	v35 =	vld.idx.msk [tilespmem:v51+s17+$0x0], $0xffff  }
0x19e: {  	s28 =	sadd.s32 s4, s29;
	v52 =	vld [tilespmem:s31+$0x0]  }
0x19f: {  	v36 =	vld [tilespmem:s28+$0x0]  }
0x1a0: {  	s0 =	sadd.s32 s4, s0  }
0x1a1: {  	v53 =	vld [tilespmem:s0+$0x0];
	_ =	sdelay $0x2  }
0x1a2: {  	v33 =	vsub.f32 v52, v28;
	v36 =	vsub.f32 v36, v29;
	_ =	sdelay $0x1  }
0x1a3: {  	v37 =	vsub.f32 v53, v30;
	v33 =	vmul.f32 v33, v33;
	v36 =	vmul.f32 v36, v36;
	_ =	sdelay $0x1  }
0x1a4: {  	v54 =	vmul.f32 v37, v37;
	v33 =	vadd.f32 v36, v33;
	_ =	sdelay $0x1  }
0x1a5: {  	v33 =	vadd.f32 v54, v33;
	_ =	sdelay $0x1  }
0x1a6: {  	vm10 =	vge.f32 v33, $1.914062500e+01;
	vm11 =	vge.f32 v33, $2.889062500e+01  }
0x1a7: {  	vm12 =	vge.f32 v33, $4.064062500e+01;
	v55 =	vsel vm10, $0x1, v0;
	v56 =	vsel vm11, $0x1, v0  }
0x1a8: {  	vm13 =	vge.f32 v33, $5.439062500e+01;
	v57 =	vsel vm12, $0x1, v0;
	v36 =	vadd.s32 v56, v55  }
0x1a9: {  	vm14 =	vge.f32 v33, $7.014062500e+01;
	v58 =	vsel vm13, $0x1, v0;
	v36 =	vadd.s32 v57, v36  }
0x1aa: {  	vm15 =	vge.f32 v33, $8.789062500e+01;
	v59 =	vsel vm14, $0x1, v0;
	v36 =	vadd.s32 v58, v36  }
0x1ab: {  	vm4 =	vge.f32 v33, $1.076406250e+02;
	v60 =	vsel vm15, $0x1, v0;
	v36 =	vadd.s32 v59, v36  }
0x1ac: {  	vm5 =	vge.f32 v33, $1.293906250e+02;
	v61 =	vsel vm4, $0x1, v0;
	v36 =	vadd.s32 v60, v36  }
0x1ad: {  	vm6 =	vge.f32 v33, $1.531406250e+02;
	v62 =	vsel vm5, $0x1, v0;
	v36 =	vadd.s32 v61, v36  }
0x1ae: {  	vm7 =	vge.f32 v33, $1.788906250e+02;
	v63 =	vsel vm6, $0x1, v0;
	v36 =	vadd.s32 v62, v36  }
0x1af: {  	vm8 =	vge.f32 v33, $2.066406250e+02;
	v40 =	vsel vm7, $0x1, v0;
	v36 =	vadd.s32 v63, v36  }
0x1b0: {  	s29 =	sadd.s32 s4, s30;
	vm9 =	vge.f32 v33, $2.363906250e+02;
	v41 =	vsel vm8, $0x1, v0;
	v36 =	vadd.s32 v40, v36  }
0x1b1: {  	v43 =	vld [tilespmem:s29+$0x0];
	v42 =	vsel vm9, $0x1, v0;
	vm10 =	vge.f32 v33, $2.681406250e+02;
	v36 =	vadd.s32 v41, v36  }
0x1b2: {  	vm11 =	vge.f32 v33, $3.018906250e+02;
	v44 =	vsel vm10, $0x1, v0;
	v36 =	vadd.s32 v42, v36  }
0x1b3: {  	vm12 =	vge.f32 v33, $3.376406250e+02;
	v45 =	vsel vm11, $0x1, v0;
	v36 =	vadd.s32 v44, v36  }
0x1b4: {  	vm13 =	vge.f32 v33, $3.753906250e+02;
	v46 =	vsel vm12, $0x1, v0;
	v36 =	vadd.s32 v45, v36  }
0x1b5: {  	vm14 =	vge.f32 v33, $4.151406250e+02;
	v47 =	vsel vm13, $0x1, v0;
	v36 =	vadd.s32 v46, v36  }
0x1b6: {  	v50 =	vmul.f32 v43, v31;
	v49 =	vsel vm14, $0x1, v0;
	v48 =	vadd.s32 v47, v36  }
0x1b7: {  	v33 =	vadd.s32 v49, v48  }
0x1b8: {  	vm15 =	vgt.f32 v50, $0.0e+00;
	v33 =	vshll.u32 v33, $0x7  }
0x1b9: {  	v33 =	vnsel vm15, $0x900, v33  }
0x1ba: {  	v51 =	vperm.xlane v33, v0;
	_ =	sdelay $0x1  }
0x1bb: {  	v52 =	vadd.s32 v2, v51  }
0x1bc: {  	v53 =	vadd.s32 v3, v51  }
0x1bd: {  	v54 =	vadd.s32 v4, v51  }
0x1be: {  	v55 =	vadd.s32 v5, v51  }
0x1bf: {  	v56 =	vadd.s32 v6, v51  }
0x1c0: {  	v57 =	vadd.s32 v7, v51;
	v37 =	vld.idx.msk [tilespmem:v52+s17+$0x0], $0xffff  }
0x1c1: {  	v58 =	vadd.s32 v8, v51;
	v38 =	vld.idx.msk [tilespmem:v53+s17+$0x0], $0xffff  }
0x1c2: {  	v36 =	vadd.s32 v9, v51;
	v39 =	vld.idx.msk [tilespmem:v54+s17+$0x0], $0xffff  }
0x1c3: {  	v40 =	vld.idx.msk [tilespmem:v55+s17+$0x0], $0xffff  }
0x1c4: {  	v60 =	vadd.s32 v4, v34;
	v41 =	vld.idx.msk [tilespmem:v56+s17+$0x0], $0xffff  }
0x1c5: {  	s30 =	sshll.u32 s3, $0x7;
	v59 =	vadd.s32 v3, v34;
	v42 =	vld.idx.msk [tilespmem:v57+s17+$0x0], $0xffff  }
0x1c6: {  	s0 =	sand.u32 $0x3FFFF800, s30;
	v61 =	vadd.s32 v5, v34;
	v43 =	vld.idx.msk [tilespmem:v58+s17+$0x0], $0xffff  }
0x1c7: {  	v62 =	vadd.s32 v6, v34;
	v36 =	vld.idx.msk [tilespmem:v36+s17+$0x0], $0xffff;
	[tilespmem:s0+$0x1980] =	vst v37  }
0x1c8: {  	v63 =	vadd.s32 v7, v34;
	[tilespmem:s0+$0x1990] =	vst v38  }
0x1c9: {  	v45 =	vld.idx.msk [tilespmem:v60+s17+$0x0], $0xffff;
	v52 =	vadd.s32 v8, v34;
	v38 =	vperm.xlane v33, v10;
	[tilespmem:s0+$0x19A0] =	vst v39  }
0x1ca: {  	v51 =	vld.idx.msk [tilespmem:v59+s17+$0x0], $0xffff;
	v34 =	vadd.s32 v9, v34;
	[tilespmem:s0+$0x19B0] =	vst v40  }
0x1cb: {  	v53 =	vld.idx.msk [tilespmem:v61+s17+$0x0], $0xffff;
	[tilespmem:s0+$0x19C0] =	vst v41;
	v54 =	vadd.s32 v2, v38  }
0x1cc: {  	v55 =	vld.idx.msk [tilespmem:v62+s17+$0x0], $0xffff;
	[tilespmem:s0+$0x19D0] =	vst v42;
	v56 =	vadd.s32 v3, v38  }
0x1cd: {  	v57 =	vld.idx.msk [tilespmem:v63+s17+$0x0], $0xffff;
	[tilespmem:s0+$0x19E0] =	vst v43;
	v58 =	vadd.s32 v4, v38  }
0x1ce: {  	v44 =	vld.idx.msk [tilespmem:v52+s17+$0x0], $0xffff;
	[tilespmem:s0+$0x19F0] =	vst v36;
	v59 =	vadd.s32 v5, v38  }
0x1cf: {  	v34 =	vld.idx.msk [tilespmem:v34+s17+$0x0], $0xffff;
	[tilespmem:s26+$0x2A00] =	vst v35;
	v60 =	vadd.s32 v6, v38  }
0x1d0: {  	[tilespmem:s26+$0x2A10] =	vst v51;
	v62 =	vadd.s32 v7, v38;
	v61 =	vld.idx.msk [tilespmem:v54+s17+$0x0], $0xffff  }
0x1d1: {  	v63 =	vperm.xlane v32, v11;
	[tilespmem:s26+$0x2A20] =	vst v45;
	v52 =	vadd.s32 v8, v38;
	v41 =	vld.idx.msk [tilespmem:v56+s17+$0x0], $0xffff  }
0x1d2: {  	[tilespmem:s26+$0x2A30] =	vst v53;
	v38 =	vadd.s32 v9, v38;
	v42 =	vld.idx.msk [tilespmem:v58+s17+$0x0], $0xffff  }
0x1d3: {  	v53 =	vadd.s32 v2, v63;
	[tilespmem:s26+$0x2A40] =	vst v55;
	v43 =	vld.idx.msk [tilespmem:v59+s17+$0x0], $0xffff  }
0x1d4: {  	[tilespmem:s26+$0x2A50] =	vst v57;
	v55 =	vadd.s32 v4, v63;
	v36 =	vld.idx.msk [tilespmem:v60+s17+$0x0], $0xffff  }
0x1d5: {  	v37 =	vadd.s32 v9, v63;
	[tilespmem:s26+$0x2A60] =	vst v44;
	v40 =	vld.idx.msk [tilespmem:v62+s17+$0x0], $0xffff  }
0x1d6: {  	[tilespmem:s26+$0x2A70] =	vst v34;
	v54 =	vadd.s32 v3, v63;
	v57 =	vld.idx.msk [tilespmem:v52+s17+$0x0], $0xffff  }
0x1d7: {  	v56 =	vadd.s32 v5, v63;
	v38 =	vld.idx.msk [tilespmem:v38+s17+$0x0], $0xffff;
	[tilespmem:s26+$0x3200] =	vst v61  }
0x1d8: {  	v39 =	vld.idx.msk [tilespmem:v53+s17+$0x0], $0xffff;
	v58 =	vadd.s32 v6, v63;
	[tilespmem:s26+$0x3210] =	vst v41  }
0x1d9: {  	v46 =	vld.idx.msk [tilespmem:v55+s17+$0x0], $0xffff;
	v59 =	vadd.s32 v7, v63;
	v62 =	vperm.xlane v33, v11;
	[tilespmem:s26+$0x3220] =	vst v42  }
0x1da: {  	v37 =	vld.idx.msk [tilespmem:v37+s17+$0x0], $0xffff;
	v61 =	vadd.s32 v8, v63;
	[tilespmem:s26+$0x3230] =	vst v43  }
0x1db: {  	v51 =	vadd.s32 v2, v62;
	v60 =	vld.idx.msk [tilespmem:v54+s17+$0x0], $0xffff;
	[tilespmem:s26+$0x3240] =	vst v36  }
0x1dc: {  	v52 =	vadd.s32 v3, v62;
	v63 =	vld.idx.msk [tilespmem:v56+s17+$0x0], $0xffff;
	[tilespmem:s26+$0x3250] =	vst v40  }
0x1dd: {  	v34 =	vld.idx.msk [tilespmem:v58+s17+$0x0], $0xffff;
	v54 =	vadd.s32 v4, v62;
	[tilespmem:s26+$0x3260] =	vst v57  }
0x1de: {  	v55 =	vadd.s32 v5, v62;
	v53 =	vld.idx.msk [tilespmem:v59+s17+$0x0], $0xffff;
	[tilespmem:s26+$0x3270] =	vst v38  }
0x1df: {  	v56 =	vadd.s32 v6, v62;
	v45 =	vld.idx.msk [tilespmem:v61+s17+$0x0], $0xffff;
	[tilespmem:s26+$0x2A80] =	vst v39  }
0x1e0: {  	v58 =	vadd.s32 v7, v62;
	v57 =	vld.idx.msk [tilespmem:v51+s17+$0x0], $0xffff;
	[tilespmem:s26+$0x2A90] =	vst v60  }
0x1e1: {  	v59 =	vperm.xlane v32, v12;
	v41 =	vadd.s32 v9, v62;
	v36 =	vld.idx.msk [tilespmem:v52+s17+$0x0], $0xffff;
	[tilespmem:s26+$0x2AA0] =	vst v46  }
0x1e2: {  	v60 =	vadd.s32 v8, v62;
	v40 =	vld.idx.msk [tilespmem:v54+s17+$0x0], $0xffff;
	[tilespmem:s26+$0x2AB0] =	vst v63  }
0x1e3: {  	v61 =	vadd.s32 v2, v59;
	v62 =	vld.idx.msk [tilespmem:v55+s17+$0x0], $0xffff;
	[tilespmem:s26+$0x2AC0] =	vst v34  }
0x1e4: {  	v63 =	vadd.s32 v3, v59;
	v38 =	vld.idx.msk [tilespmem:v56+s17+$0x0], $0xffff;
	[tilespmem:s26+$0x2AD0] =	vst v53  }
0x1e5: {  	v52 =	vadd.s32 v4, v59;
	v43 =	vld.idx.msk [tilespmem:v58+s17+$0x0], $0xffff;
	[tilespmem:s26+$0x2AF0] =	vst v37  }
0x1e6: {  	v53 =	vadd.s32 v5, v59;
	v41 =	vld.idx.msk [tilespmem:v41+s17+$0x0], $0xffff;
	[tilespmem:s26+$0x2AE0] =	vst v45  }
0x1e7: {  	v55 =	vadd.s32 v6, v59;
	v54 =	vld.idx.msk [tilespmem:v60+s17+$0x0], $0xffff;
	[tilespmem:s26+$0x3280] =	vst v57  }
0x1e8: {  	v56 =	vadd.s32 v7, v59;
	[tilespmem:s26+$0x3290] =	vst v36;
	v42 =	vld.idx.msk [tilespmem:v61+s17+$0x0], $0xffff  }
0x1e9: {  	v35 =	vadd.s32 v9, v59;
	v58 =	vperm.xlane v33, v12;
	[tilespmem:s26+$0x32A0] =	vst v40;
	v34 =	vld.idx.msk [tilespmem:v63+s17+$0x0], $0xffff  }
0x1ea: {  	v57 =	vadd.s32 v8, v59;
	[tilespmem:s26+$0x32B0] =	vst v62;
	v44 =	vld.idx.msk [tilespmem:v52+s17+$0x0], $0xffff  }
0x1eb: {  	v60 =	vadd.s32 v2, v58;
	[tilespmem:s26+$0x32C0] =	vst v38;
	v59 =	vld.idx.msk [tilespmem:v53+s17+$0x0], $0xffff  }
0x1ec: {  	[tilespmem:s26+$0x32D0] =	vst v43;
	v37 =	vld.idx.msk [tilespmem:v55+s17+$0x0], $0xffff;
	v61 =	vadd.s32 v3, v58  }
0x1ed: {  	[tilespmem:s26+$0x32F0] =	vst v41;
	v62 =	vld.idx.msk [tilespmem:v56+s17+$0x0], $0xffff;
	v63 =	vadd.s32 v4, v58  }
0x1ee: {  	v52 =	vadd.s32 v5, v58;
	v35 =	vld.idx.msk [tilespmem:v35+s17+$0x0], $0xffff;
	[tilespmem:s26+$0x32E0] =	vst v54  }
0x1ef: {  	v53 =	vadd.s32 v6, v58;
	v39 =	vld.idx.msk [tilespmem:v57+s17+$0x0], $0xffff;
	[tilespmem:s26+$0x2B00] =	vst v42  }
0x1f0: {  	v55 =	vadd.s32 v7, v58;
	v54 =	vld.idx.msk [tilespmem:v60+s17+$0x0], $0xffff;
	[tilespmem:s26+$0x2B10] =	vst v34  }
0x1f1: {  	v36 =	vadd.s32 v9, v58;
	v56 =	vperm.xlane v32, v13;
	v38 =	vld.idx.msk [tilespmem:v61+s17+$0x0], $0xffff;
	[tilespmem:s26+$0x2B20] =	vst v44  }
0x1f2: {  	v57 =	vadd.s32 v8, v58;
	v43 =	vld.idx.msk [tilespmem:v63+s17+$0x0], $0xffff;
	[tilespmem:s26+$0x2B30] =	vst v59  }
0x1f3: {  	v58 =	vadd.s32 v2, v56;
	v59 =	vld.idx.msk [tilespmem:v52+s17+$0x0], $0xffff;
	[tilespmem:s26+$0x2B40] =	vst v37  }
0x1f4: {  	v60 =	vadd.s32 v3, v56;
	v41 =	vld.idx.msk [tilespmem:v53+s17+$0x0], $0xffff;
	[tilespmem:s26+$0x2B50] =	vst v62  }
0x1f5: {  	v61 =	vadd.s32 v4, v56;
	v45 =	vld.idx.msk [tilespmem:v55+s17+$0x0], $0xffff;
	[tilespmem:s26+$0x2B70] =	vst v35  }
0x1f6: {  	v62 =	vadd.s32 v5, v56;
	v36 =	vld.idx.msk [tilespmem:v36+s17+$0x0], $0xffff;
	[tilespmem:s26+$0x2B60] =	vst v39  }
0x1f7: {  	v52 =	vadd.s32 v6, v56;
	v63 =	vld.idx.msk [tilespmem:v57+s17+$0x0], $0xffff;
	[tilespmem:s26+$0x3300] =	vst v54  }
0x1f8: {  	v53 =	vadd.s32 v7, v56;
	v40 =	vld.idx.msk [tilespmem:v58+s17+$0x0], $0xffff;
	[tilespmem:s26+$0x3310] =	vst v38  }
0x1f9: {  	v55 =	vperm.xlane v33, v13;
	v34 =	vadd.s32 v9, v56;
	v37 =	vld.idx.msk [tilespmem:v60+s17+$0x0], $0xffff;
	[tilespmem:s26+$0x3320] =	vst v43  }
0x1fa: {  	v54 =	vadd.s32 v8, v56;
	v46 =	vld.idx.msk [tilespmem:v61+s17+$0x0], $0xffff;
	[tilespmem:s26+$0x3330] =	vst v59  }
0x1fb: {  	v39 =	vld.idx.msk [tilespmem:v62+s17+$0x0], $0xffff;
	v56 =	vadd.s32 v2, v55;
	[tilespmem:s26+$0x3340] =	vst v41  }
0x1fc: {  	v57 =	vadd.s32 v3, v55;
	v35 =	vld.idx.msk [tilespmem:v52+s17+$0x0], $0xffff;
	[tilespmem:s26+$0x3350] =	vst v45  }
0x1fd: {  	v58 =	vld.idx.msk [tilespmem:v53+s17+$0x0], $0xffff;
	v59 =	vadd.s32 v4, v55;
	[tilespmem:s26+$0x3370] =	vst v36  }
0x1fe: {  	v60 =	vadd.s32 v5, v55;
	v34 =	vld.idx.msk [tilespmem:v34+s17+$0x0], $0xffff;
	[tilespmem:s26+$0x3360] =	vst v63  }
0x1ff: {  	v61 =	vadd.s32 v6, v55;
	v42 =	vld.idx.msk [tilespmem:v54+s17+$0x0], $0xffff;
	[tilespmem:s26+$0x2B80] =	vst v40  }
0x200: {  	v53 =	vadd.s32 v8, v55;
	v62 =	vld.idx.msk [tilespmem:v56+s17+$0x0], $0xffff;
	[tilespmem:s26+$0x2B90] =	vst v37  }
0x201: {  	v52 =	vperm.xlane v32, v14;
	v38 =	vadd.s32 v9, v55;
	v41 =	vld.idx.msk [tilespmem:v57+s17+$0x0], $0xffff;
	[tilespmem:s26+$0x2BA0] =	vst v46  }
0x202: {  	v63 =	vadd.s32 v7, v55;
	v45 =	vld.idx.msk [tilespmem:v59+s17+$0x0], $0xffff;
	[tilespmem:s26+$0x2BB0] =	vst v39  }
0x203: {  	v54 =	vadd.s32 v2, v52;
	v55 =	vld.idx.msk [tilespmem:v60+s17+$0x0], $0xffff;
	[tilespmem:s26+$0x2BC0] =	vst v35  }
0x204: {  	v56 =	vadd.s32 v3, v52;
	v36 =	vld.idx.msk [tilespmem:v61+s17+$0x0], $0xffff;
	[tilespmem:s26+$0x2BD0] =	vst v58  }
0x205: {  	v57 =	vadd.s32 v4, v52;
	v59 =	vld.idx.msk [tilespmem:v53+s17+$0x0], $0xffff;
	[tilespmem:s26+$0x2BF0] =	vst v34  }
0x206: {  	v58 =	vadd.s32 v5, v52;
	v38 =	vld.idx.msk [tilespmem:v38+s17+$0x0], $0xffff;
	[tilespmem:s26+$0x2BE0] =	vst v42  }
0x207: {  	v60 =	vadd.s32 v6, v52;
	v43 =	vld.idx.msk [tilespmem:v63+s17+$0x0], $0xffff;
	[tilespmem:s26+$0x3380] =	vst v62  }
0x208: {  	v61 =	vadd.s32 v7, v52;
	[tilespmem:s26+$0x3390] =	vst v41;
	v39 =	vld.idx.msk [tilespmem:v54+s17+$0x0], $0xffff  }
0x209: {  	v37 =	vadd.s32 v9, v52;
	v63 =	vperm.xlane v33, v14;
	[tilespmem:s26+$0x33A0] =	vst v45;
	v35 =	vld.idx.msk [tilespmem:v56+s17+$0x0], $0xffff  }
0x20a: {  	v62 =	vadd.s32 v8, v52;
	[tilespmem:s26+$0x33B0] =	vst v55;
	v44 =	vld.idx.msk [tilespmem:v57+s17+$0x0], $0xffff  }
0x20b: {  	[tilespmem:s26+$0x33C0] =	vst v36;
	v42 =	vld.idx.msk [tilespmem:v58+s17+$0x0], $0xffff;
	v52 =	vadd.s32 v2, v63  }
0x20c: {  	[tilespmem:s26+$0x33E0] =	vst v59;
	v34 =	vld.idx.msk [tilespmem:v60+s17+$0x0], $0xffff;
	v53 =	vadd.s32 v3, v63  }
0x20d: {  	[tilespmem:s26+$0x33F0] =	vst v38;
	v54 =	vld.idx.msk [tilespmem:v61+s17+$0x0], $0xffff;
	v55 =	vadd.s32 v4, v63  }
0x20e: {  	v56 =	vadd.s32 v5, v63;
	v37 =	vld.idx.msk [tilespmem:v37+s17+$0x0], $0xffff;
	[tilespmem:s26+$0x33D0] =	vst v43  }
0x20f: {  	v57 =	vadd.s32 v6, v63;
	v40 =	vld.idx.msk [tilespmem:v62+s17+$0x0], $0xffff;
	[tilespmem:s26+$0x2C00] =	vst v39  }
0x210: {  	v59 =	vadd.s32 v7, v63;
	v58 =	vld.idx.msk [tilespmem:v52+s17+$0x0], $0xffff;
	[tilespmem:s26+$0x2C10] =	vst v35  }
0x211: {  	v60 =	vperm.xlane v32, v15;
	v61 =	vadd.s32 v8, v63;
	v36 =	vld.idx.msk [tilespmem:v53+s17+$0x0], $0xffff;
	[tilespmem:s26+$0x2C20] =	vst v44  }
0x212: {  	v41 =	vadd.s32 v9, v63;
	v43 =	vld.idx.msk [tilespmem:v55+s17+$0x0], $0xffff;
	[tilespmem:s26+$0x2C30] =	vst v42  }
0x213: {  	v62 =	vadd.s32 v2, v60;
	v63 =	vld.idx.msk [tilespmem:v56+s17+$0x0], $0xffff;
	[tilespmem:s26+$0x2C40] =	vst v34  }
0x214: {  	v52 =	vadd.s32 v3, v60;
	v38 =	vld.idx.msk [tilespmem:v57+s17+$0x0], $0xffff;
	[tilespmem:s26+$0x2C50] =	vst v54  }
0x215: {  	v53 =	vadd.s32 v4, v60;
	v45 =	vld.idx.msk [tilespmem:v59+s17+$0x0], $0xffff;
	[tilespmem:s26+$0x2C70] =	vst v37  }
0x216: {  	v54 =	vadd.s32 v5, v60;
	v55 =	vld.idx.msk [tilespmem:v61+s17+$0x0], $0xffff;
	[tilespmem:s26+$0x2C60] =	vst v40  }
0x217: {  	v56 =	vadd.s32 v6, v60;
	v41 =	vld.idx.msk [tilespmem:v41+s17+$0x0], $0xffff;
	[tilespmem:s26+$0x3400] =	vst v58  }
0x218: {  	v57 =	vadd.s32 v7, v60;
	v59 =	vperm.xlane v33, v15;
	v42 =	vld.idx.msk [tilespmem:v62+s17+$0x0], $0xffff;
	[tilespmem:s26+$0x3410] =	vst v36  }
0x219: {  	v35 =	vadd.s32 v9, v60;
	v34 =	vld.idx.msk [tilespmem:v52+s17+$0x0], $0xffff;
	[tilespmem:s26+$0x3420] =	vst v43  }
0x21a: {  	v61 =	vadd.s32 v3, v59;
	v46 =	vld.idx.msk [tilespmem:v53+s17+$0x0], $0xffff;
	[tilespmem:s26+$0x3430] =	vst v63  }
0x21b: {  	v58 =	vadd.s32 v8, v60;
	v40 =	vld.idx.msk [tilespmem:v54+s17+$0x0], $0xffff;
	[tilespmem:s26+$0x3440] =	vst v38  }
0x21c: {  	v60 =	vadd.s32 v2, v59;
	v37 =	vld.idx.msk [tilespmem:v56+s17+$0x0], $0xffff;
	[tilespmem:s26+$0x3450] =	vst v45  }
0x21d: {  	v62 =	vld.idx.msk [tilespmem:v57+s17+$0x0], $0xffff;
	v63 =	vadd.s32 v4, v59;
	[tilespmem:s26+$0x3460] =	vst v55  }
0x21e: {  	v52 =	vadd.s32 v5, v59;
	v35 =	vld.idx.msk [tilespmem:v35+s17+$0x0], $0xffff;
	[tilespmem:s26+$0x3470] =	vst v41  }
0x21f: {  	v53 =	vadd.s32 v6, v59;
	v38 =	vld.idx.msk [tilespmem:v61+s17+$0x0], $0xffff  }
0x220: {  	v55 =	vadd.s32 v7, v59;
	v39 =	vld.idx.msk [tilespmem:v58+s17+$0x0], $0xffff;
	[tilespmem:s26+$0x2C80] =	vst v42  }
0x221: {  	v57 =	vadd.s32 v8, v59;
	v54 =	vld.idx.msk [tilespmem:v60+s17+$0x0], $0xffff;
	[tilespmem:s26+$0x2C90] =	vst v34  }
0x222: {  	v56 =	vperm.xlane v32, v1;
	v36 =	vadd.s32 v9, v59;
	[tilespmem:s26+$0x2CA0] =	vst v46;
	v45 =	vld.idx.msk [tilespmem:v63+s17+$0x0], $0xffff  }
0x223: {  	[tilespmem:s26+$0x2CB0] =	vst v40;
	v59 =	vld.idx.msk [tilespmem:v52+s17+$0x0], $0xffff  }
0x224: {  	v58 =	vadd.s32 v2, v56;
	[tilespmem:s26+$0x2CC0] =	vst v37;
	v41 =	vld.idx.msk [tilespmem:v53+s17+$0x0], $0xffff  }
0x225: {  	v60 =	vadd.s32 v3, v56;
	[tilespmem:s26+$0x2CD0] =	vst v62;
	v43 =	vld.idx.msk [tilespmem:v55+s17+$0x0], $0xffff  }
0x226: {  	v61 =	vadd.s32 v4, v56;
	v63 =	vld.idx.msk [tilespmem:v57+s17+$0x0], $0xffff;
	[tilespmem:s26+$0x2CF0] =	vst v35  }
0x227: {  	v62 =	vadd.s32 v5, v56;
	v36 =	vld.idx.msk [tilespmem:v36+s17+$0x0], $0xffff;
	[tilespmem:s26+$0x3490] =	vst v38  }
0x228: {  	v52 =	vadd.s32 v6, v56;
	[tilespmem:s26+$0x2CE0] =	vst v39  }
0x229: {  	v53 =	vadd.s32 v7, v56;
	v55 =	vperm.xlane v33, v1;
	[tilespmem:s26+$0x3480] =	vst v54;
	v40 =	vld.idx.msk [tilespmem:v58+s17+$0x0], $0xffff  }
0x22a: {  	v34 =	vadd.s32 v9, v56;
	[tilespmem:s26+$0x34A0] =	vst v45;
	v37 =	vld.idx.msk [tilespmem:v60+s17+$0x0], $0xffff  }
0x22b: {  	v57 =	vadd.s32 v3, v55;
	[tilespmem:s26+$0x34B0] =	vst v59;
	v44 =	vld.idx.msk [tilespmem:v61+s17+$0x0], $0xffff  }
0x22c: {  	v54 =	vadd.s32 v8, v56;
	[tilespmem:s26+$0x34C0] =	vst v41;
	v39 =	vld.idx.msk [tilespmem:v62+s17+$0x0], $0xffff  }
0x22d: {  	v38 =	vadd.s32 v9, v55;
	[tilespmem:s26+$0x34D0] =	vst v43;
	v35 =	vld.idx.msk [tilespmem:v52+s17+$0x0], $0xffff  }
0x22e: {  	v56 =	vadd.s32 v2, v55;
	[tilespmem:s26+$0x34E0] =	vst v63;
	v58 =	vld.idx.msk [tilespmem:v53+s17+$0x0], $0xffff  }
0x22f: {  	v59 =	vadd.s32 v4, v55;
	[tilespmem:s26+$0x34F0] =	vst v36;
	v34 =	vld.idx.msk [tilespmem:v34+s17+$0x0], $0xffff  }
0x230: {  	v63 =	vadd.s32 v7, v55;
	v41 =	vld.idx.msk [tilespmem:v57+s17+$0x0], $0xffff  }
0x231: {  	v60 =	vadd.s32 v5, v55;
	v42 =	vld.idx.msk [tilespmem:v54+s17+$0x0], $0xffff;
	[tilespmem:s26+$0x2D00] =	vst v40  }
0x232: {  	v61 =	vadd.s32 v6, v55;
	v38 =	vld.idx.msk [tilespmem:v38+s17+$0x0], $0xffff;
	[tilespmem:s26+$0x2D10] =	vst v37  }
0x233: {  	v52 =	vperm.xlane v32, v16;
	v53 =	vadd.s32 v8, v55;
	v62 =	vld.idx.msk [tilespmem:v56+s17+$0x0], $0xffff;
	[tilespmem:s26+$0x2D20] =	vst v44  }
0x234: {  	v43 =	vld.idx.msk [tilespmem:v59+s17+$0x0], $0xffff;
	[tilespmem:s26+$0x2D30] =	vst v39  }
0x235: {  	v54 =	vadd.s32 v2, v52;
	v45 =	vld.idx.msk [tilespmem:v63+s17+$0x0], $0xffff;
	[tilespmem:s26+$0x2D40] =	vst v35  }
0x236: {  	v56 =	vadd.s32 v3, v52;
	v55 =	vld.idx.msk [tilespmem:v60+s17+$0x0], $0xffff;
	[tilespmem:s26+$0x2D50] =	vst v58  }
0x237: {  	v57 =	vadd.s32 v4, v52;
	v36 =	vld.idx.msk [tilespmem:v61+s17+$0x0], $0xffff;
	[tilespmem:s26+$0x2D70] =	vst v34  }
0x238: {  	v58 =	vadd.s32 v5, v52;
	v59 =	vld.idx.msk [tilespmem:v53+s17+$0x0], $0xffff;
	[tilespmem:s26+$0x3510] =	vst v41  }
0x239: {  	v60 =	vadd.s32 v6, v52;
	[tilespmem:s26+$0x2D60] =	vst v42  }
0x23a: {  	v63 =	vperm.xlane v33, v16;
	v61 =	vadd.s32 v7, v52;
	[tilespmem:s26+$0x3570] =	vst v38;
	v39 =	vld.idx.msk [tilespmem:v54+s17+$0x0], $0xffff  }
0x23b: {  	v37 =	vadd.s32 v9, v52;
	[tilespmem:s26+$0x3500] =	vst v62;
	v35 =	vld.idx.msk [tilespmem:v56+s17+$0x0], $0xffff  }
0x23c: {  	v53 =	vadd.s32 v3, v63;
	[tilespmem:s26+$0x3520] =	vst v43;
	v46 =	vld.idx.msk [tilespmem:v57+s17+$0x0], $0xffff  }
0x23d: {  	v62 =	vadd.s32 v8, v52;
	[tilespmem:s26+$0x3550] =	vst v45;
	v42 =	vld.idx.msk [tilespmem:v58+s17+$0x0], $0xffff  }
0x23e: {  	v41 =	vadd.s32 v9, v63;
	[tilespmem:s26+$0x3530] =	vst v55;
	v34 =	vld.idx.msk [tilespmem:v60+s17+$0x0], $0xffff  }
0x23f: {  	v52 =	vadd.s32 v2, v63;
	[tilespmem:s26+$0x3540] =	vst v36;
	v54 =	vld.idx.msk [tilespmem:v61+s17+$0x0], $0xffff  }
0x240: {  	v55 =	vadd.s32 v4, v63;
	[tilespmem:s26+$0x3560] =	vst v59;
	v37 =	vld.idx.msk [tilespmem:v37+s17+$0x0], $0xffff  }
0x241: {  	v56 =	vadd.s32 v5, v63;
	v36 =	vld.idx.msk [tilespmem:v53+s17+$0x0], $0xffff  }
0x242: {  	v57 =	vadd.s32 v6, v63;
	v40 =	vld.idx.msk [tilespmem:v62+s17+$0x0], $0xffff;
	[tilespmem:s26+$0x2D80] =	vst v39  }
0x243: {  	v59 =	vadd.s32 v7, v63;
	v41 =	vld.idx.msk [tilespmem:v41+s17+$0x0], $0xffff;
	[tilespmem:s26+$0x2D90] =	vst v35  }
0x244: {  	v60 =	vperm.xlane v32, v17;
	v61 =	vadd.s32 v8, v63;
	v58 =	vld.idx.msk [tilespmem:v52+s17+$0x0], $0xffff;
	[tilespmem:s26+$0x2DA0] =	vst v46  }
0x245: {  	v45 =	vld.idx.msk [tilespmem:v55+s17+$0x0], $0xffff;
	[tilespmem:s26+$0x2DB0] =	vst v42  }
0x246: {  	v62 =	vadd.s32 v2, v60;
	v63 =	vld.idx.msk [tilespmem:v56+s17+$0x0], $0xffff;
	[tilespmem:s26+$0x2DC0] =	vst v34  }
0x247: {  	v52 =	vadd.s32 v3, v60;
	v38 =	vld.idx.msk [tilespmem:v57+s17+$0x0], $0xffff;
	[tilespmem:s26+$0x2DD0] =	vst v54  }
0x248: {  	v53 =	vadd.s32 v4, v60;
	v43 =	vld.idx.msk [tilespmem:v59+s17+$0x0], $0xffff;
	[tilespmem:s26+$0x2DF0] =	vst v37  }
0x249: {  	v54 =	vadd.s32 v5, v60;
	v55 =	vld.idx.msk [tilespmem:v61+s17+$0x0], $0xffff;
	[tilespmem:s26+$0x3590] =	vst v36  }
0x24a: {  	v56 =	vadd.s32 v6, v60;
	[tilespmem:s26+$0x2DE0] =	vst v40  }
0x24b: {  	v57 =	vadd.s32 v7, v60;
	v59 =	vperm.xlane v33, v17;
	[tilespmem:s26+$0x35F0] =	vst v41;
	v42 =	vld.idx.msk [tilespmem:v62+s17+$0x0], $0xffff  }
0x24c: {  	v35 =	vadd.s32 v9, v60;
	[tilespmem:s26+$0x3580] =	vst v58;
	v34 =	vld.idx.msk [tilespmem:v52+s17+$0x0], $0xffff  }
0x24d: {  	v61 =	vadd.s32 v3, v59;
	v44 =	vld.idx.msk [tilespmem:v53+s17+$0x0], $0xffff;
	[tilespmem:s26+$0x35A0] =	vst v45  }
0x24e: {  	v58 =	vadd.s32 v8, v60;
	v40 =	vld.idx.msk [tilespmem:v54+s17+$0x0], $0xffff;
	[tilespmem:s26+$0x35B0] =	vst v63  }
0x24f: {  	v36 =	vadd.s32 v9, v59;
	v37 =	vld.idx.msk [tilespmem:v56+s17+$0x0], $0xffff;
	[tilespmem:s26+$0x35C0] =	vst v38  }
0x250: {  	v60 =	vadd.s32 v2, v59;
	v62 =	vld.idx.msk [tilespmem:v57+s17+$0x0], $0xffff;
	[tilespmem:s26+$0x35D0] =	vst v43  }
0x251: {  	v63 =	vadd.s32 v4, v59;
	[tilespmem:s26+$0x35E0] =	vst v55;
	v35 =	vld.idx.msk [tilespmem:v35+s17+$0x0], $0xffff  }
0x252: {  	v52 =	vadd.s32 v5, v59;
	v38 =	vld.idx.msk [tilespmem:v61+s17+$0x0], $0xffff  }
0x253: {  	v53 =	vadd.s32 v6, v59;
	v39 =	vld.idx.msk [tilespmem:v58+s17+$0x0], $0xffff;
	[tilespmem:s26+$0x2E00] =	vst v42  }
0x254: {  	v55 =	vadd.s32 v7, v59;
	v36 =	vld.idx.msk [tilespmem:v36+s17+$0x0], $0xffff;
	[tilespmem:s26+$0x2E10] =	vst v34  }
0x255: {  	v56 =	vperm.xlane v32, v18;
	v57 =	vadd.s32 v8, v59;
	v54 =	vld.idx.msk [tilespmem:v60+s17+$0x0], $0xffff;
	[tilespmem:s26+$0x2E20] =	vst v44  }
0x256: {  	v43 =	vld.idx.msk [tilespmem:v63+s17+$0x0], $0xffff;
	[tilespmem:s26+$0x2E30] =	vst v40  }
0x257: {  	v58 =	vadd.s32 v2, v56;
	v59 =	vld.idx.msk [tilespmem:v52+s17+$0x0], $0xffff;
	[tilespmem:s26+$0x2E40] =	vst v37  }
0x258: {  	v60 =	vadd.s32 v3, v56;
	v41 =	vld.idx.msk [tilespmem:v53+s17+$0x0], $0xffff;
	[tilespmem:s26+$0x2E50] =	vst v62  }
0x259: {  	v61 =	vadd.s32 v4, v56;
	v45 =	vld.idx.msk [tilespmem:v55+s17+$0x0], $0xffff;
	[tilespmem:s26+$0x2E70] =	vst v35  }
0x25a: {  	v62 =	vadd.s32 v5, v56;
	v63 =	vld.idx.msk [tilespmem:v57+s17+$0x0], $0xffff;
	[tilespmem:s26+$0x3610] =	vst v38  }
0x25b: {  	v52 =	vadd.s32 v6, v56;
	[tilespmem:s26+$0x2E60] =	vst v39  }
0x25c: {  	v53 =	vadd.s32 v7, v56;
	v55 =	vperm.xlane v33, v18;
	[tilespmem:s26+$0x3670] =	vst v36;
	v40 =	vld.idx.msk [tilespmem:v58+s17+$0x0], $0xffff  }
0x25d: {  	v34 =	vadd.s32 v9, v56;
	[tilespmem:s26+$0x3600] =	vst v54;
	v37 =	vld.idx.msk [tilespmem:v60+s17+$0x0], $0xffff  }
0x25e: {  	v57 =	vadd.s32 v3, v55;
	v46 =	vld.idx.msk [tilespmem:v61+s17+$0x0], $0xffff;
	[tilespmem:s26+$0x3620] =	vst v43  }
0x25f: {  	v54 =	vadd.s32 v8, v56;
	v39 =	vld.idx.msk [tilespmem:v62+s17+$0x0], $0xffff;
	[tilespmem:s26+$0x3630] =	vst v59  }
0x260: {  	v38 =	vadd.s32 v9, v55;
	v35 =	vld.idx.msk [tilespmem:v52+s17+$0x0], $0xffff;
	[tilespmem:s26+$0x3640] =	vst v41  }
0x261: {  	v56 =	vadd.s32 v2, v55;
	v58 =	vld.idx.msk [tilespmem:v53+s17+$0x0], $0xffff;
	[tilespmem:s26+$0x3650] =	vst v45  }
0x262: {  	v59 =	vadd.s32 v4, v55;
	[tilespmem:s26+$0x3660] =	vst v63;
	v34 =	vld.idx.msk [tilespmem:v34+s17+$0x0], $0xffff  }
0x263: {  	v60 =	vadd.s32 v5, v55;
	v41 =	vld.idx.msk [tilespmem:v57+s17+$0x0], $0xffff  }
0x264: {  	v61 =	vadd.s32 v6, v55;
	v42 =	vld.idx.msk [tilespmem:v54+s17+$0x0], $0xffff;
	[tilespmem:s26+$0x2E80] =	vst v40  }
0x265: {  	v63 =	vadd.s32 v7, v55;
	v38 =	vld.idx.msk [tilespmem:v38+s17+$0x0], $0xffff;
	[tilespmem:s26+$0x2E90] =	vst v37  }
0x266: {  	v52 =	vperm.xlane v32, v19;
	v53 =	vadd.s32 v8, v55;
	v62 =	vld.idx.msk [tilespmem:v56+s17+$0x0], $0xffff;
	[tilespmem:s26+$0x2EA0] =	vst v46  }
0x267: {  	v45 =	vld.idx.msk [tilespmem:v59+s17+$0x0], $0xffff;
	[tilespmem:s26+$0x2EB0] =	vst v39  }
0x268: {  	v54 =	vadd.s32 v2, v52;
	v55 =	vld.idx.msk [tilespmem:v60+s17+$0x0], $0xffff;
	[tilespmem:s26+$0x2EC0] =	vst v35  }
0x269: {  	v56 =	vadd.s32 v3, v52;
	v36 =	vld.idx.msk [tilespmem:v61+s17+$0x0], $0xffff;
	[tilespmem:s26+$0x2ED0] =	vst v58  }
0x26a: {  	v57 =	vadd.s32 v4, v52;
	v43 =	vld.idx.msk [tilespmem:v63+s17+$0x0], $0xffff;
	[tilespmem:s26+$0x2EF0] =	vst v34  }
0x26b: {  	v58 =	vadd.s32 v5, v52;
	v59 =	vld.idx.msk [tilespmem:v53+s17+$0x0], $0xffff;
	[tilespmem:s26+$0x3690] =	vst v41  }
0x26c: {  	v60 =	vadd.s32 v6, v52;
	[tilespmem:s26+$0x2EE0] =	vst v42  }
0x26d: {  	v61 =	vadd.s32 v7, v52;
	v63 =	vperm.xlane v33, v19;
	[tilespmem:s26+$0x36F0] =	vst v38;
	v39 =	vld.idx.msk [tilespmem:v54+s17+$0x0], $0xffff  }
0x26e: {  	v37 =	vadd.s32 v9, v52;
	[tilespmem:s26+$0x3680] =	vst v62;
	v35 =	vld.idx.msk [tilespmem:v56+s17+$0x0], $0xffff  }
0x26f: {  	v50 =	vadd.s32 v2, v63;
	v44 =	vld.idx.msk [tilespmem:v57+s17+$0x0], $0xffff;
	[tilespmem:s26+$0x36A0] =	vst v45  }
0x270: {  	v62 =	vadd.s32 v8, v52;
	v42 =	vld.idx.msk [tilespmem:v58+s17+$0x0], $0xffff;
	[tilespmem:s26+$0x36B0] =	vst v55  }
0x271: {  	v51 =	vadd.s32 v3, v63;
	v34 =	vld.idx.msk [tilespmem:v60+s17+$0x0], $0xffff;
	[tilespmem:s26+$0x36C0] =	vst v36  }
0x272: {  	v53 =	vadd.s32 v4, v63;
	v52 =	vld.idx.msk [tilespmem:v61+s17+$0x0], $0xffff;
	[tilespmem:s26+$0x36D0] =	vst v43  }
0x273: {  	v41 =	vadd.s32 v9, v63;
	[tilespmem:s26+$0x36E0] =	vst v59;
	v37 =	vld.idx.msk [tilespmem:v37+s17+$0x0], $0xffff  }
0x274: {  	v54 =	vadd.s32 v5, v63;
	v56 =	vld.idx.msk [tilespmem:v50+s17+$0x0], $0xffff  }
0x275: {  	v55 =	vadd.s32 v6, v63;
	v40 =	vld.idx.msk [tilespmem:v62+s17+$0x0], $0xffff;
	[tilespmem:s26+$0x2F00] =	vst v39  }
0x276: {  	v57 =	vadd.s32 v7, v63;
	v36 =	vld.idx.msk [tilespmem:v51+s17+$0x0], $0xffff;
	[tilespmem:s26+$0x2F10] =	vst v35  }
0x277: {  	v58 =	vperm.xlane v32, v20;
	v59 =	vadd.s32 v8, v63;
	v43 =	vld.idx.msk [tilespmem:v53+s17+$0x0], $0xffff;
	[tilespmem:s26+$0x2F20] =	vst v44  }
0x278: {  	v41 =	vld.idx.msk [tilespmem:v41+s17+$0x0], $0xffff;
	[tilespmem:s26+$0x2F30] =	vst v42  }
0x279: {  	v60 =	vadd.s32 v2, v58;
	v61 =	vld.idx.msk [tilespmem:v54+s17+$0x0], $0xffff;
	[tilespmem:s26+$0x2F40] =	vst v34  }
0x27a: {  	v62 =	vadd.s32 v3, v58;
	v38 =	vld.idx.msk [tilespmem:v55+s17+$0x0], $0xffff;
	[tilespmem:s26+$0x2F50] =	vst v52  }
0x27b: {  	v63 =	vadd.s32 v4, v58;
	v45 =	vld.idx.msk [tilespmem:v57+s17+$0x0], $0xffff;
	[tilespmem:s26+$0x2F70] =	vst v37  }
0x27c: {  	v52 =	vadd.s32 v5, v58;
	v53 =	vld.idx.msk [tilespmem:v59+s17+$0x0], $0xffff;
	[tilespmem:s26+$0x3700] =	vst v56  }
0x27d: {  	v54 =	vadd.s32 v6, v58;
	[tilespmem:s26+$0x2F60] =	vst v40  }
0x27e: {  	v55 =	vadd.s32 v7, v58;
	[tilespmem:s26+$0x3710] =	vst v36;
	v42 =	vld.idx.msk [tilespmem:v60+s17+$0x0], $0xffff  }
0x27f: {  	v57 =	vperm.xlane v33, v20;
	v35 =	vadd.s32 v9, v58;
	[tilespmem:s26+$0x3720] =	vst v43;
	v34 =	vld.idx.msk [tilespmem:v62+s17+$0x0], $0xffff  }
0x280: {  	v56 =	vadd.s32 v8, v58;
	[tilespmem:s26+$0x3770] =	vst v41;
	v46 =	vld.idx.msk [tilespmem:v63+s17+$0x0], $0xffff  }
0x281: {  	v58 =	vadd.s32 v2, v57;
	v40 =	vld.idx.msk [tilespmem:v52+s17+$0x0], $0xffff;
	[tilespmem:s26+$0x3730] =	vst v61  }
0x282: {  	v59 =	vadd.s32 v3, v57;
	v37 =	vld.idx.msk [tilespmem:v54+s17+$0x0], $0xffff;
	[tilespmem:s26+$0x3740] =	vst v38  }
0x283: {  	v36 =	vadd.s32 v9, v57;
	v60 =	vld.idx.msk [tilespmem:v55+s17+$0x0], $0xffff;
	[tilespmem:s26+$0x3750] =	vst v45  }
0x284: {  	v61 =	vadd.s32 v4, v57;
	[tilespmem:s26+$0x3760] =	vst v53;
	v35 =	vld.idx.msk [tilespmem:v35+s17+$0x0], $0xffff  }
0x285: {  	v62 =	vadd.s32 v5, v57;
	v39 =	vld.idx.msk [tilespmem:v56+s17+$0x0], $0xffff;
	[tilespmem:s26+$0x2F80] =	vst v42  }
0x286: {  	v63 =	vadd.s32 v6, v57;
	v52 =	vld.idx.msk [tilespmem:v58+s17+$0x0], $0xffff;
	[tilespmem:s26+$0x2F90] =	vst v34  }
0x287: {  	v53 =	vadd.s32 v7, v57;
	v54 =	vperm.xlane v32, v21;
	v38 =	vld.idx.msk [tilespmem:v59+s17+$0x0], $0xffff;
	[tilespmem:s26+$0x2FA0] =	vst v46  }
0x288: {  	v55 =	vadd.s32 v8, v57;
	v36 =	vld.idx.msk [tilespmem:v36+s17+$0x0], $0xffff;
	[tilespmem:s26+$0x2FB0] =	vst v40  }
0x289: {  	v56 =	vadd.s32 v2, v54;
	v45 =	vld.idx.msk [tilespmem:v61+s17+$0x0], $0xffff;
	[tilespmem:s26+$0x2FC0] =	vst v37  }
0x28a: {  	v58 =	vadd.s32 v3, v54;
	v57 =	vld.idx.msk [tilespmem:v62+s17+$0x0], $0xffff;
	[tilespmem:s26+$0x2FD0] =	vst v60  }
0x28b: {  	v59 =	vadd.s32 v4, v54;
	v41 =	vld.idx.msk [tilespmem:v63+s17+$0x0], $0xffff;
	[tilespmem:s26+$0x2FF0] =	vst v35  }
0x28c: {  	v43 =	vld.idx.msk [tilespmem:v53+s17+$0x0], $0xffff;
	v60 =	vadd.s32 v5, v54;
	[tilespmem:s26+$0x2FE0] =	vst v39  }
0x28d: {  	v61 =	vld.idx.msk [tilespmem:v55+s17+$0x0], $0xffff;
	v62 =	vadd.s32 v6, v54;
	[tilespmem:s26+$0x3780] =	vst v52  }
0x28e: {  	v63 =	vadd.s32 v7, v54;
	[tilespmem:s26+$0x3790] =	vst v38;
	v40 =	vld.idx.msk [tilespmem:v56+s17+$0x0], $0xffff  }
0x28f: {  	v53 =	vperm.xlane v33, v21;
	v34 =	vadd.s32 v9, v54;
	[tilespmem:s26+$0x37F0] =	vst v36;
	v37 =	vld.idx.msk [tilespmem:v58+s17+$0x0], $0xffff  }
0x290: {  	v52 =	vadd.s32 v8, v54;
	v44 =	vld.idx.msk [tilespmem:v59+s17+$0x0], $0xffff;
	[tilespmem:s26+$0x37A0] =	vst v45  }
0x291: {  	v54 =	vadd.s32 v2, v53;
	v39 =	vld.idx.msk [tilespmem:v60+s17+$0x0], $0xffff;
	[tilespmem:s26+$0x37B0] =	vst v57  }
0x292: {  	v55 =	vadd.s32 v3, v53;
	v35 =	vld.idx.msk [tilespmem:v62+s17+$0x0], $0xffff;
	[tilespmem:s26+$0x37C0] =	vst v41  }
0x293: {  	v38 =	vadd.s32 v9, v53;
	v56 =	vld.idx.msk [tilespmem:v63+s17+$0x0], $0xffff;
	[tilespmem:s26+$0x37D0] =	vst v43  }
0x294: {  	v58 =	vadd.s32 v5, v53;
	[tilespmem:s26+$0x37E0] =	vst v61;
	v34 =	vld.idx.msk [tilespmem:v34+s17+$0x0], $0xffff  }
0x295: {  	v59 =	vadd.s32 v6, v53;
	v42 =	vld.idx.msk [tilespmem:v52+s17+$0x0], $0xffff;
	[tilespmem:s26+$0x3000] =	vst v40  }
0x296: {  	v57 =	vadd.s32 v4, v53;
	v60 =	vld.idx.msk [tilespmem:v54+s17+$0x0], $0xffff;
	[tilespmem:s26+$0x3010] =	vst v37  }
0x297: {  	v61 =	vadd.s32 v7, v53;
	v62 =	vperm.xlane v32, v22;
	v41 =	vld.idx.msk [tilespmem:v55+s17+$0x0], $0xffff;
	[tilespmem:s26+$0x3020] =	vst v44  }
0x298: {  	v63 =	vadd.s32 v8, v53;
	v38 =	vld.idx.msk [tilespmem:v38+s17+$0x0], $0xffff;
	[tilespmem:s26+$0x3030] =	vst v39  }
0x299: {  	v51 =	vadd.s32 v2, v62;
	v52 =	vld.idx.msk [tilespmem:v58+s17+$0x0], $0xffff;
	[tilespmem:s26+$0x3040] =	vst v35  }
0x29a: {  	v53 =	vadd.s32 v3, v62;
	v36 =	vld.idx.msk [tilespmem:v59+s17+$0x0], $0xffff;
	[tilespmem:s26+$0x3050] =	vst v56  }
0x29b: {  	v54 =	vadd.s32 v4, v62;
	v43 =	vld.idx.msk [tilespmem:v57+s17+$0x0], $0xffff;
	[tilespmem:s26+$0x3070] =	vst v34  }
0x29c: {  	v55 =	vadd.s32 v5, v62;
	v45 =	vld.idx.msk [tilespmem:v61+s17+$0x0], $0xffff;
	[tilespmem:s26+$0x3060] =	vst v42  }
0x29d: {  	v58 =	vadd.s32 v7, v62;
	v56 =	vld.idx.msk [tilespmem:v63+s17+$0x0], $0xffff;
	[tilespmem:s26+$0x3800] =	vst v60  }
0x29e: {  	v59 =	vadd.s32 v8, v62;
	[tilespmem:s26+$0x3810] =	vst v41;
	v39 =	vld.idx.msk [tilespmem:v51+s17+$0x0], $0xffff  }
0x29f: {  	v37 =	vadd.s32 v9, v62;
	v60 =	vperm.xlane v33, v22;
	[tilespmem:s26+$0x3870] =	vst v38;
	v35 =	vld.idx.msk [tilespmem:v53+s17+$0x0], $0xffff  }
0x2a0: {  	v57 =	vadd.s32 v6, v62;
	v61 =	vld.idx.msk [tilespmem:v54+s17+$0x0], $0xffff;
	[tilespmem:s26+$0x3830] =	vst v52  }
0x2a1: {  	v42 =	vld.idx.msk [tilespmem:v55+s17+$0x0], $0xffff;
	[tilespmem:s26+$0x3840] =	vst v36;
	v62 =	vadd.s32 v2, v60  }
0x2a2: {  	v48 =	vld.idx.msk [tilespmem:v58+s17+$0x0], $0xffff;
	v63 =	vadd.s32 v3, v60;
	[tilespmem:s26+$0x3820] =	vst v43  }
0x2a3: {  	v40 =	vld.idx.msk [tilespmem:v59+s17+$0x0], $0xffff;
	v49 =	vadd.s32 v4, v60;
	[tilespmem:s26+$0x3850] =	vst v45  }
0x2a4: {  	v37 =	vld.idx.msk [tilespmem:v37+s17+$0x0], $0xffff;
	v50 =	vadd.s32 v5, v60;
	[tilespmem:s26+$0x3860] =	vst v56  }
0x2a5: {  	v51 =	vadd.s32 v6, v60;
	v34 =	vld.idx.msk [tilespmem:v57+s17+$0x0], $0xffff;
	[tilespmem:s26+$0x3080] =	vst v39  }
0x2a6: {  	v53 =	vadd.s32 v7, v60;
	[tilespmem:s26+$0x3090] =	vst v35;
	v52 =	vld.idx.msk [tilespmem:v62+s17+$0x0], $0xffff  }
0x2a7: {  	v32 =	vperm.xlane v32, v23;
	v55 =	vadd.s32 v8, v60;
	[tilespmem:s26+$0x30A0] =	vst v61;
	v54 =	vld.idx.msk [tilespmem:v63+s17+$0x0], $0xffff  }
0x2a8: {  	v41 =	vadd.s32 v9, v60;
	[tilespmem:s26+$0x30B0] =	vst v42;
	v56 =	vld.idx.msk [tilespmem:v49+s17+$0x0], $0xffff  }
0x2a9: {  	v57 =	vadd.s32 v2, v32;
	[tilespmem:s26+$0x30D0] =	vst v48;
	v58 =	vld.idx.msk [tilespmem:v50+s17+$0x0], $0xffff  }
0x2aa: {  	v59 =	vadd.s32 v3, v32;
	[tilespmem:s26+$0x30E0] =	vst v40;
	v38 =	vld.idx.msk [tilespmem:v51+s17+$0x0], $0xffff  }
0x2ab: {  	v60 =	vadd.s32 v4, v32;
	[tilespmem:s26+$0x30F0] =	vst v37;
	v44 =	vld.idx.msk [tilespmem:v53+s17+$0x0], $0xffff  }
0x2ac: {  	v61 =	vadd.s32 v5, v32;
	v36 =	vld.idx.msk [tilespmem:v55+s17+$0x0], $0xffff;
	[tilespmem:s26+$0x30C0] =	vst v34  }
0x2ad: {  	v48 =	vadd.s32 v8, v32;
	v41 =	vld.idx.msk [tilespmem:v41+s17+$0x0], $0xffff;
	[tilespmem:s26+$0x3880] =	vst v52  }
0x2ae: {  	v62 =	vadd.s32 v6, v32;
	v42 =	vld.idx.msk [tilespmem:v57+s17+$0x0], $0xffff;
	[tilespmem:s26+$0x3890] =	vst v54  }
0x2af: {  	v33 =	vperm.xlane v33, v23;
	v63 =	vadd.s32 v7, v32;
	v34 =	vld.idx.msk [tilespmem:v59+s17+$0x0], $0xffff;
	[tilespmem:s26+$0x38A0] =	vst v56  }
0x2b0: {  	v32 =	vadd.s32 v9, v32;
	v49 =	vld.idx.msk [tilespmem:v60+s17+$0x0], $0xffff;
	[tilespmem:s26+$0x38B0] =	vst v58  }
0x2b1: {  	v50 =	vadd.s32 v2, v33;
	v40 =	vld.idx.msk [tilespmem:v61+s17+$0x0], $0xffff;
	[tilespmem:s26+$0x38C0] =	vst v38  }
0x2b2: {  	v51 =	vadd.s32 v3, v33;
	v35 =	vld.idx.msk [tilespmem:v48+s17+$0x0], $0xffff;
	[tilespmem:s26+$0x38D0] =	vst v44  }
0x2b3: {  	v53 =	vadd.s32 v5, v33;
	v37 =	vld.idx.msk [tilespmem:v62+s17+$0x0], $0xffff;
	[tilespmem:s26+$0x38E0] =	vst v36  }
0x2b4: {  	v39 =	vld.idx.msk [tilespmem:v63+s17+$0x0], $0xffff;
	v52 =	vadd.s32 v4, v33;
	[tilespmem:s26+$0x38F0] =	vst v41  }
0x2b5: {  	v32 =	vld.idx.msk [tilespmem:v32+s17+$0x0], $0xffff;
	v54 =	vadd.s32 v6, v33;
	[tilespmem:s26+$0x3100] =	vst v42  }
0x2b6: {  	v56 =	vadd.s32 v7, v33;
	v55 =	vld.idx.msk [tilespmem:v50+s17+$0x0], $0xffff;
	[tilespmem:s26+$0x3110] =	vst v34  }
0x2b7: {  	v58 =	vadd.s32 v8, v33;
	v57 =	vld.idx.msk [tilespmem:v51+s17+$0x0], $0xffff;
	[tilespmem:s26+$0x3120] =	vst v49  }
0x2b8: {  	v33 =	vadd.s32 v9, v33;
	v36 =	vld.idx.msk [tilespmem:v53+s17+$0x0], $0xffff;
	[tilespmem:s26+$0x3130] =	vst v40  }
0x2b9: {  	[tilespmem:s26+$0x3160] =	vst v35;
	v59 =	vld.idx.msk [tilespmem:v52+s17+$0x0], $0xffff  }
0x2ba: {  	[tilespmem:s26+$0x3140] =	vst v37;
	v60 =	vld.idx.msk [tilespmem:v54+s17+$0x0], $0xffff  }
0x2bb: {  	[tilespmem:s26+$0x3150] =	vst v39;
	v61 =	vld.idx.msk [tilespmem:v56+s17+$0x0], $0xffff  }
0x2bc: {  	v62 =	vld.idx.msk [tilespmem:v58+s17+$0x0], $0xffff;
	[tilespmem:s26+$0x3170] =	vst v32  }
0x2bd: {  	v63 =	vld.idx.msk [tilespmem:v33+s17+$0x0], $0xffff;
	[tilespmem:s26+$0x3900] =	vst v55  }
0x2be: {  	[tilespmem:s26+$0x3910] =	vst v57  }
0x2bf: {  	p1 =	slt.u32 s25, $0xC;
	[tilespmem:s26+$0x3930] =	vst v36  }
.Ltmp0:
0x2c0: {  	[tilespmem:s26+$0x3920] =	vst v59;
	(pc) =	sbr.rel @p1 .LBB2_3-.Ltmp0, $4  }
0x2c1: {  	[tilespmem:s26+$0x3940] =	vst v60  }
0x2c2: {  	[tilespmem:s26+$0x3950] =	vst v61  }
0x2c3: {  	s31 =	sadd.s32 $0x4, s25;
	[tilespmem:s26+$0x3960] =	vst v62  }
0x2c4: {  	s25 =	smov.u32 s31;
	[tilespmem:s26+$0x3970] =	vst v63  }
0x2c5: {  	s24 =	sshll.u32 s24, $0xD  }
0x2c6: {  	s0 =	sadd.s32 s1, s24  }
0x2c7: {  	[hbm4b:s0+s2] =	stream.linear.scatter [tilespmem:s18], [sflag:$0x1], $0x8000, $0x38;
	[tilespmem:$0x11980] =	vst v63  }
0x2c8: {  	s0 =	simm.s32 @!p0 $0x2  }
0x2c9: {  	_ =	swait.ge @!p0 [sflag:s0], $0x8000  }
0x2ca: {  	[sflag:s0] =	ssyncset.done @!p0 $0x0  }
0x2cb: {  	s25 =	simm.s32 $0x0;
	[sflag:s0] =	ssyncadd.s32 @!p0 $0xFFFF8000  }
0x2cc: {  	v24 =	vld.idx.msk [tilespmem:v24+s25+$0x0], $0xffff  }
0x2cd: {  	v25 =	vld.idx.msk [tilespmem:v25+s25+$0x0], $0xffff  }
0x2ce: {  	v26 =	vld.idx.msk [tilespmem:v26+s25+$0x0], $0xffff  }
0x2cf: {  	v27 =	vld.idx.msk [tilespmem:v27+s16+$0x0], $0xffff  }
.LBB2_5:
0x2d0: {  	s28 =	sshll.u32 s25, $0x4  }
0x2d1: {  	s0 =	sand.u32 $0x80, s28  }
0x2d2: {  	s0 =	sor.u32 $0x100, s0  }
0x2d3: {  	s3 =	sand.u32 $0x40, s28;
	s4 =	sadd.s32 s0, s7  }
0x2d4: {  	s5 =	sadd.s32 s0, s9;
	s4 =	sadd.s32 s3, s4  }
0x2d5: {  	s30 =	sadd.s32 s3, s5;
	v28 =	vld [tilespmem:s4+$0x0]  }
0x2d6: {  	s31 =	sadd.s32 s0, s11;
	v29 =	vld [tilespmem:s30+$0x0]  }
0x2d7: {  	s4 =	sadd.s32 s3, s31  }
0x2d8: {  	v30 =	vld [tilespmem:s4+$0x0];
	_ =	sdelay $0x2  }
0x2d9: {  	v28 =	vsub.f32 v28, v24;
	v29 =	vsub.f32 v29, v25;
	_ =	sdelay $0x1  }
0x2da: {  	v30 =	vsub.f32 v30, v26;
	v28 =	vmul.f32 v28, v28;
	v29 =	vmul.f32 v29, v29;
	_ =	sdelay $0x1  }
0x2db: {  	v28 =	vadd.f32 v29, v28;
	v29 =	vmul.f32 v30, v30;
	_ =	sdelay $0x1  }
0x2dc: {  	v28 =	vadd.f32 v29, v28;
	_ =	sdelay $0x1  }
0x2dd: {  	vm0 =	vge.f32 v28, $1.914062500e+01;
	vm1 =	vge.f32 v28, $2.889062500e+01  }
0x2de: {  	vm6 =	vge.f32 v28, $4.064062500e+01;
	v29 =	vsel vm0, $0x1, v0;
	v45 =	vsel vm1, $0x1, v0  }
0x2df: {  	vm7 =	vge.f32 v28, $5.439062500e+01;
	v46 =	vsel vm6, $0x1, v0;
	v29 =	vadd.s32 v45, v29  }
0x2e0: {  	vm8 =	vge.f32 v28, $7.014062500e+01;
	v47 =	vsel vm7, $0x1, v0;
	v29 =	vadd.s32 v46, v29  }
0x2e1: {  	vm9 =	vge.f32 v28, $8.789062500e+01;
	v48 =	vsel vm8, $0x1, v0;
	v29 =	vadd.s32 v47, v29  }
0x2e2: {  	vm10 =	vge.f32 v28, $1.076406250e+02;
	v49 =	vsel vm9, $0x1, v0;
	v29 =	vadd.s32 v48, v29  }
0x2e3: {  	vm11 =	vge.f32 v28, $1.293906250e+02;
	v50 =	vsel vm10, $0x1, v0;
	v29 =	vadd.s32 v49, v29  }
0x2e4: {  	vm12 =	vge.f32 v28, $1.531406250e+02;
	v51 =	vsel vm11, $0x1, v0;
	v29 =	vadd.s32 v50, v29  }
0x2e5: {  	vm13 =	vge.f32 v28, $1.788906250e+02;
	v52 =	vsel vm12, $0x1, v0;
	v29 =	vadd.s32 v51, v29  }
0x2e6: {  	s0 =	sadd.s32 s0, s12;
	vm14 =	vge.f32 v28, $2.066406250e+02;
	v53 =	vsel vm13, $0x1, v0;
	v29 =	vadd.s32 v52, v29  }
0x2e7: {  	s0 =	sadd.s32 s3, s0;
	vm15 =	vge.f32 v28, $2.363906250e+02;
	v54 =	vsel vm14, $0x1, v0;
	v29 =	vadd.s32 v53, v29  }
0x2e8: {  	v31 =	vld [tilespmem:s0+$0x0];
	vm4 =	vge.f32 v28, $2.681406250e+02;
	v55 =	vsel vm15, $0x1, v0;
	v29 =	vadd.s32 v54, v29  }
0x2e9: {  	vm5 =	vge.f32 v28, $3.018906250e+02;
	v56 =	vsel vm4, $0x1, v0;
	v29 =	vadd.s32 v55, v29  }
0x2ea: {  	v57 =	vsel vm5, $0x1, v0;
	vm6 =	vge.f32 v28, $3.376406250e+02;
	v29 =	vadd.s32 v56, v29  }
0x2eb: {  	vm7 =	vge.f32 v28, $3.753906250e+02;
	v58 =	vsel vm6, $0x1, v0;
	v29 =	vadd.s32 v57, v29  }
0x2ec: {  	vm8 =	vge.f32 v28, $4.151406250e+02;
	v59 =	vsel vm7, $0x1, v0;
	v29 =	vadd.s32 v58, v29  }
0x2ed: {  	v60 =	vmul.f32 v31, v27;
	v28 =	vadd.s32 v59, v29;
	v29 =	vsel vm8, $0x1, v0  }
0x2ee: {  	v28 =	vadd.s32 v29, v28  }
0x2ef: {  	vm9 =	vgt.f32 v60, $0.0e+00;
	v28 =	vshll.u32 v28, $0x7  }
0x2f0: {  	v28 =	vnsel vm9, $0x900, v28  }
0x2f1: {  	v29 =	vperm.xlane v28, v0;
	_ =	sdelay $0x1  }
0x2f2: {  	v61 =	vadd.s32 v2, v29  }
0x2f3: {  	v62 =	vadd.s32 v3, v29  }
0x2f4: {  	v32 =	vadd.s32 v4, v29  }
0x2f5: {  	v33 =	vadd.s32 v5, v29  }
0x2f6: {  	v34 =	vadd.s32 v6, v29  }
0x2f7: {  	v35 =	vadd.s32 v7, v29;
	v30 =	vld.idx.msk [tilespmem:v61+s17+$0x0], $0xffff  }
0x2f8: {  	v36 =	vadd.s32 v8, v29;
	v31 =	vld.idx.msk [tilespmem:v62+s17+$0x0], $0xffff  }
0x2f9: {  	v29 =	vadd.s32 v9, v29;
	v32 =	vld.idx.msk [tilespmem:v32+s17+$0x0], $0xffff  }
0x2fa: {  	v33 =	vld.idx.msk [tilespmem:v33+s17+$0x0], $0xffff  }
0x2fb: {  	v34 =	vld.idx.msk [tilespmem:v34+s17+$0x0], $0xffff  }
0x2fc: {  	s4 =	sshll.u32 s25, $0xB;
	v35 =	vld.idx.msk [tilespmem:v35+s17+$0x0], $0xffff  }
0x2fd: {  	s26 =	sand.u32 $0x3FFFF800, s4;
	v36 =	vld.idx.msk [tilespmem:v36+s17+$0x0], $0xffff  }
0x2fe: {  	v29 =	vld.idx.msk [tilespmem:v29+s17+$0x0], $0xffff;
	[tilespmem:s26+$0x9980] =	vst v30  }
0x2ff: {  	v63 =	vperm.xlane v28, v10;
	[tilespmem:s26+$0x9990] =	vst v31  }
0x300: {  	[tilespmem:s26+$0x99A0] =	vst v32  }
0x301: {  	v40 =	vadd.s32 v2, v63;
	[tilespmem:s26+$0x99B0] =	vst v33  }
0x302: {  	v41 =	vadd.s32 v3, v63;
	[tilespmem:s26+$0x99C0] =	vst v34  }
0x303: {  	v42 =	vadd.s32 v4, v63;
	[tilespmem:s26+$0x99D0] =	vst v35  }
0x304: {  	v43 =	vadd.s32 v5, v63;
	[tilespmem:s26+$0x99E0] =	vst v36  }
0x305: {  	v44 =	vadd.s32 v7, v63;
	[tilespmem:s26+$0x99F0] =	vst v29  }
0x306: {  	v45 =	vadd.s32 v8, v63;
	v31 =	vld.idx.msk [tilespmem:v40+s17+$0x0], $0xffff  }
0x307: {  	v29 =	vadd.s32 v6, v63;
	v32 =	vld.idx.msk [tilespmem:v41+s17+$0x0], $0xffff  }
0x308: {  	v30 =	vadd.s32 v9, v63;
	v33 =	vld.idx.msk [tilespmem:v42+s17+$0x0], $0xffff  }
0x309: {  	v34 =	vld.idx.msk [tilespmem:v43+s17+$0x0], $0xffff  }
0x30a: {  	v35 =	vld.idx.msk [tilespmem:v44+s17+$0x0], $0xffff  }
0x30b: {  	v36 =	vld.idx.msk [tilespmem:v45+s17+$0x0], $0xffff  }
0x30c: {  	v29 =	vld.idx.msk [tilespmem:v29+s17+$0x0], $0xffff  }
0x30d: {  	v30 =	vld.idx.msk [tilespmem:v30+s17+$0x0], $0xffff;
	[tilespmem:s26+$0x9A00] =	vst v31  }
0x30e: {  	[tilespmem:s26+$0x9A10] =	vst v32;
	v31 =	vperm.xlane v28, v11  }
0x30f: {  	[tilespmem:s26+$0x9A20] =	vst v33  }
0x310: {  	[tilespmem:s26+$0x9A30] =	vst v34;
	v46 =	vadd.s32 v2, v31  }
0x311: {  	[tilespmem:s26+$0x9A50] =	vst v35;
	v47 =	vadd.s32 v4, v31  }
0x312: {  	[tilespmem:s26+$0x9A60] =	vst v36;
	v48 =	vadd.s32 v5, v31  }
0x313: {  	[tilespmem:s26+$0x9A40] =	vst v29;
	v29 =	vadd.s32 v3, v31  }
0x314: {  	v49 =	vadd.s32 v6, v31;
	[tilespmem:s26+$0x9A70] =	vst v30  }
0x315: {  	v32 =	vld.idx.msk [tilespmem:v46+s17+$0x0], $0xffff  }
0x316: {  	s5 =	sor.u32 $0x110, s28;
	v33 =	vld.idx.msk [tilespmem:v47+s17+$0x0], $0xffff  }
0x317: {  	s3 =	sand.u32 $0x180, s5;
	v34 =	vld.idx.msk [tilespmem:v48+s17+$0x0], $0xffff  }
0x318: {  	s0 =	sand.u32 $0x50, s5;
	s29 =	sadd.s32 s3, s7;
	v35 =	vld.idx.msk [tilespmem:v29+s17+$0x0], $0xffff  }
0x319: {  	s30 =	sadd.s32 s3, s9;
	s4 =	sadd.s32 s0, s29;
	v30 =	vld.idx.msk [tilespmem:v49+s17+$0x0], $0xffff  }
0x31a: {  	s31 =	sadd.s32 s0, s30;
	v29 =	vld [tilespmem:s4+$0x0]  }
0x31b: {  	s5 =	sadd.s32 s3, s11;
	v50 =	vld [tilespmem:s31+$0x0]  }
0x31c: {  	s4 =	sadd.s32 s0, s5  }
0x31d: {  	v37 =	vld [tilespmem:s4+$0x0];
	_ =	sdelay $0x2  }
0x31e: {  	v29 =	vsub.f32 v29, v24;
	v36 =	vsub.f32 v50, v25;
	_ =	sdelay $0x1  }
0x31f: {  	v37 =	vsub.f32 v37, v26;
	v29 =	vmul.f32 v29, v29;
	v36 =	vmul.f32 v36, v36;
	_ =	sdelay $0x1  }
0x320: {  	v51 =	vmul.f32 v37, v37;
	v29 =	vadd.f32 v36, v29;
	_ =	sdelay $0x1  }
0x321: {  	v29 =	vadd.f32 v51, v29  }
0x322: {  	v46 =	vadd.s32 v7, v31;
	v47 =	vadd.s32 v8, v31  }
0x323: {  	v31 =	vadd.s32 v9, v31;
	vm10 =	vge.f32 v29, $1.914062500e+01;
	vm11 =	vge.f32 v29, $2.889062500e+01  }
0x324: {  	vm12 =	vge.f32 v29, $4.064062500e+01;
	v52 =	vsel vm10, $0x1, v0;
	v53 =	vsel vm11, $0x1, v0  }
0x325: {  	vm13 =	vge.f32 v29, $5.439062500e+01;
	v54 =	vsel vm12, $0x1, v0;
	v36 =	vadd.s32 v53, v52  }
0x326: {  	vm14 =	vge.f32 v29, $7.014062500e+01;
	v55 =	vsel vm13, $0x1, v0;
	v36 =	vadd.s32 v54, v36  }
0x327: {  	vm15 =	vge.f32 v29, $8.789062500e+01;
	v56 =	vsel vm14, $0x1, v0;
	v36 =	vadd.s32 v55, v36  }
0x328: {  	vm4 =	vge.f32 v29, $1.076406250e+02;
	v57 =	vsel vm15, $0x1, v0;
	v36 =	vadd.s32 v56, v36  }
0x329: {  	vm5 =	vge.f32 v29, $1.293906250e+02;
	v58 =	vsel vm4, $0x1, v0;
	v36 =	vadd.s32 v57, v36  }
0x32a: {  	vm6 =	vge.f32 v29, $1.531406250e+02;
	v59 =	vsel vm5, $0x1, v0;
	v36 =	vadd.s32 v58, v36  }
0x32b: {  	vm7 =	vge.f32 v29, $1.788906250e+02;
	v60 =	vsel vm6, $0x1, v0;
	v36 =	vadd.s32 v59, v36  }
0x32c: {  	vm8 =	vge.f32 v29, $2.066406250e+02;
	v61 =	vsel vm7, $0x1, v0;
	v36 =	vadd.s32 v60, v36  }
0x32d: {  	vm9 =	vge.f32 v29, $2.363906250e+02;
	v62 =	vsel vm8, $0x1, v0;
	v36 =	vadd.s32 v61, v36  }
0x32e: {  	s3 =	sadd.s32 s3, s12;
	v63 =	vsel vm9, $0x1, v0;
	vm10 =	vge.f32 v29, $2.681406250e+02;
	v36 =	vadd.s32 v62, v36  }
0x32f: {  	s0 =	sadd.s32 s0, s3;
	vm11 =	vge.f32 v29, $3.018906250e+02;
	v40 =	vsel vm10, $0x1, v0;
	v36 =	vadd.s32 v63, v36  }
0x330: {  	v38 =	vld [tilespmem:s0+$0x0];
	vm12 =	vge.f32 v29, $3.376406250e+02;
	v41 =	vsel vm11, $0x1, v0;
	v36 =	vadd.s32 v40, v36  }
0x331: {  	v31 =	vld.idx.msk [tilespmem:v31+s17+$0x0], $0xffff;
	vm13 =	vge.f32 v29, $3.753906250e+02;
	v42 =	vsel vm12, $0x1, v0;
	v36 =	vadd.s32 v41, v36  }
0x332: {  	v37 =	vld.idx.msk [tilespmem:v47+s17+$0x0], $0xffff;
	v43 =	vsel vm13, $0x1, v0;
	v36 =	vadd.s32 v42, v36  }
0x333: {  	vm14 =	vge.f32 v29, $4.151406250e+02;
	v29 =	vadd.s32 v43, v36;
	v36 =	vld.idx.msk [tilespmem:v46+s17+$0x0], $0xffff;
	[tilespmem:s26+$0x9A80] =	vst v32  }
0x334: {  	v51 =	vperm.xlane v28, v12;
	[tilespmem:s26+$0x9A90] =	vst v35  }
0x335: {  	[tilespmem:s26+$0x9AA0] =	vst v33  }
0x336: {  	v45 =	vmul.f32 v38, v27;
	v44 =	vsel vm14, $0x1, v0;
	v53 =	vadd.s32 v2, v51;
	[tilespmem:s26+$0x9AB0] =	vst v34  }
0x337: {  	v55 =	vadd.s32 v3, v51;
	[tilespmem:s26+$0x9AC0] =	vst v30;
	v29 =	vadd.s32 v44, v29  }
0x338: {  	vm15 =	vgt.f32 v45, $0.0e+00;
	v57 =	vadd.s32 v4, v51;
	[tilespmem:s26+$0x9AE0] =	vst v37;
	v29 =	vshll.u32 v29, $0x7  }
0x339: {  	v58 =	vadd.s32 v5, v51;
	[tilespmem:s26+$0x9AF0] =	vst v31;
	v29 =	vnsel vm15, $0x900, v29  }
0x33a: {  	v60 =	vadd.s32 v6, v51;
	v48 =	vperm.xlane v29, v0;
	[tilespmem:s26+$0x9AD0] =	vst v36  }
0x33b: {  	v61 =	vadd.s32 v7, v51;
	v62 =	vadd.s32 v8, v51;
	v34 =	vld.idx.msk [tilespmem:v53+s17+$0x0], $0xffff  }
0x33c: {  	v35 =	vadd.s32 v9, v51;
	v39 =	vadd.s32 v2, v48;
	v40 =	vadd.s32 v3, v48;
	v30 =	vld.idx.msk [tilespmem:v55+s17+$0x0], $0xffff  }
0x33d: {  	v41 =	vadd.s32 v4, v48;
	v42 =	vadd.s32 v5, v48;
	v43 =	vadd.s32 v6, v48;
	v36 =	vld.idx.msk [tilespmem:v57+s17+$0x0], $0xffff  }
0x33e: {  	v50 =	vadd.s32 v7, v48;
	v44 =	vadd.s32 v8, v48;
	v38 =	vadd.s32 v9, v48;
	v48 =	vld.idx.msk [tilespmem:v58+s17+$0x0], $0xffff  }
0x33f: {  	v31 =	vld.idx.msk [tilespmem:v60+s17+$0x0], $0xffff  }
0x340: {  	v51 =	vld.idx.msk [tilespmem:v61+s17+$0x0], $0xffff  }
0x341: {  	v32 =	vld.idx.msk [tilespmem:v62+s17+$0x0], $0xffff  }
0x342: {  	v35 =	vld.idx.msk [tilespmem:v35+s17+$0x0], $0xffff;
	[tilespmem:s26+$0x9B00] =	vst v34  }
0x343: {  	v49 =	vld.idx.msk [tilespmem:v39+s17+$0x0], $0xffff;
	[tilespmem:s26+$0x9B10] =	vst v30  }
0x344: {  	v40 =	vld.idx.msk [tilespmem:v40+s17+$0x0], $0xffff;
	[tilespmem:s26+$0x9B20] =	vst v36  }
0x345: {  	v52 =	vld.idx.msk [tilespmem:v41+s17+$0x0], $0xffff;
	[tilespmem:s26+$0x9B30] =	vst v48  }
0x346: {  	v54 =	vld.idx.msk [tilespmem:v42+s17+$0x0], $0xffff;
	[tilespmem:s26+$0x9B40] =	vst v31  }
0x347: {  	v56 =	vld.idx.msk [tilespmem:v43+s17+$0x0], $0xffff;
	[tilespmem:s26+$0x9B50] =	vst v51  }
0x348: {  	v39 =	vld.idx.msk [tilespmem:v50+s17+$0x0], $0xffff;
	[tilespmem:s26+$0x9B60] =	vst v32  }
0x349: {  	v59 =	vld.idx.msk [tilespmem:v44+s17+$0x0], $0xffff;
	[tilespmem:s26+$0x9B70] =	vst v35  }
0x34a: {  	v57 =	vperm.xlane v28, v13;
	v38 =	vld.idx.msk [tilespmem:v38+s17+$0x0], $0xffff;
	[tilespmem:s26+$0xA180] =	vst v49  }
0x34b: {  	v63 =	vperm.xlane v29, v10;
	[tilespmem:s26+$0xA190] =	vst v40  }
0x34c: {  	v61 =	vadd.s32 v2, v57;
	[tilespmem:s26+$0xA1A0] =	vst v52  }
0x34d: {  	v50 =	vadd.s32 v3, v63;
	[tilespmem:s26+$0xA1B0] =	vst v54  }
0x34e: {  	v53 =	vadd.s32 v5, v63;
	[tilespmem:s26+$0xA1C0] =	vst v56  }
0x34f: {  	v58 =	vadd.s32 v8, v63;
	[tilespmem:s26+$0xA1D0] =	vst v39  }
0x350: {  	v60 =	vadd.s32 v9, v63;
	[tilespmem:s26+$0xA1E0] =	vst v59  }
0x351: {  	v33 =	vld.idx.msk [tilespmem:v61+s17+$0x0], $0xffff;
	v49 =	vadd.s32 v2, v63;
	[tilespmem:s26+$0xA1F0] =	vst v38  }
0x352: {  	v52 =	vadd.s32 v4, v63;
	v41 =	vld.idx.msk [tilespmem:v50+s17+$0x0], $0xffff  }
0x353: {  	v54 =	vadd.s32 v6, v63;
	v62 =	vld.idx.msk [tilespmem:v53+s17+$0x0], $0xffff  }
0x354: {  	v56 =	vadd.s32 v7, v63;
	v50 =	vld.idx.msk [tilespmem:v58+s17+$0x0], $0xffff  }
0x355: {  	v48 =	vadd.s32 v4, v57;
	v39 =	vld.idx.msk [tilespmem:v60+s17+$0x0], $0xffff  }
0x356: {  	v51 =	vadd.s32 v6, v57;
	v55 =	vld.idx.msk [tilespmem:v49+s17+$0x0], $0xffff  }
0x357: {  	v30 =	vadd.s32 v9, v57;
	v59 =	vld.idx.msk [tilespmem:v52+s17+$0x0], $0xffff  }
0x358: {  	v63 =	vadd.s32 v3, v57;
	v38 =	vld.idx.msk [tilespmem:v54+s17+$0x0], $0xffff  }
0x359: {  	v53 =	vadd.s32 v8, v57;
	v37 =	vld.idx.msk [tilespmem:v56+s17+$0x0], $0xffff;
	[tilespmem:s26+$0xA210] =	vst v41  }
0x35a: {  	v42 =	vld.idx.msk [tilespmem:v48+s17+$0x0], $0xffff;
	v49 =	vadd.s32 v5, v57;
	v54 =	vperm.xlane v29, v11;
	[tilespmem:s26+$0xA230] =	vst v62  }
0x35b: {  	v35 =	vld.idx.msk [tilespmem:v51+s17+$0x0], $0xffff;
	v52 =	vadd.s32 v7, v57;
	[tilespmem:s26+$0xA260] =	vst v50  }
0x35c: {  	v30 =	vld.idx.msk [tilespmem:v30+s17+$0x0], $0xffff;
	[tilespmem:s26+$0xA270] =	vst v39;
	v56 =	vadd.s32 v3, v54  }
0x35d: {  	v31 =	vld.idx.msk [tilespmem:v63+s17+$0x0], $0xffff;
	v58 =	vadd.s32 v4, v54;
	[tilespmem:s26+$0xA200] =	vst v55  }
0x35e: {  	v34 =	vld.idx.msk [tilespmem:v53+s17+$0x0], $0xffff;
	v60 =	vadd.s32 v6, v54;
	[tilespmem:s26+$0xA220] =	vst v59  }
0x35f: {  	v62 =	vadd.s32 v7, v54;
	v32 =	vld.idx.msk [tilespmem:v49+s17+$0x0], $0xffff;
	[tilespmem:s26+$0xA240] =	vst v38  }
0x360: {  	v48 =	vadd.s32 v8, v54;
	v57 =	vld.idx.msk [tilespmem:v52+s17+$0x0], $0xffff;
	[tilespmem:s26+$0xA250] =	vst v37  }
0x361: {  	v41 =	vadd.s32 v9, v54;
	[tilespmem:s26+$0x9B80] =	vst v33;
	v38 =	vld.idx.msk [tilespmem:v56+s17+$0x0], $0xffff  }
0x362: {  	v63 =	vperm.xlane v28, v14;
	v55 =	vadd.s32 v2, v54;
	[tilespmem:s26+$0x9B90] =	vst v31;
	v37 =	vld.idx.msk [tilespmem:v58+s17+$0x0], $0xffff  }
0x363: {  	v59 =	vadd.s32 v5, v54;
	[tilespmem:s26+$0x9BA0] =	vst v42;
	v39 =	vld.idx.msk [tilespmem:v60+s17+$0x0], $0xffff  }
0x364: {  	v49 =	vadd.s32 v2, v63;
	[tilespmem:s26+$0x9BC0] =	vst v35;
	v36 =	vld.idx.msk [tilespmem:v62+s17+$0x0], $0xffff  }
0x365: {  	v51 =	vadd.s32 v3, v63;
	[tilespmem:s26+$0x9BF0] =	vst v30;
	v54 =	vld.idx.msk [tilespmem:v48+s17+$0x0], $0xffff  }
0x366: {  	v52 =	vadd.s32 v4, v63;
	[tilespmem:s26+$0x9BE0] =	vst v34;
	v41 =	vld.idx.msk [tilespmem:v41+s17+$0x0], $0xffff  }
0x367: {  	v53 =	vadd.s32 v5, v63;
	v61 =	vld.idx.msk [tilespmem:v55+s17+$0x0], $0xffff;
	[tilespmem:s26+$0x9BB0] =	vst v32  }
0x368: {  	v31 =	vadd.s32 v9, v63;
	v50 =	vld.idx.msk [tilespmem:v59+s17+$0x0], $0xffff;
	[tilespmem:s26+$0x9BD0] =	vst v57  }
0x369: {  	v56 =	vadd.s32 v7, v63;
	v32 =	vld.idx.msk [tilespmem:v49+s17+$0x0], $0xffff;
	[tilespmem:s26+$0xA290] =	vst v38  }
0x36a: {  	v58 =	vadd.s32 v8, v63;
	v59 =	vperm.xlane v29, v12;
	v57 =	vld.idx.msk [tilespmem:v51+s17+$0x0], $0xffff;
	[tilespmem:s26+$0xA2A0] =	vst v37  }
0x36b: {  	v55 =	vadd.s32 v6, v63;
	v40 =	vld.idx.msk [tilespmem:v52+s17+$0x0], $0xffff;
	[tilespmem:s26+$0xA2C0] =	vst v39  }
0x36c: {  	v34 =	vld.idx.msk [tilespmem:v53+s17+$0x0], $0xffff;
	v60 =	vadd.s32 v2, v59;
	[tilespmem:s26+$0xA2D0] =	vst v36  }
0x36d: {  	v31 =	vld.idx.msk [tilespmem:v31+s17+$0x0], $0xffff;
	v63 =	vadd.s32 v4, v59;
	[tilespmem:s26+$0xA2E0] =	vst v54  }
0x36e: {  	v62 =	vld.idx.msk [tilespmem:v56+s17+$0x0], $0xffff;
	v48 =	vadd.s32 v5, v59;
	[tilespmem:s26+$0xA2F0] =	vst v41  }
0x36f: {  	v35 =	vld.idx.msk [tilespmem:v58+s17+$0x0], $0xffff;
	v49 =	vadd.s32 v6, v59;
	[tilespmem:s26+$0xA280] =	vst v61  }
0x370: {  	v51 =	vadd.s32 v7, v59;
	[tilespmem:s26+$0xA2B0] =	vst v50;
	v30 =	vld.idx.msk [tilespmem:v55+s17+$0x0], $0xffff  }
0x371: {  	v53 =	vadd.s32 v8, v59;
	[tilespmem:s26+$0x9C00] =	vst v32;
	v50 =	vld.idx.msk [tilespmem:v60+s17+$0x0], $0xffff  }
0x372: {  	v52 =	vperm.xlane v28, v15;
	v38 =	vadd.s32 v9, v59;
	[tilespmem:s26+$0x9C10] =	vst v57;
	v36 =	vld.idx.msk [tilespmem:v63+s17+$0x0], $0xffff  }
0x373: {  	v61 =	vadd.s32 v3, v59;
	[tilespmem:s26+$0x9C20] =	vst v40;
	v55 =	vld.idx.msk [tilespmem:v48+s17+$0x0], $0xffff  }
0x374: {  	v54 =	vadd.s32 v2, v52;
	[tilespmem:s26+$0x9C30] =	vst v34;
	v41 =	vld.idx.msk [tilespmem:v49+s17+$0x0], $0xffff  }
0x375: {  	v56 =	vadd.s32 v3, v52;
	[tilespmem:s26+$0x9C70] =	vst v31;
	v37 =	vld.idx.msk [tilespmem:v51+s17+$0x0], $0xffff  }
0x376: {  	v57 =	vadd.s32 v4, v52;
	[tilespmem:s26+$0x9C50] =	vst v62;
	v59 =	vld.idx.msk [tilespmem:v53+s17+$0x0], $0xffff  }
0x377: {  	v58 =	vadd.s32 v5, v52;
	[tilespmem:s26+$0x9C60] =	vst v35;
	v38 =	vld.idx.msk [tilespmem:v38+s17+$0x0], $0xffff  }
0x378: {  	v33 =	vadd.s32 v9, v52;
	v39 =	vld.idx.msk [tilespmem:v61+s17+$0x0], $0xffff;
	[tilespmem:s26+$0x9C40] =	vst v30  }
0x379: {  	v60 =	vadd.s32 v6, v52;
	v34 =	vld.idx.msk [tilespmem:v54+s17+$0x0], $0xffff;
	[tilespmem:s26+$0xA300] =	vst v50  }
0x37a: {  	v62 =	vadd.s32 v8, v52;
	v63 =	vperm.xlane v29, v13;
	v30 =	vld.idx.msk [tilespmem:v56+s17+$0x0], $0xffff;
	[tilespmem:s26+$0xA320] =	vst v36  }
0x37b: {  	v61 =	vadd.s32 v7, v52;
	v42 =	vld.idx.msk [tilespmem:v57+s17+$0x0], $0xffff;
	[tilespmem:s26+$0xA330] =	vst v55  }
0x37c: {  	v48 =	vadd.s32 v2, v63;
	v35 =	vld.idx.msk [tilespmem:v58+s17+$0x0], $0xffff;
	[tilespmem:s26+$0xA340] =	vst v41  }
0x37d: {  	v49 =	vadd.s32 v3, v63;
	v33 =	vld.idx.msk [tilespmem:v33+s17+$0x0], $0xffff;
	[tilespmem:s26+$0xA350] =	vst v37  }
0x37e: {  	v51 =	vadd.s32 v4, v63;
	v31 =	vld.idx.msk [tilespmem:v60+s17+$0x0], $0xffff;
	[tilespmem:s26+$0xA360] =	vst v59  }
0x37f: {  	v52 =	vadd.s32 v5, v63;
	v32 =	vld.idx.msk [tilespmem:v62+s17+$0x0], $0xffff;
	[tilespmem:s26+$0xA370] =	vst v38  }
0x380: {  	v53 =	vadd.s32 v6, v63;
	[tilespmem:s26+$0xA310] =	vst v39;
	v50 =	vld.idx.msk [tilespmem:v61+s17+$0x0], $0xffff  }
0x381: {  	v57 =	vadd.s32 v8, v63;
	[tilespmem:s26+$0x9C80] =	vst v34;
	v54 =	vld.idx.msk [tilespmem:v48+s17+$0x0], $0xffff  }
0x382: {  	v56 =	vperm.xlane v28, v1;
	v55 =	vadd.s32 v7, v63;
	[tilespmem:s26+$0x9C90] =	vst v30;
	v40 =	vld.idx.msk [tilespmem:v49+s17+$0x0], $0xffff  }
0x383: {  	v39 =	vadd.s32 v9, v63;
	[tilespmem:s26+$0x9CA0] =	vst v42;
	v37 =	vld.idx.msk [tilespmem:v51+s17+$0x0], $0xffff  }
0x384: {  	v58 =	vadd.s32 v2, v56;
	[tilespmem:s26+$0x9CB0] =	vst v35;
	v59 =	vld.idx.msk [tilespmem:v52+s17+$0x0], $0xffff  }
0x385: {  	v60 =	vadd.s32 v3, v56;
	v38 =	vld.idx.msk [tilespmem:v53+s17+$0x0], $0xffff;
	[tilespmem:s26+$0x9CF0] =	vst v33  }
0x386: {  	v61 =	vadd.s32 v4, v56;
	v63 =	vld.idx.msk [tilespmem:v57+s17+$0x0], $0xffff;
	[tilespmem:s26+$0x9CC0] =	vst v31  }
0x387: {  	v62 =	vadd.s32 v5, v56;
	v36 =	vld.idx.msk [tilespmem:v55+s17+$0x0], $0xffff;
	[tilespmem:s26+$0x9CE0] =	vst v32  }
0x388: {  	v48 =	vadd.s32 v6, v56;
	[tilespmem:s26+$0x9CD0] =	vst v50;
	v39 =	vld.idx.msk [tilespmem:v39+s17+$0x0], $0xffff  }
0x389: {  	v49 =	vadd.s32 v7, v56;
	v35 =	vld.idx.msk [tilespmem:v58+s17+$0x0], $0xffff;
	[tilespmem:s26+$0xA380] =	vst v54  }
0x38a: {  	v51 =	vperm.xlane v29, v14;
	v30 =	vadd.s32 v9, v56;
	v31 =	vld.idx.msk [tilespmem:v60+s17+$0x0], $0xffff;
	[tilespmem:s26+$0xA390] =	vst v40  }
0x38b: {  	v50 =	vadd.s32 v8, v56;
	v41 =	vld.idx.msk [tilespmem:v61+s17+$0x0], $0xffff;
	[tilespmem:s26+$0xA3A0] =	vst v37  }
0x38c: {  	v52 =	vadd.s32 v2, v51;
	v32 =	vld.idx.msk [tilespmem:v62+s17+$0x0], $0xffff;
	[tilespmem:s26+$0xA3B0] =	vst v59  }
0x38d: {  	v53 =	vadd.s32 v3, v51;
	v33 =	vld.idx.msk [tilespmem:v48+s17+$0x0], $0xffff;
	[tilespmem:s26+$0xA3C0] =	vst v38  }
0x38e: {  	v55 =	vadd.s32 v4, v51;
	v54 =	vld.idx.msk [tilespmem:v49+s17+$0x0], $0xffff;
	[tilespmem:s26+$0xA3E0] =	vst v63  }
0x38f: {  	v56 =	vadd.s32 v5, v51;
	v30 =	vld.idx.msk [tilespmem:v30+s17+$0x0], $0xffff;
	[tilespmem:s26+$0xA3D0] =	vst v36  }
0x390: {  	v57 =	vadd.s32 v6, v51;
	v34 =	vld.idx.msk [tilespmem:v50+s17+$0x0], $0xffff;
	[tilespmem:s26+$0xA3F0] =	vst v39  }
0x391: {  	v59 =	vadd.s32 v7, v51;
	[tilespmem:s26+$0x9D00] =	vst v35;
	v58 =	vld.idx.msk [tilespmem:v52+s17+$0x0], $0xffff  }
0x392: {  	v60 =	vperm.xlane v28, v16;
	v61 =	vadd.s32 v8, v51;
	[tilespmem:s26+$0x9D10] =	vst v31;
	v38 =	vld.idx.msk [tilespmem:v53+s17+$0x0], $0xffff  }
0x393: {  	v40 =	vadd.s32 v9, v51;
	[tilespmem:s26+$0x9D20] =	vst v41;
	v36 =	vld.idx.msk [tilespmem:v55+s17+$0x0], $0xffff  }
0x394: {  	v62 =	vadd.s32 v2, v60;
	[tilespmem:s26+$0x9D30] =	vst v32;
	v63 =	vld.idx.msk [tilespmem:v56+s17+$0x0], $0xffff  }
0x395: {  	v48 =	vadd.s32 v3, v60;
	[tilespmem:s26+$0x9D40] =	vst v33;
	v39 =	vld.idx.msk [tilespmem:v57+s17+$0x0], $0xffff  }
0x396: {  	v49 =	vadd.s32 v4, v60;
	[tilespmem:s26+$0x9D50] =	vst v54;
	v37 =	vld.idx.msk [tilespmem:v59+s17+$0x0], $0xffff  }
0x397: {  	v50 =	vadd.s32 v5, v60;
	v51 =	vld.idx.msk [tilespmem:v61+s17+$0x0], $0xffff;
	[tilespmem:s26+$0x9D70] =	vst v30  }
0x398: {  	v52 =	vadd.s32 v6, v60;
	v40 =	vld.idx.msk [tilespmem:v40+s17+$0x0], $0xffff;
	[tilespmem:s26+$0x9D60] =	vst v34  }
0x399: {  	v53 =	vadd.s32 v7, v60;
	v32 =	vld.idx.msk [tilespmem:v62+s17+$0x0], $0xffff;
	[tilespmem:s26+$0xA400] =	vst v58  }
0x39a: {  	v54 =	vadd.s32 v8, v60;
	v55 =	vperm.xlane v29, v15;
	v33 =	vld.idx.msk [tilespmem:v48+s17+$0x0], $0xffff;
	[tilespmem:s26+$0xA410] =	vst v38  }
0x39b: {  	v31 =	vadd.s32 v9, v60;
	v42 =	vld.idx.msk [tilespmem:v49+s17+$0x0], $0xffff;
	[tilespmem:s26+$0xA420] =	vst v36  }
0x39c: {  	v56 =	vadd.s32 v2, v55;
	v34 =	vld.idx.msk [tilespmem:v50+s17+$0x0], $0xffff;
	[tilespmem:s26+$0xA430] =	vst v63  }
0x39d: {  	v57 =	vadd.s32 v3, v55;
	v30 =	vld.idx.msk [tilespmem:v52+s17+$0x0], $0xffff;
	[tilespmem:s26+$0xA440] =	vst v39  }
0x39e: {  	v59 =	vadd.s32 v4, v55;
	v58 =	vld.idx.msk [tilespmem:v53+s17+$0x0], $0xffff;
	[tilespmem:s26+$0xA450] =	vst v37  }
0x39f: {  	v60 =	vadd.s32 v5, v55;
	v35 =	vld.idx.msk [tilespmem:v54+s17+$0x0], $0xffff;
	[tilespmem:s26+$0xA460] =	vst v51  }
0x3a0: {  	v61 =	vadd.s32 v6, v55;
	v31 =	vld.idx.msk [tilespmem:v31+s17+$0x0], $0xffff;
	[tilespmem:s26+$0xA470] =	vst v40  }
0x3a1: {  	v63 =	vadd.s32 v7, v55;
	v62 =	vld.idx.msk [tilespmem:v56+s17+$0x0], $0xffff;
	[tilespmem:s26+$0x9D80] =	vst v32  }
0x3a2: {  	v48 =	vperm.xlane v28, v17;
	v49 =	vadd.s32 v8, v55;
	v39 =	vld.idx.msk [tilespmem:v57+s17+$0x0], $0xffff;
	[tilespmem:s26+$0x9D90] =	vst v33  }
0x3a3: {  	v38 =	vadd.s32 v9, v55;
	v37 =	vld.idx.msk [tilespmem:v59+s17+$0x0], $0xffff;
	[tilespmem:s26+$0x9DA0] =	vst v42  }
0x3a4: {  	v50 =	vadd.s32 v2, v48;
	v51 =	vld.idx.msk [tilespmem:v60+s17+$0x0], $0xffff;
	[tilespmem:s26+$0x9DB0] =	vst v34  }
0x3a5: {  	v52 =	vadd.s32 v3, v48;
	v40 =	vld.idx.msk [tilespmem:v61+s17+$0x0], $0xffff;
	[tilespmem:s26+$0x9DC0] =	vst v30  }
0x3a6: {  	v53 =	vadd.s32 v4, v48;
	[tilespmem:s26+$0x9DD0] =	vst v58;
	v36 =	vld.idx.msk [tilespmem:v63+s17+$0x0], $0xffff  }
0x3a7: {  	v54 =	vadd.s32 v5, v48;
	[tilespmem:s26+$0x9DE0] =	vst v35;
	v55 =	vld.idx.msk [tilespmem:v49+s17+$0x0], $0xffff  }
0x3a8: {  	v56 =	vadd.s32 v6, v48;
	[tilespmem:s26+$0x9DF0] =	vst v31;
	v38 =	vld.idx.msk [tilespmem:v38+s17+$0x0], $0xffff  }
0x3a9: {  	v57 =	vadd.s32 v7, v48;
	v34 =	vld.idx.msk [tilespmem:v50+s17+$0x0], $0xffff;
	[tilespmem:s26+$0xA480] =	vst v62  }
0x3aa: {  	v59 =	vperm.xlane v29, v1;
	v58 =	vadd.s32 v8, v48;
	v30 =	vld.idx.msk [tilespmem:v52+s17+$0x0], $0xffff;
	[tilespmem:s26+$0xA490] =	vst v39  }
0x3ab: {  	v33 =	vadd.s32 v9, v48;
	v41 =	vld.idx.msk [tilespmem:v53+s17+$0x0], $0xffff;
	[tilespmem:s26+$0xA4A0] =	vst v37  }
0x3ac: {  	v60 =	vadd.s32 v2, v59;
	v35 =	vld.idx.msk [tilespmem:v54+s17+$0x0], $0xffff;
	[tilespmem:s26+$0xA4B0] =	vst v51  }
0x3ad: {  	v61 =	vadd.s32 v3, v59;
	v31 =	vld.idx.msk [tilespmem:v56+s17+$0x0], $0xffff;
	[tilespmem:s26+$0xA4C0] =	vst v40  }
0x3ae: {  	v63 =	vadd.s32 v4, v59;
	v62 =	vld.idx.msk [tilespmem:v57+s17+$0x0], $0xffff;
	[tilespmem:s26+$0xA4D0] =	vst v36  }
0x3af: {  	v48 =	vadd.s32 v5, v59;
	v32 =	vld.idx.msk [tilespmem:v58+s17+$0x0], $0xffff;
	[tilespmem:s26+$0xA4E0] =	vst v55  }
0x3b0: {  	v49 =	vadd.s32 v6, v59;
	v33 =	vld.idx.msk [tilespmem:v33+s17+$0x0], $0xffff;
	[tilespmem:s26+$0xA4F0] =	vst v38  }
0x3b1: {  	v51 =	vadd.s32 v7, v59;
	v50 =	vld.idx.msk [tilespmem:v60+s17+$0x0], $0xffff;
	[tilespmem:s26+$0x9E00] =	vst v34  }
0x3b2: {  	v52 =	vperm.xlane v28, v18;
	v53 =	vadd.s32 v8, v59;
	v40 =	vld.idx.msk [tilespmem:v61+s17+$0x0], $0xffff;
	[tilespmem:s26+$0x9E10] =	vst v30  }
0x3b3: {  	v39 =	vadd.s32 v9, v59;
	v36 =	vld.idx.msk [tilespmem:v63+s17+$0x0], $0xffff;
	[tilespmem:s26+$0x9E20] =	vst v41  }
0x3b4: {  	v54 =	vadd.s32 v2, v52;
	v55 =	vld.idx.msk [tilespmem:v48+s17+$0x0], $0xffff;
	[tilespmem:s26+$0x9E30] =	vst v35  }
0x3b5: {  	v56 =	vadd.s32 v3, v52;
	v38 =	vld.idx.msk [tilespmem:v49+s17+$0x0], $0xffff;
	[tilespmem:s26+$0x9E40] =	vst v31  }
0x3b6: {  	v57 =	vadd.s32 v4, v52;
	[tilespmem:s26+$0x9E50] =	vst v62;
	v37 =	vld.idx.msk [tilespmem:v51+s17+$0x0], $0xffff  }
0x3b7: {  	v58 =	vadd.s32 v5, v52;
	v59 =	vld.idx.msk [tilespmem:v53+s17+$0x0], $0xffff;
	[tilespmem:s26+$0x9E60] =	vst v32  }
0x3b8: {  	v60 =	vadd.s32 v6, v52;
	v39 =	vld.idx.msk [tilespmem:v39+s17+$0x0], $0xffff;
	[tilespmem:s26+$0x9E70] =	vst v33  }
0x3b9: {  	v61 =	vadd.s32 v7, v52;
	v35 =	vld.idx.msk [tilespmem:v54+s17+$0x0], $0xffff;
	[tilespmem:s26+$0xA500] =	vst v50  }
0x3ba: {  	v63 =	vperm.xlane v29, v16;
	v62 =	vadd.s32 v8, v52;
	v31 =	vld.idx.msk [tilespmem:v56+s17+$0x0], $0xffff;
	[tilespmem:s26+$0xA510] =	vst v40  }
0x3bb: {  	v30 =	vadd.s32 v9, v52;
	v42 =	vld.idx.msk [tilespmem:v57+s17+$0x0], $0xffff;
	[tilespmem:s26+$0xA520] =	vst v36  }
0x3bc: {  	v46 =	vadd.s32 v2, v63;
	v32 =	vld.idx.msk [tilespmem:v58+s17+$0x0], $0xffff;
	[tilespmem:s26+$0xA530] =	vst v55  }
0x3bd: {  	v47 =	vadd.s32 v3, v63;
	v33 =	vld.idx.msk [tilespmem:v60+s17+$0x0], $0xffff;
	[tilespmem:s26+$0xA540] =	vst v38  }
0x3be: {  	v49 =	vadd.s32 v4, v63;
	v48 =	vld.idx.msk [tilespmem:v61+s17+$0x0], $0xffff;
	[tilespmem:s26+$0xA550] =	vst v37  }
0x3bf: {  	v51 =	vadd.s32 v6, v63;
	v34 =	vld.idx.msk [tilespmem:v62+s17+$0x0], $0xffff;
	[tilespmem:s26+$0xA560] =	vst v59  }
0x3c0: {  	v53 =	vadd.s32 v7, v63;
	v30 =	vld.idx.msk [tilespmem:v30+s17+$0x0], $0xffff;
	[tilespmem:s26+$0xA570] =	vst v39  }
0x3c1: {  	v50 =	vadd.s32 v5, v63;
	v52 =	vld.idx.msk [tilespmem:v46+s17+$0x0], $0xffff;
	[tilespmem:s26+$0x9E80] =	vst v35  }
0x3c2: {  	v54 =	vperm.xlane v28, v19;
	v55 =	vadd.s32 v8, v63;
	v38 =	vld.idx.msk [tilespmem:v47+s17+$0x0], $0xffff;
	[tilespmem:s26+$0x9E90] =	vst v31  }
0x3c3: {  	v40 =	vadd.s32 v9, v63;
	v37 =	vld.idx.msk [tilespmem:v49+s17+$0x0], $0xffff;
	[tilespmem:s26+$0x9EA0] =	vst v42  }
0x3c4: {  	v56 =	vadd.s32 v2, v54;
	v39 =	vld.idx.msk [tilespmem:v51+s17+$0x0], $0xffff;
	[tilespmem:s26+$0x9EB0] =	vst v32  }
0x3c5: {  	v58 =	vadd.s32 v3, v54;
	v36 =	vld.idx.msk [tilespmem:v53+s17+$0x0], $0xffff;
	[tilespmem:s26+$0x9EC0] =	vst v33  }
0x3c6: {  	v59 =	vadd.s32 v4, v54;
	v57 =	vld.idx.msk [tilespmem:v50+s17+$0x0], $0xffff;
	[tilespmem:s26+$0x9ED0] =	vst v48  }
0x3c7: {  	v60 =	vadd.s32 v5, v54;
	v61 =	vld.idx.msk [tilespmem:v55+s17+$0x0], $0xffff;
	[tilespmem:s26+$0x9EE0] =	vst v34  }
0x3c8: {  	v62 =	vadd.s32 v6, v54;
	v40 =	vld.idx.msk [tilespmem:v40+s17+$0x0], $0xffff;
	[tilespmem:s26+$0x9EF0] =	vst v30  }
0x3c9: {  	v63 =	vadd.s32 v7, v54;
	v32 =	vld.idx.msk [tilespmem:v56+s17+$0x0], $0xffff;
	[tilespmem:s26+$0xA580] =	vst v52  }
0x3ca: {  	v49 =	vperm.xlane v29, v17;
	v48 =	vadd.s32 v8, v54;
	v33 =	vld.idx.msk [tilespmem:v58+s17+$0x0], $0xffff;
	[tilespmem:s26+$0xA590] =	vst v38  }
0x3cb: {  	v31 =	vadd.s32 v9, v54;
	v41 =	vld.idx.msk [tilespmem:v59+s17+$0x0], $0xffff;
	[tilespmem:s26+$0xA5A0] =	vst v37  }
0x3cc: {  	v50 =	vadd.s32 v2, v49;
	v34 =	vld.idx.msk [tilespmem:v60+s17+$0x0], $0xffff;
	[tilespmem:s26+$0xA5C0] =	vst v39  }
0x3cd: {  	v51 =	vadd.s32 v3, v49;
	v30 =	vld.idx.msk [tilespmem:v62+s17+$0x0], $0xffff;
	[tilespmem:s26+$0xA5D0] =	vst v36  }
0x3ce: {  	v53 =	vadd.s32 v4, v49;
	v52 =	vld.idx.msk [tilespmem:v63+s17+$0x0], $0xffff;
	[tilespmem:s26+$0xA5B0] =	vst v57  }
0x3cf: {  	v54 =	vadd.s32 v5, v49;
	v35 =	vld.idx.msk [tilespmem:v48+s17+$0x0], $0xffff;
	[tilespmem:s26+$0xA5E0] =	vst v61  }
0x3d0: {  	v55 =	vadd.s32 v6, v49;
	v31 =	vld.idx.msk [tilespmem:v31+s17+$0x0], $0xffff;
	[tilespmem:s26+$0xA5F0] =	vst v40  }
0x3d1: {  	v59 =	vadd.s32 v8, v49;
	v56 =	vld.idx.msk [tilespmem:v50+s17+$0x0], $0xffff;
	[tilespmem:s26+$0x9F00] =	vst v32  }
0x3d2: {  	v58 =	vperm.xlane v28, v20;
	v38 =	vadd.s32 v9, v49;
	v39 =	vld.idx.msk [tilespmem:v51+s17+$0x0], $0xffff;
	[tilespmem:s26+$0x9F10] =	vst v33  }
0x3d3: {  	v57 =	vadd.s32 v7, v49;
	v36 =	vld.idx.msk [tilespmem:v53+s17+$0x0], $0xffff;
	[tilespmem:s26+$0x9F20] =	vst v41  }
0x3d4: {  	v60 =	vadd.s32 v2, v58;
	v61 =	vld.idx.msk [tilespmem:v54+s17+$0x0], $0xffff;
	[tilespmem:s26+$0x9F30] =	vst v34  }
0x3d5: {  	v62 =	vadd.s32 v3, v58;
	v40 =	vld.idx.msk [tilespmem:v55+s17+$0x0], $0xffff;
	[tilespmem:s26+$0x9F40] =	vst v30  }
0x3d6: {  	v63 =	vadd.s32 v4, v58;
	[tilespmem:s26+$0x9F50] =	vst v52;
	v49 =	vld.idx.msk [tilespmem:v59+s17+$0x0], $0xffff  }
0x3d7: {  	v48 =	vadd.s32 v5, v58;
	v38 =	vld.idx.msk [tilespmem:v38+s17+$0x0], $0xffff;
	[tilespmem:s26+$0x9F60] =	vst v35  }
0x3d8: {  	v50 =	vadd.s32 v6, v58;
	v37 =	vld.idx.msk [tilespmem:v57+s17+$0x0], $0xffff;
	[tilespmem:s26+$0x9F70] =	vst v31  }
0x3d9: {  	v51 =	vadd.s32 v7, v58;
	v34 =	vld.idx.msk [tilespmem:v60+s17+$0x0], $0xffff;
	[tilespmem:s26+$0xA600] =	vst v56  }
0x3da: {  	v53 =	vperm.xlane v29, v18;
	v52 =	vadd.s32 v8, v58;
	v30 =	vld.idx.msk [tilespmem:v62+s17+$0x0], $0xffff;
	[tilespmem:s26+$0xA610] =	vst v39  }
0x3db: {  	v33 =	vadd.s32 v9, v58;
	v42 =	vld.idx.msk [tilespmem:v63+s17+$0x0], $0xffff;
	[tilespmem:s26+$0xA620] =	vst v36  }
0x3dc: {  	v54 =	vadd.s32 v2, v53;
	v35 =	vld.idx.msk [tilespmem:v48+s17+$0x0], $0xffff;
	[tilespmem:s26+$0xA630] =	vst v61  }
0x3dd: {  	v55 =	vadd.s32 v3, v53;
	v31 =	vld.idx.msk [tilespmem:v50+s17+$0x0], $0xffff;
	[tilespmem:s26+$0xA640] =	vst v40  }
0x3de: {  	v57 =	vadd.s32 v4, v53;
	v56 =	vld.idx.msk [tilespmem:v51+s17+$0x0], $0xffff;
	[tilespmem:s26+$0xA660] =	vst v49  }
0x3df: {  	v58 =	vadd.s32 v5, v53;
	v32 =	vld.idx.msk [tilespmem:v52+s17+$0x0], $0xffff;
	[tilespmem:s26+$0xA670] =	vst v38  }
0x3e0: {  	v59 =	vadd.s32 v6, v53;
	v33 =	vld.idx.msk [tilespmem:v33+s17+$0x0], $0xffff;
	[tilespmem:s26+$0xA650] =	vst v37  }
0x3e1: {  	v61 =	vadd.s32 v7, v53;
	[tilespmem:s26+$0x9F80] =	vst v34;
	v60 =	vld.idx.msk [tilespmem:v54+s17+$0x0], $0xffff  }
0x3e2: {  	v62 =	vperm.xlane v28, v21;
	v63 =	vadd.s32 v8, v53;
	[tilespmem:s26+$0x9F90] =	vst v30;
	v40 =	vld.idx.msk [tilespmem:v55+s17+$0x0], $0xffff  }
0x3e3: {  	v39 =	vadd.s32 v9, v53;
	[tilespmem:s26+$0x9FA0] =	vst v42;
	v37 =	vld.idx.msk [tilespmem:v57+s17+$0x0], $0xffff  }
0x3e4: {  	v48 =	vadd.s32 v2, v62;
	[tilespmem:s26+$0x9FB0] =	vst v35;
	v49 =	vld.idx.msk [tilespmem:v58+s17+$0x0], $0xffff  }
0x3e5: {  	v50 =	vadd.s32 v3, v62;
	[tilespmem:s26+$0x9FC0] =	vst v31;
	v38 =	vld.idx.msk [tilespmem:v59+s17+$0x0], $0xffff  }
0x3e6: {  	v51 =	vadd.s32 v4, v62;
	[tilespmem:s26+$0x9FD0] =	vst v56;
	v36 =	vld.idx.msk [tilespmem:v61+s17+$0x0], $0xffff  }
0x3e7: {  	v52 =	vadd.s32 v5, v62;
	v53 =	vld.idx.msk [tilespmem:v63+s17+$0x0], $0xffff;
	[tilespmem:s26+$0x9FE0] =	vst v32  }
0x3e8: {  	v54 =	vadd.s32 v6, v62;
	v39 =	vld.idx.msk [tilespmem:v39+s17+$0x0], $0xffff;
	[tilespmem:s26+$0x9FF0] =	vst v33  }
0x3e9: {  	v55 =	vadd.s32 v7, v62;
	v35 =	vld.idx.msk [tilespmem:v48+s17+$0x0], $0xffff;
	[tilespmem:s26+$0xA680] =	vst v60  }
0x3ea: {  	v56 =	vadd.s32 v8, v62;
	v57 =	vperm.xlane v29, v19;
	v31 =	vld.idx.msk [tilespmem:v50+s17+$0x0], $0xffff;
	[tilespmem:s26+$0xA690] =	vst v40  }
0x3eb: {  	v30 =	vadd.s32 v9, v62;
	v41 =	vld.idx.msk [tilespmem:v51+s17+$0x0], $0xffff;
	[tilespmem:s26+$0xA6A0] =	vst v37  }
0x3ec: {  	v32 =	vld.idx.msk [tilespmem:v52+s17+$0x0], $0xffff;
	v58 =	vadd.s32 v2, v57;
	[tilespmem:s26+$0xA6B0] =	vst v49  }
0x3ed: {  	v59 =	vadd.s32 v3, v57;
	v33 =	vld.idx.msk [tilespmem:v54+s17+$0x0], $0xffff;
	[tilespmem:s26+$0xA6C0] =	vst v38  }
0x3ee: {  	v61 =	vadd.s32 v4, v57;
	v60 =	vld.idx.msk [tilespmem:v55+s17+$0x0], $0xffff;
	[tilespmem:s26+$0xA6D0] =	vst v36  }
0x3ef: {  	v62 =	vadd.s32 v5, v57;
	v34 =	vld.idx.msk [tilespmem:v56+s17+$0x0], $0xffff;
	[tilespmem:s26+$0xA6E0] =	vst v53  }
0x3f0: {  	v63 =	vadd.s32 v6, v57;
	v30 =	vld.idx.msk [tilespmem:v30+s17+$0x0], $0xffff;
	[tilespmem:s26+$0xA6F0] =	vst v39  }
0x3f1: {  	v51 =	vadd.s32 v8, v57;
	[tilespmem:s26+$0xA000] =	vst v35;
	v48 =	vld.idx.msk [tilespmem:v58+s17+$0x0], $0xffff  }
0x3f2: {  	v50 =	vperm.xlane v28, v22;
	v49 =	vadd.s32 v7, v57;
	[tilespmem:s26+$0xA010] =	vst v31;
	v38 =	vld.idx.msk [tilespmem:v59+s17+$0x0], $0xffff  }
0x3f3: {  	v40 =	vadd.s32 v9, v57;
	[tilespmem:s26+$0xA020] =	vst v41;
	v36 =	vld.idx.msk [tilespmem:v61+s17+$0x0], $0xffff  }
0x3f4: {  	v52 =	vadd.s32 v2, v50;
	[tilespmem:s26+$0xA030] =	vst v32;
	v53 =	vld.idx.msk [tilespmem:v62+s17+$0x0], $0xffff  }
0x3f5: {  	v54 =	vadd.s32 v3, v50;
	v39 =	vld.idx.msk [tilespmem:v63+s17+$0x0], $0xffff;
	[tilespmem:s26+$0xA040] =	vst v33  }
0x3f6: {  	v55 =	vadd.s32 v4, v50;
	v57 =	vld.idx.msk [tilespmem:v51+s17+$0x0], $0xffff;
	[tilespmem:s26+$0xA050] =	vst v60  }
0x3f7: {  	v56 =	vadd.s32 v5, v50;
	v37 =	vld.idx.msk [tilespmem:v49+s17+$0x0], $0xffff;
	[tilespmem:s26+$0xA060] =	vst v34  }
0x3f8: {  	v58 =	vadd.s32 v6, v50;
	[tilespmem:s26+$0xA070] =	vst v30;
	v40 =	vld.idx.msk [tilespmem:v40+s17+$0x0], $0xffff  }
0x3f9: {  	v59 =	vadd.s32 v7, v50;
	v32 =	vld.idx.msk [tilespmem:v52+s17+$0x0], $0xffff;
	[tilespmem:s26+$0xA700] =	vst v48  }
0x3fa: {  	v61 =	vperm.xlane v29, v20;
	v31 =	vadd.s32 v9, v50;
	v33 =	vld.idx.msk [tilespmem:v54+s17+$0x0], $0xffff;
	[tilespmem:s26+$0xA710] =	vst v38  }
0x3fb: {  	v60 =	vadd.s32 v8, v50;
	v42 =	vld.idx.msk [tilespmem:v55+s17+$0x0], $0xffff;
	[tilespmem:s26+$0xA720] =	vst v36  }
0x3fc: {  	v62 =	vadd.s32 v2, v61;
	v34 =	vld.idx.msk [tilespmem:v56+s17+$0x0], $0xffff;
	[tilespmem:s26+$0xA730] =	vst v53  }
0x3fd: {  	v63 =	vadd.s32 v3, v61;
	v30 =	vld.idx.msk [tilespmem:v58+s17+$0x0], $0xffff;
	[tilespmem:s26+$0xA740] =	vst v39  }
0x3fe: {  	v49 =	vadd.s32 v4, v61;
	v48 =	vld.idx.msk [tilespmem:v59+s17+$0x0], $0xffff;
	[tilespmem:s26+$0xA760] =	vst v57  }
0x3ff: {  	v50 =	vadd.s32 v5, v61;
	v31 =	vld.idx.msk [tilespmem:v31+s17+$0x0], $0xffff;
	[tilespmem:s26+$0xA750] =	vst v37  }
0x400: {  	v51 =	vadd.s32 v6, v61;
	v35 =	vld.idx.msk [tilespmem:v60+s17+$0x0], $0xffff;
	[tilespmem:s26+$0xA770] =	vst v40  }
0x401: {  	v52 =	vadd.s32 v7, v61;
	v36 =	vld.idx.msk [tilespmem:v62+s17+$0x0], $0xffff  }
0x402: {  	v45 =	vadd.s32 v8, v61;
	v39 =	vld.idx.msk [tilespmem:v63+s17+$0x0], $0xffff  }
0x403: {  	v38 =	vadd.s32 v9, v61;
	v37 =	vld.idx.msk [tilespmem:v49+s17+$0x0], $0xffff  }
0x404: {  	v43 =	vld.idx.msk [tilespmem:v50+s17+$0x0], $0xffff  }
0x405: {  	v40 =	vld.idx.msk [tilespmem:v51+s17+$0x0], $0xffff  }
0x406: {  	v44 =	vld.idx.msk [tilespmem:v52+s17+$0x0], $0xffff;
	[tilespmem:s26+$0xA080] =	vst v32  }
0x407: {  	v53 =	vld.idx.msk [tilespmem:v45+s17+$0x0], $0xffff;
	[tilespmem:s26+$0xA090] =	vst v33  }
0x408: {  	v54 =	vld.idx.msk [tilespmem:v38+s17+$0x0], $0xffff;
	[tilespmem:s26+$0xA780] =	vst v36  }
0x409: {  	s29 =	sor.u32 $0x120, s28;
	v55 =	vperm.xlane v29, v21;
	[tilespmem:s26+$0xA790] =	vst v39  }
0x40a: {  	s30 =	sand.u32 $0x180, s29;
	[tilespmem:s26+$0xA7A0] =	vst v37  }
0x40b: {  	s31 =	sadd.s32 s30, s7;
	s0 =	sand.u32 $0x60, s29;
	v56 =	vadd.s32 v2, v55;
	[tilespmem:s26+$0xA7B0] =	vst v43  }
0x40c: {  	s5 =	sadd.s32 s30, s9;
	s4 =	sadd.s32 s0, s31;
	v57 =	vadd.s32 v3, v55;
	[tilespmem:s26+$0xA7C0] =	vst v40  }
0x40d: {  	s29 =	sadd.s32 s30, s11;
	v59 =	vld [tilespmem:s4+$0x0];
	s4 =	sadd.s32 s0, s5;
	v58 =	vadd.s32 v4, v55;
	[tilespmem:s26+$0xA7D0] =	vst v44  }
0x40e: {  	v60 =	vadd.s32 v5, v55;
	v62 =	vld [tilespmem:s4+$0x0];
	s4 =	sadd.s32 s0, s29;
	[tilespmem:s26+$0xA7E0] =	vst v53  }
0x40f: {  	v28 =	vperm.xlane v28, v23;
	v61 =	vadd.s32 v6, v55;
	v53 =	vld [tilespmem:s4+$0x0];
	[tilespmem:s26+$0xA7F0] =	vst v54  }
0x410: {  	[tilespmem:s26+$0xA0A0] =	vst v42;
	v51 =	vadd.s32 v7, v55;
	v37 =	vld.idx.msk [tilespmem:v56+s17+$0x0], $0xffff  }
0x411: {  	v46 =	vadd.s32 v7, v28;
	[tilespmem:s26+$0xA0B0] =	vst v34;
	v52 =	vadd.s32 v8, v55;
	v63 =	vld.idx.msk [tilespmem:v57+s17+$0x0], $0xffff  }
0x412: {  	v47 =	vadd.s32 v8, v28;
	[tilespmem:s26+$0xA0C0] =	vst v30;
	v54 =	vadd.s32 v9, v55;
	v32 =	vld.idx.msk [tilespmem:v58+s17+$0x0], $0xffff  }
0x413: {  	[tilespmem:s26+$0xA0D0] =	vst v48;
	v33 =	vsub.f32 v59, v24;
	v48 =	vperm.xlane v29, v22;
	v56 =	vld.idx.msk [tilespmem:v60+s17+$0x0], $0xffff  }
0x414: {  	v45 =	vadd.s32 v6, v28;
	[tilespmem:s26+$0xA0F0] =	vst v31;
	v40 =	vsub.f32 v62, v25;
	v34 =	vld.idx.msk [tilespmem:v61+s17+$0x0], $0xffff  }
0x415: {  	v29 =	vperm.xlane v29, v23;
	v33 =	vmul.f32 v33, v33;
	v59 =	vadd.s32 v3, v48;
	v38 =	vld.idx.msk [tilespmem:v51+s17+$0x0], $0xffff  }
0x416: {  	[tilespmem:s26+$0xA0E0] =	vst v35;
	v41 =	vld.idx.msk [tilespmem:v52+s17+$0x0], $0xffff;
	v40 =	vmul.f32 v40, v40;
	v42 =	vsub.f32 v53, v26  }
0x417: {  	v49 =	vadd.s32 v6, v48;
	v39 =	vadd.s32 v3, v28;
	v35 =	vld.idx.msk [tilespmem:v54+s17+$0x0], $0xffff;
	[tilespmem:s26+$0xA800] =	vst v37  }
0x418: {  	v43 =	vadd.s32 v4, v28;
	v33 =	vadd.f32 v40, v33;
	v57 =	vmul.f32 v42, v42;
	[tilespmem:s26+$0xA810] =	vst v63  }
0x419: {  	v44 =	vadd.s32 v5, v28;
	v62 =	vadd.s32 v7, v48;
	v55 =	vadd.s32 v2, v28;
	[tilespmem:s26+$0xA820] =	vst v32  }
0x41a: {  	v28 =	vadd.s32 v9, v28;
	v58 =	vadd.s32 v2, v48;
	[tilespmem:s26+$0xA830] =	vst v56;
	v33 =	vadd.f32 v57, v33  }
0x41b: {  	v60 =	vadd.s32 v4, v48;
	v61 =	vadd.s32 v5, v48;
	v63 =	vadd.s32 v8, v48;
	[tilespmem:s26+$0xA840] =	vst v34  }
0x41c: {  	v48 =	vadd.s32 v9, v48;
	[tilespmem:s26+$0xA850] =	vst v38;
	vm4 =	vge.f32 v33, $1.914062500e+01;
	vm5 =	vge.f32 v33, $2.889062500e+01  }
0x41d: {  	[tilespmem:s26+$0xA860] =	vst v41;
	vm6 =	vge.f32 v33, $4.064062500e+01;
	vm7 =	vge.f32 v33, $5.439062500e+01;
	vm8 =	vge.f32 v33, $7.014062500e+01  }
0x41e: {  	v31 =	vld.idx.msk [tilespmem:v55+s17+$0x0], $0xffff;
	[tilespmem:s26+$0xA870] =	vst v35;
	vm9 =	vge.f32 v33, $8.789062500e+01;
	v51 =	vsel vm4, $0x1, v0;
	v52 =	vsel vm5, $0x1, v0  }
0x41f: {  	vm10 =	vge.f32 v33, $1.076406250e+02;
	v53 =	vsel vm6, $0x1, v0;
	v30 =	vld.idx.msk [tilespmem:v58+s17+$0x0], $0xffff;
	v34 =	vadd.s32 v52, v51  }
0x420: {  	vm11 =	vge.f32 v33, $1.293906250e+02;
	v54 =	vsel vm7, $0x1, v0;
	v56 =	vld.idx.msk [tilespmem:v59+s17+$0x0], $0xffff;
	v34 =	vadd.s32 v53, v34  }
0x421: {  	vm12 =	vge.f32 v33, $1.531406250e+02;
	v55 =	vsel vm8, $0x1, v0;
	v58 =	vld.idx.msk [tilespmem:v60+s17+$0x0], $0xffff;
	v34 =	vadd.s32 v54, v34  }
0x422: {  	vm13 =	vge.f32 v33, $1.788906250e+02;
	v57 =	vsel vm9, $0x1, v0;
	v32 =	vld.idx.msk [tilespmem:v61+s17+$0x0], $0xffff;
	v34 =	vadd.s32 v55, v34  }
0x423: {  	vm14 =	vge.f32 v33, $2.066406250e+02;
	v59 =	vsel vm10, $0x1, v0;
	v41 =	vld.idx.msk [tilespmem:v49+s17+$0x0], $0xffff;
	v34 =	vadd.s32 v57, v34  }
0x424: {  	vm15 =	vge.f32 v33, $2.363906250e+02;
	v60 =	vsel vm11, $0x1, v0;
	v36 =	vld.idx.msk [tilespmem:v62+s17+$0x0], $0xffff;
	v34 =	vadd.s32 v59, v34  }
0x425: {  	s3 =	sadd.s32 s30, s12;
	v61 =	vsel vm12, $0x1, v0;
	v62 =	vsel vm13, $0x1, v0;
	v37 =	vld.idx.msk [tilespmem:v63+s17+$0x0], $0xffff;
	v34 =	vadd.s32 v60, v34  }
0x426: {  	s0 =	sadd.s32 s0, s3;
	v63 =	vsel vm14, $0x1, v0;
	v42 =	vld.idx.msk [tilespmem:v48+s17+$0x0], $0xffff;
	v48 =	vsel vm15, $0x1, v0;
	v34 =	vadd.s32 v61, v34  }
0x427: {  	vm4 =	vge.f32 v33, $2.681406250e+02;
	vm5 =	vge.f32 v33, $3.018906250e+02;
	v51 =	vld [tilespmem:s0+$0x0];
	[tilespmem:s26+$0xA880] =	vst v30;
	v34 =	vadd.s32 v62, v34  }
0x428: {  	vm6 =	vge.f32 v33, $3.376406250e+02;
	vm7 =	vge.f32 v33, $3.753906250e+02;
	v52 =	vld.idx.msk [tilespmem:v39+s17+$0x0], $0xffff;
	[tilespmem:s26+$0xA890] =	vst v56;
	v34 =	vadd.s32 v63, v34  }
0x429: {  	vm8 =	vge.f32 v33, $4.151406250e+02;
	v50 =	vsel vm4, $0x1, v0;
	v39 =	vld.idx.msk [tilespmem:v43+s17+$0x0], $0xffff;
	[tilespmem:s26+$0xA8A0] =	vst v58;
	v49 =	vadd.s32 v48, v34  }
0x42a: {  	v53 =	vsel vm5, $0x1, v0;
	v54 =	vsel vm6, $0x1, v0;
	v55 =	vld.idx.msk [tilespmem:v44+s17+$0x0], $0xffff;
	[tilespmem:s26+$0xA8B0] =	vst v32;
	v30 =	vadd.s32 v50, v49  }
0x42b: {  	v57 =	vsel vm7, $0x1, v0;
	[tilespmem:s26+$0xA8C0] =	vst v41;
	v58 =	vld.idx.msk [tilespmem:v45+s17+$0x0], $0xffff;
	v59 =	vadd.s32 v3, v29;
	v30 =	vadd.s32 v53, v30  }
0x42c: {  	[tilespmem:s26+$0xA8D0] =	vst v36;
	v35 =	vmul.f32 v51, v27;
	v51 =	vadd.s32 v7, v29;
	v30 =	vadd.s32 v54, v30  }
0x42d: {  	v56 =	vadd.s32 v2, v29;
	[tilespmem:s26+$0xA8E0] =	vst v37;
	v60 =	vld.idx.msk [tilespmem:v46+s17+$0x0], $0xffff;
	v62 =	vsel vm8, $0x1, v0;
	v30 =	vadd.s32 v57, v30  }
0x42e: {  	[tilespmem:s26+$0xA8F0] =	vst v42;
	v61 =	vadd.s32 v4, v29;
	v63 =	vld.idx.msk [tilespmem:v47+s17+$0x0], $0xffff;
	v30 =	vadd.s32 v62, v30  }
0x42f: {  	vm9 =	vgt.f32 v35, $0.0e+00;
	v47 =	vadd.s32 v5, v29;
	v48 =	vld.idx.msk [tilespmem:v28+s17+$0x0], $0xffff;
	[tilespmem:s26+$0xA100] =	vst v31;
	v28 =	vshll.u32 v30, $0x7  }
0x430: {  	[tilespmem:s26+$0xA110] =	vst v52;
	v52 =	vld.idx.msk [tilespmem:v59+s17+$0x0], $0xffff;
	v49 =	vadd.s32 v6, v29;
	v28 =	vnsel vm9, $0x900, v28  }
0x431: {  	[tilespmem:s26+$0xA120] =	vst v39;
	v31 =	vld.idx.msk [tilespmem:v51+s17+$0x0], $0xffff;
	v53 =	vadd.s32 v8, v29;
	v54 =	vperm.xlane v28, v0  }
0x432: {  	[tilespmem:s26+$0xA130] =	vst v55;
	v50 =	vld.idx.msk [tilespmem:v56+s17+$0x0], $0xffff;
	v29 =	vadd.s32 v9, v29  }
0x433: {  	[tilespmem:s26+$0xA140] =	vst v58;
	v36 =	vld.idx.msk [tilespmem:v61+s17+$0x0], $0xffff;
	v56 =	vadd.s32 v2, v54  }
0x434: {  	[tilespmem:s26+$0xA150] =	vst v60;
	v55 =	vld.idx.msk [tilespmem:v47+s17+$0x0], $0xffff;
	v58 =	vadd.s32 v3, v54  }
0x435: {  	[tilespmem:s26+$0xA160] =	vst v63;
	v57 =	vld.idx.msk [tilespmem:v49+s17+$0x0], $0xffff;
	v59 =	vadd.s32 v4, v54  }
0x436: {  	[tilespmem:s26+$0xA170] =	vst v48;
	v35 =	vld.idx.msk [tilespmem:v53+s17+$0x0], $0xffff;
	v60 =	vadd.s32 v5, v54  }
0x437: {  	v29 =	vld.idx.msk [tilespmem:v29+s17+$0x0], $0xffff;
	[tilespmem:s26+$0xA900] =	vst v50;
	v61 =	vadd.s32 v6, v54  }
0x438: {  	[tilespmem:s26+$0xA910] =	vst v52;
	v63 =	vadd.s32 v7, v54;
	v62 =	vld.idx.msk [tilespmem:v56+s17+$0x0], $0xffff  }
0x439: {  	[tilespmem:s26+$0xA920] =	vst v36;
	v45 =	vadd.s32 v8, v54;
	v44 =	vld.idx.msk [tilespmem:v58+s17+$0x0], $0xffff  }
0x43a: {  	[tilespmem:s26+$0xA950] =	vst v31;
	v46 =	vadd.s32 v9, v54;
	v33 =	vld.idx.msk [tilespmem:v59+s17+$0x0], $0xffff  }
0x43b: {  	[tilespmem:s26+$0xA930] =	vst v55;
	v47 =	vld.idx.msk [tilespmem:v60+s17+$0x0], $0xffff  }
0x43c: {  	[tilespmem:s26+$0xA940] =	vst v57;
	v48 =	vld.idx.msk [tilespmem:v61+s17+$0x0], $0xffff  }
0x43d: {  	[tilespmem:s26+$0xA960] =	vst v35;
	v49 =	vld.idx.msk [tilespmem:v63+s17+$0x0], $0xffff  }
0x43e: {  	[tilespmem:s26+$0xA970] =	vst v29;
	v50 =	vld.idx.msk [tilespmem:v45+s17+$0x0], $0xffff  }
0x43f: {  	v29 =	vld.idx.msk [tilespmem:v46+s17+$0x0], $0xffff;
	[tilespmem:s26+$0xA980] =	vst v62  }
0x440: {  	v30 =	vperm.xlane v28, v10;
	[tilespmem:s26+$0xA990] =	vst v44  }
0x441: {  	[tilespmem:s26+$0xA9A0] =	vst v33  }
0x442: {  	v51 =	vadd.s32 v2, v30;
	[tilespmem:s26+$0xA9B0] =	vst v47  }
0x443: {  	[tilespmem:s26+$0xA9C0] =	vst v48  }
0x444: {  	s30 =	sor.u32 $0x130, s28;
	[tilespmem:s26+$0xA9D0] =	vst v49  }
0x445: {  	s31 =	sand.u32 $0x180, s30;
	[tilespmem:s26+$0xA9E0] =	vst v50  }
0x446: {  	s5 =	sadd.s32 s31, s7;
	s0 =	sand.u32 $0x70, s30;
	[tilespmem:s26+$0xA9F0] =	vst v29  }
0x447: {  	s28 =	sadd.s32 s31, s9;
	s4 =	sadd.s32 s0, s5;
	v31 =	vld.idx.msk [tilespmem:v51+s17+$0x0], $0xffff  }
0x448: {  	s29 =	sadd.s32 s0, s28;
	v29 =	vld [tilespmem:s4+$0x0]  }
0x449: {  	s30 =	sadd.s32 s31, s11;
	v32 =	vld [tilespmem:s29+$0x0]  }
0x44a: {  	s4 =	sadd.s32 s0, s30  }
0x44b: {  	v52 =	vld [tilespmem:s4+$0x0];
	_ =	sdelay $0x2  }
0x44c: {  	s3 =	sadd.s32 s31, s12;
	v29 =	vsub.f32 v29, v24;
	v32 =	vsub.f32 v32, v25  }
0x44d: {  	s0 =	sadd.s32 s0, s3  }
0x44e: {  	v38 =	vld [tilespmem:s0+$0x0];
	v33 =	vsub.f32 v52, v26;
	v29 =	vmul.f32 v29, v29;
	v32 =	vmul.f32 v32, v32;
	_ =	sdelay $0x1  }
0x44f: {  	v53 =	vmul.f32 v33, v33;
	v29 =	vadd.f32 v32, v29;
	_ =	sdelay $0x1  }
0x450: {  	v29 =	vadd.f32 v53, v29  }
0x451: {  	v44 =	vmul.f32 v38, v27  }
0x452: {  	v53 =	vadd.s32 v3, v30;
	vm10 =	vge.f32 v29, $1.914062500e+01;
	vm11 =	vge.f32 v29, $2.889062500e+01  }
0x453: {  	vm12 =	vge.f32 v29, $4.064062500e+01;
	v54 =	vsel vm10, $0x1, v0;
	v55 =	vsel vm11, $0x1, v0  }
0x454: {  	vm13 =	vge.f32 v29, $5.439062500e+01;
	v56 =	vsel vm12, $0x1, v0;
	v32 =	vadd.s32 v55, v54  }
0x455: {  	vm14 =	vge.f32 v29, $7.014062500e+01;
	v57 =	vsel vm13, $0x1, v0;
	v32 =	vadd.s32 v56, v32  }
0x456: {  	vm15 =	vge.f32 v29, $8.789062500e+01;
	v58 =	vsel vm14, $0x1, v0;
	v32 =	vadd.s32 v57, v32  }
0x457: {  	vm4 =	vge.f32 v29, $1.076406250e+02;
	v59 =	vsel vm15, $0x1, v0;
	v32 =	vadd.s32 v58, v32  }
0x458: {  	vm5 =	vge.f32 v29, $1.293906250e+02;
	v60 =	vsel vm4, $0x1, v0;
	v32 =	vadd.s32 v59, v32  }
0x459: {  	vm6 =	vge.f32 v29, $1.531406250e+02;
	v61 =	vsel vm5, $0x1, v0;
	v32 =	vadd.s32 v60, v32  }
0x45a: {  	vm7 =	vge.f32 v29, $1.788906250e+02;
	v62 =	vsel vm6, $0x1, v0;
	v32 =	vadd.s32 v61, v32  }
0x45b: {  	vm8 =	vge.f32 v29, $2.066406250e+02;
	v63 =	vsel vm7, $0x1, v0;
	v32 =	vadd.s32 v62, v32  }
0x45c: {  	vm9 =	vge.f32 v29, $2.363906250e+02;
	v36 =	vsel vm8, $0x1, v0;
	v32 =	vadd.s32 v63, v32  }
0x45d: {  	v37 =	vsel vm9, $0x1, v0;
	vm10 =	vge.f32 v29, $2.681406250e+02;
	v32 =	vadd.s32 v36, v32  }
0x45e: {  	vm11 =	vge.f32 v29, $3.018906250e+02;
	v39 =	vsel vm10, $0x1, v0;
	v32 =	vadd.s32 v37, v32  }
0x45f: {  	vm12 =	vge.f32 v29, $3.376406250e+02;
	v40 =	vsel vm11, $0x1, v0;
	v32 =	vadd.s32 v39, v32  }
0x460: {  	vm13 =	vge.f32 v29, $3.753906250e+02;
	v41 =	vsel vm12, $0x1, v0;
	v32 =	vadd.s32 v40, v32  }
0x461: {  	vm14 =	vge.f32 v29, $4.151406250e+02;
	v42 =	vsel vm13, $0x1, v0;
	v32 =	vadd.s32 v41, v32  }
0x462: {  	vm15 =	vgt.f32 v44, $0.0e+00;
	v43 =	vsel vm14, $0x1, v0;
	v29 =	vadd.s32 v42, v32  }
0x463: {  	v54 =	vadd.s32 v4, v30;
	v55 =	vadd.s32 v5, v30;
	v29 =	vadd.s32 v43, v29  }
0x464: {  	v56 =	vadd.s32 v6, v30;
	v57 =	vadd.s32 v7, v30;
	v29 =	vshll.u32 v29, $0x7  }
0x465: {  	v59 =	vadd.s32 v8, v30;
	v30 =	vadd.s32 v9, v30;
	v29 =	vnsel vm15, $0x900, v29  }
0x466: {  	v45 =	vperm.xlane v29, v0  }
0x467: {  	v58 =	vld.idx.msk [tilespmem:v53+s17+$0x0], $0xffff  }
0x468: {  	v61 =	vld.idx.msk [tilespmem:v55+s17+$0x0], $0xffff;
	v46 =	vadd.s32 v2, v45  }
0x469: {  	v63 =	vld.idx.msk [tilespmem:v56+s17+$0x0], $0xffff;
	v47 =	vadd.s32 v3, v45  }
0x46a: {  	v30 =	vld.idx.msk [tilespmem:v30+s17+$0x0], $0xffff;
	v48 =	vadd.s32 v4, v45  }
0x46b: {  	v40 =	vld.idx.msk [tilespmem:v59+s17+$0x0], $0xffff;
	v49 =	vadd.s32 v5, v45  }
0x46c: {  	v41 =	vld.idx.msk [tilespmem:v54+s17+$0x0], $0xffff;
	v50 =	vadd.s32 v6, v45  }
0x46d: {  	v51 =	vadd.s32 v7, v45;
	v33 =	vld.idx.msk [tilespmem:v46+s17+$0x0], $0xffff  }
0x46e: {  	v52 =	vadd.s32 v8, v45;
	v34 =	vld.idx.msk [tilespmem:v47+s17+$0x0], $0xffff  }
0x46f: {  	v35 =	vld.idx.msk [tilespmem:v48+s17+$0x0], $0xffff  }
0x470: {  	v32 =	vadd.s32 v9, v45;
	v36 =	vld.idx.msk [tilespmem:v49+s17+$0x0], $0xffff  }
0x471: {  	v37 =	vld.idx.msk [tilespmem:v50+s17+$0x0], $0xffff  }
0x472: {  	v38 =	vld.idx.msk [tilespmem:v51+s17+$0x0], $0xffff  }
0x473: {  	v39 =	vld.idx.msk [tilespmem:v52+s17+$0x0], $0xffff  }
0x474: {  	v49 =	vld.idx.msk [tilespmem:v57+s17+$0x0], $0xffff;
	[tilespmem:s26+$0xAA00] =	vst v31  }
0x475: {  	v32 =	vld.idx.msk [tilespmem:v32+s17+$0x0], $0xffff;
	[tilespmem:s26+$0xB180] =	vst v33  }
0x476: {  	v60 =	vperm.xlane v29, v10;
	[tilespmem:s26+$0xB190] =	vst v34  }
0x477: {  	[tilespmem:s26+$0xB1A0] =	vst v35  }
0x478: {  	v62 =	vadd.s32 v2, v60;
	[tilespmem:s26+$0xB1B0] =	vst v36  }
0x479: {  	v48 =	vadd.s32 v3, v60;
	[tilespmem:s26+$0xB1C0] =	vst v37  }
0x47a: {  	v50 =	vadd.s32 v4, v60;
	[tilespmem:s26+$0xB1D0] =	vst v38  }
0x47b: {  	v51 =	vadd.s32 v5, v60;
	[tilespmem:s26+$0xB1E0] =	vst v39  }
0x47c: {  	v52 =	vadd.s32 v6, v60;
	[tilespmem:s26+$0xB1F0] =	vst v32  }
0x47d: {  	v55 =	vperm.xlane v28, v11;
	v54 =	vadd.s32 v7, v60;
	[tilespmem:s26+$0xAA10] =	vst v58;
	v53 =	vld.idx.msk [tilespmem:v62+s17+$0x0], $0xffff  }
0x47e: {  	v56 =	vadd.s32 v8, v60;
	[tilespmem:s26+$0xAA20] =	vst v41;
	v37 =	vld.idx.msk [tilespmem:v48+s17+$0x0], $0xffff  }
0x47f: {  	[tilespmem:s26+$0xAA30] =	vst v61;
	v57 =	vadd.s32 v2, v55;
	v38 =	vld.idx.msk [tilespmem:v50+s17+$0x0], $0xffff  }
0x480: {  	[tilespmem:s26+$0xAA40] =	vst v63;
	v34 =	vadd.s32 v9, v60;
	v39 =	vld.idx.msk [tilespmem:v51+s17+$0x0], $0xffff  }
0x481: {  	v58 =	vadd.s32 v3, v55;
	[tilespmem:s26+$0xAA60] =	vst v40;
	v32 =	vld.idx.msk [tilespmem:v52+s17+$0x0], $0xffff  }
0x482: {  	v59 =	vadd.s32 v4, v55;
	[tilespmem:s26+$0xAA70] =	vst v30;
	v36 =	vld.idx.msk [tilespmem:v54+s17+$0x0], $0xffff  }
0x483: {  	[tilespmem:s26+$0xAA50] =	vst v49;
	v60 =	vadd.s32 v5, v55;
	v61 =	vld.idx.msk [tilespmem:v56+s17+$0x0], $0xffff  }
0x484: {  	v33 =	vadd.s32 v9, v55;
	v35 =	vld.idx.msk [tilespmem:v57+s17+$0x0], $0xffff  }
0x485: {  	v62 =	vadd.s32 v6, v55;
	v34 =	vld.idx.msk [tilespmem:v34+s17+$0x0], $0xffff;
	[tilespmem:s26+$0xB200] =	vst v53  }
0x486: {  	v63 =	vadd.s32 v7, v55;
	v47 =	vld.idx.msk [tilespmem:v58+s17+$0x0], $0xffff;
	[tilespmem:s26+$0xB210] =	vst v37  }
0x487: {  	v49 =	vperm.xlane v29, v11;
	v48 =	vadd.s32 v8, v55;
	v42 =	vld.idx.msk [tilespmem:v59+s17+$0x0], $0xffff;
	[tilespmem:s26+$0xB220] =	vst v38  }
0x488: {  	v50 =	vld.idx.msk [tilespmem:v60+s17+$0x0], $0xffff;
	[tilespmem:s26+$0xB230] =	vst v39  }
0x489: {  	v51 =	vadd.s32 v2, v49;
	v33 =	vld.idx.msk [tilespmem:v33+s17+$0x0], $0xffff;
	[tilespmem:s26+$0xB240] =	vst v32  }
0x48a: {  	v52 =	vadd.s32 v3, v49;
	v30 =	vld.idx.msk [tilespmem:v62+s17+$0x0], $0xffff;
	[tilespmem:s26+$0xB250] =	vst v36  }
0x48b: {  	v54 =	vadd.s32 v4, v49;
	v53 =	vld.idx.msk [tilespmem:v63+s17+$0x0], $0xffff;
	[tilespmem:s26+$0xB260] =	vst v61  }
0x48c: {  	v55 =	vadd.s32 v5, v49;
	v41 =	vld.idx.msk [tilespmem:v48+s17+$0x0], $0xffff;
	[tilespmem:s26+$0xAA80] =	vst v35  }
0x48d: {  	v56 =	vadd.s32 v6, v49;
	[tilespmem:s26+$0xB270] =	vst v34  }
0x48e: {  	v58 =	vadd.s32 v7, v49;
	[tilespmem:s26+$0xAA90] =	vst v47;
	v57 =	vld.idx.msk [tilespmem:v51+s17+$0x0], $0xffff  }
0x48f: {  	v59 =	vperm.xlane v28, v12;
	v60 =	vadd.s32 v8, v49;
	[tilespmem:s26+$0xAAA0] =	vst v42;
	v32 =	vld.idx.msk [tilespmem:v52+s17+$0x0], $0xffff  }
0x490: {  	v37 =	vadd.s32 v9, v49;
	[tilespmem:s26+$0xAAB0] =	vst v50;
	v36 =	vld.idx.msk [tilespmem:v54+s17+$0x0], $0xffff  }
0x491: {  	v61 =	vadd.s32 v2, v59;
	[tilespmem:s26+$0xAAF0] =	vst v33;
	v62 =	vld.idx.msk [tilespmem:v55+s17+$0x0], $0xffff  }
0x492: {  	v63 =	vadd.s32 v3, v59;
	[tilespmem:s26+$0xAAC0] =	vst v30;
	v34 =	vld.idx.msk [tilespmem:v56+s17+$0x0], $0xffff  }
0x493: {  	v48 =	vadd.s32 v4, v59;
	[tilespmem:s26+$0xAAD0] =	vst v53;
	v39 =	vld.idx.msk [tilespmem:v58+s17+$0x0], $0xffff  }
0x494: {  	v49 =	vadd.s32 v5, v59;
	[tilespmem:s26+$0xAAE0] =	vst v41;
	v50 =	vld.idx.msk [tilespmem:v60+s17+$0x0], $0xffff  }
0x495: {  	v31 =	vadd.s32 v9, v59;
	v37 =	vld.idx.msk [tilespmem:v37+s17+$0x0], $0xffff;
	[tilespmem:s26+$0xB280] =	vst v57  }
0x496: {  	v51 =	vadd.s32 v6, v59;
	v38 =	vld.idx.msk [tilespmem:v61+s17+$0x0], $0xffff;
	[tilespmem:s26+$0xB290] =	vst v32  }
0x497: {  	v52 =	vadd.s32 v7, v59;
	v54 =	vperm.xlane v29, v12;
	v30 =	vld.idx.msk [tilespmem:v63+s17+$0x0], $0xffff;
	[tilespmem:s26+$0xB2A0] =	vst v36  }
0x498: {  	v53 =	vadd.s32 v8, v59;
	v40 =	vld.idx.msk [tilespmem:v48+s17+$0x0], $0xffff;
	[tilespmem:s26+$0xB2B0] =	vst v62  }
0x499: {  	v55 =	vld.idx.msk [tilespmem:v49+s17+$0x0], $0xffff;
	v56 =	vadd.s32 v2, v54;
	[tilespmem:s26+$0xB2C0] =	vst v34  }
0x49a: {  	v31 =	vld.idx.msk [tilespmem:v31+s17+$0x0], $0xffff;
	v59 =	vadd.s32 v4, v54;
	[tilespmem:s26+$0xB2D0] =	vst v39  }
0x49b: {  	v60 =	vadd.s32 v5, v54;
	v33 =	vld.idx.msk [tilespmem:v51+s17+$0x0], $0xffff;
	[tilespmem:s26+$0xB2E0] =	vst v50  }
0x49c: {  	v61 =	vadd.s32 v6, v54;
	v58 =	vld.idx.msk [tilespmem:v52+s17+$0x0], $0xffff;
	[tilespmem:s26+$0xB2F0] =	vst v37  }
0x49d: {  	v63 =	vadd.s32 v7, v54;
	v35 =	vld.idx.msk [tilespmem:v53+s17+$0x0], $0xffff;
	[tilespmem:s26+$0xAB00] =	vst v38  }
0x49e: {  	v49 =	vadd.s32 v8, v54;
	[tilespmem:s26+$0xAB10] =	vst v30;
	v62 =	vld.idx.msk [tilespmem:v56+s17+$0x0], $0xffff  }
0x49f: {  	v48 =	vperm.xlane v28, v13;
	v57 =	vadd.s32 v3, v54;
	[tilespmem:s26+$0xAB20] =	vst v40;
	v39 =	vld.idx.msk [tilespmem:v59+s17+$0x0], $0xffff  }
0x4a0: {  	v32 =	vadd.s32 v9, v54;
	[tilespmem:s26+$0xAB30] =	vst v55;
	v51 =	vld.idx.msk [tilespmem:v60+s17+$0x0], $0xffff  }
0x4a1: {  	v50 =	vadd.s32 v2, v48;
	[tilespmem:s26+$0xAB70] =	vst v31;
	v37 =	vld.idx.msk [tilespmem:v61+s17+$0x0], $0xffff  }
0x4a2: {  	v52 =	vadd.s32 v3, v48;
	v41 =	vld.idx.msk [tilespmem:v63+s17+$0x0], $0xffff;
	[tilespmem:s26+$0xAB40] =	vst v33  }
0x4a3: {  	v53 =	vadd.s32 v4, v48;
	v55 =	vld.idx.msk [tilespmem:v49+s17+$0x0], $0xffff;
	[tilespmem:s26+$0xAB50] =	vst v58  }
0x4a4: {  	v54 =	vadd.s32 v5, v48;
	v34 =	vld.idx.msk [tilespmem:v57+s17+$0x0], $0xffff;
	[tilespmem:s26+$0xAB60] =	vst v35  }
0x4a5: {  	v30 =	vadd.s32 v9, v48;
	v32 =	vld.idx.msk [tilespmem:v32+s17+$0x0], $0xffff;
	[tilespmem:s26+$0xB300] =	vst v62  }
0x4a6: {  	v56 =	vadd.s32 v6, v48;
	v36 =	vld.idx.msk [tilespmem:v50+s17+$0x0], $0xffff;
	[tilespmem:s26+$0xB320] =	vst v39  }
0x4a7: {  	v59 =	vperm.xlane v29, v13;
	v57 =	vadd.s32 v7, v48;
	v33 =	vld.idx.msk [tilespmem:v52+s17+$0x0], $0xffff;
	[tilespmem:s26+$0xB330] =	vst v51  }
0x4a8: {  	v58 =	vadd.s32 v8, v48;
	v42 =	vld.idx.msk [tilespmem:v53+s17+$0x0], $0xffff;
	[tilespmem:s26+$0xB340] =	vst v37  }
0x4a9: {  	v60 =	vadd.s32 v2, v59;
	v35 =	vld.idx.msk [tilespmem:v54+s17+$0x0], $0xffff;
	[tilespmem:s26+$0xB350] =	vst v41  }
0x4aa: {  	v61 =	vadd.s32 v3, v59;
	v30 =	vld.idx.msk [tilespmem:v30+s17+$0x0], $0xffff;
	[tilespmem:s26+$0xB360] =	vst v55  }
0x4ab: {  	v63 =	vadd.s32 v4, v59;
	v31 =	vld.idx.msk [tilespmem:v56+s17+$0x0], $0xffff;
	[tilespmem:s26+$0xB310] =	vst v34  }
0x4ac: {  	v48 =	vadd.s32 v5, v59;
	v62 =	vld.idx.msk [tilespmem:v57+s17+$0x0], $0xffff;
	[tilespmem:s26+$0xB370] =	vst v32  }
0x4ad: {  	v49 =	vadd.s32 v6, v59;
	v38 =	vld.idx.msk [tilespmem:v58+s17+$0x0], $0xffff;
	[tilespmem:s26+$0xAB80] =	vst v36  }
0x4ae: {  	v53 =	vadd.s32 v8, v59;
	v50 =	vld.idx.msk [tilespmem:v60+s17+$0x0], $0xffff;
	[tilespmem:s26+$0xAB90] =	vst v33  }
0x4af: {  	v52 =	vperm.xlane v28, v14;
	v51 =	vadd.s32 v7, v59;
	v37 =	vld.idx.msk [tilespmem:v61+s17+$0x0], $0xffff;
	[tilespmem:s26+$0xABA0] =	vst v42  }
0x4b0: {  	v34 =	vadd.s32 v9, v59;
	v41 =	vld.idx.msk [tilespmem:v63+s17+$0x0], $0xffff;
	[tilespmem:s26+$0xABB0] =	vst v35  }
0x4b1: {  	v54 =	vadd.s32 v2, v52;
	v55 =	vld.idx.msk [tilespmem:v48+s17+$0x0], $0xffff;
	[tilespmem:s26+$0xABF0] =	vst v30  }
0x4b2: {  	v56 =	vadd.s32 v3, v52;
	v32 =	vld.idx.msk [tilespmem:v49+s17+$0x0], $0xffff;
	[tilespmem:s26+$0xABC0] =	vst v31  }
0x4b3: {  	v57 =	vadd.s32 v4, v52;
	v59 =	vld.idx.msk [tilespmem:v53+s17+$0x0], $0xffff;
	[tilespmem:s26+$0xABD0] =	vst v62  }
0x4b4: {  	v58 =	vadd.s32 v5, v52;
	v39 =	vld.idx.msk [tilespmem:v51+s17+$0x0], $0xffff;
	[tilespmem:s26+$0xABE0] =	vst v38  }
0x4b5: {  	v60 =	vadd.s32 v6, v52;
	v34 =	vld.idx.msk [tilespmem:v34+s17+$0x0], $0xffff;
	[tilespmem:s26+$0xB380] =	vst v50  }
0x4b6: {  	v61 =	vadd.s32 v7, v52;
	v35 =	vld.idx.msk [tilespmem:v54+s17+$0x0], $0xffff;
	[tilespmem:s26+$0xB390] =	vst v37  }
0x4b7: {  	v63 =	vperm.xlane v29, v14;
	v33 =	vadd.s32 v9, v52;
	v31 =	vld.idx.msk [tilespmem:v56+s17+$0x0], $0xffff;
	[tilespmem:s26+$0xB3A0] =	vst v41  }
0x4b8: {  	v62 =	vadd.s32 v8, v52;
	v40 =	vld.idx.msk [tilespmem:v57+s17+$0x0], $0xffff;
	[tilespmem:s26+$0xB3B0] =	vst v55  }
0x4b9: {  	v48 =	vadd.s32 v2, v63;
	v38 =	vld.idx.msk [tilespmem:v58+s17+$0x0], $0xffff;
	[tilespmem:s26+$0xB3C0] =	vst v32  }
0x4ba: {  	v49 =	vadd.s32 v3, v63;
	v30 =	vld.idx.msk [tilespmem:v60+s17+$0x0], $0xffff;
	[tilespmem:s26+$0xB3E0] =	vst v59  }
0x4bb: {  	v51 =	vadd.s32 v4, v63;
	v50 =	vld.idx.msk [tilespmem:v61+s17+$0x0], $0xffff;
	[tilespmem:s26+$0xB3D0] =	vst v39  }
0x4bc: {  	v52 =	vadd.s32 v5, v63;
	v33 =	vld.idx.msk [tilespmem:v33+s17+$0x0], $0xffff;
	[tilespmem:s26+$0xB3F0] =	vst v34  }
0x4bd: {  	v53 =	vadd.s32 v6, v63;
	v36 =	vld.idx.msk [tilespmem:v62+s17+$0x0], $0xffff;
	[tilespmem:s26+$0xAC00] =	vst v35  }
0x4be: {  	v55 =	vadd.s32 v7, v63;
	v54 =	vld.idx.msk [tilespmem:v48+s17+$0x0], $0xffff;
	[tilespmem:s26+$0xAC10] =	vst v31  }
0x4bf: {  	v56 =	vperm.xlane v28, v15;
	v57 =	vadd.s32 v8, v63;
	v32 =	vld.idx.msk [tilespmem:v49+s17+$0x0], $0xffff;
	[tilespmem:s26+$0xAC20] =	vst v40  }
0x4c0: {  	v37 =	vadd.s32 v9, v63;
	v39 =	vld.idx.msk [tilespmem:v51+s17+$0x0], $0xffff;
	[tilespmem:s26+$0xAC30] =	vst v38  }
0x4c1: {  	v58 =	vadd.s32 v2, v56;
	v59 =	vld.idx.msk [tilespmem:v52+s17+$0x0], $0xffff;
	[tilespmem:s26+$0xAC40] =	vst v30  }
0x4c2: {  	v60 =	vadd.s32 v3, v56;
	v34 =	vld.idx.msk [tilespmem:v53+s17+$0x0], $0xffff;
	[tilespmem:s26+$0xAC50] =	vst v50  }
0x4c3: {  	v61 =	vadd.s32 v4, v56;
	v41 =	vld.idx.msk [tilespmem:v55+s17+$0x0], $0xffff;
	[tilespmem:s26+$0xAC70] =	vst v33  }
0x4c4: {  	v62 =	vadd.s32 v5, v56;
	v63 =	vld.idx.msk [tilespmem:v57+s17+$0x0], $0xffff;
	[tilespmem:s26+$0xAC60] =	vst v36  }
0x4c5: {  	v48 =	vadd.s32 v6, v56;
	v37 =	vld.idx.msk [tilespmem:v37+s17+$0x0], $0xffff;
	[tilespmem:s26+$0xB400] =	vst v54  }
0x4c6: {  	v49 =	vadd.s32 v7, v56;
	v38 =	vld.idx.msk [tilespmem:v58+s17+$0x0], $0xffff;
	[tilespmem:s26+$0xB410] =	vst v32  }
0x4c7: {  	v50 =	vadd.s32 v8, v56;
	v51 =	vperm.xlane v29, v15;
	v30 =	vld.idx.msk [tilespmem:v60+s17+$0x0], $0xffff;
	[tilespmem:s26+$0xB420] =	vst v39  }
0x4c8: {  	v31 =	vadd.s32 v9, v56;
	v42 =	vld.idx.msk [tilespmem:v61+s17+$0x0], $0xffff;
	[tilespmem:s26+$0xB430] =	vst v59  }
0x4c9: {  	v52 =	vadd.s32 v2, v51;
	v36 =	vld.idx.msk [tilespmem:v62+s17+$0x0], $0xffff;
	[tilespmem:s26+$0xB440] =	vst v34  }
0x4ca: {  	v53 =	vadd.s32 v3, v51;
	v33 =	vld.idx.msk [tilespmem:v48+s17+$0x0], $0xffff;
	[tilespmem:s26+$0xB450] =	vst v41  }
0x4cb: {  	v55 =	vadd.s32 v4, v51;
	v54 =	vld.idx.msk [tilespmem:v49+s17+$0x0], $0xffff;
	[tilespmem:s26+$0xB460] =	vst v63  }
0x4cc: {  	v56 =	vadd.s32 v5, v51;
	v35 =	vld.idx.msk [tilespmem:v50+s17+$0x0], $0xffff;
	[tilespmem:s26+$0xB470] =	vst v37  }
0x4cd: {  	v57 =	vadd.s32 v6, v51;
	v31 =	vld.idx.msk [tilespmem:v31+s17+$0x0], $0xffff;
	[tilespmem:s26+$0xAC80] =	vst v38  }
0x4ce: {  	v59 =	vadd.s32 v7, v51;
	v58 =	vld.idx.msk [tilespmem:v52+s17+$0x0], $0xffff;
	[tilespmem:s26+$0xAC90] =	vst v30  }
0x4cf: {  	v60 =	vperm.xlane v28, v1;
	v61 =	vadd.s32 v8, v51;
	v34 =	vld.idx.msk [tilespmem:v53+s17+$0x0], $0xffff;
	[tilespmem:s26+$0xACA0] =	vst v42  }
0x4d0: {  	v32 =	vadd.s32 v9, v51;
	v41 =	vld.idx.msk [tilespmem:v55+s17+$0x0], $0xffff;
	[tilespmem:s26+$0xACB0] =	vst v36  }
0x4d1: {  	v62 =	vadd.s32 v2, v60;
	v63 =	vld.idx.msk [tilespmem:v56+s17+$0x0], $0xffff;
	[tilespmem:s26+$0xACC0] =	vst v33  }
0x4d2: {  	v48 =	vadd.s32 v3, v60;
	v37 =	vld.idx.msk [tilespmem:v57+s17+$0x0], $0xffff;
	[tilespmem:s26+$0xACD0] =	vst v54  }
0x4d3: {  	v49 =	vadd.s32 v4, v60;
	v39 =	vld.idx.msk [tilespmem:v59+s17+$0x0], $0xffff;
	[tilespmem:s26+$0xACE0] =	vst v35  }
0x4d4: {  	v50 =	vadd.s32 v5, v60;
	v51 =	vld.idx.msk [tilespmem:v61+s17+$0x0], $0xffff;
	[tilespmem:s26+$0xACF0] =	vst v31  }
0x4d5: {  	v52 =	vadd.s32 v6, v60;
	v32 =	vld.idx.msk [tilespmem:v32+s17+$0x0], $0xffff;
	[tilespmem:s26+$0xB480] =	vst v58  }
0x4d6: {  	v53 =	vadd.s32 v7, v60;
	v36 =	vld.idx.msk [tilespmem:v62+s17+$0x0], $0xffff;
	[tilespmem:s26+$0xB490] =	vst v34  }
0x4d7: {  	v55 =	vperm.xlane v29, v1;
	v54 =	vadd.s32 v8, v60;
	v33 =	vld.idx.msk [tilespmem:v48+s17+$0x0], $0xffff;
	[tilespmem:s26+$0xB4A0] =	vst v41  }
0x4d8: {  	v30 =	vadd.s32 v9, v60;
	v40 =	vld.idx.msk [tilespmem:v49+s17+$0x0], $0xffff;
	[tilespmem:s26+$0xB4B0] =	vst v63  }
0x4d9: {  	v56 =	vadd.s32 v2, v55;
	v35 =	vld.idx.msk [tilespmem:v50+s17+$0x0], $0xffff;
	[tilespmem:s26+$0xB4C0] =	vst v37  }
0x4da: {  	v57 =	vadd.s32 v3, v55;
	v31 =	vld.idx.msk [tilespmem:v52+s17+$0x0], $0xffff;
	[tilespmem:s26+$0xB4D0] =	vst v39  }
0x4db: {  	v59 =	vadd.s32 v4, v55;
	v58 =	vld.idx.msk [tilespmem:v53+s17+$0x0], $0xffff;
	[tilespmem:s26+$0xB4E0] =	vst v51  }
0x4dc: {  	v60 =	vadd.s32 v5, v55;
	v38 =	vld.idx.msk [tilespmem:v54+s17+$0x0], $0xffff;
	[tilespmem:s26+$0xB4F0] =	vst v32  }
0x4dd: {  	v61 =	vadd.s32 v6, v55;
	v30 =	vld.idx.msk [tilespmem:v30+s17+$0x0], $0xffff;
	[tilespmem:s26+$0xAD00] =	vst v36  }
0x4de: {  	v63 =	vadd.s32 v7, v55;
	v62 =	vld.idx.msk [tilespmem:v56+s17+$0x0], $0xffff;
	[tilespmem:s26+$0xAD10] =	vst v33  }
0x4df: {  	v48 =	vperm.xlane v28, v16;
	v49 =	vadd.s32 v8, v55;
	v37 =	vld.idx.msk [tilespmem:v57+s17+$0x0], $0xffff;
	[tilespmem:s26+$0xAD20] =	vst v40  }
0x4e0: {  	v34 =	vadd.s32 v9, v55;
	v39 =	vld.idx.msk [tilespmem:v59+s17+$0x0], $0xffff;
	[tilespmem:s26+$0xAD30] =	vst v35  }
0x4e1: {  	v50 =	vadd.s32 v2, v48;
	v51 =	vld.idx.msk [tilespmem:v60+s17+$0x0], $0xffff;
	[tilespmem:s26+$0xAD40] =	vst v31  }
0x4e2: {  	v52 =	vadd.s32 v3, v48;
	v32 =	vld.idx.msk [tilespmem:v61+s17+$0x0], $0xffff;
	[tilespmem:s26+$0xAD50] =	vst v58  }
0x4e3: {  	v53 =	vadd.s32 v4, v48;
	v41 =	vld.idx.msk [tilespmem:v63+s17+$0x0], $0xffff;
	[tilespmem:s26+$0xAD60] =	vst v38  }
0x4e4: {  	v54 =	vadd.s32 v5, v48;
	v55 =	vld.idx.msk [tilespmem:v49+s17+$0x0], $0xffff;
	[tilespmem:s26+$0xAD70] =	vst v30  }
0x4e5: {  	v56 =	vadd.s32 v6, v48;
	v34 =	vld.idx.msk [tilespmem:v34+s17+$0x0], $0xffff;
	[tilespmem:s26+$0xB500] =	vst v62  }
0x4e6: {  	v57 =	vadd.s32 v7, v48;
	v35 =	vld.idx.msk [tilespmem:v50+s17+$0x0], $0xffff;
	[tilespmem:s26+$0xB510] =	vst v37  }
0x4e7: {  	v59 =	vperm.xlane v29, v16;
	v58 =	vadd.s32 v8, v48;
	v31 =	vld.idx.msk [tilespmem:v52+s17+$0x0], $0xffff;
	[tilespmem:s26+$0xB520] =	vst v39  }
0x4e8: {  	v33 =	vadd.s32 v9, v48;
	v42 =	vld.idx.msk [tilespmem:v53+s17+$0x0], $0xffff;
	[tilespmem:s26+$0xB530] =	vst v51  }
0x4e9: {  	v60 =	vadd.s32 v2, v59;
	v38 =	vld.idx.msk [tilespmem:v54+s17+$0x0], $0xffff;
	[tilespmem:s26+$0xB540] =	vst v32  }
0x4ea: {  	v61 =	vadd.s32 v3, v59;
	v30 =	vld.idx.msk [tilespmem:v56+s17+$0x0], $0xffff;
	[tilespmem:s26+$0xB550] =	vst v41  }
0x4eb: {  	v63 =	vadd.s32 v4, v59;
	v62 =	vld.idx.msk [tilespmem:v57+s17+$0x0], $0xffff;
	[tilespmem:s26+$0xB560] =	vst v55  }
0x4ec: {  	v48 =	vadd.s32 v5, v59;
	v36 =	vld.idx.msk [tilespmem:v58+s17+$0x0], $0xffff;
	[tilespmem:s26+$0xB570] =	vst v34  }
0x4ed: {  	v49 =	vadd.s32 v6, v59;
	v33 =	vld.idx.msk [tilespmem:v33+s17+$0x0], $0xffff;
	[tilespmem:s26+$0xAD80] =	vst v35  }
0x4ee: {  	v51 =	vadd.s32 v7, v59;
	v50 =	vld.idx.msk [tilespmem:v60+s17+$0x0], $0xffff;
	[tilespmem:s26+$0xAD90] =	vst v31  }
0x4ef: {  	v52 =	vperm.xlane v28, v17;
	v53 =	vadd.s32 v8, v59;
	v32 =	vld.idx.msk [tilespmem:v61+s17+$0x0], $0xffff;
	[tilespmem:s26+$0xADA0] =	vst v42  }
0x4f0: {  	v37 =	vadd.s32 v9, v59;
	v41 =	vld.idx.msk [tilespmem:v63+s17+$0x0], $0xffff;
	[tilespmem:s26+$0xADB0] =	vst v38  }
0x4f1: {  	v54 =	vadd.s32 v2, v52;
	v55 =	vld.idx.msk [tilespmem:v48+s17+$0x0], $0xffff;
	[tilespmem:s26+$0xADC0] =	vst v30  }
0x4f2: {  	v56 =	vadd.s32 v3, v52;
	v34 =	vld.idx.msk [tilespmem:v49+s17+$0x0], $0xffff;
	[tilespmem:s26+$0xADD0] =	vst v62  }
0x4f3: {  	v57 =	vadd.s32 v4, v52;
	v39 =	vld.idx.msk [tilespmem:v51+s17+$0x0], $0xffff;
	[tilespmem:s26+$0xADE0] =	vst v36  }
0x4f4: {  	v58 =	vadd.s32 v5, v52;
	v59 =	vld.idx.msk [tilespmem:v53+s17+$0x0], $0xffff;
	[tilespmem:s26+$0xADF0] =	vst v33  }
0x4f5: {  	v60 =	vadd.s32 v6, v52;
	v37 =	vld.idx.msk [tilespmem:v37+s17+$0x0], $0xffff;
	[tilespmem:s26+$0xB580] =	vst v50  }
0x4f6: {  	v61 =	vadd.s32 v7, v52;
	v38 =	vld.idx.msk [tilespmem:v54+s17+$0x0], $0xffff;
	[tilespmem:s26+$0xB590] =	vst v32  }
0x4f7: {  	v63 =	vperm.xlane v29, v17;
	v62 =	vadd.s32 v8, v52;
	v30 =	vld.idx.msk [tilespmem:v56+s17+$0x0], $0xffff;
	[tilespmem:s26+$0xB5A0] =	vst v41  }
0x4f8: {  	v31 =	vadd.s32 v9, v52;
	v40 =	vld.idx.msk [tilespmem:v57+s17+$0x0], $0xffff;
	[tilespmem:s26+$0xB5B0] =	vst v55  }
0x4f9: {  	v48 =	vadd.s32 v2, v63;
	v36 =	vld.idx.msk [tilespmem:v58+s17+$0x0], $0xffff;
	[tilespmem:s26+$0xB5C0] =	vst v34  }
0x4fa: {  	v49 =	vadd.s32 v3, v63;
	v33 =	vld.idx.msk [tilespmem:v60+s17+$0x0], $0xffff;
	[tilespmem:s26+$0xB5D0] =	vst v39  }
0x4fb: {  	v51 =	vadd.s32 v4, v63;
	v50 =	vld.idx.msk [tilespmem:v61+s17+$0x0], $0xffff;
	[tilespmem:s26+$0xB5E0] =	vst v59  }
0x4fc: {  	v52 =	vadd.s32 v5, v63;
	v35 =	vld.idx.msk [tilespmem:v62+s17+$0x0], $0xffff;
	[tilespmem:s26+$0xB5F0] =	vst v37  }
0x4fd: {  	v53 =	vadd.s32 v6, v63;
	v31 =	vld.idx.msk [tilespmem:v31+s17+$0x0], $0xffff;
	[tilespmem:s26+$0xAE00] =	vst v38  }
0x4fe: {  	v55 =	vadd.s32 v7, v63;
	v54 =	vld.idx.msk [tilespmem:v48+s17+$0x0], $0xffff;
	[tilespmem:s26+$0xAE10] =	vst v30  }
0x4ff: {  	v56 =	vperm.xlane v28, v18;
	v57 =	vadd.s32 v8, v63;
	v34 =	vld.idx.msk [tilespmem:v49+s17+$0x0], $0xffff;
	[tilespmem:s26+$0xAE20] =	vst v40  }
0x500: {  	v32 =	vadd.s32 v9, v63;
	v39 =	vld.idx.msk [tilespmem:v51+s17+$0x0], $0xffff;
	[tilespmem:s26+$0xAE30] =	vst v36  }
0x501: {  	v58 =	vadd.s32 v2, v56;
	v59 =	vld.idx.msk [tilespmem:v52+s17+$0x0], $0xffff;
	[tilespmem:s26+$0xAE40] =	vst v33  }
0x502: {  	v60 =	vadd.s32 v3, v56;
	v37 =	vld.idx.msk [tilespmem:v53+s17+$0x0], $0xffff;
	[tilespmem:s26+$0xAE50] =	vst v50  }
0x503: {  	v61 =	vadd.s32 v4, v56;
	v41 =	vld.idx.msk [tilespmem:v55+s17+$0x0], $0xffff;
	[tilespmem:s26+$0xAE60] =	vst v35  }
0x504: {  	v62 =	vadd.s32 v5, v56;
	v63 =	vld.idx.msk [tilespmem:v57+s17+$0x0], $0xffff;
	[tilespmem:s26+$0xAE70] =	vst v31  }
0x505: {  	v48 =	vadd.s32 v6, v56;
	v32 =	vld.idx.msk [tilespmem:v32+s17+$0x0], $0xffff;
	[tilespmem:s26+$0xB600] =	vst v54  }
0x506: {  	v49 =	vadd.s32 v7, v56;
	v36 =	vld.idx.msk [tilespmem:v58+s17+$0x0], $0xffff;
	[tilespmem:s26+$0xB610] =	vst v34  }
0x507: {  	v51 =	vperm.xlane v29, v18;
	v50 =	vadd.s32 v8, v56;
	v33 =	vld.idx.msk [tilespmem:v60+s17+$0x0], $0xffff;
	[tilespmem:s26+$0xB620] =	vst v39  }
0x508: {  	v30 =	vadd.s32 v9, v56;
	v42 =	vld.idx.msk [tilespmem:v61+s17+$0x0], $0xffff;
	[tilespmem:s26+$0xB630] =	vst v59  }
0x509: {  	v52 =	vadd.s32 v2, v51;
	v35 =	vld.idx.msk [tilespmem:v62+s17+$0x0], $0xffff;
	[tilespmem:s26+$0xB640] =	vst v37  }
0x50a: {  	v53 =	vadd.s32 v3, v51;
	v31 =	vld.idx.msk [tilespmem:v48+s17+$0x0], $0xffff;
	[tilespmem:s26+$0xB650] =	vst v41  }
0x50b: {  	v55 =	vadd.s32 v4, v51;
	v54 =	vld.idx.msk [tilespmem:v49+s17+$0x0], $0xffff;
	[tilespmem:s26+$0xB660] =	vst v63  }
0x50c: {  	v56 =	vadd.s32 v5, v51;
	v38 =	vld.idx.msk [tilespmem:v50+s17+$0x0], $0xffff;
	[tilespmem:s26+$0xB670] =	vst v32  }
0x50d: {  	v57 =	vadd.s32 v6, v51;
	v30 =	vld.idx.msk [tilespmem:v30+s17+$0x0], $0xffff;
	[tilespmem:s26+$0xAE80] =	vst v36  }
0x50e: {  	v59 =	vadd.s32 v7, v51;
	v58 =	vld.idx.msk [tilespmem:v52+s17+$0x0], $0xffff;
	[tilespmem:s26+$0xAE90] =	vst v33  }
0x50f: {  	v60 =	vperm.xlane v28, v19;
	v61 =	vadd.s32 v8, v51;
	v37 =	vld.idx.msk [tilespmem:v53+s17+$0x0], $0xffff;
	[tilespmem:s26+$0xAEA0] =	vst v42  }
0x510: {  	v34 =	vadd.s32 v9, v51;
	v41 =	vld.idx.msk [tilespmem:v55+s17+$0x0], $0xffff;
	[tilespmem:s26+$0xAEB0] =	vst v35  }
0x511: {  	v62 =	vadd.s32 v2, v60;
	v63 =	vld.idx.msk [tilespmem:v56+s17+$0x0], $0xffff;
	[tilespmem:s26+$0xAEC0] =	vst v31  }
0x512: {  	v48 =	vadd.s32 v3, v60;
	v32 =	vld.idx.msk [tilespmem:v57+s17+$0x0], $0xffff;
	[tilespmem:s26+$0xAED0] =	vst v54  }
0x513: {  	v49 =	vadd.s32 v4, v60;
	v39 =	vld.idx.msk [tilespmem:v59+s17+$0x0], $0xffff;
	[tilespmem:s26+$0xAEE0] =	vst v38  }
0x514: {  	v50 =	vadd.s32 v5, v60;
	v51 =	vld.idx.msk [tilespmem:v61+s17+$0x0], $0xffff;
	[tilespmem:s26+$0xAEF0] =	vst v30  }
0x515: {  	v52 =	vadd.s32 v6, v60;
	v34 =	vld.idx.msk [tilespmem:v34+s17+$0x0], $0xffff;
	[tilespmem:s26+$0xB680] =	vst v58  }
0x516: {  	v53 =	vadd.s32 v7, v60;
	v35 =	vld.idx.msk [tilespmem:v62+s17+$0x0], $0xffff;
	[tilespmem:s26+$0xB690] =	vst v37  }
0x517: {  	v55 =	vperm.xlane v29, v19;
	v54 =	vadd.s32 v8, v60;
	v31 =	vld.idx.msk [tilespmem:v48+s17+$0x0], $0xffff;
	[tilespmem:s26+$0xB6A0] =	vst v41  }
0x518: {  	v33 =	vadd.s32 v9, v60;
	v40 =	vld.idx.msk [tilespmem:v49+s17+$0x0], $0xffff;
	[tilespmem:s26+$0xB6B0] =	vst v63  }
0x519: {  	v56 =	vadd.s32 v2, v55;
	v38 =	vld.idx.msk [tilespmem:v50+s17+$0x0], $0xffff;
	[tilespmem:s26+$0xB6C0] =	vst v32  }
0x51a: {  	v57 =	vadd.s32 v3, v55;
	v30 =	vld.idx.msk [tilespmem:v52+s17+$0x0], $0xffff;
	[tilespmem:s26+$0xB6D0] =	vst v39  }
0x51b: {  	v59 =	vadd.s32 v4, v55;
	v58 =	vld.idx.msk [tilespmem:v53+s17+$0x0], $0xffff;
	[tilespmem:s26+$0xB6E0] =	vst v51  }
0x51c: {  	v60 =	vadd.s32 v5, v55;
	v36 =	vld.idx.msk [tilespmem:v54+s17+$0x0], $0xffff;
	[tilespmem:s26+$0xB6F0] =	vst v34  }
0x51d: {  	v61 =	vadd.s32 v6, v55;
	v33 =	vld.idx.msk [tilespmem:v33+s17+$0x0], $0xffff;
	[tilespmem:s26+$0xAF00] =	vst v35  }
0x51e: {  	v63 =	vadd.s32 v7, v55;
	v62 =	vld.idx.msk [tilespmem:v56+s17+$0x0], $0xffff;
	[tilespmem:s26+$0xAF10] =	vst v31  }
0x51f: {  	v48 =	vperm.xlane v28, v20;
	v49 =	vadd.s32 v8, v55;
	v32 =	vld.idx.msk [tilespmem:v57+s17+$0x0], $0xffff;
	[tilespmem:s26+$0xAF20] =	vst v40  }
0x520: {  	v37 =	vadd.s32 v9, v55;
	v39 =	vld.idx.msk [tilespmem:v59+s17+$0x0], $0xffff;
	[tilespmem:s26+$0xAF30] =	vst v38  }
0x521: {  	v50 =	vadd.s32 v2, v48;
	v51 =	vld.idx.msk [tilespmem:v60+s17+$0x0], $0xffff;
	[tilespmem:s26+$0xAF40] =	vst v30  }
0x522: {  	v52 =	vadd.s32 v3, v48;
	v34 =	vld.idx.msk [tilespmem:v61+s17+$0x0], $0xffff;
	[tilespmem:s26+$0xAF50] =	vst v58  }
0x523: {  	v53 =	vadd.s32 v4, v48;
	v41 =	vld.idx.msk [tilespmem:v63+s17+$0x0], $0xffff;
	[tilespmem:s26+$0xAF60] =	vst v36  }
0x524: {  	v54 =	vadd.s32 v5, v48;
	v55 =	vld.idx.msk [tilespmem:v49+s17+$0x0], $0xffff;
	[tilespmem:s26+$0xAF70] =	vst v33  }
0x525: {  	v56 =	vadd.s32 v6, v48;
	v37 =	vld.idx.msk [tilespmem:v37+s17+$0x0], $0xffff;
	[tilespmem:s26+$0xB700] =	vst v62  }
0x526: {  	v57 =	vadd.s32 v7, v48;
	v38 =	vld.idx.msk [tilespmem:v50+s17+$0x0], $0xffff;
	[tilespmem:s26+$0xB710] =	vst v32  }
0x527: {  	v59 =	vperm.xlane v29, v20;
	v58 =	vadd.s32 v8, v48;
	v30 =	vld.idx.msk [tilespmem:v52+s17+$0x0], $0xffff;
	[tilespmem:s26+$0xB720] =	vst v39  }
0x528: {  	v31 =	vadd.s32 v9, v48;
	v42 =	vld.idx.msk [tilespmem:v53+s17+$0x0], $0xffff;
	[tilespmem:s26+$0xB730] =	vst v51  }
0x529: {  	v60 =	vadd.s32 v2, v59;
	v36 =	vld.idx.msk [tilespmem:v54+s17+$0x0], $0xffff;
	[tilespmem:s26+$0xB740] =	vst v34  }
0x52a: {  	v61 =	vadd.s32 v3, v59;
	v33 =	vld.idx.msk [tilespmem:v56+s17+$0x0], $0xffff;
	[tilespmem:s26+$0xB750] =	vst v41  }
0x52b: {  	v63 =	vadd.s32 v4, v59;
	v62 =	vld.idx.msk [tilespmem:v57+s17+$0x0], $0xffff;
	[tilespmem:s26+$0xB760] =	vst v55  }
0x52c: {  	v48 =	vadd.s32 v5, v59;
	v35 =	vld.idx.msk [tilespmem:v58+s17+$0x0], $0xffff;
	[tilespmem:s26+$0xB770] =	vst v37  }
0x52d: {  	v49 =	vadd.s32 v6, v59;
	v31 =	vld.idx.msk [tilespmem:v31+s17+$0x0], $0xffff;
	[tilespmem:s26+$0xAF80] =	vst v38  }
0x52e: {  	v51 =	vadd.s32 v7, v59;
	v50 =	vld.idx.msk [tilespmem:v60+s17+$0x0], $0xffff;
	[tilespmem:s26+$0xAF90] =	vst v30  }
0x52f: {  	v52 =	vperm.xlane v28, v21;
	v53 =	vadd.s32 v8, v59;
	v34 =	vld.idx.msk [tilespmem:v61+s17+$0x0], $0xffff;
	[tilespmem:s26+$0xAFA0] =	vst v42  }
0x530: {  	v32 =	vadd.s32 v9, v59;
	v41 =	vld.idx.msk [tilespmem:v63+s17+$0x0], $0xffff;
	[tilespmem:s26+$0xAFB0] =	vst v36  }
0x531: {  	v54 =	vadd.s32 v2, v52;
	v55 =	vld.idx.msk [tilespmem:v48+s17+$0x0], $0xffff;
	[tilespmem:s26+$0xAFC0] =	vst v33  }
0x532: {  	v56 =	vadd.s32 v3, v52;
	v37 =	vld.idx.msk [tilespmem:v49+s17+$0x0], $0xffff;
	[tilespmem:s26+$0xAFD0] =	vst v62  }
0x533: {  	v57 =	vadd.s32 v4, v52;
	v39 =	vld.idx.msk [tilespmem:v51+s17+$0x0], $0xffff;
	[tilespmem:s26+$0xAFE0] =	vst v35  }
0x534: {  	v58 =	vadd.s32 v5, v52;
	v59 =	vld.idx.msk [tilespmem:v53+s17+$0x0], $0xffff;
	[tilespmem:s26+$0xAFF0] =	vst v31  }
0x535: {  	v60 =	vadd.s32 v6, v52;
	v32 =	vld.idx.msk [tilespmem:v32+s17+$0x0], $0xffff;
	[tilespmem:s26+$0xB780] =	vst v50  }
0x536: {  	v61 =	vadd.s32 v7, v52;
	v36 =	vld.idx.msk [tilespmem:v54+s17+$0x0], $0xffff;
	[tilespmem:s26+$0xB790] =	vst v34  }
0x537: {  	v63 =	vperm.xlane v29, v21;
	v62 =	vadd.s32 v8, v52;
	v33 =	vld.idx.msk [tilespmem:v56+s17+$0x0], $0xffff;
	[tilespmem:s26+$0xB7A0] =	vst v41  }
0x538: {  	v30 =	vadd.s32 v9, v52;
	v40 =	vld.idx.msk [tilespmem:v57+s17+$0x0], $0xffff;
	[tilespmem:s26+$0xB7B0] =	vst v55  }
0x539: {  	v46 =	vadd.s32 v2, v63;
	v35 =	vld.idx.msk [tilespmem:v58+s17+$0x0], $0xffff;
	[tilespmem:s26+$0xB7C0] =	vst v37  }
0x53a: {  	v47 =	vadd.s32 v3, v63;
	v31 =	vld.idx.msk [tilespmem:v60+s17+$0x0], $0xffff;
	[tilespmem:s26+$0xB7D0] =	vst v39  }
0x53b: {  	v49 =	vadd.s32 v4, v63;
	v48 =	vld.idx.msk [tilespmem:v61+s17+$0x0], $0xffff;
	[tilespmem:s26+$0xB7E0] =	vst v59  }
0x53c: {  	v51 =	vadd.s32 v6, v63;
	v38 =	vld.idx.msk [tilespmem:v62+s17+$0x0], $0xffff;
	[tilespmem:s26+$0xB7F0] =	vst v32  }
0x53d: {  	v53 =	vadd.s32 v7, v63;
	v30 =	vld.idx.msk [tilespmem:v30+s17+$0x0], $0xffff;
	[tilespmem:s26+$0xB000] =	vst v36  }
0x53e: {  	v50 =	vadd.s32 v5, v63;
	v52 =	vld.idx.msk [tilespmem:v46+s17+$0x0], $0xffff;
	[tilespmem:s26+$0xB010] =	vst v33  }
0x53f: {  	v54 =	vperm.xlane v28, v22;
	v55 =	vadd.s32 v8, v63;
	v37 =	vld.idx.msk [tilespmem:v47+s17+$0x0], $0xffff;
	[tilespmem:s26+$0xB020] =	vst v40  }
0x540: {  	v34 =	vadd.s32 v9, v63;
	v39 =	vld.idx.msk [tilespmem:v49+s17+$0x0], $0xffff;
	[tilespmem:s26+$0xB030] =	vst v35  }
0x541: {  	v56 =	vadd.s32 v2, v54;
	v32 =	vld.idx.msk [tilespmem:v51+s17+$0x0], $0xffff;
	[tilespmem:s26+$0xB040] =	vst v31  }
0x542: {  	v58 =	vadd.s32 v3, v54;
	v41 =	vld.idx.msk [tilespmem:v53+s17+$0x0], $0xffff;
	[tilespmem:s26+$0xB050] =	vst v48  }
0x543: {  	v59 =	vadd.s32 v4, v54;
	v57 =	vld.idx.msk [tilespmem:v50+s17+$0x0], $0xffff;
	[tilespmem:s26+$0xB060] =	vst v38  }
0x544: {  	v60 =	vadd.s32 v5, v54;
	v61 =	vld.idx.msk [tilespmem:v55+s17+$0x0], $0xffff;
	[tilespmem:s26+$0xB070] =	vst v30  }
0x545: {  	v62 =	vadd.s32 v6, v54;
	v34 =	vld.idx.msk [tilespmem:v34+s17+$0x0], $0xffff;
	[tilespmem:s26+$0xB800] =	vst v52  }
0x546: {  	v63 =	vadd.s32 v7, v54;
	v35 =	vld.idx.msk [tilespmem:v56+s17+$0x0], $0xffff;
	[tilespmem:s26+$0xB810] =	vst v37  }
0x547: {  	v47 =	vadd.s32 v8, v54;
	v48 =	vperm.xlane v29, v22;
	v31 =	vld.idx.msk [tilespmem:v58+s17+$0x0], $0xffff;
	[tilespmem:s26+$0xB820] =	vst v39  }
0x548: {  	v33 =	vadd.s32 v9, v54;
	v49 =	vld.idx.msk [tilespmem:v59+s17+$0x0], $0xffff;
	[tilespmem:s26+$0xB840] =	vst v32  }
0x549: {  	v50 =	vadd.s32 v2, v48;
	v38 =	vld.idx.msk [tilespmem:v60+s17+$0x0], $0xffff;
	[tilespmem:s26+$0xB850] =	vst v41  }
0x54a: {  	v51 =	vadd.s32 v3, v48;
	v30 =	vld.idx.msk [tilespmem:v62+s17+$0x0], $0xffff;
	[tilespmem:s26+$0xB830] =	vst v57  }
0x54b: {  	v53 =	vadd.s32 v4, v48;
	v52 =	vld.idx.msk [tilespmem:v63+s17+$0x0], $0xffff;
	[tilespmem:s26+$0xB860] =	vst v61  }
0x54c: {  	v54 =	vadd.s32 v5, v48;
	v36 =	vld.idx.msk [tilespmem:v47+s17+$0x0], $0xffff;
	[tilespmem:s26+$0xB870] =	vst v34  }
0x54d: {  	v55 =	vadd.s32 v6, v48;
	v33 =	vld.idx.msk [tilespmem:v33+s17+$0x0], $0xffff;
	[tilespmem:s26+$0xB080] =	vst v35  }
0x54e: {  	v59 =	vadd.s32 v8, v48;
	v56 =	vld.idx.msk [tilespmem:v50+s17+$0x0], $0xffff;
	[tilespmem:s26+$0xB090] =	vst v31  }
0x54f: {  	v28 =	vperm.xlane v28, v23;
	v37 =	vadd.s32 v9, v48;
	v58 =	vld.idx.msk [tilespmem:v51+s17+$0x0], $0xffff;
	[tilespmem:s26+$0xB0A0] =	vst v49  }
0x550: {  	v57 =	vadd.s32 v7, v48;
	v60 =	vld.idx.msk [tilespmem:v53+s17+$0x0], $0xffff;
	[tilespmem:s26+$0xB0B0] =	vst v38  }
0x551: {  	v61 =	vadd.s32 v2, v28;
	v62 =	vld.idx.msk [tilespmem:v54+s17+$0x0], $0xffff;
	[tilespmem:s26+$0xB0C0] =	vst v30  }
0x552: {  	v63 =	vadd.s32 v3, v28;
	v34 =	vld.idx.msk [tilespmem:v55+s17+$0x0], $0xffff;
	[tilespmem:s26+$0xB0D0] =	vst v52  }
0x553: {  	v45 =	vadd.s32 v4, v28;
	[tilespmem:s26+$0xB0E0] =	vst v36;
	v32 =	vld.idx.msk [tilespmem:v59+s17+$0x0], $0xffff  }
0x554: {  	v46 =	vadd.s32 v5, v28;
	v37 =	vld.idx.msk [tilespmem:v37+s17+$0x0], $0xffff;
	[tilespmem:s26+$0xB0F0] =	vst v33  }
0x555: {  	v47 =	vadd.s32 v6, v28;
	v40 =	vld.idx.msk [tilespmem:v57+s17+$0x0], $0xffff;
	[tilespmem:s26+$0xB880] =	vst v56  }
0x556: {  	v48 =	vadd.s32 v7, v28;
	v38 =	vld.idx.msk [tilespmem:v61+s17+$0x0], $0xffff;
	[tilespmem:s26+$0xB890] =	vst v58  }
0x557: {  	v29 =	vperm.xlane v29, v23;
	v49 =	vadd.s32 v8, v28;
	v30 =	vld.idx.msk [tilespmem:v63+s17+$0x0], $0xffff;
	[tilespmem:s26+$0xB8A0] =	vst v60  }
0x558: {  	v28 =	vadd.s32 v9, v28;
	v50 =	vld.idx.msk [tilespmem:v45+s17+$0x0], $0xffff;
	[tilespmem:s26+$0xB8B0] =	vst v62  }
0x559: {  	v51 =	vadd.s32 v2, v29;
	v36 =	vld.idx.msk [tilespmem:v46+s17+$0x0], $0xffff;
	[tilespmem:s26+$0xB8C0] =	vst v34  }
0x55a: {  	v52 =	vadd.s32 v3, v29;
	v33 =	vld.idx.msk [tilespmem:v47+s17+$0x0], $0xffff;
	[tilespmem:s26+$0xB8E0] =	vst v32  }
0x55b: {  	v53 =	vadd.s32 v4, v29;
	v35 =	vld.idx.msk [tilespmem:v48+s17+$0x0], $0xffff;
	[tilespmem:s26+$0xB8F0] =	vst v37  }
0x55c: {  	v54 =	vadd.s32 v5, v29;
	v31 =	vld.idx.msk [tilespmem:v49+s17+$0x0], $0xffff;
	[tilespmem:s26+$0xB8D0] =	vst v40  }
0x55d: {  	v55 =	vadd.s32 v6, v29;
	v28 =	vld.idx.msk [tilespmem:v28+s17+$0x0], $0xffff;
	[tilespmem:s26+$0xB100] =	vst v38  }
0x55e: {  	v57 =	vadd.s32 v7, v29;
	v56 =	vld.idx.msk [tilespmem:v51+s17+$0x0], $0xffff;
	[tilespmem:s26+$0xB110] =	vst v30  }
0x55f: {  	v59 =	vadd.s32 v8, v29;
	v58 =	vld.idx.msk [tilespmem:v52+s17+$0x0], $0xffff;
	[tilespmem:s26+$0xB120] =	vst v50  }
0x560: {  	v29 =	vadd.s32 v9, v29;
	v60 =	vld.idx.msk [tilespmem:v53+s17+$0x0], $0xffff;
	[tilespmem:s26+$0xB130] =	vst v36  }
0x561: {  	v32 =	vld.idx.msk [tilespmem:v54+s17+$0x0], $0xffff;
	[tilespmem:s26+$0xB140] =	vst v33  }
0x562: {  	v61 =	vld.idx.msk [tilespmem:v55+s17+$0x0], $0xffff;
	[tilespmem:s26+$0xB150] =	vst v35  }
0x563: {  	v62 =	vld.idx.msk [tilespmem:v57+s17+$0x0], $0xffff;
	[tilespmem:s26+$0xB160] =	vst v31  }
0x564: {  	v63 =	vld.idx.msk [tilespmem:v59+s17+$0x0], $0xffff;
	[tilespmem:s26+$0xB170] =	vst v28  }
0x565: {  	v28 =	vld.idx.msk [tilespmem:v29+s17+$0x0], $0xffff;
	[tilespmem:s26+$0xB900] =	vst v56  }
0x566: {  	[tilespmem:s26+$0xB910] =	vst v58  }
0x567: {  	p0 =	slt.u32 s25, $0xC;
	[tilespmem:s26+$0xB920] =	vst v60  }
.Ltmp1:
0x568: {  	[tilespmem:s26+$0xB930] =	vst v32;
	(pc) =	sbr.rel @p0 .LBB2_5-.Ltmp1, $4  }
0x569: {  	[tilespmem:s26+$0xB940] =	vst v61  }
0x56a: {  	[tilespmem:s26+$0xB950] =	vst v62  }
0x56b: {  	s31 =	sadd.s32 $0x4, s25;
	[tilespmem:s26+$0xB960] =	vst v63  }
0x56c: {  	s25 =	smov.u32 s31;
	[tilespmem:s26+$0xB970] =	vst v28  }
0x56d: {  	s23 =	sadd.s32 $0x1, s23  }
0x56e: {  	p0 =	sne.s32 s23, $0x20  }
.Ltmp2:
0x56f: {  	_ = 	snop;
	(pc) =	sbr.rel @p0 .LBB2_2-.Ltmp2, $3  }
0x570: {  	_ =	sdelay $0x1  }
0x571: {  	s0 =	sadd.s32 s24, s13  }
0x572: {  	[hbm4b:s0+s2] =	stream.linear.scatter [tilespmem:s19], [sflag:$0x2], $0x8000, $0x38;
	[tilespmem:$0x11980] =	vst v63  }
0x573: {  	s22 =	sadd.s32 $0x1, s22  }
0x574: {  	_ =	swait.ge [sflag:s20], $0x8000;
	p0 =	sne.s32 s22, s14  }
.Ltmp3:
0x575: {  	[sflag:s20] =	ssyncset.done $0x0;
	(pc) =	sbr.rel @p0 .LBB2_1-.Ltmp3, $4  }
0x576: {  	[sflag:s20] =	ssyncadd.s32 $0xFFFF8000  }
0x577: {  	_ =	swait.ge [sflag:s21], $0x8000  }
0x578: {  	[sflag:s21] =	ssyncset.done $0x0  }
0x579: {  	[sflag:s21] =	ssyncadd.s32 $0xFFFF8000  }
0x57a: {  	_ =	sfence.sel $0x180000  }
0x57b: {  	[bflag:$0x0] =	sbarrier.arrive $0xFFFF  }
0x57c: {  	_ =	strace $0x90000047  }
0x57d: {  	s0 =	stileid.u32;
	[bflag:$0x2] =	sbarrier.arrive $0xFFFF  }
0x57e: {  	p0 =	sne.s32 s0, $0x0;
	s0 =	rddreg [dreg:$0x2]  }
0x57f: {  	s0 =	sadd.s32 @!p0 $0x100000, s0  }
0x580: {  	[sflag:s0] =	ssyncadd.tile.s32 @!p0 $0x1;
	_ =	shalt  }
.Lfunc_end2:
_tile_overlayer_lowered:
.L_overlay_start_2:
0x581: {  	(tag) =	ssettag $0x2  }
0x582: {  	s0 =	rddreg [dreg:$0x0];
	s2 =	stileid.u32  }
0x583: {  	s1 =	rddreg [dreg:$0x1];
	p0 =	sne.s32 s2, $0x0  }
0x584: {  	s3 =	rddreg [dreg:$0x2];
	[bflag:$0x3] =	sbarrier.arrive $0xFFFF;
	s2 =	simm.s32 @!p0 $0x1C03  }
0x585: {  	[timem:s3], [sflag:s2] =	dma.local @!p0 [hbm:s0], s1  }
0x586: {  	s0 =	simm.s32 @!p0 $0x3  }
0x587: {  	_ =	swait.ge @!p0 [sflag:s0], s1  }
0x588: {  	s1 =	ssub.s32 @!p0 $0x0, s1;
	[sflag:s0] =	ssyncset.done @!p0 $0x0  }
0x589: {  	[sflag:s0] =	ssyncadd.s32 @!p0 s1  }
0x58a: {  	[bflag:$0x3] =	sbarrier.arrive $0xFFFF  }
0x58b: {  	_ =	shalt  }

</sc_bundles>
